<compile_context>
chip_gen: v7x
topology: tpu7x:2x2x1
jax: 0.10.2.dev20260603
libtpu: 0.0.44.dev20260713+nightly
codegen_flags: <defaults>
</compile_context>

<pallas_src>
import jax
import jax.numpy as jnp
from jax import lax
from jax.experimental import pallas as pl
from jax.experimental.pallas import tpu as pltpu
from jax.experimental.pallas import tpu_sc as plsc

N = 10000
E = 320000
D_IN = 128
HID = 64
SA_HID = 128
OUT = 64

NC = 2
NS = 16
EW = E // NS
C = 80
NCH = EW // C
RWA = 632
RWT = N - 15 * RWA
BLK = 2000
NB = N // BLK

_f32 = jnp.float32


def _split_copy(s, copy_fn):
    off = pl.multiple_of(s * RWA, 8)

    @pl.when(s < 15)
    def _():
        copy_fn(off, RWA)

    @pl.when(s == 15)
    def _():
        copy_fn(15 * RWA, RWT)


def _edge_pipe(c, s, eidx_h, eidx, tab_h, gbuf, acc, gsem, ssem, isem,
               prework, scale):
    def idx_fetch(m):
        bi = lax.rem(m, 8)
        pltpu.async_copy(eidx_h.at[c, s, m], eidx.at[bi], isem.at[bi])

    def idx_wait(m):
        bi = lax.rem(m, 8)
        pltpu.make_async_copy(eidx_h.at[c, s, m], eidx.at[bi],
                              isem.at[bi]).wait()

    for m in range(6):
        idx_fetch(m)
    for m in range(3):
        idx_wait(m)
        pltpu.async_copy(tab_h.at[eidx.at[m, 0]], gbuf.at[m], gsem.at[m])

    def _iter(j, _):
        b = lax.rem(j, 4)
        ji = lax.rem(j, 8)
        if prework is not None:
            prework(ji)
        pltpu.make_async_copy(tab_h.at[eidx.at[ji, 0]], gbuf.at[b],
                              gsem.at[b]).wait()
        if scale is not None:
            scale(b)
        pltpu.async_copy(gbuf.at[b], acc.at[eidx.at[ji, 1]], ssem.at[b],
                         add=True)

        m6 = j + 6

        @pl.when(m6 < NCH)
        def _():
            idx_fetch(m6)

        m3 = j + 3

        @pl.when(m3 < NCH)
        def _():
            bm = lax.rem(m3, 4)

            @pl.when(j >= 1)
            def _():
                pltpu.make_async_copy(gbuf.at[bm],
                                      acc.at[eidx.at[lax.rem(j - 1, 8), 1]],
                                      ssem.at[bm]).wait()
            idx_wait(m3)
            pltpu.async_copy(tab_h.at[eidx.at[lax.rem(m3, 8), 0]],
                             gbuf.at[bm], gsem.at[bm])
        return 0
    lax.fori_loop(0, NCH, _iter, 0)

    for j in range(NCH - 4, NCH):
        pltpu.make_async_copy(gbuf.at[j % 4], acc.at[eidx.at[j % 8, 1]],
                              ssem.at[j % 4]).wait()


def _tc_prologue_body(f0, w0, b0, gw, a2, sim, t1_o, wh_o, h0_o, s_o):
    h0 = jnp.maximum(jnp.dot(f0[...], w0[...],
                             preferred_element_type=_f32) + b0[...], 0.0)
    wh = jnp.dot(h0, gw[...], preferred_element_type=_f32)
    t1_o[...] = sim[...] * h0
    wh_o[...] = wh
    h0_o[...] = h0
    s_o[...] = jnp.dot(wh, a2[...], preferred_element_type=_f32)


def _tc_prologue(f0, w0, b0, gw, a2, sim):
    full = lambda s: pl.BlockSpec(s, lambda i: tuple(0 for _ in s))
    return pl.pallas_call(
        _tc_prologue_body,
        grid=(NB,),
        in_specs=[
            pl.BlockSpec((BLK, D_IN), lambda i: (i, 0)),
            full((D_IN, HID)), full((1, HID)), full((HID, HID)),
            full((HID, 2)),
            pl.BlockSpec((BLK, 1), lambda i: (i, 0)),
        ],
        out_specs=[
            pl.BlockSpec((BLK, HID), lambda i: (i, 0)),
            pl.BlockSpec((BLK, HID), lambda i: (i, 0)),
            pl.BlockSpec((BLK, HID), lambda i: (i, 0)),
            pl.BlockSpec((BLK, 2), lambda i: (i, 0)),
        ],
        out_shape=[
            jax.ShapeDtypeStruct((N, HID), _f32),
            jax.ShapeDtypeStruct((N, HID), _f32),
            jax.ShapeDtypeStruct((N, HID), _f32),
            jax.ShapeDtypeStruct((N, 2), _f32),
        ],
    )(f0, w0, b0, gw, a2, sim)


def _sc1_body(t1_h, wh_h, eidx_h, sim_h, ssrc_h, sdst_h, z2_h, zdeg_h, iota_h,
              prA_h, gatn_h, degD_h, denD_h,
              eidx, sim_v, ssrc_v, sdst_v, ex_v, deg_l, den_l, iota_v,
              gbuf, acc, deg_sp, den_sp, gsem, ssem, isem):
    c = lax.axis_index("c")
    s = lax.axis_index("s")
    zv = jnp.zeros((16,), _f32)

    pltpu.sync_copy(sim_h, sim_v)
    pltpu.sync_copy(ssrc_h, ssrc_v)
    pltpu.sync_copy(sdst_h, sdst_v)
    pltpu.sync_copy(iota_h, iota_v)

    @pl.when(s == 0)
    def _():
        pltpu.sync_copy(zdeg_h, deg_sp)
        pltpu.sync_copy(zdeg_h, den_sp)

    def _zero(t, _):
        deg_l[t] = zv
        den_l[t] = zv
        return 0
    lax.fori_loop(0, N // 16, _zero, 0)

    _split_copy(s, lambda off, ln: pltpu.sync_copy(
        z2_h.at[pl.ds(0, ln)], acc.at[pl.ds(off, ln)]))
    plsc.subcore_barrier()

    def edge_exp(ji, k):
        src16 = eidx[ji, 0, pl.ds(k * 16, 16)]
        dst16 = eidx[ji, 1, pl.ds(k * 16, 16)]
        w16 = plsc.load_gather(sim_v, [src16])
        ta = plsc.load_gather(ssrc_v, [src16])
        tb = plsc.load_gather(sdst_v, [dst16])
        t = ta + tb
        lr = jnp.where(t >= 0.0, t, t * 0.2)
        return dst16, w16, jnp.exp(lr + w16)

    def scalars(ji):
        for k in range(C // 16):
            dst16, w16, ex = edge_exp(ji, k)
            dhi = lax.shift_right_logical(dst16, 4)
            dlo = lax.bitwise_and(dst16, 15)
            plsc.addupdate_scatter(deg_l, [dhi, dlo], w16)
            plsc.addupdate_scatter(den_l, [dhi, dlo], ex)

    def scalars_b(ji):
        for k in range(C // 16):
            _, _, ex = edge_exp(ji, k)
            ex_v[pl.ds(k * 16, 16)] = ex

    def scale(b):
        def _se(e4, _):
            e0 = e4 * 4
            for u in range(4):
                exb = plsc.load_gather(
                    ex_v, [jnp.broadcast_to(e0 + u, (16,))])
                for q in range(4):
                    gbuf[b, e0 + u, pl.ds(q * 16, 16)] = (
                        gbuf[b, e0 + u, pl.ds(q * 16, 16)] * exb)
            return 0
        lax.fori_loop(0, C // 4, _se, 0)

    _edge_pipe(c, s, eidx_h, eidx, t1_h, gbuf, acc, gsem, ssem, isem,
               scalars, None)
    pltpu.sync_copy(deg_l, deg_sp.at[iota_v], add=True)
    pltpu.sync_copy(den_l, den_sp.at[iota_v], add=True)
    plsc.subcore_barrier()
    _split_copy(s, lambda off, ln: pltpu.sync_copy(
        acc.at[pl.ds(off, ln)], prA_h.at[c, pl.ds(off, ln)]))

    @pl.when(s == 0)
    def _():
        pltpu.sync_copy(deg_sp, degD_h.at[c])
        pltpu.sync_copy(den_sp, denD_h.at[c])
    plsc.subcore_barrier()
    _split_copy(s, lambda off, ln: pltpu.sync_copy(
        z2_h.at[pl.ds(0, ln)], acc.at[pl.ds(off, ln)]))
    plsc.subcore_barrier()

    _edge_pipe(c, s, eidx_h, eidx, wh_h, gbuf, acc, gsem, ssem, isem,
               scalars_b, scale)
    plsc.subcore_barrier()
    _split_copy(s, lambda off, ln: pltpu.sync_copy(
        acc.at[pl.ds(off, ln)], gatn_h.at[c, pl.ds(off, ln)]))


def _sc_pass1(t1, wh, eidx, sim, ssrc, sdst, z2, zdeg, iota):
    i32 = jnp.int32
    return pl.kernel(
        _sc1_body,
        out_type=[
            jax.ShapeDtypeStruct((NC, N, HID), _f32),
            jax.ShapeDtypeStruct((NC, N, HID), _f32),
            jax.ShapeDtypeStruct((NC, N // 16, 16), _f32),
            jax.ShapeDtypeStruct((NC, N // 16, 16), _f32),
        ],
        mesh=plsc.VectorSubcoreMesh(core_axis_name="c", subcore_axis_name="s"),
        compiler_params=pltpu.CompilerParams(needs_layout_passes=False,
                                             use_tc_tiling_on_sc=False),
        scratch_types=[
            pltpu.VMEM((8, 2, C), i32),
            pltpu.VMEM((N,), _f32),
            pltpu.VMEM((N,), _f32),
            pltpu.VMEM((N,), _f32),
            pltpu.VMEM((C,), _f32),
            pltpu.VMEM((N // 16, 16), _f32),
            pltpu.VMEM((N // 16, 16), _f32),
            pltpu.VMEM((N // 16,), i32),
            pltpu.VMEM((4, C, HID), _f32),
            pltpu.VMEM_SHARED((N, HID), _f32),
            pltpu.VMEM_SHARED((N // 16, 16), _f32),
            pltpu.VMEM_SHARED((N // 16, 16), _f32),
            pltpu.SemaphoreType.DMA((4,)),
            pltpu.SemaphoreType.DMA((4,)),
            pltpu.SemaphoreType.DMA((8,)),
        ],
    )(t1, wh, eidx, sim, ssrc, sdst, z2, zdeg, iota)


def _tc_combine_body(prA, degc, h0, sim, y0_o, y1_o):
    h0b = h0[...]
    simb = sim[...]
    for g in range(2):
        deg = degc[:, g:g + 1] + 1e-6
        out1 = 0.15 * h0b + 0.85 * prA[g] / deg
        y = simb * out1
        if g == 0:
            y0_o[...] = y
        else:
            y1_o[...] = y


def _tc_combine(prA, degc, h0, sim):
    return pl.pallas_call(
        _tc_combine_body,
        grid=(NB,),
        in_specs=[
            pl.BlockSpec((2, BLK, HID), lambda i: (0, i, 0)),
            pl.BlockSpec((BLK, 2), lambda i: (i, 0)),
            pl.BlockSpec((BLK, HID), lambda i: (i, 0)),
            pl.BlockSpec((BLK, 1), lambda i: (i, 0)),
        ],
        out_specs=[
            pl.BlockSpec((BLK, HID), lambda i: (i, 0)),
            pl.BlockSpec((BLK, HID), lambda i: (i, 0)),
        ],
        out_shape=[
            jax.ShapeDtypeStruct((N, HID), _f32),
            jax.ShapeDtypeStruct((N, HID), _f32),
        ],
    )(prA, degc, h0, sim)


def _sc2_body(y0_h, y1_h, eidx_h, z2_h, agg2_h,
              eidx, gbuf, acc, gsem, ssem, isem):
    c = lax.axis_index("c")
    s = lax.axis_index("s")

    _split_copy(s, lambda off, ln: pltpu.sync_copy(
        z2_h.at[pl.ds(0, ln)], acc.at[pl.ds(off, ln)]))
    plsc.subcore_barrier()

    @pl.when(c == 0)
    def _():
        _edge_pipe(c, s, eidx_h, eidx, y0_h, gbuf, acc, gsem, ssem, isem,
                   None, None)

    @pl.when(c == 1)
    def _():
        _edge_pipe(c, s, eidx_h, eidx, y1_h, gbuf, acc, gsem, ssem, isem,
                   None, None)
    plsc.subcore_barrier()
    _split_copy(s, lambda off, ln: pltpu.sync_copy(
        acc.at[pl.ds(off, ln)], agg2_h.at[c, pl.ds(off, ln)]))


def _sc_pass2(y0, y1, eidx, z2):
    i32 = jnp.int32
    return pl.kernel(
        _sc2_body,
        out_type=jax.ShapeDtypeStruct((NC, N, HID), _f32),
        mesh=plsc.VectorSubcoreMesh(core_axis_name="c", subcore_axis_name="s"),
        compiler_params=pltpu.CompilerParams(needs_layout_passes=False,
                                             use_tc_tiling_on_sc=False),
        scratch_types=[
            pltpu.VMEM((8, 2, C), i32),
            pltpu.VMEM((4, C, HID), _f32),
            pltpu.VMEM_SHARED((N, HID), _f32),
            pltpu.SemaphoreType.DMA((4,)),
            pltpu.SemaphoreType.DMA((4,)),
            pltpu.SemaphoreType.DMA((8,)),
        ],
    )(y0, y1, eidx, z2)


def _tc_epilogue_body(agg2, degc, h0, gatn, denc, w1, b1, w2, pw, pb,
                      a_o, h_o, sm):
    p = pl.program_id(0)

    h0b = h0[...]

    def elu_g(g):
        x = gatn[g] / (denc[:, g:g + 1] + 1e-9)
        return jnp.where(x > 0.0, x, jnp.exp(jnp.minimum(x, 0.0)) - 1.0)

    gat0 = elu_g(0)
    gat1 = elu_g(1)

    def feat(g):
        deg = degc[:, g:g + 1] + 1e-6
        return 0.15 * h0b + 0.85 * agg2[g] / deg

    def usum(z):
        t = jnp.tanh(jnp.dot(z, w1[...], preferred_element_type=_f32) + b1[...])
        return jnp.sum(jnp.dot(t, w2[...], preferred_element_type=_f32))

    def beta(k):
        t0 = sm[2 * k] * (1.0 / N)
        t1 = sm[2 * k + 1] * (1.0 / N)
        m = jnp.maximum(t0, t1)
        e0 = jnp.exp(t0 - m)
        e1 = jnp.exp(t1 - m)
        return e0 / (e0 + e1), e1 / (e0 + e1)

    @pl.when(p == 0)
    def _():
        @pl.when(pl.program_id(1) == 0)
        def _():
            for k in range(6):
                sm[k] = 0.0
        f0 = feat(0)
        f1 = feat(1)
        sm[0] += usum(f0)
        sm[1] += usum(f1)
        sm[2] += usum(gat0)
        sm[3] += usum(gat1)
        a_o[...] = f0
        h_o[...] = f1

    @pl.when(p == 1)
    def _():
        bo0, bo1 = beta(0)
        bi0, bi1 = beta(1)
        ho = bo0 * feat(0) + bo1 * feat(1)
        hi = bi0 * gat0 + bi1 * gat1
        sm[4] += usum(ho)
        sm[5] += usum(hi)
        a_o[...] = ho
        h_o[...] = hi

    @pl.when(p == 2)
    def _():
        bo0, bo1 = beta(0)
        bi0, bi1 = beta(1)
        bh0, bh1 = beta(2)
        ho = bo0 * feat(0) + bo1 * feat(1)
        hi = bi0 * gat0 + bi1 * gat1
        h = bh0 * ho + bh1 * hi
        h_o[...] = h
        a_o[...] = jnp.dot(h, pw[...], preferred_element_type=_f32) + pb[...]


def _tc_epilogue(agg2, degc, h0, gatn, denc, w1, b1, w2, pw, pb):
    full = lambda s: pl.BlockSpec(s, lambda p, i: tuple(0 for _ in s))
    return pl.pallas_call(
        _tc_epilogue_body,
        grid=(3, NB),
        in_specs=[
            pl.BlockSpec((2, BLK, HID), lambda p, i: (0, i, 0)),
            pl.BlockSpec((BLK, 2), lambda p, i: (i, 0)),
            pl.BlockSpec((BLK, HID), lambda p, i: (i, 0)),
            pl.BlockSpec((2, BLK, HID), lambda p, i: (0, i, 0)),
            pl.BlockSpec((BLK, 2), lambda p, i: (i, 0)),
            full((HID, SA_HID)), full((1, SA_HID)), full((SA_HID, 1)),
            full((HID, OUT)), full((1, OUT)),
        ],
        out_specs=[
            pl.BlockSpec((BLK, OUT), lambda p, i: (i, 0)),
            pl.BlockSpec((BLK, HID), lambda p, i: (i, 0)),
        ],
        out_shape=[
            jax.ShapeDtypeStruct((N, OUT), _f32),
            jax.ShapeDtypeStruct((N, HID), _f32),
        ],
        scratch_shapes=[pltpu.SMEM((8,), _f32)],
    )(agg2, degc, h0, gatn, denc, w1, b1, w2, pw, pb)


def kernel(features_0, features_1, edge_index_o0, edge_index_o1,
           edge_index_i0, edge_index_i1, simlar,
           fc_w0, fc_b0, fc_w1, fc_b1, gat_w, a_src, a_dst,
           sa_w1, sa_b1, sa_w2, proj_w, proj_b):
    sim2 = simlar.reshape(N, 1)
    a2 = jnp.stack([a_src, a_dst], axis=1)
    t1, wh, h0, s_tab = _tc_prologue(features_0, fc_w0, fc_b0.reshape(1, HID),
                                     gat_w, a2, sim2)
    ssrc = s_tab[:, 0]
    sdst = s_tab[:, 1]

    eidx = jnp.stack([edge_index_o0, edge_index_o1]
                     ).astype(jnp.int32).reshape(2, 2, NS, NCH, C
                                                 ).transpose(0, 2, 3, 1, 4)
    z2 = jnp.zeros((RWA, HID), _f32)
    zdeg = jnp.zeros((N // 16, 16), _f32)
    iota = jnp.arange(N // 16, dtype=jnp.int32)

    prA, gatn, degD, denD = _sc_pass1(t1, wh, eidx, simlar, ssrc, sdst,
                                      z2, zdeg, iota)
    degc = degD.reshape(2, N).T
    denc = denD.reshape(2, N).T

    y0, y1 = _tc_combine(prA, degc, h0, sim2)

    agg2 = _sc_pass2(y0, y1, eidx, z2)

    a, h = _tc_epilogue(agg2, degc, h0, gatn, denc,
                        sa_w1, sa_b1.reshape(1, SA_HID), sa_w2,
                        proj_w, proj_b.reshape(1, OUT))
    return (a, h)

# --- scband reference (transcript-rebuilt; emitter-appended) ---
"""Pipeline reference for scband-models-47047071760695 (READ-ONLY COPY).

The authoritative reference and input builder live on the scoring server;
editing this copy changes nothing except your own understanding.
"""

import jax, jax.numpy as jnp
import numpy as np

N = 10000
E = 320000
D_IN = 128
HID = 64
SA_HID = 128
OUT = 64


def _segment_softmax(logits, seg, num):
    m = jax.ops.segment_max(logits, seg, num_segments=num)
    e = jnp.exp(logits - m[seg])
    d = jax.ops.segment_sum(e, seg, num_segments=num)
    return e / (d[seg] + 1e-9)


def _pagerank_sim(h, edge_index, simlar, alpha=0.15, iters=2):
    # PageRank-style propagation weighted by per-node similarity scores
    src, dst = edge_index[0], edge_index[1]
    w = simlar[src]
    deg = jax.ops.segment_sum(w, dst, num_segments=h.shape[0]) + 1e-6
    out = h
    for _ in range(iters):
        msg = out[src] * w[:, None]
        agg = jax.ops.segment_sum(msg, dst, num_segments=h.shape[0])
        out = alpha * h + (1.0 - alpha) * agg / deg[:, None]
    return out


def _gat_sim(h, edge_index, simlar, gat_w, a_src, a_dst):
    # GAT-style attention aggregation (HAN node-level layer), biased by similarity
    src, dst = edge_index[0], edge_index[1]
    wh = h @ gat_w
    e = jax.nn.leaky_relu(wh[src] @ a_src + wh[dst] @ a_dst, 0.2) + simlar[src]
    att = _segment_softmax(e, dst, h.shape[0])
    out = jax.ops.segment_sum(att[:, None] * wh[src], dst, num_segments=h.shape[0])
    return jax.nn.elu(out)


def _semantic_attention(z, w1, b1, w2):
    # Two_classrelationshipfusion: w = project(z).mean(0); beta = softmax(w, 0); (beta*z).sum(1)
    w = jnp.tanh(z @ w1 + b1) @ w2  # [N, M, 1]
    w = w.mean(0)                    # [M, 1]
    beta = jax.nn.softmax(w, axis=0)  # softmax over M
    return (beta[None, :, :] * z).sum(1)


def setup_inputs(seed: int = 0) -> dict:
    key = jax.random.key(seed)
    ks = jax.random.split(key, 24)
    s = 0.05
    inp = {}
    inp["features_0"] = jax.random.normal(ks[0], (N, D_IN), dtype=jnp.float32)
    inp["features_1"] = jax.random.normal(ks[1], (N, D_IN), dtype=jnp.float32)
    inp["edge_index_o0"] = jax.random.randint(ks[2], (2, E), 0, N)
    inp["edge_index_o1"] = jax.random.randint(ks[3], (2, E), 0, N)
    inp["edge_index_i0"] = jax.random.randint(ks[4], (2, E), 0, N)
    inp["edge_index_i1"] = jax.random.randint(ks[5], (2, E), 0, N)
    inp["simlar"] = jax.random.uniform(ks[6], (N,), dtype=jnp.float32)
    inp["fc_w0"] = jax.random.normal(ks[7], (D_IN, HID), dtype=jnp.float32) * s
    inp["fc_b0"] = jnp.zeros((HID,), dtype=jnp.float32)
    inp["fc_w1"] = jax.random.normal(ks[8], (D_IN, HID), dtype=jnp.float32) * s
    inp["fc_b1"] = jnp.zeros((HID,), dtype=jnp.float32)
    inp["gat_w"] = jax.random.normal(ks[9], (HID, HID), dtype=jnp.float32) * s
    inp["a_src"] = jax.random.normal(ks[10], (HID,), dtype=jnp.float32) * s
    inp["a_dst"] = jax.random.normal(ks[11], (HID,), dtype=jnp.float32) * s
    inp["sa_w1"] = jax.random.normal(ks[12], (HID, SA_HID), dtype=jnp.float32) * s
    inp["sa_b1"] = jnp.zeros((SA_HID,), dtype=jnp.float32)
    inp["sa_w2"] = jax.random.normal(ks[13], (SA_HID, 1), dtype=jnp.float32) * s
    inp["proj_w"] = jax.random.normal(ks[14], (HID, OUT), dtype=jnp.float32) * s
    inp["proj_b"] = jnp.zeros((OUT,), dtype=jnp.float32)
    return inp


def reference(features_0, features_1, edge_index_o0, edge_index_o1, edge_index_i0, edge_index_i1, simlar,
              fc_w0, fc_b0, fc_w1, fc_b1, gat_w, a_src, a_dst, sa_w1, sa_b1, sa_w2, proj_w, proj_b):
    # h_all = [relu(fc_i(features_i))]; only h_all[0] is consumed downstream (as in original)
    h0 = jax.nn.relu(features_0 @ fc_w0 + fc_b0)
    _h1 = jax.nn.relu(features_1 @ fc_w1 + fc_b1)
    # degree routing: all graphs have E edges -> total degrees equal -> relative_diffs == 0
    #   adjo loop: no graph has diff >= 30  -> all adjo graphs go to small (PageRank2 path)
    #   adji loop: all diffs <= 30          -> all indices n append adjo[n] to big (bug-faithful), HAN1 path
    feat = [
        _pagerank_sim(h0, edge_index_o0, simlar),
        _pagerank_sim(h0, edge_index_o1, simlar),
    ]
    feati = [
        _gat_sim(h0, edge_index_o0, simlar, gat_w, a_src, a_dst),
        _gat_sim(h0, edge_index_o1, simlar, gat_w, a_src, a_dst),
    ]
    ho = _semantic_attention(jnp.stack(feat, axis=1), sa_w1, sa_b1, sa_w2)
    hi = _semantic_attention(jnp.stack(feati, axis=1), sa_w1, sa_b1, sa_w2)
    h = _semantic_attention(jnp.stack([ho, hi], axis=1), sa_w1, sa_b1, sa_w2)
    a = h @ proj_w + proj_b
    return (a, h)

if __name__ == "__main__":
    import jax
    _d = setup_inputs()
    print(jax.jit(kernel)(*tuple(_d.values())))

</pallas_src>

<mosaic_0001>
#map = affine_map<(d0, d1) -> (0, 0)>
#map1 = affine_map<(d0, d1) -> (0, 0, 0, 0, 0)>
#map2 = affine_map<(d0, d1) -> (0)>
#map3 = affine_map<(d0, d1) -> (0, 0, 0)>
module attributes {stable_mosaic.version = 14 : i64} {
  func.func @_sc1_body(%arg0: i32, %arg1: i32, %arg2: memref<10000x64xf32, #tpu.memory_space<hbm>>, %arg3: memref<10000x64xf32, #tpu.memory_space<hbm>>, %arg4: memref<2x16x250x2x80xi32, #tpu.memory_space<hbm>>, %arg5: memref<10000xf32, #tpu.memory_space<hbm>>, %arg6: memref<10000xf32, #tpu.memory_space<hbm>>, %arg7: memref<10000xf32, #tpu.memory_space<hbm>>, %arg8: memref<632x64xf32, #tpu.memory_space<hbm>>, %arg9: memref<625x16xf32, #tpu.memory_space<hbm>>, %arg10: memref<625xi32, #tpu.memory_space<hbm>>, %arg11: memref<2x10000x64xf32, #tpu.memory_space<hbm>>, %arg12: memref<2x10000x64xf32, #tpu.memory_space<hbm>>, %arg13: memref<2x625x16xf32, #tpu.memory_space<hbm>>, %arg14: memref<2x625x16xf32, #tpu.memory_space<hbm>>, %arg15: memref<8x2x80xi32, #tpu.memory_space<vmem>>, %arg16: memref<10000xf32, #tpu.memory_space<vmem>>, %arg17: memref<10000xf32, #tpu.memory_space<vmem>>, %arg18: memref<10000xf32, #tpu.memory_space<vmem>>, %arg19: memref<80xf32, #tpu.memory_space<vmem>>, %arg20: memref<625x16xf32, #tpu.memory_space<vmem>>, %arg21: memref<625x16xf32, #tpu.memory_space<vmem>>, %arg22: memref<625xi32, #tpu.memory_space<vmem>>, %arg23: memref<4x80x64xf32, #tpu.memory_space<vmem>>, %arg24: memref<10000x64xf32, #tpu.memory_space<vmem_shared>>, %arg25: memref<625x16xf32, #tpu.memory_space<vmem_shared>>, %arg26: memref<625x16xf32, #tpu.memory_space<vmem_shared>>, %arg27: memref<4x!tpu.dma_semaphore, #tpu.memory_space<semaphore_mem>>, %arg28: memref<4x!tpu.dma_semaphore, #tpu.memory_space<semaphore_mem>>, %arg29: memref<8x!tpu.dma_semaphore, #tpu.memory_space<semaphore_mem>>) attributes {dimension_semantics = [#tpu.dimension_semantics<core_parallel>, #tpu.dimension_semantics<subcore_parallel>], iteration_bounds = array<i64: 2, 16>, scalar_prefetch = 0 : i64, scratch_operands = 15 : i64, tpu.core_type = #tpu.core_type<sc_vector_subcore>, window_params = [{transform_indices = #map}, {transform_indices = #map}, {transform_indices = #map1}, {transform_indices = #map2}, {transform_indices = #map2}, {transform_indices = #map2}, {transform_indices = #map}, {transform_indices = #map}, {transform_indices = #map2}, {transform_indices = #map3}, {transform_indices = #map3}, {transform_indices = #map3}, {transform_indices = #map3}]} {
    %broadcast_in_dim3A = arith.constant 0.000000e+00 : f32
    %broadcast_in_dim3A_0 = vector.broadcast %broadcast_in_dim3A : f32 to vector<16xf32>
    "tpu.region"() ({
      %run_scoped3A = tpu.sem_alloc : memref<!tpu.dma_semaphore, #tpu.memory_space<semaphore_mem>>
      tpu.enqueue_dma source(%arg5 : memref<10000xf32, #tpu.memory_space<hbm>>) target(%arg16 : memref<10000xf32, #tpu.memory_space<vmem>>) target_semaphore(%run_scoped3A : memref<!tpu.dma_semaphore, #tpu.memory_space<semaphore_mem>>)
      tpu.wait_dma2 semaphore(%run_scoped3A : memref<!tpu.dma_semaphore, #tpu.memory_space<semaphore_mem>>) src(%arg5 : memref<10000xf32, #tpu.memory_space<hbm>>) dst(%arg16 : memref<10000xf32, #tpu.memory_space<vmem>>)
      tpu.yield
    }) : () -> ()
    "tpu.region"() ({
      %run_scoped3A = tpu.sem_alloc : memref<!tpu.dma_semaphore, #tpu.memory_space<semaphore_mem>>
      tpu.enqueue_dma source(%arg6 : memref<10000xf32, #tpu.memory_space<hbm>>) target(%arg17 : memref<10000xf32, #tpu.memory_space<vmem>>) target_semaphore(%run_scoped3A : memref<!tpu.dma_semaphore, #tpu.memory_space<semaphore_mem>>)
      tpu.wait_dma2 semaphore(%run_scoped3A : memref<!tpu.dma_semaphore, #tpu.memory_space<semaphore_mem>>) src(%arg6 : memref<10000xf32, #tpu.memory_space<hbm>>) dst(%arg17 : memref<10000xf32, #tpu.memory_space<vmem>>)
      tpu.yield
    }) : () -> ()
    "tpu.region"() ({
      %run_scoped3A = tpu.sem_alloc : memref<!tpu.dma_semaphore, #tpu.memory_space<semaphore_mem>>
      tpu.enqueue_dma source(%arg7 : memref<10000xf32, #tpu.memory_space<hbm>>) target(%arg18 : memref<10000xf32, #tpu.memory_space<vmem>>) target_semaphore(%run_scoped3A : memref<!tpu.dma_semaphore, #tpu.memory_space<semaphore_mem>>)
      tpu.wait_dma2 semaphore(%run_scoped3A : memref<!tpu.dma_semaphore, #tpu.memory_space<semaphore_mem>>) src(%arg7 : memref<10000xf32, #tpu.memory_space<hbm>>) dst(%arg18 : memref<10000xf32, #tpu.memory_space<vmem>>)
      tpu.yield
    }) : () -> ()
    "tpu.region"() ({
      %run_scoped3A = tpu.sem_alloc : memref<!tpu.dma_semaphore, #tpu.memory_space<semaphore_mem>>
      tpu.enqueue_dma source(%arg10 : memref<625xi32, #tpu.memory_space<hbm>>) target(%arg22 : memref<625xi32, #tpu.memory_space<vmem>>) target_semaphore(%run_scoped3A : memref<!tpu.dma_semaphore, #tpu.memory_space<semaphore_mem>>)
      tpu.wait_dma2 semaphore(%run_scoped3A : memref<!tpu.dma_semaphore, #tpu.memory_space<semaphore_mem>>) src(%arg10 : memref<625xi32, #tpu.memory_space<hbm>>) dst(%arg22 : memref<625xi32, #tpu.memory_space<vmem>>)
      tpu.yield
    }) : () -> ()
    %eq3A = arith.constant 0 : i32
    %eq3A_1 = arith.cmpi eq, %arg1, %eq3A : i32
    %convert_element_type3A = arith.extui %eq3A_1 : i1 to i32
    %cond3A = arith.constant 0 : i32
    %cond3A_2 = arith.cmpi ne, %convert_element_type3A, %cond3A : i32
    scf.if %cond3A_2 {
      "tpu.region"() ({
        %run_scoped3A = tpu.sem_alloc : memref<!tpu.dma_semaphore, #tpu.memory_space<semaphore_mem>>
        tpu.enqueue_dma source(%arg9 : memref<625x16xf32, #tpu.memory_space<hbm>>) target(%arg25 : memref<625x16xf32, #tpu.memory_space<vmem_shared>>) target_semaphore(%run_scoped3A : memref<!tpu.dma_semaphore, #tpu.memory_space<semaphore_mem>>)
        tpu.wait_dma2 semaphore(%run_scoped3A : memref<!tpu.dma_semaphore, #tpu.memory_space<semaphore_mem>>) src(%arg9 : memref<625x16xf32, #tpu.memory_space<hbm>>) dst(%arg25 : memref<625x16xf32, #tpu.memory_space<vmem_shared>>)
        tpu.yield
      }) : () -> ()
      "tpu.region"() ({
        %run_scoped3A = tpu.sem_alloc : memref<!tpu.dma_semaphore, #tpu.memory_space<semaphore_mem>>
        tpu.enqueue_dma source(%arg9 : memref<625x16xf32, #tpu.memory_space<hbm>>) target(%arg26 : memref<625x16xf32, #tpu.memory_space<vmem_shared>>) target_semaphore(%run_scoped3A : memref<!tpu.dma_semaphore, #tpu.memory_space<semaphore_mem>>)
        tpu.wait_dma2 semaphore(%run_scoped3A : memref<!tpu.dma_semaphore, #tpu.memory_space<semaphore_mem>>) src(%arg9 : memref<625x16xf32, #tpu.memory_space<hbm>>) dst(%arg26 : memref<625x16xf32, #tpu.memory_space<vmem_shared>>)
        tpu.yield
      }) : () -> ()
    } else {
    }
    %scan3A = arith.constant 0 : i32
    %scan3A_3 = arith.constant 0 : i32
    %scan3A_4 = arith.constant 625 : i32
    %scan3A_5 = arith.addi %scan3A_3, %scan3A_4 : i32
    %scan3A_6 = arith.constant 1 : i32
    %scan3A_7 = scf.for %scan3A_698 = %scan3A_3 to %scan3A_5 step %scan3A_6 iter_args(%scan3A_699 = %scan3A) -> (i32)  : i32 {
      %swap3A = arith.index_cast %scan3A_698 : i32 to index
      %swap3A_700 = arith.constant 0 : index
      %swap3A_701 = tpu.vector_load %arg20[%swap3A, %swap3A_700] {strides = array<i32>} : memref<625x16xf32, #tpu.memory_space<vmem>>, vector<16xf32>,
      tpu.vector_store %arg20[%swap3A, %swap3A_700], %broadcast_in_dim3A_0 {strides = array<i32>} : memref<625x16xf32, #tpu.memory_space<vmem>>, vector<16xf32>,
      %swap3A_702 = arith.index_cast %scan3A_698 : i32 to index
      %swap3A_703 = arith.constant 0 : index
      %swap3A_704 = tpu.vector_load %arg21[%swap3A_702, %swap3A_703] {strides = array<i32>} : memref<625x16xf32, #tpu.memory_space<vmem>>, vector<16xf32>,
      tpu.vector_store %arg21[%swap3A_702, %swap3A_703], %broadcast_in_dim3A_0 {strides = array<i32>} : memref<625x16xf32, #tpu.memory_space<vmem>>, vector<16xf32>,
      %scan3A_705 = arith.constant 0 : i32
      scf.yield %scan3A_705 : i32
    }
    %scan3A_8 = arith.constant 625 : i32
    %mul3A = arith.constant 632 : i32
    %mul3A_9 = arith.muli %arg1, %mul3A : i32
    %multiple_of3A = tpu.assume_multiple %mul3A_9, 8 : i32
    %lt3A = arith.constant 15 : i32
    %lt3A_10 = arith.cmpi slt, %arg1, %lt3A : i32
    %convert_element_type3A_11 = arith.extui %lt3A_10 : i1 to i32
    %cond3A_12 = arith.constant 0 : i32
    %cond3A_13 = arith.cmpi ne, %convert_element_type3A_11, %cond3A_12 : i32
    scf.if %cond3A_13 {
      "tpu.region"() ({
        %run_scoped3A = tpu.sem_alloc : memref<!tpu.dma_semaphore, #tpu.memory_space<semaphore_mem>>
        %dma_start3A_698 = arith.constant 0 : i32
        %dma_start3A_699 = tpu.memref_slice %arg24[%multiple_of3A, %dma_start3A_698] : memref<10000x64xf32, #tpu.memory_space<vmem_shared>> -> memref<632x64xf32, #tpu.memory_space<vmem_shared>>
        %dma_start3A_700 = arith.constant 0 : i32
        %dma_start3A_701 = arith.constant 0 : i32
        %dma_start3A_702 = tpu.memref_slice %arg8[%dma_start3A_700, %dma_start3A_701] : memref<632x64xf32, #tpu.memory_space<hbm>> -> memref<632x64xf32, #tpu.memory_space<hbm>>
        tpu.enqueue_dma source(%dma_start3A_702 : memref<632x64xf32, #tpu.memory_space<hbm>>) target(%dma_start3A_699 : memref<632x64xf32, #tpu.memory_space<vmem_shared>>) target_semaphore(%run_scoped3A : memref<!tpu.dma_semaphore, #tpu.memory_space<semaphore_mem>>)
        %dma_wait3A_703 = arith.constant 0 : i32
        %dma_wait3A_704 = tpu.memref_slice %arg24[%multiple_of3A, %dma_wait3A_703] : memref<10000x64xf32, #tpu.memory_space<vmem_shared>> -> memref<632x64xf32, #tpu.memory_space<vmem_shared>>
        %dma_wait3A_705 = arith.constant 0 : i32
        %dma_wait3A_706 = arith.constant 0 : i32
        %dma_wait3A_707 = tpu.memref_slice %arg8[%dma_wait3A_705, %dma_wait3A_706] : memref<632x64xf32, #tpu.memory_space<hbm>> -> memref<632x64xf32, #tpu.memory_space<hbm>>
        tpu.wait_dma2 semaphore(%run_scoped3A : memref<!tpu.dma_semaphore, #tpu.memory_space<semaphore_mem>>) src(%dma_wait3A_707 : memref<632x64xf32, #tpu.memory_space<hbm>>) dst(%dma_wait3A_704 : memref<632x64xf32, #tpu.memory_space<vmem_shared>>)
        tpu.yield
      }) : () -> ()
    } else {
    }
    %eq3A_14 = arith.constant 15 : i32
    %eq3A_15 = arith.cmpi eq, %arg1, %eq3A_14 : i32
    %convert_element_type3A_16 = arith.extui %eq3A_15 : i1 to i32
    %cond3A_17 = arith.constant 0 : i32
    %cond3A_18 = arith.cmpi ne, %convert_element_type3A_16, %cond3A_17 : i32
    scf.if %cond3A_18 {
      "tpu.region"() ({
        %run_scoped3A = tpu.sem_alloc : memref<!tpu.dma_semaphore, #tpu.memory_space<semaphore_mem>>
        %dma_start3A_698 = arith.constant 9480 : i32
        %dma_start3A_699 = arith.constant 0 : i32
        %dma_start3A_700 = tpu.memref_slice %arg24[%dma_start3A_698, %dma_start3A_699] : memref<10000x64xf32, #tpu.memory_space<vmem_shared>> -> memref<520x64xf32, #tpu.memory_space<vmem_shared>>
        %dma_start3A_701 = arith.constant 0 : i32
        %dma_start3A_702 = arith.constant 0 : i32
        %dma_start3A_703 = tpu.memref_slice %arg8[%dma_start3A_701, %dma_start3A_702] : memref<632x64xf32, #tpu.memory_space<hbm>> -> memref<520x64xf32, #tpu.memory_space<hbm>>
        tpu.enqueue_dma source(%dma_start3A_703 : memref<520x64xf32, #tpu.memory_space<hbm>>) target(%dma_start3A_700 : memref<520x64xf32, #tpu.memory_space<vmem_shared>>) target_semaphore(%run_scoped3A : memref<!tpu.dma_semaphore, #tpu.memory_space<semaphore_mem>>)
        %dma_wait3A_704 = arith.constant 9480 : i32
        %dma_wait3A_705 = arith.constant 0 : i32
        %dma_wait3A_706 = tpu.memref_slice %arg24[%dma_wait3A_704, %dma_wait3A_705] : memref<10000x64xf32, #tpu.memory_space<vmem_shared>> -> memref<520x64xf32, #tpu.memory_space<vmem_shared>>
        %dma_wait3A_707 = arith.constant 0 : i32
        %dma_wait3A_708 = arith.constant 0 : i32
        %dma_wait3A_709 = tpu.memref_slice %arg8[%dma_wait3A_707, %dma_wait3A_708] : memref<632x64xf32, #tpu.memory_space<hbm>> -> memref<520x64xf32, #tpu.memory_space<hbm>>
        tpu.wait_dma2 semaphore(%run_scoped3A : memref<!tpu.dma_semaphore, #tpu.memory_space<semaphore_mem>>) src(%dma_wait3A_709 : memref<520x64xf32, #tpu.memory_space<hbm>>) dst(%dma_wait3A_706 : memref<520x64xf32, #tpu.memory_space<vmem_shared>>)
        tpu.yield
      }) : () -> ()
    } else {
    }
    %barrier3A = arith.constant 0 : index
    tpu.barrier barrier_id(%barrier3A)
    %rem3A = arith.constant 0 : i32
    %rem3A_19 = arith.constant 8 : i32
    %rem3A_20 = arith.remsi %rem3A, %rem3A_19 : i32
    %dma_start3A = arith.constant 0 : i32
    %dma_start3A_21 = arith.constant 0 : i32
    %dma_start3A_22 = arith.constant 0 : i32
    %dma_start3A_23 = tpu.memref_slice %arg15[%rem3A_20, %dma_start3A_21, %dma_start3A_22] : memref<8x2x80xi32, #tpu.memory_space<vmem>> -> memref<1x2x80xi32, #tpu.memory_space<vmem>>
    %dma_start3A_24 = tpu.memref_squeeze %dma_start3A_23 : memref<1x2x80xi32, #tpu.memory_space<vmem>> -> memref<2x80xi32, #tpu.memory_space<vmem>>
    %dma_start3A_25 = arith.constant 0 : i32
    %dma_start3A_26 = arith.constant 0 : i32
    %dma_start3A_27 = tpu.memref_slice %arg4[%arg0, %arg1, %dma_start3A, %dma_start3A_25, %dma_start3A_26] : memref<2x16x250x2x80xi32, #tpu.memory_space<hbm>> -> memref<1x1x1x2x80xi32, #tpu.memory_space<hbm>>
    %dma_start3A_28 = tpu.memref_squeeze %dma_start3A_27 : memref<1x1x1x2x80xi32, #tpu.memory_space<hbm>> -> memref<2x80xi32, #tpu.memory_space<hbm>>
    %dma_start3A_29 = tpu.memref_slice %arg29[%rem3A_20] : memref<8x!tpu.dma_semaphore, #tpu.memory_space<semaphore_mem>> -> memref<1x!tpu.dma_semaphore, #tpu.memory_space<semaphore_mem>>
    %dma_start3A_30 = tpu.memref_squeeze %dma_start3A_29 : memref<1x!tpu.dma_semaphore, #tpu.memory_space<semaphore_mem>> -> memref<!tpu.dma_semaphore, #tpu.memory_space<semaphore_mem>>
    %dma_start3A_31 = arith.constant 0 : i32
    %dma_start3A_32 = arith.constant 0 : i32
    %dma_start3A_33 = tpu.memref_slice %arg15[%rem3A_20, %dma_start3A_31, %dma_start3A_32] : memref<8x2x80xi32, #tpu.memory_space<vmem>> -> memref<1x2x80xi32, #tpu.memory_space<vmem>>
    %dma_start3A_34 = tpu.memref_squeeze %dma_start3A_33 : memref<1x2x80xi32, #tpu.memory_space<vmem>> -> memref<2x80xi32, #tpu.memory_space<vmem>>
    %dma_start3A_35 = arith.constant 0 : i32
    %dma_start3A_36 = arith.constant 0 : i32
    %dma_start3A_37 = tpu.memref_slice %arg4[%arg0, %arg1, %dma_start3A, %dma_start3A_35, %dma_start3A_36] : memref<2x16x250x2x80xi32, #tpu.memory_space<hbm>> -> memref<1x1x1x2x80xi32, #tpu.memory_space<hbm>>
    %dma_start3A_38 = tpu.memref_squeeze %dma_start3A_37 : memref<1x1x1x2x80xi32, #tpu.memory_space<hbm>> -> memref<2x80xi32, #tpu.memory_space<hbm>>
    tpu.enqueue_dma source(%dma_start3A_38 : memref<2x80xi32, #tpu.memory_space<hbm>>) target(%dma_start3A_34 : memref<2x80xi32, #tpu.memory_space<vmem>>) target_semaphore(%dma_start3A_30 : memref<!tpu.dma_semaphore, #tpu.memory_space<semaphore_mem>>)
    %rem3A_39 = arith.constant 1 : i32
    %rem3A_40 = arith.constant 8 : i32
    %rem3A_41 = arith.remsi %rem3A_39, %rem3A_40 : i32
    %dma_start3A_42 = arith.constant 1 : i32
    %dma_start3A_43 = arith.constant 0 : i32
    %dma_start3A_44 = arith.constant 0 : i32
    %dma_start3A_45 = tpu.memref_slice %arg15[%rem3A_41, %dma_start3A_43, %dma_start3A_44] : memref<8x2x80xi32, #tpu.memory_space<vmem>> -> memref<1x2x80xi32, #tpu.memory_space<vmem>>
    %dma_start3A_46 = tpu.memref_squeeze %dma_start3A_45 : memref<1x2x80xi32, #tpu.memory_space<vmem>> -> memref<2x80xi32, #tpu.memory_space<vmem>>
    %dma_start3A_47 = arith.constant 0 : i32
    %dma_start3A_48 = arith.constant 0 : i32
    %dma_start3A_49 = tpu.memref_slice %arg4[%arg0, %arg1, %dma_start3A_42, %dma_start3A_47, %dma_start3A_48] : memref<2x16x250x2x80xi32, #tpu.memory_space<hbm>> -> memref<1x1x1x2x80xi32, #tpu.memory_space<hbm>>
    %dma_start3A_50 = tpu.memref_squeeze %dma_start3A_49 : memref<1x1x1x2x80xi32, #tpu.memory_space<hbm>> -> memref<2x80xi32, #tpu.memory_space<hbm>>
    %dma_start3A_51 = tpu.memref_slice %arg29[%rem3A_41] : memref<8x!tpu.dma_semaphore, #tpu.memory_space<semaphore_mem>> -> memref<1x!tpu.dma_semaphore, #tpu.memory_space<semaphore_mem>>
    %dma_start3A_52 = tpu.memref_squeeze %dma_start3A_51 : memref<1x!tpu.dma_semaphore, #tpu.memory_space<semaphore_mem>> -> memref<!tpu.dma_semaphore, #tpu.memory_space<semaphore_mem>>
    %dma_start3A_53 = arith.constant 0 : i32
    %dma_start3A_54 = arith.constant 0 : i32
    %dma_start3A_55 = tpu.memref_slice %arg15[%rem3A_41, %dma_start3A_53, %dma_start3A_54] : memref<8x2x80xi32, #tpu.memory_space<vmem>> -> memref<1x2x80xi32, #tpu.memory_space<vmem>>
    %dma_start3A_56 = tpu.memref_squeeze %dma_start3A_55 : memref<1x2x80xi32, #tpu.memory_space<vmem>> -> memref<2x80xi32, #tpu.memory_space<vmem>>
    %dma_start3A_57 = arith.constant 0 : i32
    %dma_start3A_58 = arith.constant 0 : i32
    %dma_start3A_59 = tpu.memref_slice %arg4[%arg0, %arg1, %dma_start3A_42, %dma_start3A_57, %dma_start3A_58] : memref<2x16x250x2x80xi32, #tpu.memory_space<hbm>> -> memref<1x1x1x2x80xi32, #tpu.memory_space<hbm>>
    %dma_start3A_60 = tpu.memref_squeeze %dma_start3A_59 : memref<1x1x1x2x80xi32, #tpu.memory_space<hbm>> -> memref<2x80xi32, #tpu.memory_space<hbm>>
    tpu.enqueue_dma source(%dma_start3A_60 : memref<2x80xi32, #tpu.memory_space<hbm>>) target(%dma_start3A_56 : memref<2x80xi32, #tpu.memory_space<vmem>>) target_semaphore(%dma_start3A_52 : memref<!tpu.dma_semaphore, #tpu.memory_space<semaphore_mem>>)
    %rem3A_61 = arith.constant 2 : i32
    %rem3A_62 = arith.constant 8 : i32
    %rem3A_63 = arith.remsi %rem3A_61, %rem3A_62 : i32
    %dma_start3A_64 = arith.constant 2 : i32
    %dma_start3A_65 = arith.constant 0 : i32
    %dma_start3A_66 = arith.constant 0 : i32
    %dma_start3A_67 = tpu.memref_slice %arg15[%rem3A_63, %dma_start3A_65, %dma_start3A_66] : memref<8x2x80xi32, #tpu.memory_space<vmem>> -> memref<1x2x80xi32, #tpu.memory_space<vmem>>
    %dma_start3A_68 = tpu.memref_squeeze %dma_start3A_67 : memref<1x2x80xi32, #tpu.memory_space<vmem>> -> memref<2x80xi32, #tpu.memory_space<vmem>>
    %dma_start3A_69 = arith.constant 0 : i32
    %dma_start3A_70 = arith.constant 0 : i32
    %dma_start3A_71 = tpu.memref_slice %arg4[%arg0, %arg1, %dma_start3A_64, %dma_start3A_69, %dma_start3A_70] : memref<2x16x250x2x80xi32, #tpu.memory_space<hbm>> -> memref<1x1x1x2x80xi32, #tpu.memory_space<hbm>>
    %dma_start3A_72 = tpu.memref_squeeze %dma_start3A_71 : memref<1x1x1x2x80xi32, #tpu.memory_space<hbm>> -> memref<2x80xi32, #tpu.memory_space<hbm>>
    %dma_start3A_73 = tpu.memref_slice %arg29[%rem3A_63] : memref<8x!tpu.dma_semaphore, #tpu.memory_space<semaphore_mem>> -> memref<1x!tpu.dma_semaphore, #tpu.memory_space<semaphore_mem>>
    %dma_start3A_74 = tpu.memref_squeeze %dma_start3A_73 : memref<1x!tpu.dma_semaphore, #tpu.memory_space<semaphore_mem>> -> memref<!tpu.dma_semaphore, #tpu.memory_space<semaphore_mem>>
    %dma_start3A_75 = arith.constant 0 : i32
    %dma_start3A_76 = arith.constant 0 : i32
    %dma_start3A_77 = tpu.memref_slice %arg15[%rem3A_63, %dma_start3A_75, %dma_start3A_76] : memref<8x2x80xi32, #tpu.memory_space<vmem>> -> memref<1x2x80xi32, #tpu.memory_space<vmem>>
    %dma_start3A_78 = tpu.memref_squeeze %dma_start3A_77 : memref<1x2x80xi32, #tpu.memory_space<vmem>> -> memref<2x80xi32, #tpu.memory_space<vmem>>
    %dma_start3A_79 = arith.constant 0 : i32
    %dma_start3A_80 = arith.constant 0 : i32
    %dma_start3A_81 = tpu.memref_slice %arg4[%arg0, %arg1, %dma_start3A_64, %dma_start3A_79, %dma_start3A_80] : memref<2x16x250x2x80xi32, #tpu.memory_space<hbm>> -> memref<1x1x1x2x80xi32, #tpu.memory_space<hbm>>
    %dma_start3A_82 = tpu.memref_squeeze %dma_start3A_81 : memref<1x1x1x2x80xi32, #tpu.memory_space<hbm>> -> memref<2x80xi32, #tpu.memory_space<hbm>>
    tpu.enqueue_dma source(%dma_start3A_82 : memref<2x80xi32, #tpu.memory_space<hbm>>) target(%dma_start3A_78 : memref<2x80xi32, #tpu.memory_space<vmem>>) target_semaphore(%dma_start3A_74 : memref<!tpu.dma_semaphore, #tpu.memory_space<semaphore_mem>>)
    %rem3A_83 = arith.constant 3 : i32
    %rem3A_84 = arith.constant 8 : i32
    %rem3A_85 = arith.remsi %rem3A_83, %rem3A_84 : i32
    %dma_start3A_86 = arith.constant 3 : i32
    %dma_start3A_87 = arith.constant 0 : i32
    %dma_start3A_88 = arith.constant 0 : i32
    %dma_start3A_89 = tpu.memref_slice %arg15[%rem3A_85, %dma_start3A_87, %dma_start3A_88] : memref<8x2x80xi32, #tpu.memory_space<vmem>> -> memref<1x2x80xi32, #tpu.memory_space<vmem>>
    %dma_start3A_90 = tpu.memref_squeeze %dma_start3A_89 : memref<1x2x80xi32, #tpu.memory_space<vmem>> -> memref<2x80xi32, #tpu.memory_space<vmem>>
    %dma_start3A_91 = arith.constant 0 : i32
    %dma_start3A_92 = arith.constant 0 : i32
    %dma_start3A_93 = tpu.memref_slice %arg4[%arg0, %arg1, %dma_start3A_86, %dma_start3A_91, %dma_start3A_92] : memref<2x16x250x2x80xi32, #tpu.memory_space<hbm>> -> memref<1x1x1x2x80xi32, #tpu.memory_space<hbm>>
    %dma_start3A_94 = tpu.memref_squeeze %dma_start3A_93 : memref<1x1x1x2x80xi32, #tpu.memory_space<hbm>> -> memref<2x80xi32, #tpu.memory_space<hbm>>
    %dma_start3A_95 = tpu.memref_slice %arg29[%rem3A_85] : memref<8x!tpu.dma_semaphore, #tpu.memory_space<semaphore_mem>> -> memref<1x!tpu.dma_semaphore, #tpu.memory_space<semaphore_mem>>
    %dma_start3A_96 = tpu.memref_squeeze %dma_start3A_95 : memref<1x!tpu.dma_semaphore, #tpu.memory_space<semaphore_mem>> -> memref<!tpu.dma_semaphore, #tpu.memory_space<semaphore_mem>>
    %dma_start3A_97 = arith.constant 0 : i32
    %dma_start3A_98 = arith.constant 0 : i32
    %dma_start3A_99 = tpu.memref_slice %arg15[%rem3A_85, %dma_start3A_97, %dma_start3A_98] : memref<8x2x80xi32, #tpu.memory_space<vmem>> -> memref<1x2x80xi32, #tpu.memory_space<vmem>>
    %dma_start3A_100 = tpu.memref_squeeze %dma_start3A_99 : memref<1x2x80xi32, #tpu.memory_space<vmem>> -> memref<2x80xi32, #tpu.memory_space<vmem>>
    %dma_start3A_101 = arith.constant 0 : i32
    %dma_start3A_102 = arith.constant 0 : i32
    %dma_start3A_103 = tpu.memref_slice %arg4[%arg0, %arg1, %dma_start3A_86, %dma_start3A_101, %dma_start3A_102] : memref<2x16x250x2x80xi32, #tpu.memory_space<hbm>> -> memref<1x1x1x2x80xi32, #tpu.memory_space<hbm>>
    %dma_start3A_104 = tpu.memref_squeeze %dma_start3A_103 : memref<1x1x1x2x80xi32, #tpu.memory_space<hbm>> -> memref<2x80xi32, #tpu.memory_space<hbm>>
    tpu.enqueue_dma source(%dma_start3A_104 : memref<2x80xi32, #tpu.memory_space<hbm>>) target(%dma_start3A_100 : memref<2x80xi32, #tpu.memory_space<vmem>>) target_semaphore(%dma_start3A_96 : memref<!tpu.dma_semaphore, #tpu.memory_space<semaphore_mem>>)
    %rem3A_105 = arith.constant 4 : i32
    %rem3A_106 = arith.constant 8 : i32
    %rem3A_107 = arith.remsi %rem3A_105, %rem3A_106 : i32
    %dma_start3A_108 = arith.constant 4 : i32
    %dma_start3A_109 = arith.constant 0 : i32
    %dma_start3A_110 = arith.constant 0 : i32
    %dma_start3A_111 = tpu.memref_slice %arg15[%rem3A_107, %dma_start3A_109, %dma_start3A_110] : memref<8x2x80xi32, #tpu.memory_space<vmem>> -> memref<1x2x80xi32, #tpu.memory_space<vmem>>
    %dma_start3A_112 = tpu.memref_squeeze %dma_start3A_111 : memref<1x2x80xi32, #tpu.memory_space<vmem>> -> memref<2x80xi32, #tpu.memory_space<vmem>>
    %dma_start3A_113 = arith.constant 0 : i32
    %dma_start3A_114 = arith.constant 0 : i32
    %dma_start3A_115 = tpu.memref_slice %arg4[%arg0, %arg1, %dma_start3A_108, %dma_start3A_113, %dma_start3A_114] : memref<2x16x250x2x80xi32, #tpu.memory_space<hbm>> -> memref<1x1x1x2x80xi32, #tpu.memory_space<hbm>>
    %dma_start3A_116 = tpu.memref_squeeze %dma_start3A_115 : memref<1x1x1x2x80xi32, #tpu.memory_space<hbm>> -> memref<2x80xi32, #tpu.memory_space<hbm>>
    %dma_start3A_117 = tpu.memref_slice %arg29[%rem3A_107] : memref<8x!tpu.dma_semaphore, #tpu.memory_space<semaphore_mem>> -> memref<1x!tpu.dma_semaphore, #tpu.memory_space<semaphore_mem>>
    %dma_start3A_118 = tpu.memref_squeeze %dma_start3A_117 : memref<1x!tpu.dma_semaphore, #tpu.memory_space<semaphore_mem>> -> memref<!tpu.dma_semaphore, #tpu.memory_space<semaphore_mem>>
    %dma_start3A_119 = arith.constant 0 : i32
    %dma_start3A_120 = arith.constant 0 : i32
    %dma_start3A_121 = tpu.memref_slice %arg15[%rem3A_107, %dma_start3A_119, %dma_start3A_120] : memref<8x2x80xi32, #tpu.memory_space<vmem>> -> memref<1x2x80xi32, #tpu.memory_space<vmem>>
    %dma_start3A_122 = tpu.memref_squeeze %dma_start3A_121 : memref<1x2x80xi32, #tpu.memory_space<vmem>> -> memref<2x80xi32, #tpu.memory_space<vmem>>
    %dma_start3A_123 = arith.constant 0 : i32
    %dma_start3A_124 = arith.constant 0 : i32
    %dma_start3A_125 = tpu.memref_slice %arg4[%arg0, %arg1, %dma_start3A_108, %dma_start3A_123, %dma_start3A_124] : memref<2x16x250x2x80xi32, #tpu.memory_space<hbm>> -> memref<1x1x1x2x80xi32, #tpu.memory_space<hbm>>
    %dma_start3A_126 = tpu.memref_squeeze %dma_start3A_125 : memref<1x1x1x2x80xi32, #tpu.memory_space<hbm>> -> memref<2x80xi32, #tpu.memory_space<hbm>>
    tpu.enqueue_dma source(%dma_start3A_126 : memref<2x80xi32, #tpu.memory_space<hbm>>) target(%dma_start3A_122 : memref<2x80xi32, #tpu.memory_space<vmem>>) target_semaphore(%dma_start3A_118 : memref<!tpu.dma_semaphore, #tpu.memory_space<semaphore_mem>>)
    %rem3A_127 = arith.constant 5 : i32
    %rem3A_128 = arith.constant 8 : i32
    %rem3A_129 = arith.remsi %rem3A_127, %rem3A_128 : i32
    %dma_start3A_130 = arith.constant 5 : i32
    %dma_start3A_131 = arith.constant 0 : i32
    %dma_start3A_132 = arith.constant 0 : i32
    %dma_start3A_133 = tpu.memref_slice %arg15[%rem3A_129, %dma_start3A_131, %dma_start3A_132] : memref<8x2x80xi32, #tpu.memory_space<vmem>> -> memref<1x2x80xi32, #tpu.memory_space<vmem>>
    %dma_start3A_134 = tpu.memref_squeeze %dma_start3A_133 : memref<1x2x80xi32, #tpu.memory_space<vmem>> -> memref<2x80xi32, #tpu.memory_space<vmem>>
    %dma_start3A_135 = arith.constant 0 : i32
    %dma_start3A_136 = arith.constant 0 : i32
    %dma_start3A_137 = tpu.memref_slice %arg4[%arg0, %arg1, %dma_start3A_130, %dma_start3A_135, %dma_start3A_136] : memref<2x16x250x2x80xi32, #tpu.memory_space<hbm>> -> memref<1x1x1x2x80xi32, #tpu.memory_space<hbm>>
    %dma_start3A_138 = tpu.memref_squeeze %dma_start3A_137 : memref<1x1x1x2x80xi32, #tpu.memory_space<hbm>> -> memref<2x80xi32, #tpu.memory_space<hbm>>
    %dma_start3A_139 = tpu.memref_slice %arg29[%rem3A_129] : memref<8x!tpu.dma_semaphore, #tpu.memory_space<semaphore_mem>> -> memref<1x!tpu.dma_semaphore, #tpu.memory_space<semaphore_mem>>
    %dma_start3A_140 = tpu.memref_squeeze %dma_start3A_139 : memref<1x!tpu.dma_semaphore, #tpu.memory_space<semaphore_mem>> -> memref<!tpu.dma_semaphore, #tpu.memory_space<semaphore_mem>>
    %dma_start3A_141 = arith.constant 0 : i32
    %dma_start3A_142 = arith.constant 0 : i32
    %dma_start3A_143 = tpu.memref_slice %arg15[%rem3A_129, %dma_start3A_141, %dma_start3A_142] : memref<8x2x80xi32, #tpu.memory_space<vmem>> -> memref<1x2x80xi32, #tpu.memory_space<vmem>>
    %dma_start3A_144 = tpu.memref_squeeze %dma_start3A_143 : memref<1x2x80xi32, #tpu.memory_space<vmem>> -> memref<2x80xi32, #tpu.memory_space<vmem>>
    %dma_start3A_145 = arith.constant 0 : i32
    %dma_start3A_146 = arith.constant 0 : i32
    %dma_start3A_147 = tpu.memref_slice %arg4[%arg0, %arg1, %dma_start3A_130, %dma_start3A_145, %dma_start3A_146] : memref<2x16x250x2x80xi32, #tpu.memory_space<hbm>> -> memref<1x1x1x2x80xi32, #tpu.memory_space<hbm>>
    %dma_start3A_148 = tpu.memref_squeeze %dma_start3A_147 : memref<1x1x1x2x80xi32, #tpu.memory_space<hbm>> -> memref<2x80xi32, #tpu.memory_space<hbm>>
    tpu.enqueue_dma source(%dma_start3A_148 : memref<2x80xi32, #tpu.memory_space<hbm>>) target(%dma_start3A_144 : memref<2x80xi32, #tpu.memory_space<vmem>>) target_semaphore(%dma_start3A_140 : memref<!tpu.dma_semaphore, #tpu.memory_space<semaphore_mem>>)
    %rem3A_149 = arith.constant 0 : i32
    %rem3A_150 = arith.constant 8 : i32
    %rem3A_151 = arith.remsi %rem3A_149, %rem3A_150 : i32
    %dma_wait3A = arith.constant 0 : i32
    %dma_wait3A_152 = arith.constant 0 : i32
    %dma_wait3A_153 = arith.constant 0 : i32
    %dma_wait3A_154 = tpu.memref_slice %arg15[%rem3A_151, %dma_wait3A_152, %dma_wait3A_153] : memref<8x2x80xi32, #tpu.memory_space<vmem>> -> memref<1x2x80xi32, #tpu.memory_space<vmem>>
    %dma_wait3A_155 = tpu.memref_squeeze %dma_wait3A_154 : memref<1x2x80xi32, #tpu.memory_space<vmem>> -> memref<2x80xi32, #tpu.memory_space<vmem>>
    %dma_wait3A_156 = arith.constant 0 : i32
    %dma_wait3A_157 = arith.constant 0 : i32
    %dma_wait3A_158 = tpu.memref_slice %arg4[%arg0, %arg1, %dma_wait3A, %dma_wait3A_156, %dma_wait3A_157] : memref<2x16x250x2x80xi32, #tpu.memory_space<hbm>> -> memref<1x1x1x2x80xi32, #tpu.memory_space<hbm>>
    %dma_wait3A_159 = tpu.memref_squeeze %dma_wait3A_158 : memref<1x1x1x2x80xi32, #tpu.memory_space<hbm>> -> memref<2x80xi32, #tpu.memory_space<hbm>>
    %dma_wait3A_160 = tpu.memref_slice %arg29[%rem3A_151] : memref<8x!tpu.dma_semaphore, #tpu.memory_space<semaphore_mem>> -> memref<1x!tpu.dma_semaphore, #tpu.memory_space<semaphore_mem>>
    %dma_wait3A_161 = tpu.memref_squeeze %dma_wait3A_160 : memref<1x!tpu.dma_semaphore, #tpu.memory_space<semaphore_mem>> -> memref<!tpu.dma_semaphore, #tpu.memory_space<semaphore_mem>>
    %dma_wait3A_162 = arith.constant 0 : i32
    %dma_wait3A_163 = arith.constant 0 : i32
    %dma_wait3A_164 = tpu.memref_slice %arg15[%rem3A_151, %dma_wait3A_162, %dma_wait3A_163] : memref<8x2x80xi32, #tpu.memory_space<vmem>> -> memref<1x2x80xi32, #tpu.memory_space<vmem>>
    %dma_wait3A_165 = tpu.memref_squeeze %dma_wait3A_164 : memref<1x2x80xi32, #tpu.memory_space<vmem>> -> memref<2x80xi32, #tpu.memory_space<vmem>>
    %dma_wait3A_166 = arith.constant 0 : i32
    %dma_wait3A_167 = arith.constant 0 : i32
    %dma_wait3A_168 = tpu.memref_slice %arg4[%arg0, %arg1, %dma_wait3A, %dma_wait3A_166, %dma_wait3A_167] : memref<2x16x250x2x80xi32, #tpu.memory_space<hbm>> -> memref<1x1x1x2x80xi32, #tpu.memory_space<hbm>>
    %dma_wait3A_169 = tpu.memref_squeeze %dma_wait3A_168 : memref<1x1x1x2x80xi32, #tpu.memory_space<hbm>> -> memref<2x80xi32, #tpu.memory_space<hbm>>
    tpu.wait_dma2 semaphore(%dma_wait3A_161 : memref<!tpu.dma_semaphore, #tpu.memory_space<semaphore_mem>>) src(%dma_wait3A_169 : memref<2x80xi32, #tpu.memory_space<hbm>>) dst(%dma_wait3A_165 : memref<2x80xi32, #tpu.memory_space<vmem>>)
    %dma_start3A_170 = arith.constant 0 : i32
    %dma_start3A_171 = arith.constant 0 : i32
    %dma_start3A_172 = arith.constant 0 : i32
    %dma_start3A_173 = arith.constant 0 : i32
    %dma_start3A_174 = arith.constant 0 : i32
    %dma_start3A_175 = arith.constant 0 : i32
    %dma_start3A_176 = tpu.memref_slice %arg23[%dma_start3A_172, %dma_start3A_174, %dma_start3A_175] : memref<4x80x64xf32, #tpu.memory_space<vmem>> -> memref<1x80x64xf32, #tpu.memory_space<vmem>>
    %dma_start3A_177 = tpu.memref_squeeze %dma_start3A_176 : memref<1x80x64xf32, #tpu.memory_space<vmem>> -> memref<80x64xf32, #tpu.memory_space<vmem>>
    %dma_start3A_178 = arith.constant 0 : i32
    %dma_start3A_179 = tpu.memref_slice %arg15[%dma_start3A_170, %dma_start3A_171, %dma_start3A_178] : memref<8x2x80xi32, #tpu.memory_space<vmem>> -> memref<1x1x80xi32, #tpu.memory_space<vmem>>
    %dma_start3A_180 = tpu.memref_squeeze %dma_start3A_179 : memref<1x1x80xi32, #tpu.memory_space<vmem>> -> memref<80xi32, #tpu.memory_space<vmem>>
    %dma_start3A_181 = arith.constant 0 : i32
    %dma_start3A_182 = arith.constant 0 : i32
    %dma_start3A_183 = tpu.memref_slice %arg2[%dma_start3A_181, %dma_start3A_182] : memref<10000x64xf32, #tpu.memory_space<hbm>> -> memref<10000x64xf32, #tpu.memory_space<hbm>>
    %dma_start3A_184 = tpu.memref_slice %arg27[%dma_start3A_173] : memref<4x!tpu.dma_semaphore, #tpu.memory_space<semaphore_mem>> -> memref<1x!tpu.dma_semaphore, #tpu.memory_space<semaphore_mem>>
    %dma_start3A_185 = tpu.memref_squeeze %dma_start3A_184 : memref<1x!tpu.dma_semaphore, #tpu.memory_space<semaphore_mem>> -> memref<!tpu.dma_semaphore, #tpu.memory_space<semaphore_mem>>
    tpu.enqueue_indirect_dma source(%dma_start3A_183 : memref<10000x64xf32, #tpu.memory_space<hbm>>) target(%dma_start3A_177 : memref<80x64xf32, #tpu.memory_space<vmem>>) offsets(%dma_start3A_180 : memref<80xi32, #tpu.memory_space<vmem>>) semaphore(%dma_start3A_185 : memref<!tpu.dma_semaphore, #tpu.memory_space<semaphore_mem>>)
    %rem3A_186 = arith.constant 1 : i32
    %rem3A_187 = arith.constant 8 : i32
    %rem3A_188 = arith.remsi %rem3A_186, %rem3A_187 : i32
    %dma_wait3A_189 = arith.constant 1 : i32
    %dma_wait3A_190 = arith.constant 0 : i32
    %dma_wait3A_191 = arith.constant 0 : i32
    %dma_wait3A_192 = tpu.memref_slice %arg15[%rem3A_188, %dma_wait3A_190, %dma_wait3A_191] : memref<8x2x80xi32, #tpu.memory_space<vmem>> -> memref<1x2x80xi32, #tpu.memory_space<vmem>>
    %dma_wait3A_193 = tpu.memref_squeeze %dma_wait3A_192 : memref<1x2x80xi32, #tpu.memory_space<vmem>> -> memref<2x80xi32, #tpu.memory_space<vmem>>
    %dma_wait3A_194 = arith.constant 0 : i32
    %dma_wait3A_195 = arith.constant 0 : i32
    %dma_wait3A_196 = tpu.memref_slice %arg4[%arg0, %arg1, %dma_wait3A_189, %dma_wait3A_194, %dma_wait3A_195] : memref<2x16x250x2x80xi32, #tpu.memory_space<hbm>> -> memref<1x1x1x2x80xi32, #tpu.memory_space<hbm>>
    %dma_wait3A_197 = tpu.memref_squeeze %dma_wait3A_196 : memref<1x1x1x2x80xi32, #tpu.memory_space<hbm>> -> memref<2x80xi32, #tpu.memory_space<hbm>>
    %dma_wait3A_198 = tpu.memref_slice %arg29[%rem3A_188] : memref<8x!tpu.dma_semaphore, #tpu.memory_space<semaphore_mem>> -> memref<1x!tpu.dma_semaphore, #tpu.memory_space<semaphore_mem>>
    %dma_wait3A_199 = tpu.memref_squeeze %dma_wait3A_198 : memref<1x!tpu.dma_semaphore, #tpu.memory_space<semaphore_mem>> -> memref<!tpu.dma_semaphore, #tpu.memory_space<semaphore_mem>>
    %dma_wait3A_200 = arith.constant 0 : i32
    %dma_wait3A_201 = arith.constant 0 : i32
    %dma_wait3A_202 = tpu.memref_slice %arg15[%rem3A_188, %dma_wait3A_200, %dma_wait3A_201] : memref<8x2x80xi32, #tpu.memory_space<vmem>> -> memref<1x2x80xi32, #tpu.memory_space<vmem>>
    %dma_wait3A_203 = tpu.memref_squeeze %dma_wait3A_202 : memref<1x2x80xi32, #tpu.memory_space<vmem>> -> memref<2x80xi32, #tpu.memory_space<vmem>>
    %dma_wait3A_204 = arith.constant 0 : i32
    %dma_wait3A_205 = arith.constant 0 : i32
    %dma_wait3A_206 = tpu.memref_slice %arg4[%arg0, %arg1, %dma_wait3A_189, %dma_wait3A_204, %dma_wait3A_205] : memref<2x16x250x2x80xi32, #tpu.memory_space<hbm>> -> memref<1x1x1x2x80xi32, #tpu.memory_space<hbm>>
    %dma_wait3A_207 = tpu.memref_squeeze %dma_wait3A_206 : memref<1x1x1x2x80xi32, #tpu.memory_space<hbm>> -> memref<2x80xi32, #tpu.memory_space<hbm>>
    tpu.wait_dma2 semaphore(%dma_wait3A_199 : memref<!tpu.dma_semaphore, #tpu.memory_space<semaphore_mem>>) src(%dma_wait3A_207 : memref<2x80xi32, #tpu.memory_space<hbm>>) dst(%dma_wait3A_203 : memref<2x80xi32, #tpu.memory_space<vmem>>)
    %dma_start3A_208 = arith.constant 1 : i32
    %dma_start3A_209 = arith.constant 0 : i32
    %dma_start3A_210 = arith.constant 1 : i32
    %dma_start3A_211 = arith.constant 1 : i32
    %dma_start3A_212 = arith.constant 0 : i32
    %dma_start3A_213 = arith.constant 0 : i32
    %dma_start3A_214 = tpu.memref_slice %arg23[%dma_start3A_210, %dma_start3A_212, %dma_start3A_213] : memref<4x80x64xf32, #tpu.memory_space<vmem>> -> memref<1x80x64xf32, #tpu.memory_space<vmem>>
    %dma_start3A_215 = tpu.memref_squeeze %dma_start3A_214 : memref<1x80x64xf32, #tpu.memory_space<vmem>> -> memref<80x64xf32, #tpu.memory_space<vmem>>
    %dma_start3A_216 = arith.constant 0 : i32
    %dma_start3A_217 = tpu.memref_slice %arg15[%dma_start3A_208, %dma_start3A_209, %dma_start3A_216] : memref<8x2x80xi32, #tpu.memory_space<vmem>> -> memref<1x1x80xi32, #tpu.memory_space<vmem>>
    %dma_start3A_218 = tpu.memref_squeeze %dma_start3A_217 : memref<1x1x80xi32, #tpu.memory_space<vmem>> -> memref<80xi32, #tpu.memory_space<vmem>>
    %dma_start3A_219 = arith.constant 0 : i32
    %dma_start3A_220 = arith.constant 0 : i32
    %dma_start3A_221 = tpu.memref_slice %arg2[%dma_start3A_219, %dma_start3A_220] : memref<10000x64xf32, #tpu.memory_space<hbm>> -> memref<10000x64xf32, #tpu.memory_space<hbm>>
    %dma_start3A_222 = tpu.memref_slice %arg27[%dma_start3A_211] : memref<4x!tpu.dma_semaphore, #tpu.memory_space<semaphore_mem>> -> memref<1x!tpu.dma_semaphore, #tpu.memory_space<semaphore_mem>>
    %dma_start3A_223 = tpu.memref_squeeze %dma_start3A_222 : memref<1x!tpu.dma_semaphore, #tpu.memory_space<semaphore_mem>> -> memref<!tpu.dma_semaphore, #tpu.memory_space<semaphore_mem>>
    tpu.enqueue_indirect_dma source(%dma_start3A_221 : memref<10000x64xf32, #tpu.memory_space<hbm>>) target(%dma_start3A_215 : memref<80x64xf32, #tpu.memory_space<vmem>>) offsets(%dma_start3A_218 : memref<80xi32, #tpu.memory_space<vmem>>) semaphore(%dma_start3A_223 : memref<!tpu.dma_semaphore, #tpu.memory_space<semaphore_mem>>)
    %rem3A_224 = arith.constant 2 : i32
    %rem3A_225 = arith.constant 8 : i32
    %rem3A_226 = arith.remsi %rem3A_224, %rem3A_225 : i32
    %dma_wait3A_227 = arith.constant 2 : i32
    %dma_wait3A_228 = arith.constant 0 : i32
    %dma_wait3A_229 = arith.constant 0 : i32
    %dma_wait3A_230 = tpu.memref_slice %arg15[%rem3A_226, %dma_wait3A_228, %dma_wait3A_229] : memref<8x2x80xi32, #tpu.memory_space<vmem>> -> memref<1x2x80xi32, #tpu.memory_space<vmem>>
    %dma_wait3A_231 = tpu.memref_squeeze %dma_wait3A_230 : memref<1x2x80xi32, #tpu.memory_space<vmem>> -> memref<2x80xi32, #tpu.memory_space<vmem>>
    %dma_wait3A_232 = arith.constant 0 : i32
    %dma_wait3A_233 = arith.constant 0 : i32
    %dma_wait3A_234 = tpu.memref_slice %arg4[%arg0, %arg1, %dma_wait3A_227, %dma_wait3A_232, %dma_wait3A_233] : memref<2x16x250x2x80xi32, #tpu.memory_space<hbm>> -> memref<1x1x1x2x80xi32, #tpu.memory_space<hbm>>
    %dma_wait3A_235 = tpu.memref_squeeze %dma_wait3A_234 : memref<1x1x1x2x80xi32, #tpu.memory_space<hbm>> -> memref<2x80xi32, #tpu.memory_space<hbm>>
    %dma_wait3A_236 = tpu.memref_slice %arg29[%rem3A_226] : memref<8x!tpu.dma_semaphore, #tpu.memory_space<semaphore_mem>> -> memref<1x!tpu.dma_semaphore, #tpu.memory_space<semaphore_mem>>
    %dma_wait3A_237 = tpu.memref_squeeze %dma_wait3A_236 : memref<1x!tpu.dma_semaphore, #tpu.memory_space<semaphore_mem>> -> memref<!tpu.dma_semaphore, #tpu.memory_space<semaphore_mem>>
    %dma_wait3A_238 = arith.constant 0 : i32
    %dma_wait3A_239 = arith.constant 0 : i32
    %dma_wait3A_240 = tpu.memref_slice %arg15[%rem3A_226, %dma_wait3A_238, %dma_wait3A_239] : memref<8x2x80xi32, #tpu.memory_space<vmem>> -> memref<1x2x80xi32, #tpu.memory_space<vmem>>
    %dma_wait3A_241 = tpu.memref_squeeze %dma_wait3A_240 : memref<1x2x80xi32, #tpu.memory_space<vmem>> -> memref<2x80xi32, #tpu.memory_space<vmem>>
    %dma_wait3A_242 = arith.constant 0 : i32
    %dma_wait3A_243 = arith.constant 0 : i32
    %dma_wait3A_244 = tpu.memref_slice %arg4[%arg0, %arg1, %dma_wait3A_227, %dma_wait3A_242, %dma_wait3A_243] : memref<2x16x250x2x80xi32, #tpu.memory_space<hbm>> -> memref<1x1x1x2x80xi32, #tpu.memory_space<hbm>>
    %dma_wait3A_245 = tpu.memref_squeeze %dma_wait3A_244 : memref<1x1x1x2x80xi32, #tpu.memory_space<hbm>> -> memref<2x80xi32, #tpu.memory_space<hbm>>
    tpu.wait_dma2 semaphore(%dma_wait3A_237 : memref<!tpu.dma_semaphore, #tpu.memory_space<semaphore_mem>>) src(%dma_wait3A_245 : memref<2x80xi32, #tpu.memory_space<hbm>>) dst(%dma_wait3A_241 : memref<2x80xi32, #tpu.memory_space<vmem>>)
    %dma_start3A_246 = arith.constant 2 : i32
    %dma_start3A_247 = arith.constant 0 : i32
    %dma_start3A_248 = arith.constant 2 : i32
    %dma_start3A_249 = arith.constant 2 : i32
    %dma_start3A_250 = arith.constant 0 : i32
    %dma_start3A_251 = arith.constant 0 : i32
    %dma_start3A_252 = tpu.memref_slice %arg23[%dma_start3A_248, %dma_start3A_250, %dma_start3A_251] : memref<4x80x64xf32, #tpu.memory_space<vmem>> -> memref<1x80x64xf32, #tpu.memory_space<vmem>>
    %dma_start3A_253 = tpu.memref_squeeze %dma_start3A_252 : memref<1x80x64xf32, #tpu.memory_space<vmem>> -> memref<80x64xf32, #tpu.memory_space<vmem>>
    %dma_start3A_254 = arith.constant 0 : i32
    %dma_start3A_255 = tpu.memref_slice %arg15[%dma_start3A_246, %dma_start3A_247, %dma_start3A_254] : memref<8x2x80xi32, #tpu.memory_space<vmem>> -> memref<1x1x80xi32, #tpu.memory_space<vmem>>
    %dma_start3A_256 = tpu.memref_squeeze %dma_start3A_255 : memref<1x1x80xi32, #tpu.memory_space<vmem>> -> memref<80xi32, #tpu.memory_space<vmem>>
    %dma_start3A_257 = arith.constant 0 : i32
    %dma_start3A_258 = arith.constant 0 : i32
    %dma_start3A_259 = tpu.memref_slice %arg2[%dma_start3A_257, %dma_start3A_258] : memref<10000x64xf32, #tpu.memory_space<hbm>> -> memref<10000x64xf32, #tpu.memory_space<hbm>>
    %dma_start3A_260 = tpu.memref_slice %arg27[%dma_start3A_249] : memref<4x!tpu.dma_semaphore, #tpu.memory_space<semaphore_mem>> -> memref<1x!tpu.dma_semaphore, #tpu.memory_space<semaphore_mem>>
    %dma_start3A_261 = tpu.memref_squeeze %dma_start3A_260 : memref<1x!tpu.dma_semaphore, #tpu.memory_space<semaphore_mem>> -> memref<!tpu.dma_semaphore, #tpu.memory_space<semaphore_mem>>
    tpu.enqueue_indirect_dma source(%dma_start3A_259 : memref<10000x64xf32, #tpu.memory_space<hbm>>) target(%dma_start3A_253 : memref<80x64xf32, #tpu.memory_space<vmem>>) offsets(%dma_start3A_256 : memref<80xi32, #tpu.memory_space<vmem>>) semaphore(%dma_start3A_261 : memref<!tpu.dma_semaphore, #tpu.memory_space<semaphore_mem>>)
    %scan3A_262 = arith.constant 0 : i32
    %scan3A_263 = arith.constant 0 : i32
    %scan3A_264 = arith.constant 250 : i32
    %scan3A_265 = arith.addi %scan3A_263, %scan3A_264 : i32
    %scan3A_266 = arith.constant 1 : i32
    %scan3A_267 = scf.for %scan3A_698 = %scan3A_263 to %scan3A_265 step %scan3A_266 iter_args(%scan3A_699 = %scan3A_262) -> (i32)  : i32 {
      %rem3A_700 = arith.constant 4 : i32
      %rem3A_701 = arith.remsi %scan3A_698, %rem3A_700 : i32
      %rem3A_702 = arith.constant 8 : i32
      %rem3A_703 = arith.remsi %scan3A_698, %rem3A_702 : i32
      %get3A = arith.constant 0 : i32
      %get3A_704 = arith.index_cast %rem3A_703 : i32 to index
      %get3A_705 = arith.index_cast %get3A : i32 to index
      %get3A_706 = arith.constant 0 : index
      %get3A_707 = tpu.vector_load %arg15[%get3A_704, %get3A_705, %get3A_706] {strides = array<i32>} : memref<8x2x80xi32, #tpu.memory_space<vmem>>, vector<16xi32>,
      %get3A_708 = arith.constant 1 : i32
      %get3A_709 = arith.index_cast %rem3A_703 : i32 to index
      %get3A_710 = arith.index_cast %get3A_708 : i32 to index
      %get3A_711 = arith.constant 0 : index
      %get3A_712 = tpu.vector_load %arg15[%get3A_709, %get3A_710, %get3A_711] {strides = array<i32>} : memref<8x2x80xi32, #tpu.memory_space<vmem>>, vector<16xi32>,
      %gather3A = tpu.vector_load_idx %arg16[%get3A_707] : memref<10000xf32, #tpu.memory_space<vmem>>[vector<16xi32>], vector<16xf32>,
      %gather3A_713 = tpu.vector_load_idx %arg17[%get3A_707] : memref<10000xf32, #tpu.memory_space<vmem>>[vector<16xi32>], vector<16xf32>,
      %gather3A_714 = tpu.vector_load_idx %arg18[%get3A_712] : memref<10000xf32, #tpu.memory_space<vmem>>[vector<16xi32>], vector<16xf32>,
      %add3A = arith.addf %gather3A_713, %gather3A_714 : vector<16xf32>
      %ge3A = arith.constant 0.000000e+00 : f32
      %ge3A_715 = vector.broadcast %ge3A : f32 to vector<16xf32>
      %ge3A_716 = arith.cmpf oge, %add3A, %ge3A_715 : vector<16xf32>
      %mul3A_717 = arith.constant 2.000000e-01 : f32
      %mul3A_718 = vector.broadcast %mul3A_717 : f32 to vector<16xf32>
      %mul3A_719 = arith.mulf %add3A, %mul3A_718 : vector<16xf32>
      %select_n3A = arith.select %ge3A_716, %add3A, %mul3A_719 : vector<16xi1>, vector<16xf32>
      %add3A_720 = arith.addf %select_n3A, %gather3A : vector<16xf32>
      %exp3A = math.exp %add3A_720 : vector<16xf32>
      %shift_right_logical3A = arith.constant 4 : i32
      %shift_right_logical3A_721 = vector.broadcast %shift_right_logical3A : i32 to vector<16xi32>
      %shift_right_logical3A_722 = arith.shrui %get3A_712, %shift_right_logical3A_721 : vector<16xi32>
      %and3A = arith.constant 15 : i32
      %and3A_723 = vector.broadcast %and3A : i32 to vector<16xi32>
      %and3A_724 = arith.andi %get3A_712, %and3A_723 : vector<16xi32>
      tpu.vector_store_idx %arg20[%shift_right_logical3A_722, %and3A_724], %gather3A {add = true} : memref<625x16xf32, #tpu.memory_space<vmem>>[vector<16xi32>, vector<16xi32>], vector<16xf32>,
      tpu.vector_store_idx %arg21[%shift_right_logical3A_722, %and3A_724], %exp3A {add = true} : memref<625x16xf32, #tpu.memory_space<vmem>>[vector<16xi32>, vector<16xi32>], vector<16xf32>,
      %get3A_725 = arith.constant 0 : i32
      %get3A_726 = arith.index_cast %rem3A_703 : i32 to index
      %get3A_727 = arith.index_cast %get3A_725 : i32 to index
      %get3A_728 = arith.constant 16 : index
      %get3A_729 = tpu.vector_load %arg15[%get3A_726, %get3A_727, %get3A_728] {strides = array<i32>} : memref<8x2x80xi32, #tpu.memory_space<vmem>>, vector<16xi32>,
      %get3A_730 = arith.constant 1 : i32
      %get3A_731 = arith.index_cast %rem3A_703 : i32 to index
      %get3A_732 = arith.index_cast %get3A_730 : i32 to index
      %get3A_733 = arith.constant 16 : index
      %get3A_734 = tpu.vector_load %arg15[%get3A_731, %get3A_732, %get3A_733] {strides = array<i32>} : memref<8x2x80xi32, #tpu.memory_space<vmem>>, vector<16xi32>,
      %gather3A_735 = tpu.vector_load_idx %arg16[%get3A_729] : memref<10000xf32, #tpu.memory_space<vmem>>[vector<16xi32>], vector<16xf32>,
      %gather3A_736 = tpu.vector_load_idx %arg17[%get3A_729] : memref<10000xf32, #tpu.memory_space<vmem>>[vector<16xi32>], vector<16xf32>,
      %gather3A_737 = tpu.vector_load_idx %arg18[%get3A_734] : memref<10000xf32, #tpu.memory_space<vmem>>[vector<16xi32>], vector<16xf32>,
      %add3A_738 = arith.addf %gather3A_736, %gather3A_737 : vector<16xf32>
      %ge3A_739 = arith.constant 0.000000e+00 : f32
      %ge3A_740 = vector.broadcast %ge3A_739 : f32 to vector<16xf32>
      %ge3A_741 = arith.cmpf oge, %add3A_738, %ge3A_740 : vector<16xf32>
      %mul3A_742 = arith.constant 2.000000e-01 : f32
      %mul3A_743 = vector.broadcast %mul3A_742 : f32 to vector<16xf32>
      %mul3A_744 = arith.mulf %add3A_738, %mul3A_743 : vector<16xf32>
      %select_n3A_745 = arith.select %ge3A_741, %add3A_738, %mul3A_744 : vector<16xi1>, vector<16xf32>
      %add3A_746 = arith.addf %select_n3A_745, %gather3A_735 : vector<16xf32>
      %exp3A_747 = math.exp %add3A_746 : vector<16xf32>
      %shift_right_logical3A_748 = arith.constant 4 : i32
      %shift_right_logical3A_749 = vector.broadcast %shift_right_logical3A_748 : i32 to vector<16xi32>
      %shift_right_logical3A_750 = arith.shrui %get3A_734, %shift_right_logical3A_749 : vector<16xi32>
      %and3A_751 = arith.constant 15 : i32
      %and3A_752 = vector.broadcast %and3A_751 : i32 to vector<16xi32>
      %and3A_753 = arith.andi %get3A_734, %and3A_752 : vector<16xi32>
      tpu.vector_store_idx %arg20[%shift_right_logical3A_750, %and3A_753], %gather3A_735 {add = true} : memref<625x16xf32, #tpu.memory_space<vmem>>[vector<16xi32>, vector<16xi32>], vector<16xf32>,
      tpu.vector_store_idx %arg21[%shift_right_logical3A_750, %and3A_753], %exp3A_747 {add = true} : memref<625x16xf32, #tpu.memory_space<vmem>>[vector<16xi32>, vector<16xi32>], vector<16xf32>,
      %get3A_754 = arith.constant 0 : i32
      %get3A_755 = arith.index_cast %rem3A_703 : i32 to index
      %get3A_756 = arith.index_cast %get3A_754 : i32 to index
      %get3A_757 = arith.constant 32 : index
      %get3A_758 = tpu.vector_load %arg15[%get3A_755, %get3A_756, %get3A_757] {strides = array<i32>} : memref<8x2x80xi32, #tpu.memory_space<vmem>>, vector<16xi32>,
      %get3A_759 = arith.constant 1 : i32
      %get3A_760 = arith.index_cast %rem3A_703 : i32 to index
      %get3A_761 = arith.index_cast %get3A_759 : i32 to index
      %get3A_762 = arith.constant 32 : index
      %get3A_763 = tpu.vector_load %arg15[%get3A_760, %get3A_761, %get3A_762] {strides = array<i32>} : memref<8x2x80xi32, #tpu.memory_space<vmem>>, vector<16xi32>,
      %gather3A_764 = tpu.vector_load_idx %arg16[%get3A_758] : memref<10000xf32, #tpu.memory_space<vmem>>[vector<16xi32>], vector<16xf32>,
      %gather3A_765 = tpu.vector_load_idx %arg17[%get3A_758] : memref<10000xf32, #tpu.memory_space<vmem>>[vector<16xi32>], vector<16xf32>,
      %gather3A_766 = tpu.vector_load_idx %arg18[%get3A_763] : memref<10000xf32, #tpu.memory_space<vmem>>[vector<16xi32>], vector<16xf32>,
      %add3A_767 = arith.addf %gather3A_765, %gather3A_766 : vector<16xf32>
      %ge3A_768 = arith.constant 0.000000e+00 : f32
      %ge3A_769 = vector.broadcast %ge3A_768 : f32 to vector<16xf32>
      %ge3A_770 = arith.cmpf oge, %add3A_767, %ge3A_769 : vector<16xf32>
      %mul3A_771 = arith.constant 2.000000e-01 : f32
      %mul3A_772 = vector.broadcast %mul3A_771 : f32 to vector<16xf32>
      %mul3A_773 = arith.mulf %add3A_767, %mul3A_772 : vector<16xf32>
      %select_n3A_774 = arith.select %ge3A_770, %add3A_767, %mul3A_773 : vector<16xi1>, vector<16xf32>
      %add3A_775 = arith.addf %select_n3A_774, %gather3A_764 : vector<16xf32>
      %exp3A_776 = math.exp %add3A_775 : vector<16xf32>
      %shift_right_logical3A_777 = arith.constant 4 : i32
      %shift_right_logical3A_778 = vector.broadcast %shift_right_logical3A_777 : i32 to vector<16xi32>
      %shift_right_logical3A_779 = arith.shrui %get3A_763, %shift_right_logical3A_778 : vector<16xi32>
      %and3A_780 = arith.constant 15 : i32
      %and3A_781 = vector.broadcast %and3A_780 : i32 to vector<16xi32>
      %and3A_782 = arith.andi %get3A_763, %and3A_781 : vector<16xi32>
      tpu.vector_store_idx %arg20[%shift_right_logical3A_779, %and3A_782], %gather3A_764 {add = true} : memref<625x16xf32, #tpu.memory_space<vmem>>[vector<16xi32>, vector<16xi32>], vector<16xf32>,
      tpu.vector_store_idx %arg21[%shift_right_logical3A_779, %and3A_782], %exp3A_776 {add = true} : memref<625x16xf32, #tpu.memory_space<vmem>>[vector<16xi32>, vector<16xi32>], vector<16xf32>,
      %get3A_783 = arith.constant 0 : i32
      %get3A_784 = arith.index_cast %rem3A_703 : i32 to index
      %get3A_785 = arith.index_cast %get3A_783 : i32 to index
      %get3A_786 = arith.constant 48 : index
      %get3A_787 = tpu.vector_load %arg15[%get3A_784, %get3A_785, %get3A_786] {strides = array<i32>} : memref<8x2x80xi32, #tpu.memory_space<vmem>>, vector<16xi32>,
      %get3A_788 = arith.constant 1 : i32
      %get3A_789 = arith.index_cast %rem3A_703 : i32 to index
      %get3A_790 = arith.index_cast %get3A_788 : i32 to index
      %get3A_791 = arith.constant 48 : index
      %get3A_792 = tpu.vector_load %arg15[%get3A_789, %get3A_790, %get3A_791] {strides = array<i32>} : memref<8x2x80xi32, #tpu.memory_space<vmem>>, vector<16xi32>,
      %gather3A_793 = tpu.vector_load_idx %arg16[%get3A_787] : memref<10000xf32, #tpu.memory_space<vmem>>[vector<16xi32>], vector<16xf32>,
      %gather3A_794 = tpu.vector_load_idx %arg17[%get3A_787] : memref<10000xf32, #tpu.memory_space<vmem>>[vector<16xi32>], vector<16xf32>,
      %gather3A_795 = tpu.vector_load_idx %arg18[%get3A_792] : memref<10000xf32, #tpu.memory_space<vmem>>[vector<16xi32>], vector<16xf32>,
      %add3A_796 = arith.addf %gather3A_794, %gather3A_795 : vector<16xf32>
      %ge3A_797 = arith.constant 0.000000e+00 : f32
      %ge3A_798 = vector.broadcast %ge3A_797 : f32 to vector<16xf32>
      %ge3A_799 = arith.cmpf oge, %add3A_796, %ge3A_798 : vector<16xf32>
      %mul3A_800 = arith.constant 2.000000e-01 : f32
      %mul3A_801 = vector.broadcast %mul3A_800 : f32 to vector<16xf32>
      %mul3A_802 = arith.mulf %add3A_796, %mul3A_801 : vector<16xf32>
      %select_n3A_803 = arith.select %ge3A_799, %add3A_796, %mul3A_802 : vector<16xi1>, vector<16xf32>
      %add3A_804 = arith.addf %select_n3A_803, %gather3A_793 : vector<16xf32>
      %exp3A_805 = math.exp %add3A_804 : vector<16xf32>
      %shift_right_logical3A_806 = arith.constant 4 : i32
      %shift_right_logical3A_807 = vector.broadcast %shift_right_logical3A_806 : i32 to vector<16xi32>
      %shift_right_logical3A_808 = arith.shrui %get3A_792, %shift_right_logical3A_807 : vector<16xi32>
      %and3A_809 = arith.constant 15 : i32
      %and3A_810 = vector.broadcast %and3A_809 : i32 to vector<16xi32>
      %and3A_811 = arith.andi %get3A_792, %and3A_810 : vector<16xi32>
      tpu.vector_store_idx %arg20[%shift_right_logical3A_808, %and3A_811], %gather3A_793 {add = true} : memref<625x16xf32, #tpu.memory_space<vmem>>[vector<16xi32>, vector<16xi32>], vector<16xf32>,
      tpu.vector_store_idx %arg21[%shift_right_logical3A_808, %and3A_811], %exp3A_805 {add = true} : memref<625x16xf32, #tpu.memory_space<vmem>>[vector<16xi32>, vector<16xi32>], vector<16xf32>,
      %get3A_812 = arith.constant 0 : i32
      %get3A_813 = arith.index_cast %rem3A_703 : i32 to index
      %get3A_814 = arith.index_cast %get3A_812 : i32 to index
      %get3A_815 = arith.constant 64 : index
      %get3A_816 = tpu.vector_load %arg15[%get3A_813, %get3A_814, %get3A_815] {strides = array<i32>} : memref<8x2x80xi32, #tpu.memory_space<vmem>>, vector<16xi32>,
      %get3A_817 = arith.constant 1 : i32
      %get3A_818 = arith.index_cast %rem3A_703 : i32 to index
      %get3A_819 = arith.index_cast %get3A_817 : i32 to index
      %get3A_820 = arith.constant 64 : index
      %get3A_821 = tpu.vector_load %arg15[%get3A_818, %get3A_819, %get3A_820] {strides = array<i32>} : memref<8x2x80xi32, #tpu.memory_space<vmem>>, vector<16xi32>,
      %gather3A_822 = tpu.vector_load_idx %arg16[%get3A_816] : memref<10000xf32, #tpu.memory_space<vmem>>[vector<16xi32>], vector<16xf32>,
      %gather3A_823 = tpu.vector_load_idx %arg17[%get3A_816] : memref<10000xf32, #tpu.memory_space<vmem>>[vector<16xi32>], vector<16xf32>,
      %gather3A_824 = tpu.vector_load_idx %arg18[%get3A_821] : memref<10000xf32, #tpu.memory_space<vmem>>[vector<16xi32>], vector<16xf32>,
      %add3A_825 = arith.addf %gather3A_823, %gather3A_824 : vector<16xf32>
      %ge3A_826 = arith.constant 0.000000e+00 : f32
      %ge3A_827 = vector.broadcast %ge3A_826 : f32 to vector<16xf32>
      %ge3A_828 = arith.cmpf oge, %add3A_825, %ge3A_827 : vector<16xf32>
      %mul3A_829 = arith.constant 2.000000e-01 : f32
      %mul3A_830 = vector.broadcast %mul3A_829 : f32 to vector<16xf32>
      %mul3A_831 = arith.mulf %add3A_825, %mul3A_830 : vector<16xf32>
      %select_n3A_832 = arith.select %ge3A_828, %add3A_825, %mul3A_831 : vector<16xi1>, vector<16xf32>
      %add3A_833 = arith.addf %select_n3A_832, %gather3A_822 : vector<16xf32>
      %exp3A_834 = math.exp %add3A_833 : vector<16xf32>
      %shift_right_logical3A_835 = arith.constant 4 : i32
      %shift_right_logical3A_836 = vector.broadcast %shift_right_logical3A_835 : i32 to vector<16xi32>
      %shift_right_logical3A_837 = arith.shrui %get3A_821, %shift_right_logical3A_836 : vector<16xi32>
      %and3A_838 = arith.constant 15 : i32
      %and3A_839 = vector.broadcast %and3A_838 : i32 to vector<16xi32>
      %and3A_840 = arith.andi %get3A_821, %and3A_839 : vector<16xi32>
      tpu.vector_store_idx %arg20[%shift_right_logical3A_837, %and3A_840], %gather3A_822 {add = true} : memref<625x16xf32, #tpu.memory_space<vmem>>[vector<16xi32>, vector<16xi32>], vector<16xf32>,
      tpu.vector_store_idx %arg21[%shift_right_logical3A_837, %and3A_840], %exp3A_834 {add = true} : memref<625x16xf32, #tpu.memory_space<vmem>>[vector<16xi32>, vector<16xi32>], vector<16xf32>,
      %dma_wait3A_841 = arith.constant 0 : i32
      %dma_wait3A_842 = arith.constant 0 : i32
      %dma_wait3A_843 = arith.constant 0 : i32
      %dma_wait3A_844 = tpu.memref_slice %arg23[%rem3A_701, %dma_wait3A_842, %dma_wait3A_843] : memref<4x80x64xf32, #tpu.memory_space<vmem>> -> memref<1x80x64xf32, #tpu.memory_space<vmem>>
      %dma_wait3A_845 = tpu.memref_squeeze %dma_wait3A_844 : memref<1x80x64xf32, #tpu.memory_space<vmem>> -> memref<80x64xf32, #tpu.memory_space<vmem>>
      %dma_wait3A_846 = arith.constant 0 : i32
      %dma_wait3A_847 = tpu.memref_slice %arg15[%rem3A_703, %dma_wait3A_841, %dma_wait3A_846] : memref<8x2x80xi32, #tpu.memory_space<vmem>> -> memref<1x1x80xi32, #tpu.memory_space<vmem>>
      %dma_wait3A_848 = tpu.memref_squeeze %dma_wait3A_847 : memref<1x1x80xi32, #tpu.memory_space<vmem>> -> memref<80xi32, #tpu.memory_space<vmem>>
      %dma_wait3A_849 = arith.constant 0 : i32
      %dma_wait3A_850 = arith.constant 0 : i32
      %dma_wait3A_851 = tpu.memref_slice %arg2[%dma_wait3A_849, %dma_wait3A_850] : memref<10000x64xf32, #tpu.memory_space<hbm>> -> memref<10000x64xf32, #tpu.memory_space<hbm>>
      %dma_wait3A_852 = tpu.memref_slice %arg27[%rem3A_701] : memref<4x!tpu.dma_semaphore, #tpu.memory_space<semaphore_mem>> -> memref<1x!tpu.dma_semaphore, #tpu.memory_space<semaphore_mem>>
      %dma_wait3A_853 = tpu.memref_squeeze %dma_wait3A_852 : memref<1x!tpu.dma_semaphore, #tpu.memory_space<semaphore_mem>> -> memref<!tpu.dma_semaphore, #tpu.memory_space<semaphore_mem>>
      tpu.wait_indirect_dma semaphore(%dma_wait3A_853 : memref<!tpu.dma_semaphore, #tpu.memory_space<semaphore_mem>>) src(%dma_wait3A_851 : memref<10000x64xf32, #tpu.memory_space<hbm>>) dst(%dma_wait3A_845 : memref<80x64xf32, #tpu.memory_space<vmem>>)
      %dma_start3A_854 = arith.constant 1 : i32
      %dma_start3A_855 = arith.constant 0 : i32
      %dma_start3A_856 = arith.constant 0 : i32
      %dma_start3A_857 = tpu.memref_slice %arg23[%rem3A_701, %dma_start3A_855, %dma_start3A_856] : memref<4x80x64xf32, #tpu.memory_space<vmem>> -> memref<1x80x64xf32, #tpu.memory_space<vmem>>
      %dma_start3A_858 = tpu.memref_squeeze %dma_start3A_857 : memref<1x80x64xf32, #tpu.memory_space<vmem>> -> memref<80x64xf32, #tpu.memory_space<vmem>>
      %dma_start3A_859 = arith.constant 0 : i32
      %dma_start3A_860 = tpu.memref_slice %arg15[%rem3A_703, %dma_start3A_854, %dma_start3A_859] : memref<8x2x80xi32, #tpu.memory_space<vmem>> -> memref<1x1x80xi32, #tpu.memory_space<vmem>>
      %dma_start3A_861 = tpu.memref_squeeze %dma_start3A_860 : memref<1x1x80xi32, #tpu.memory_space<vmem>> -> memref<80xi32, #tpu.memory_space<vmem>>
      %dma_start3A_862 = arith.constant 0 : i32
      %dma_start3A_863 = arith.constant 0 : i32
      %dma_start3A_864 = tpu.memref_slice %arg24[%dma_start3A_862, %dma_start3A_863] : memref<10000x64xf32, #tpu.memory_space<vmem_shared>> -> memref<10000x64xf32, #tpu.memory_space<vmem_shared>>
      %dma_start3A_865 = tpu.memref_slice %arg28[%rem3A_701] : memref<4x!tpu.dma_semaphore, #tpu.memory_space<semaphore_mem>> -> memref<1x!tpu.dma_semaphore, #tpu.memory_space<semaphore_mem>>
      %dma_start3A_866 = tpu.memref_squeeze %dma_start3A_865 : memref<1x!tpu.dma_semaphore, #tpu.memory_space<semaphore_mem>> -> memref<!tpu.dma_semaphore, #tpu.memory_space<semaphore_mem>>
      tpu.enqueue_indirect_dma source(%dma_start3A_858 : memref<80x64xf32, #tpu.memory_space<vmem>>) target(%dma_start3A_864 : memref<10000x64xf32, #tpu.memory_space<vmem_shared>>) offsets(%dma_start3A_861 : memref<80xi32, #tpu.memory_space<vmem>>) semaphore(%dma_start3A_866 : memref<!tpu.dma_semaphore, #tpu.memory_space<semaphore_mem>>) {add = true}
      %add3A_867 = arith.constant 6 : i32
      %add3A_868 = arith.addi %scan3A_698, %add3A_867 : i32
      %lt3A_869 = arith.constant 250 : i32
      %lt3A_870 = arith.cmpi slt, %add3A_868, %lt3A_869 : i32
      %convert_element_type3A_871 = arith.extui %lt3A_870 : i1 to i32
      %cond3A_872 = arith.constant 0 : i32
      %cond3A_873 = arith.cmpi ne, %convert_element_type3A_871, %cond3A_872 : i32
      scf.if %cond3A_873 {
        %rem3A_882 = arith.constant 8 : i32
        %rem3A_883 = arith.remsi %add3A_868, %rem3A_882 : i32
        %dma_start3A_884 = arith.constant 0 : i32
        %dma_start3A_885 = arith.constant 0 : i32
        %dma_start3A_886 = tpu.memref_slice %arg15[%rem3A_883, %dma_start3A_884, %dma_start3A_885] : memref<8x2x80xi32, #tpu.memory_space<vmem>> -> memref<1x2x80xi32, #tpu.memory_space<vmem>>
        %dma_start3A_887 = tpu.memref_squeeze %dma_start3A_886 : memref<1x2x80xi32, #tpu.memory_space<vmem>> -> memref<2x80xi32, #tpu.memory_space<vmem>>
        %dma_start3A_888 = arith.constant 0 : i32
        %dma_start3A_889 = arith.constant 0 : i32
        %dma_start3A_890 = tpu.memref_slice %arg4[%arg0, %arg1, %add3A_868, %dma_start3A_888, %dma_start3A_889] : memref<2x16x250x2x80xi32, #tpu.memory_space<hbm>> -> memref<1x1x1x2x80xi32, #tpu.memory_space<hbm>>
        %dma_start3A_891 = tpu.memref_squeeze %dma_start3A_890 : memref<1x1x1x2x80xi32, #tpu.memory_space<hbm>> -> memref<2x80xi32, #tpu.memory_space<hbm>>
        %dma_start3A_892 = tpu.memref_slice %arg29[%rem3A_883] : memref<8x!tpu.dma_semaphore, #tpu.memory_space<semaphore_mem>> -> memref<1x!tpu.dma_semaphore, #tpu.memory_space<semaphore_mem>>
        %dma_start3A_893 = tpu.memref_squeeze %dma_start3A_892 : memref<1x!tpu.dma_semaphore, #tpu.memory_space<semaphore_mem>> -> memref<!tpu.dma_semaphore, #tpu.memory_space<semaphore_mem>>
        %dma_start3A_894 = arith.constant 0 : i32
        %dma_start3A_895 = arith.constant 0 : i32
        %dma_start3A_896 = tpu.memref_slice %arg15[%rem3A_883, %dma_start3A_894, %dma_start3A_895] : memref<8x2x80xi32, #tpu.memory_space<vmem>> -> memref<1x2x80xi32, #tpu.memory_space<vmem>>
        %dma_start3A_897 = tpu.memref_squeeze %dma_start3A_896 : memref<1x2x80xi32, #tpu.memory_space<vmem>> -> memref<2x80xi32, #tpu.memory_space<vmem>>
        %dma_start3A_898 = arith.constant 0 : i32
        %dma_start3A_899 = arith.constant 0 : i32
        %dma_start3A_900 = tpu.memref_slice %arg4[%arg0, %arg1, %add3A_868, %dma_start3A_898, %dma_start3A_899] : memref<2x16x250x2x80xi32, #tpu.memory_space<hbm>> -> memref<1x1x1x2x80xi32, #tpu.memory_space<hbm>>
        %dma_start3A_901 = tpu.memref_squeeze %dma_start3A_900 : memref<1x1x1x2x80xi32, #tpu.memory_space<hbm>> -> memref<2x80xi32, #tpu.memory_space<hbm>>
        tpu.enqueue_dma source(%dma_start3A_901 : memref<2x80xi32, #tpu.memory_space<hbm>>) target(%dma_start3A_897 : memref<2x80xi32, #tpu.memory_space<vmem>>) target_semaphore(%dma_start3A_893 : memref<!tpu.dma_semaphore, #tpu.memory_space<semaphore_mem>>)
      } else {
      }
      %add3A_874 = arith.constant 3 : i32
      %add3A_875 = arith.addi %scan3A_698, %add3A_874 : i32
      %lt3A_876 = arith.constant 250 : i32
      %lt3A_877 = arith.cmpi slt, %add3A_875, %lt3A_876 : i32
      %convert_element_type3A_878 = arith.extui %lt3A_877 : i1 to i32
      %cond3A_879 = arith.constant 0 : i32
      %cond3A_880 = arith.cmpi ne, %convert_element_type3A_878, %cond3A_879 : i32
      scf.if %cond3A_880 {
        %rem3A_882 = arith.constant 4 : i32
        %rem3A_883 = arith.remsi %add3A_875, %rem3A_882 : i32
        %ge3A_884 = arith.constant 1 : i32
        %ge3A_885 = arith.cmpi sge, %scan3A_698, %ge3A_884 : i32
        %convert_element_type3A_886 = arith.extui %ge3A_885 : i1 to i32
        %cond3A_887 = arith.constant 0 : i32
        %cond3A_888 = arith.cmpi ne, %convert_element_type3A_886, %cond3A_887 : i32
        scf.if %cond3A_888 {
          %sub3A = arith.constant 1 : i32
          %sub3A_924 = arith.subi %scan3A_698, %sub3A : i32
          %rem3A_925 = arith.constant 8 : i32
          %rem3A_926 = arith.remsi %sub3A_924, %rem3A_925 : i32
          %dma_wait3A_927 = arith.constant 1 : i32
          %dma_wait3A_928 = arith.constant 0 : i32
          %dma_wait3A_929 = arith.constant 0 : i32
          %dma_wait3A_930 = tpu.memref_slice %arg23[%rem3A_883, %dma_wait3A_928, %dma_wait3A_929] : memref<4x80x64xf32, #tpu.memory_space<vmem>> -> memref<1x80x64xf32, #tpu.memory_space<vmem>>
          %dma_wait3A_931 = tpu.memref_squeeze %dma_wait3A_930 : memref<1x80x64xf32, #tpu.memory_space<vmem>> -> memref<80x64xf32, #tpu.memory_space<vmem>>
          %dma_wait3A_932 = arith.constant 0 : i32
          %dma_wait3A_933 = tpu.memref_slice %arg15[%rem3A_926, %dma_wait3A_927, %dma_wait3A_932] : memref<8x2x80xi32, #tpu.memory_space<vmem>> -> memref<1x1x80xi32, #tpu.memory_space<vmem>>
          %dma_wait3A_934 = tpu.memref_squeeze %dma_wait3A_933 : memref<1x1x80xi32, #tpu.memory_space<vmem>> -> memref<80xi32, #tpu.memory_space<vmem>>
          %dma_wait3A_935 = arith.constant 0 : i32
          %dma_wait3A_936 = arith.constant 0 : i32
          %dma_wait3A_937 = tpu.memref_slice %arg24[%dma_wait3A_935, %dma_wait3A_936] : memref<10000x64xf32, #tpu.memory_space<vmem_shared>> -> memref<10000x64xf32, #tpu.memory_space<vmem_shared>>
          %dma_wait3A_938 = tpu.memref_slice %arg28[%rem3A_883] : memref<4x!tpu.dma_semaphore, #tpu.memory_space<semaphore_mem>> -> memref<1x!tpu.dma_semaphore, #tpu.memory_space<semaphore_mem>>
          %dma_wait3A_939 = tpu.memref_squeeze %dma_wait3A_938 : memref<1x!tpu.dma_semaphore, #tpu.memory_space<semaphore_mem>> -> memref<!tpu.dma_semaphore, #tpu.memory_space<semaphore_mem>>
          tpu.wait_indirect_dma semaphore(%dma_wait3A_939 : memref<!tpu.dma_semaphore, #tpu.memory_space<semaphore_mem>>) src(%dma_wait3A_931 : memref<80x64xf32, #tpu.memory_space<vmem>>) dst(%dma_wait3A_937 : memref<10000x64xf32, #tpu.memory_space<vmem_shared>>)
        } else {
        }
        %rem3A_889 = arith.constant 8 : i32
        %rem3A_890 = arith.remsi %add3A_875, %rem3A_889 : i32
        %dma_wait3A_891 = arith.constant 0 : i32
        %dma_wait3A_892 = arith.constant 0 : i32
        %dma_wait3A_893 = tpu.memref_slice %arg15[%rem3A_890, %dma_wait3A_891, %dma_wait3A_892] : memref<8x2x80xi32, #tpu.memory_space<vmem>> -> memref<1x2x80xi32, #tpu.memory_space<vmem>>
        %dma_wait3A_894 = tpu.memref_squeeze %dma_wait3A_893 : memref<1x2x80xi32, #tpu.memory_space<vmem>> -> memref<2x80xi32, #tpu.memory_space<vmem>>
        %dma_wait3A_895 = arith.constant 0 : i32
        %dma_wait3A_896 = arith.constant 0 : i32
        %dma_wait3A_897 = tpu.memref_slice %arg4[%arg0, %arg1, %add3A_875, %dma_wait3A_895, %dma_wait3A_896] : memref<2x16x250x2x80xi32, #tpu.memory_space<hbm>> -> memref<1x1x1x2x80xi32, #tpu.memory_space<hbm>>
        %dma_wait3A_898 = tpu.memref_squeeze %dma_wait3A_897 : memref<1x1x1x2x80xi32, #tpu.memory_space<hbm>> -> memref<2x80xi32, #tpu.memory_space<hbm>>
        %dma_wait3A_899 = tpu.memref_slice %arg29[%rem3A_890] : memref<8x!tpu.dma_semaphore, #tpu.memory_space<semaphore_mem>> -> memref<1x!tpu.dma_semaphore, #tpu.memory_space<semaphore_mem>>
        %dma_wait3A_900 = tpu.memref_squeeze %dma_wait3A_899 : memref<1x!tpu.dma_semaphore, #tpu.memory_space<semaphore_mem>> -> memref<!tpu.dma_semaphore, #tpu.memory_space<semaphore_mem>>
        %dma_wait3A_901 = arith.constant 0 : i32
        %dma_wait3A_902 = arith.constant 0 : i32
        %dma_wait3A_903 = tpu.memref_slice %arg15[%rem3A_890, %dma_wait3A_901, %dma_wait3A_902] : memref<8x2x80xi32, #tpu.memory_space<vmem>> -> memref<1x2x80xi32, #tpu.memory_space<vmem>>
        %dma_wait3A_904 = tpu.memref_squeeze %dma_wait3A_903 : memref<1x2x80xi32, #tpu.memory_space<vmem>> -> memref<2x80xi32, #tpu.memory_space<vmem>>
        %dma_wait3A_905 = arith.constant 0 : i32
        %dma_wait3A_906 = arith.constant 0 : i32
        %dma_wait3A_907 = tpu.memref_slice %arg4[%arg0, %arg1, %add3A_875, %dma_wait3A_905, %dma_wait3A_906] : memref<2x16x250x2x80xi32, #tpu.memory_space<hbm>> -> memref<1x1x1x2x80xi32, #tpu.memory_space<hbm>>
        %dma_wait3A_908 = tpu.memref_squeeze %dma_wait3A_907 : memref<1x1x1x2x80xi32, #tpu.memory_space<hbm>> -> memref<2x80xi32, #tpu.memory_space<hbm>>
        tpu.wait_dma2 semaphore(%dma_wait3A_900 : memref<!tpu.dma_semaphore, #tpu.memory_space<semaphore_mem>>) src(%dma_wait3A_908 : memref<2x80xi32, #tpu.memory_space<hbm>>) dst(%dma_wait3A_904 : memref<2x80xi32, #tpu.memory_space<vmem>>)
        %rem3A_909 = arith.constant 8 : i32
        %rem3A_910 = arith.remsi %add3A_875, %rem3A_909 : i32
        %dma_start3A_911 = arith.constant 0 : i32
        %dma_start3A_912 = arith.constant 0 : i32
        %dma_start3A_913 = arith.constant 0 : i32
        %dma_start3A_914 = tpu.memref_slice %arg23[%rem3A_883, %dma_start3A_912, %dma_start3A_913] : memref<4x80x64xf32, #tpu.memory_space<vmem>> -> memref<1x80x64xf32, #tpu.memory_space<vmem>>
        %dma_start3A_915 = tpu.memref_squeeze %dma_start3A_914 : memref<1x80x64xf32, #tpu.memory_space<vmem>> -> memref<80x64xf32, #tpu.memory_space<vmem>>
        %dma_start3A_916 = arith.constant 0 : i32
        %dma_start3A_917 = tpu.memref_slice %arg15[%rem3A_910, %dma_start3A_911, %dma_start3A_916] : memref<8x2x80xi32, #tpu.memory_space<vmem>> -> memref<1x1x80xi32, #tpu.memory_space<vmem>>
        %dma_start3A_918 = tpu.memref_squeeze %dma_start3A_917 : memref<1x1x80xi32, #tpu.memory_space<vmem>> -> memref<80xi32, #tpu.memory_space<vmem>>
        %dma_start3A_919 = arith.constant 0 : i32
        %dma_start3A_920 = arith.constant 0 : i32
        %dma_start3A_921 = tpu.memref_slice %arg2[%dma_start3A_919, %dma_start3A_920] : memref<10000x64xf32, #tpu.memory_space<hbm>> -> memref<10000x64xf32, #tpu.memory_space<hbm>>
        %dma_start3A_922 = tpu.memref_slice %arg27[%rem3A_883] : memref<4x!tpu.dma_semaphore, #tpu.memory_space<semaphore_mem>> -> memref<1x!tpu.dma_semaphore, #tpu.memory_space<semaphore_mem>>
        %dma_start3A_923 = tpu.memref_squeeze %dma_start3A_922 : memref<1x!tpu.dma_semaphore, #tpu.memory_space<semaphore_mem>> -> memref<!tpu.dma_semaphore, #tpu.memory_space<semaphore_mem>>
        tpu.enqueue_indirect_dma source(%dma_start3A_921 : memref<10000x64xf32, #tpu.memory_space<hbm>>) target(%dma_start3A_915 : memref<80x64xf32, #tpu.memory_space<vmem>>) offsets(%dma_start3A_918 : memref<80xi32, #tpu.memory_space<vmem>>) semaphore(%dma_start3A_923 : memref<!tpu.dma_semaphore, #tpu.memory_space<semaphore_mem>>)
      } else {
      }
      %scan3A_881 = arith.constant 0 : i32
      scf.yield %scan3A_881 : i32
    }
    %scan3A_268 = arith.constant 250 : i32
    %dma_wait3A_269 = arith.constant 2 : i32
    %dma_wait3A_270 = arith.constant 6 : i32
    %dma_wait3A_271 = arith.constant 1 : i32
    %dma_wait3A_272 = arith.constant 2 : i32
    %dma_wait3A_273 = arith.constant 0 : i32
    %dma_wait3A_274 = arith.constant 0 : i32
    %dma_wait3A_275 = tpu.memref_slice %arg23[%dma_wait3A_269, %dma_wait3A_273, %dma_wait3A_274] : memref<4x80x64xf32, #tpu.memory_space<vmem>> -> memref<1x80x64xf32, #tpu.memory_space<vmem>>
    %dma_wait3A_276 = tpu.memref_squeeze %dma_wait3A_275 : memref<1x80x64xf32, #tpu.memory_space<vmem>> -> memref<80x64xf32, #tpu.memory_space<vmem>>
    %dma_wait3A_277 = arith.constant 0 : i32
    %dma_wait3A_278 = tpu.memref_slice %arg15[%dma_wait3A_270, %dma_wait3A_271, %dma_wait3A_277] : memref<8x2x80xi32, #tpu.memory_space<vmem>> -> memref<1x1x80xi32, #tpu.memory_space<vmem>>
    %dma_wait3A_279 = tpu.memref_squeeze %dma_wait3A_278 : memref<1x1x80xi32, #tpu.memory_space<vmem>> -> memref<80xi32, #tpu.memory_space<vmem>>
    %dma_wait3A_280 = arith.constant 0 : i32
    %dma_wait3A_281 = arith.constant 0 : i32
    %dma_wait3A_282 = tpu.memref_slice %arg24[%dma_wait3A_280, %dma_wait3A_281] : memref<10000x64xf32, #tpu.memory_space<vmem_shared>> -> memref<10000x64xf32, #tpu.memory_space<vmem_shared>>
    %dma_wait3A_283 = tpu.memref_slice %arg28[%dma_wait3A_272] : memref<4x!tpu.dma_semaphore, #tpu.memory_space<semaphore_mem>> -> memref<1x!tpu.dma_semaphore, #tpu.memory_space<semaphore_mem>>
    %dma_wait3A_284 = tpu.memref_squeeze %dma_wait3A_283 : memref<1x!tpu.dma_semaphore, #tpu.memory_space<semaphore_mem>> -> memref<!tpu.dma_semaphore, #tpu.memory_space<semaphore_mem>>
    tpu.wait_indirect_dma semaphore(%dma_wait3A_284 : memref<!tpu.dma_semaphore, #tpu.memory_space<semaphore_mem>>) src(%dma_wait3A_276 : memref<80x64xf32, #tpu.memory_space<vmem>>) dst(%dma_wait3A_282 : memref<10000x64xf32, #tpu.memory_space<vmem_shared>>)
    %dma_wait3A_285 = arith.constant 3 : i32
    %dma_wait3A_286 = arith.constant 7 : i32
    %dma_wait3A_287 = arith.constant 1 : i32
    %dma_wait3A_288 = arith.constant 3 : i32
    %dma_wait3A_289 = arith.constant 0 : i32
    %dma_wait3A_290 = arith.constant 0 : i32
    %dma_wait3A_291 = tpu.memref_slice %arg23[%dma_wait3A_285, %dma_wait3A_289, %dma_wait3A_290] : memref<4x80x64xf32, #tpu.memory_space<vmem>> -> memref<1x80x64xf32, #tpu.memory_space<vmem>>
    %dma_wait3A_292 = tpu.memref_squeeze %dma_wait3A_291 : memref<1x80x64xf32, #tpu.memory_space<vmem>> -> memref<80x64xf32, #tpu.memory_space<vmem>>
    %dma_wait3A_293 = arith.constant 0 : i32
    %dma_wait3A_294 = tpu.memref_slice %arg15[%dma_wait3A_286, %dma_wait3A_287, %dma_wait3A_293] : memref<8x2x80xi32, #tpu.memory_space<vmem>> -> memref<1x1x80xi32, #tpu.memory_space<vmem>>
    %dma_wait3A_295 = tpu.memref_squeeze %dma_wait3A_294 : memref<1x1x80xi32, #tpu.memory_space<vmem>> -> memref<80xi32, #tpu.memory_space<vmem>>
    %dma_wait3A_296 = arith.constant 0 : i32
    %dma_wait3A_297 = arith.constant 0 : i32
    %dma_wait3A_298 = tpu.memref_slice %arg24[%dma_wait3A_296, %dma_wait3A_297] : memref<10000x64xf32, #tpu.memory_space<vmem_shared>> -> memref<10000x64xf32, #tpu.memory_space<vmem_shared>>
    %dma_wait3A_299 = tpu.memref_slice %arg28[%dma_wait3A_288] : memref<4x!tpu.dma_semaphore, #tpu.memory_space<semaphore_mem>> -> memref<1x!tpu.dma_semaphore, #tpu.memory_space<semaphore_mem>>
    %dma_wait3A_300 = tpu.memref_squeeze %dma_wait3A_299 : memref<1x!tpu.dma_semaphore, #tpu.memory_space<semaphore_mem>> -> memref<!tpu.dma_semaphore, #tpu.memory_space<semaphore_mem>>
    tpu.wait_indirect_dma semaphore(%dma_wait3A_300 : memref<!tpu.dma_semaphore, #tpu.memory_space<semaphore_mem>>) src(%dma_wait3A_292 : memref<80x64xf32, #tpu.memory_space<vmem>>) dst(%dma_wait3A_298 : memref<10000x64xf32, #tpu.memory_space<vmem_shared>>)
    %dma_wait3A_301 = arith.constant 0 : i32
    %dma_wait3A_302 = arith.constant 0 : i32
    %dma_wait3A_303 = arith.constant 1 : i32
    %dma_wait3A_304 = arith.constant 0 : i32
    %dma_wait3A_305 = arith.constant 0 : i32
    %dma_wait3A_306 = arith.constant 0 : i32
    %dma_wait3A_307 = tpu.memref_slice %arg23[%dma_wait3A_301, %dma_wait3A_305, %dma_wait3A_306] : memref<4x80x64xf32, #tpu.memory_space<vmem>> -> memref<1x80x64xf32, #tpu.memory_space<vmem>>
    %dma_wait3A_308 = tpu.memref_squeeze %dma_wait3A_307 : memref<1x80x64xf32, #tpu.memory_space<vmem>> -> memref<80x64xf32, #tpu.memory_space<vmem>>
    %dma_wait3A_309 = arith.constant 0 : i32
    %dma_wait3A_310 = tpu.memref_slice %arg15[%dma_wait3A_302, %dma_wait3A_303, %dma_wait3A_309] : memref<8x2x80xi32, #tpu.memory_space<vmem>> -> memref<1x1x80xi32, #tpu.memory_space<vmem>>
    %dma_wait3A_311 = tpu.memref_squeeze %dma_wait3A_310 : memref<1x1x80xi32, #tpu.memory_space<vmem>> -> memref<80xi32, #tpu.memory_space<vmem>>
    %dma_wait3A_312 = arith.constant 0 : i32
    %dma_wait3A_313 = arith.constant 0 : i32
    %dma_wait3A_314 = tpu.memref_slice %arg24[%dma_wait3A_312, %dma_wait3A_313] : memref<10000x64xf32, #tpu.memory_space<vmem_shared>> -> memref<10000x64xf32, #tpu.memory_space<vmem_shared>>
    %dma_wait3A_315 = tpu.memref_slice %arg28[%dma_wait3A_304] : memref<4x!tpu.dma_semaphore, #tpu.memory_space<semaphore_mem>> -> memref<1x!tpu.dma_semaphore, #tpu.memory_space<semaphore_mem>>
    %dma_wait3A_316 = tpu.memref_squeeze %dma_wait3A_315 : memref<1x!tpu.dma_semaphore, #tpu.memory_space<semaphore_mem>> -> memref<!tpu.dma_semaphore, #tpu.memory_space<semaphore_mem>>
    tpu.wait_indirect_dma semaphore(%dma_wait3A_316 : memref<!tpu.dma_semaphore, #tpu.memory_space<semaphore_mem>>) src(%dma_wait3A_308 : memref<80x64xf32, #tpu.memory_space<vmem>>) dst(%dma_wait3A_314 : memref<10000x64xf32, #tpu.memory_space<vmem_shared>>)
    %dma_wait3A_317 = arith.constant 1 : i32
    %dma_wait3A_318 = arith.constant 1 : i32
    %dma_wait3A_319 = arith.constant 1 : i32
    %dma_wait3A_320 = arith.constant 1 : i32
    %dma_wait3A_321 = arith.constant 0 : i32
    %dma_wait3A_322 = arith.constant 0 : i32
    %dma_wait3A_323 = tpu.memref_slice %arg23[%dma_wait3A_317, %dma_wait3A_321, %dma_wait3A_322] : memref<4x80x64xf32, #tpu.memory_space<vmem>> -> memref<1x80x64xf32, #tpu.memory_space<vmem>>
    %dma_wait3A_324 = tpu.memref_squeeze %dma_wait3A_323 : memref<1x80x64xf32, #tpu.memory_space<vmem>> -> memref<80x64xf32, #tpu.memory_space<vmem>>
    %dma_wait3A_325 = arith.constant 0 : i32
    %dma_wait3A_326 = tpu.memref_slice %arg15[%dma_wait3A_318, %dma_wait3A_319, %dma_wait3A_325] : memref<8x2x80xi32, #tpu.memory_space<vmem>> -> memref<1x1x80xi32, #tpu.memory_space<vmem>>
    %dma_wait3A_327 = tpu.memref_squeeze %dma_wait3A_326 : memref<1x1x80xi32, #tpu.memory_space<vmem>> -> memref<80xi32, #tpu.memory_space<vmem>>
    %dma_wait3A_328 = arith.constant 0 : i32
    %dma_wait3A_329 = arith.constant 0 : i32
    %dma_wait3A_330 = tpu.memref_slice %arg24[%dma_wait3A_328, %dma_wait3A_329] : memref<10000x64xf32, #tpu.memory_space<vmem_shared>> -> memref<10000x64xf32, #tpu.memory_space<vmem_shared>>
    %dma_wait3A_331 = tpu.memref_slice %arg28[%dma_wait3A_320] : memref<4x!tpu.dma_semaphore, #tpu.memory_space<semaphore_mem>> -> memref<1x!tpu.dma_semaphore, #tpu.memory_space<semaphore_mem>>
    %dma_wait3A_332 = tpu.memref_squeeze %dma_wait3A_331 : memref<1x!tpu.dma_semaphore, #tpu.memory_space<semaphore_mem>> -> memref<!tpu.dma_semaphore, #tpu.memory_space<semaphore_mem>>
    tpu.wait_indirect_dma semaphore(%dma_wait3A_332 : memref<!tpu.dma_semaphore, #tpu.memory_space<semaphore_mem>>) src(%dma_wait3A_324 : memref<80x64xf32, #tpu.memory_space<vmem>>) dst(%dma_wait3A_330 : memref<10000x64xf32, #tpu.memory_space<vmem_shared>>)
    "tpu.region"() ({
      %run_scoped3A = tpu.sem_alloc : memref<!tpu.dma_semaphore, #tpu.memory_space<semaphore_mem>>
      %dma_start3A_698 = arith.constant 0 : i32
      %dma_start3A_699 = arith.constant 0 : i32
      %dma_start3A_700 = tpu.memref_slice %arg25[%dma_start3A_698, %dma_start3A_699] : memref<625x16xf32, #tpu.memory_space<vmem_shared>> -> memref<625x16xf32, #tpu.memory_space<vmem_shared>>
      tpu.enqueue_indirect_dma source(%arg20 : memref<625x16xf32, #tpu.memory_space<vmem>>) target(%dma_start3A_700 : memref<625x16xf32, #tpu.memory_space<vmem_shared>>) offsets(%arg22 : memref<625xi32, #tpu.memory_space<vmem>>) semaphore(%run_scoped3A : memref<!tpu.dma_semaphore, #tpu.memory_space<semaphore_mem>>) {add = true}
      %dma_wait3A_701 = arith.constant 0 : i32
      %dma_wait3A_702 = arith.constant 0 : i32
      %dma_wait3A_703 = tpu.memref_slice %arg25[%dma_wait3A_701, %dma_wait3A_702] : memref<625x16xf32, #tpu.memory_space<vmem_shared>> -> memref<625x16xf32, #tpu.memory_space<vmem_shared>>
      tpu.wait_indirect_dma semaphore(%run_scoped3A : memref<!tpu.dma_semaphore, #tpu.memory_space<semaphore_mem>>) src(%arg20 : memref<625x16xf32, #tpu.memory_space<vmem>>) dst(%dma_wait3A_703 : memref<625x16xf32, #tpu.memory_space<vmem_shared>>)
      tpu.yield
    }) : () -> ()
    "tpu.region"() ({
      %run_scoped3A = tpu.sem_alloc : memref<!tpu.dma_semaphore, #tpu.memory_space<semaphore_mem>>
      %dma_start3A_698 = arith.constant 0 : i32
      %dma_start3A_699 = arith.constant 0 : i32
      %dma_start3A_700 = tpu.memref_slice %arg26[%dma_start3A_698, %dma_start3A_699] : memref<625x16xf32, #tpu.memory_space<vmem_shared>> -> memref<625x16xf32, #tpu.memory_space<vmem_shared>>
      tpu.enqueue_indirect_dma source(%arg21 : memref<625x16xf32, #tpu.memory_space<vmem>>) target(%dma_start3A_700 : memref<625x16xf32, #tpu.memory_space<vmem_shared>>) offsets(%arg22 : memref<625xi32, #tpu.memory_space<vmem>>) semaphore(%run_scoped3A : memref<!tpu.dma_semaphore, #tpu.memory_space<semaphore_mem>>) {add = true}
      %dma_wait3A_701 = arith.constant 0 : i32
      %dma_wait3A_702 = arith.constant 0 : i32
      %dma_wait3A_703 = tpu.memref_slice %arg26[%dma_wait3A_701, %dma_wait3A_702] : memref<625x16xf32, #tpu.memory_space<vmem_shared>> -> memref<625x16xf32, #tpu.memory_space<vmem_shared>>
      tpu.wait_indirect_dma semaphore(%run_scoped3A : memref<!tpu.dma_semaphore, #tpu.memory_space<semaphore_mem>>) src(%arg21 : memref<625x16xf32, #tpu.memory_space<vmem>>) dst(%dma_wait3A_703 : memref<625x16xf32, #tpu.memory_space<vmem_shared>>)
      tpu.yield
    }) : () -> ()
    %barrier3A_333 = arith.constant 0 : index
    tpu.barrier barrier_id(%barrier3A_333)
    %mul3A_334 = arith.constant 632 : i32
    %mul3A_335 = arith.muli %arg1, %mul3A_334 : i32
    %multiple_of3A_336 = tpu.assume_multiple %mul3A_335, 8 : i32
    %lt3A_337 = arith.constant 15 : i32
    %lt3A_338 = arith.cmpi slt, %arg1, %lt3A_337 : i32
    %convert_element_type3A_339 = arith.extui %lt3A_338 : i1 to i32
    %cond3A_340 = arith.constant 0 : i32
    %cond3A_341 = arith.cmpi ne, %convert_element_type3A_339, %cond3A_340 : i32
    scf.if %cond3A_341 {
      "tpu.region"() ({
        %run_scoped3A = tpu.sem_alloc : memref<!tpu.dma_semaphore, #tpu.memory_space<semaphore_mem>>
        %dma_start3A_698 = arith.constant 0 : i32
        %dma_start3A_699 = tpu.memref_slice %arg11[%arg0, %multiple_of3A_336, %dma_start3A_698] : memref<2x10000x64xf32, #tpu.memory_space<hbm>> -> memref<1x632x64xf32, #tpu.memory_space<hbm>>
        %dma_start3A_700 = tpu.memref_squeeze %dma_start3A_699 : memref<1x632x64xf32, #tpu.memory_space<hbm>> -> memref<632x64xf32, #tpu.memory_space<hbm>>
        %dma_start3A_701 = arith.constant 0 : i32
        %dma_start3A_702 = tpu.memref_slice %arg24[%multiple_of3A_336, %dma_start3A_701] : memref<10000x64xf32, #tpu.memory_space<vmem_shared>> -> memref<632x64xf32, #tpu.memory_space<vmem_shared>>
        tpu.enqueue_dma source(%dma_start3A_702 : memref<632x64xf32, #tpu.memory_space<vmem_shared>>) target(%dma_start3A_700 : memref<632x64xf32, #tpu.memory_space<hbm>>) target_semaphore(%run_scoped3A : memref<!tpu.dma_semaphore, #tpu.memory_space<semaphore_mem>>)
        %dma_wait3A_703 = arith.constant 0 : i32
        %dma_wait3A_704 = tpu.memref_slice %arg11[%arg0, %multiple_of3A_336, %dma_wait3A_703] : memref<2x10000x64xf32, #tpu.memory_space<hbm>> -> memref<1x632x64xf32, #tpu.memory_space<hbm>>
        %dma_wait3A_705 = tpu.memref_squeeze %dma_wait3A_704 : memref<1x632x64xf32, #tpu.memory_space<hbm>> -> memref<632x64xf32, #tpu.memory_space<hbm>>
        %dma_wait3A_706 = arith.constant 0 : i32
        %dma_wait3A_707 = tpu.memref_slice %arg24[%multiple_of3A_336, %dma_wait3A_706] : memref<10000x64xf32, #tpu.memory_space<vmem_shared>> -> memref<632x64xf32, #tpu.memory_space<vmem_shared>>
        tpu.wait_dma2 semaphore(%run_scoped3A : memref<!tpu.dma_semaphore, #tpu.memory_space<semaphore_mem>>) src(%dma_wait3A_707 : memref<632x64xf32, #tpu.memory_space<vmem_shared>>) dst(%dma_wait3A_705 : memref<632x64xf32, #tpu.memory_space<hbm>>)
        tpu.yield
      }) : () -> ()
    } else {
    }
    %eq3A_342 = arith.constant 15 : i32
    %eq3A_343 = arith.cmpi eq, %arg1, %eq3A_342 : i32
    %convert_element_type3A_344 = arith.extui %eq3A_343 : i1 to i32
    %cond3A_345 = arith.constant 0 : i32
    %cond3A_346 = arith.cmpi ne, %convert_element_type3A_344, %cond3A_345 : i32
    scf.if %cond3A_346 {
      "tpu.region"() ({
        %run_scoped3A = tpu.sem_alloc : memref<!tpu.dma_semaphore, #tpu.memory_space<semaphore_mem>>
        %dma_start3A_698 = arith.constant 9480 : i32
        %dma_start3A_699 = arith.constant 0 : i32
        %dma_start3A_700 = tpu.memref_slice %arg11[%arg0, %dma_start3A_698, %dma_start3A_699] : memref<2x10000x64xf32, #tpu.memory_space<hbm>> -> memref<1x520x64xf32, #tpu.memory_space<hbm>>
        %dma_start3A_701 = tpu.memref_squeeze %dma_start3A_700 : memref<1x520x64xf32, #tpu.memory_space<hbm>> -> memref<520x64xf32, #tpu.memory_space<hbm>>
        %dma_start3A_702 = arith.constant 9480 : i32
        %dma_start3A_703 = arith.constant 0 : i32
        %dma_start3A_704 = tpu.memref_slice %arg24[%dma_start3A_702, %dma_start3A_703] : memref<10000x64xf32, #tpu.memory_space<vmem_shared>> -> memref<520x64xf32, #tpu.memory_space<vmem_shared>>
        tpu.enqueue_dma source(%dma_start3A_704 : memref<520x64xf32, #tpu.memory_space<vmem_shared>>) target(%dma_start3A_701 : memref<520x64xf32, #tpu.memory_space<hbm>>) target_semaphore(%run_scoped3A : memref<!tpu.dma_semaphore, #tpu.memory_space<semaphore_mem>>)
        %dma_wait3A_705 = arith.constant 9480 : i32
        %dma_wait3A_706 = arith.constant 0 : i32
        %dma_wait3A_707 = tpu.memref_slice %arg11[%arg0, %dma_wait3A_705, %dma_wait3A_706] : memref<2x10000x64xf32, #tpu.memory_space<hbm>> -> memref<1x520x64xf32, #tpu.memory_space<hbm>>
        %dma_wait3A_708 = tpu.memref_squeeze %dma_wait3A_707 : memref<1x520x64xf32, #tpu.memory_space<hbm>> -> memref<520x64xf32, #tpu.memory_space<hbm>>
        %dma_wait3A_709 = arith.constant 9480 : i32
        %dma_wait3A_710 = arith.constant 0 : i32
        %dma_wait3A_711 = tpu.memref_slice %arg24[%dma_wait3A_709, %dma_wait3A_710] : memref<10000x64xf32, #tpu.memory_space<vmem_shared>> -> memref<520x64xf32, #tpu.memory_space<vmem_shared>>
        tpu.wait_dma2 semaphore(%run_scoped3A : memref<!tpu.dma_semaphore, #tpu.memory_space<semaphore_mem>>) src(%dma_wait3A_711 : memref<520x64xf32, #tpu.memory_space<vmem_shared>>) dst(%dma_wait3A_708 : memref<520x64xf32, #tpu.memory_space<hbm>>)
        tpu.yield
      }) : () -> ()
    } else {
    }
    %eq3A_347 = arith.constant 0 : i32
    %eq3A_348 = arith.cmpi eq, %arg1, %eq3A_347 : i32
    %convert_element_type3A_349 = arith.extui %eq3A_348 : i1 to i32
    %cond3A_350 = arith.constant 0 : i32
    %cond3A_351 = arith.cmpi ne, %convert_element_type3A_349, %cond3A_350 : i32
    scf.if %cond3A_351 {
      "tpu.region"() ({
        %run_scoped3A = tpu.sem_alloc : memref<!tpu.dma_semaphore, #tpu.memory_space<semaphore_mem>>
        %dma_start3A_698 = arith.constant 0 : i32
        %dma_start3A_699 = arith.constant 0 : i32
        %dma_start3A_700 = tpu.memref_slice %arg13[%arg0, %dma_start3A_698, %dma_start3A_699] : memref<2x625x16xf32, #tpu.memory_space<hbm>> -> memref<1x625x16xf32, #tpu.memory_space<hbm>>
        %dma_start3A_701 = tpu.memref_squeeze %dma_start3A_700 : memref<1x625x16xf32, #tpu.memory_space<hbm>> -> memref<625x16xf32, #tpu.memory_space<hbm>>
        tpu.enqueue_dma source(%arg25 : memref<625x16xf32, #tpu.memory_space<vmem_shared>>) target(%dma_start3A_701 : memref<625x16xf32, #tpu.memory_space<hbm>>) target_semaphore(%run_scoped3A : memref<!tpu.dma_semaphore, #tpu.memory_space<semaphore_mem>>)
        %dma_wait3A_702 = arith.constant 0 : i32
        %dma_wait3A_703 = arith.constant 0 : i32
        %dma_wait3A_704 = tpu.memref_slice %arg13[%arg0, %dma_wait3A_702, %dma_wait3A_703] : memref<2x625x16xf32, #tpu.memory_space<hbm>> -> memref<1x625x16xf32, #tpu.memory_space<hbm>>
        %dma_wait3A_705 = tpu.memref_squeeze %dma_wait3A_704 : memref<1x625x16xf32, #tpu.memory_space<hbm>> -> memref<625x16xf32, #tpu.memory_space<hbm>>
        tpu.wait_dma2 semaphore(%run_scoped3A : memref<!tpu.dma_semaphore, #tpu.memory_space<semaphore_mem>>) src(%arg25 : memref<625x16xf32, #tpu.memory_space<vmem_shared>>) dst(%dma_wait3A_705 : memref<625x16xf32, #tpu.memory_space<hbm>>)
        tpu.yield
      }) : () -> ()
      "tpu.region"() ({
        %run_scoped3A = tpu.sem_alloc : memref<!tpu.dma_semaphore, #tpu.memory_space<semaphore_mem>>
        %dma_start3A_698 = arith.constant 0 : i32
        %dma_start3A_699 = arith.constant 0 : i32
        %dma_start3A_700 = tpu.memref_slice %arg14[%arg0, %dma_start3A_698, %dma_start3A_699] : memref<2x625x16xf32, #tpu.memory_space<hbm>> -> memref<1x625x16xf32, #tpu.memory_space<hbm>>
        %dma_start3A_701 = tpu.memref_squeeze %dma_start3A_700 : memref<1x625x16xf32, #tpu.memory_space<hbm>> -> memref<625x16xf32, #tpu.memory_space<hbm>>
        tpu.enqueue_dma source(%arg26 : memref<625x16xf32, #tpu.memory_space<vmem_shared>>) target(%dma_start3A_701 : memref<625x16xf32, #tpu.memory_space<hbm>>) target_semaphore(%run_scoped3A : memref<!tpu.dma_semaphore, #tpu.memory_space<semaphore_mem>>)
        %dma_wait3A_702 = arith.constant 0 : i32
        %dma_wait3A_703 = arith.constant 0 : i32
        %dma_wait3A_704 = tpu.memref_slice %arg14[%arg0, %dma_wait3A_702, %dma_wait3A_703] : memref<2x625x16xf32, #tpu.memory_space<hbm>> -> memref<1x625x16xf32, #tpu.memory_space<hbm>>
        %dma_wait3A_705 = tpu.memref_squeeze %dma_wait3A_704 : memref<1x625x16xf32, #tpu.memory_space<hbm>> -> memref<625x16xf32, #tpu.memory_space<hbm>>
        tpu.wait_dma2 semaphore(%run_scoped3A : memref<!tpu.dma_semaphore, #tpu.memory_space<semaphore_mem>>) src(%arg26 : memref<625x16xf32, #tpu.memory_space<vmem_shared>>) dst(%dma_wait3A_705 : memref<625x16xf32, #tpu.memory_space<hbm>>)
        tpu.yield
      }) : () -> ()
    } else {
    }
    %barrier3A_352 = arith.constant 0 : index
    tpu.barrier barrier_id(%barrier3A_352)
    %mul3A_353 = arith.constant 632 : i32
    %mul3A_354 = arith.muli %arg1, %mul3A_353 : i32
    %multiple_of3A_355 = tpu.assume_multiple %mul3A_354, 8 : i32
    %lt3A_356 = arith.constant 15 : i32
    %lt3A_357 = arith.cmpi slt, %arg1, %lt3A_356 : i32
    %convert_element_type3A_358 = arith.extui %lt3A_357 : i1 to i32
    %cond3A_359 = arith.constant 0 : i32
    %cond3A_360 = arith.cmpi ne, %convert_element_type3A_358, %cond3A_359 : i32
    scf.if %cond3A_360 {
      "tpu.region"() ({
        %run_scoped3A = tpu.sem_alloc : memref<!tpu.dma_semaphore, #tpu.memory_space<semaphore_mem>>
        %dma_start3A_698 = arith.constant 0 : i32
        %dma_start3A_699 = tpu.memref_slice %arg24[%multiple_of3A_355, %dma_start3A_698] : memref<10000x64xf32, #tpu.memory_space<vmem_shared>> -> memref<632x64xf32, #tpu.memory_space<vmem_shared>>
        %dma_start3A_700 = arith.constant 0 : i32
        %dma_start3A_701 = arith.constant 0 : i32
        %dma_start3A_702 = tpu.memref_slice %arg8[%dma_start3A_700, %dma_start3A_701] : memref<632x64xf32, #tpu.memory_space<hbm>> -> memref<632x64xf32, #tpu.memory_space<hbm>>
        tpu.enqueue_dma source(%dma_start3A_702 : memref<632x64xf32, #tpu.memory_space<hbm>>) target(%dma_start3A_699 : memref<632x64xf32, #tpu.memory_space<vmem_shared>>) target_semaphore(%run_scoped3A : memref<!tpu.dma_semaphore, #tpu.memory_space<semaphore_mem>>)
        %dma_wait3A_703 = arith.constant 0 : i32
        %dma_wait3A_704 = tpu.memref_slice %arg24[%multiple_of3A_355, %dma_wait3A_703] : memref<10000x64xf32, #tpu.memory_space<vmem_shared>> -> memref<632x64xf32, #tpu.memory_space<vmem_shared>>
        %dma_wait3A_705 = arith.constant 0 : i32
        %dma_wait3A_706 = arith.constant 0 : i32
        %dma_wait3A_707 = tpu.memref_slice %arg8[%dma_wait3A_705, %dma_wait3A_706] : memref<632x64xf32, #tpu.memory_space<hbm>> -> memref<632x64xf32, #tpu.memory_space<hbm>>
        tpu.wait_dma2 semaphore(%run_scoped3A : memref<!tpu.dma_semaphore, #tpu.memory_space<semaphore_mem>>) src(%dma_wait3A_707 : memref<632x64xf32, #tpu.memory_space<hbm>>) dst(%dma_wait3A_704 : memref<632x64xf32, #tpu.memory_space<vmem_shared>>)
        tpu.yield
      }) : () -> ()
    } else {
    }
    %eq3A_361 = arith.constant 15 : i32
    %eq3A_362 = arith.cmpi eq, %arg1, %eq3A_361 : i32
    %convert_element_type3A_363 = arith.extui %eq3A_362 : i1 to i32
    %cond3A_364 = arith.constant 0 : i32
    %cond3A_365 = arith.cmpi ne, %convert_element_type3A_363, %cond3A_364 : i32
    scf.if %cond3A_365 {
      "tpu.region"() ({
        %run_scoped3A = tpu.sem_alloc : memref<!tpu.dma_semaphore, #tpu.memory_space<semaphore_mem>>
        %dma_start3A_698 = arith.constant 9480 : i32
        %dma_start3A_699 = arith.constant 0 : i32
        %dma_start3A_700 = tpu.memref_slice %arg24[%dma_start3A_698, %dma_start3A_699] : memref<10000x64xf32, #tpu.memory_space<vmem_shared>> -> memref<520x64xf32, #tpu.memory_space<vmem_shared>>
        %dma_start3A_701 = arith.constant 0 : i32
        %dma_start3A_702 = arith.constant 0 : i32
        %dma_start3A_703 = tpu.memref_slice %arg8[%dma_start3A_701, %dma_start3A_702] : memref<632x64xf32, #tpu.memory_space<hbm>> -> memref<520x64xf32, #tpu.memory_space<hbm>>
        tpu.enqueue_dma source(%dma_start3A_703 : memref<520x64xf32, #tpu.memory_space<hbm>>) target(%dma_start3A_700 : memref<520x64xf32, #tpu.memory_space<vmem_shared>>) target_semaphore(%run_scoped3A : memref<!tpu.dma_semaphore, #tpu.memory_space<semaphore_mem>>)
        %dma_wait3A_704 = arith.constant 9480 : i32
        %dma_wait3A_705 = arith.constant 0 : i32
        %dma_wait3A_706 = tpu.memref_slice %arg24[%dma_wait3A_704, %dma_wait3A_705] : memref<10000x64xf32, #tpu.memory_space<vmem_shared>> -> memref<520x64xf32, #tpu.memory_space<vmem_shared>>
        %dma_wait3A_707 = arith.constant 0 : i32
        %dma_wait3A_708 = arith.constant 0 : i32
        %dma_wait3A_709 = tpu.memref_slice %arg8[%dma_wait3A_707, %dma_wait3A_708] : memref<632x64xf32, #tpu.memory_space<hbm>> -> memref<520x64xf32, #tpu.memory_space<hbm>>
        tpu.wait_dma2 semaphore(%run_scoped3A : memref<!tpu.dma_semaphore, #tpu.memory_space<semaphore_mem>>) src(%dma_wait3A_709 : memref<520x64xf32, #tpu.memory_space<hbm>>) dst(%dma_wait3A_706 : memref<520x64xf32, #tpu.memory_space<vmem_shared>>)
        tpu.yield
      }) : () -> ()
    } else {
    }
    %barrier3A_366 = arith.constant 0 : index
    tpu.barrier barrier_id(%barrier3A_366)
    %rem3A_367 = arith.constant 0 : i32
    %rem3A_368 = arith.constant 8 : i32
    %rem3A_369 = arith.remsi %rem3A_367, %rem3A_368 : i32
    %dma_start3A_370 = arith.constant 0 : i32
    %dma_start3A_371 = arith.constant 0 : i32
    %dma_start3A_372 = arith.constant 0 : i32
    %dma_start3A_373 = tpu.memref_slice %arg15[%rem3A_369, %dma_start3A_371, %dma_start3A_372] : memref<8x2x80xi32, #tpu.memory_space<vmem>> -> memref<1x2x80xi32, #tpu.memory_space<vmem>>
    %dma_start3A_374 = tpu.memref_squeeze %dma_start3A_373 : memref<1x2x80xi32, #tpu.memory_space<vmem>> -> memref<2x80xi32, #tpu.memory_space<vmem>>
    %dma_start3A_375 = arith.constant 0 : i32
    %dma_start3A_376 = arith.constant 0 : i32
    %dma_start3A_377 = tpu.memref_slice %arg4[%arg0, %arg1, %dma_start3A_370, %dma_start3A_375, %dma_start3A_376] : memref<2x16x250x2x80xi32, #tpu.memory_space<hbm>> -> memref<1x1x1x2x80xi32, #tpu.memory_space<hbm>>
    %dma_start3A_378 = tpu.memref_squeeze %dma_start3A_377 : memref<1x1x1x2x80xi32, #tpu.memory_space<hbm>> -> memref<2x80xi32, #tpu.memory_space<hbm>>
    %dma_start3A_379 = tpu.memref_slice %arg29[%rem3A_369] : memref<8x!tpu.dma_semaphore, #tpu.memory_space<semaphore_mem>> -> memref<1x!tpu.dma_semaphore, #tpu.memory_space<semaphore_mem>>
    %dma_start3A_380 = tpu.memref_squeeze %dma_start3A_379 : memref<1x!tpu.dma_semaphore, #tpu.memory_space<semaphore_mem>> -> memref<!tpu.dma_semaphore, #tpu.memory_space<semaphore_mem>>
    %dma_start3A_381 = arith.constant 0 : i32
    %dma_start3A_382 = arith.constant 0 : i32
    %dma_start3A_383 = tpu.memref_slice %arg15[%rem3A_369, %dma_start3A_381, %dma_start3A_382] : memref<8x2x80xi32, #tpu.memory_space<vmem>> -> memref<1x2x80xi32, #tpu.memory_space<vmem>>
    %dma_start3A_384 = tpu.memref_squeeze %dma_start3A_383 : memref<1x2x80xi32, #tpu.memory_space<vmem>> -> memref<2x80xi32, #tpu.memory_space<vmem>>
    %dma_start3A_385 = arith.constant 0 : i32
    %dma_start3A_386 = arith.constant 0 : i32
    %dma_start3A_387 = tpu.memref_slice %arg4[%arg0, %arg1, %dma_start3A_370, %dma_start3A_385, %dma_start3A_386] : memref<2x16x250x2x80xi32, #tpu.memory_space<hbm>> -> memref<1x1x1x2x80xi32, #tpu.memory_space<hbm>>
    %dma_start3A_388 = tpu.memref_squeeze %dma_start3A_387 : memref<1x1x1x2x80xi32, #tpu.memory_space<hbm>> -> memref<2x80xi32, #tpu.memory_space<hbm>>
    tpu.enqueue_dma source(%dma_start3A_388 : memref<2x80xi32, #tpu.memory_space<hbm>>) target(%dma_start3A_384 : memref<2x80xi32, #tpu.memory_space<vmem>>) target_semaphore(%dma_start3A_380 : memref<!tpu.dma_semaphore, #tpu.memory_space<semaphore_mem>>)
    %rem3A_389 = arith.constant 1 : i32
    %rem3A_390 = arith.constant 8 : i32
    %rem3A_391 = arith.remsi %rem3A_389, %rem3A_390 : i32
    %dma_start3A_392 = arith.constant 1 : i32
    %dma_start3A_393 = arith.constant 0 : i32
    %dma_start3A_394 = arith.constant 0 : i32
    %dma_start3A_395 = tpu.memref_slice %arg15[%rem3A_391, %dma_start3A_393, %dma_start3A_394] : memref<8x2x80xi32, #tpu.memory_space<vmem>> -> memref<1x2x80xi32, #tpu.memory_space<vmem>>
    %dma_start3A_396 = tpu.memref_squeeze %dma_start3A_395 : memref<1x2x80xi32, #tpu.memory_space<vmem>> -> memref<2x80xi32, #tpu.memory_space<vmem>>
    %dma_start3A_397 = arith.constant 0 : i32
    %dma_start3A_398 = arith.constant 0 : i32
    %dma_start3A_399 = tpu.memref_slice %arg4[%arg0, %arg1, %dma_start3A_392, %dma_start3A_397, %dma_start3A_398] : memref<2x16x250x2x80xi32, #tpu.memory_space<hbm>> -> memref<1x1x1x2x80xi32, #tpu.memory_space<hbm>>
    %dma_start3A_400 = tpu.memref_squeeze %dma_start3A_399 : memref<1x1x1x2x80xi32, #tpu.memory_space<hbm>> -> memref<2x80xi32, #tpu.memory_space<hbm>>
    %dma_start3A_401 = tpu.memref_slice %arg29[%rem3A_391] : memref<8x!tpu.dma_semaphore, #tpu.memory_space<semaphore_mem>> -> memref<1x!tpu.dma_semaphore, #tpu.memory_space<semaphore_mem>>
    %dma_start3A_402 = tpu.memref_squeeze %dma_start3A_401 : memref<1x!tpu.dma_semaphore, #tpu.memory_space<semaphore_mem>> -> memref<!tpu.dma_semaphore, #tpu.memory_space<semaphore_mem>>
    %dma_start3A_403 = arith.constant 0 : i32
    %dma_start3A_404 = arith.constant 0 : i32
    %dma_start3A_405 = tpu.memref_slice %arg15[%rem3A_391, %dma_start3A_403, %dma_start3A_404] : memref<8x2x80xi32, #tpu.memory_space<vmem>> -> memref<1x2x80xi32, #tpu.memory_space<vmem>>
    %dma_start3A_406 = tpu.memref_squeeze %dma_start3A_405 : memref<1x2x80xi32, #tpu.memory_space<vmem>> -> memref<2x80xi32, #tpu.memory_space<vmem>>
    %dma_start3A_407 = arith.constant 0 : i32
    %dma_start3A_408 = arith.constant 0 : i32
    %dma_start3A_409 = tpu.memref_slice %arg4[%arg0, %arg1, %dma_start3A_392, %dma_start3A_407, %dma_start3A_408] : memref<2x16x250x2x80xi32, #tpu.memory_space<hbm>> -> memref<1x1x1x2x80xi32, #tpu.memory_space<hbm>>
    %dma_start3A_410 = tpu.memref_squeeze %dma_start3A_409 : memref<1x1x1x2x80xi32, #tpu.memory_space<hbm>> -> memref<2x80xi32, #tpu.memory_space<hbm>>
    tpu.enqueue_dma source(%dma_start3A_410 : memref<2x80xi32, #tpu.memory_space<hbm>>) target(%dma_start3A_406 : memref<2x80xi32, #tpu.memory_space<vmem>>) target_semaphore(%dma_start3A_402 : memref<!tpu.dma_semaphore, #tpu.memory_space<semaphore_mem>>)
    %rem3A_411 = arith.constant 2 : i32
    %rem3A_412 = arith.constant 8 : i32
    %rem3A_413 = arith.remsi %rem3A_411, %rem3A_412 : i32
    %dma_start3A_414 = arith.constant 2 : i32
    %dma_start3A_415 = arith.constant 0 : i32
    %dma_start3A_416 = arith.constant 0 : i32
    %dma_start3A_417 = tpu.memref_slice %arg15[%rem3A_413, %dma_start3A_415, %dma_start3A_416] : memref<8x2x80xi32, #tpu.memory_space<vmem>> -> memref<1x2x80xi32, #tpu.memory_space<vmem>>
    %dma_start3A_418 = tpu.memref_squeeze %dma_start3A_417 : memref<1x2x80xi32, #tpu.memory_space<vmem>> -> memref<2x80xi32, #tpu.memory_space<vmem>>
    %dma_start3A_419 = arith.constant 0 : i32
    %dma_start3A_420 = arith.constant 0 : i32
    %dma_start3A_421 = tpu.memref_slice %arg4[%arg0, %arg1, %dma_start3A_414, %dma_start3A_419, %dma_start3A_420] : memref<2x16x250x2x80xi32, #tpu.memory_space<hbm>> -> memref<1x1x1x2x80xi32, #tpu.memory_space<hbm>>
    %dma_start3A_422 = tpu.memref_squeeze %dma_start3A_421 : memref<1x1x1x2x80xi32, #tpu.memory_space<hbm>> -> memref<2x80xi32, #tpu.memory_space<hbm>>
    %dma_start3A_423 = tpu.memref_slice %arg29[%rem3A_413] : memref<8x!tpu.dma_semaphore, #tpu.memory_space<semaphore_mem>> -> memref<1x!tpu.dma_semaphore, #tpu.memory_space<semaphore_mem>>
    %dma_start3A_424 = tpu.memref_squeeze %dma_start3A_423 : memref<1x!tpu.dma_semaphore, #tpu.memory_space<semaphore_mem>> -> memref<!tpu.dma_semaphore, #tpu.memory_space<semaphore_mem>>
    %dma_start3A_425 = arith.constant 0 : i32
    %dma_start3A_426 = arith.constant 0 : i32
    %dma_start3A_427 = tpu.memref_slice %arg15[%rem3A_413, %dma_start3A_425, %dma_start3A_426] : memref<8x2x80xi32, #tpu.memory_space<vmem>> -> memref<1x2x80xi32, #tpu.memory_space<vmem>>
    %dma_start3A_428 = tpu.memref_squeeze %dma_start3A_427 : memref<1x2x80xi32, #tpu.memory_space<vmem>> -> memref<2x80xi32, #tpu.memory_space<vmem>>
    %dma_start3A_429 = arith.constant 0 : i32
    %dma_start3A_430 = arith.constant 0 : i32
    %dma_start3A_431 = tpu.memref_slice %arg4[%arg0, %arg1, %dma_start3A_414, %dma_start3A_429, %dma_start3A_430] : memref<2x16x250x2x80xi32, #tpu.memory_space<hbm>> -> memref<1x1x1x2x80xi32, #tpu.memory_space<hbm>>
    %dma_start3A_432 = tpu.memref_squeeze %dma_start3A_431 : memref<1x1x1x2x80xi32, #tpu.memory_space<hbm>> -> memref<2x80xi32, #tpu.memory_space<hbm>>
    tpu.enqueue_dma source(%dma_start3A_432 : memref<2x80xi32, #tpu.memory_space<hbm>>) target(%dma_start3A_428 : memref<2x80xi32, #tpu.memory_space<vmem>>) target_semaphore(%dma_start3A_424 : memref<!tpu.dma_semaphore, #tpu.memory_space<semaphore_mem>>)
    %rem3A_433 = arith.constant 3 : i32
    %rem3A_434 = arith.constant 8 : i32
    %rem3A_435 = arith.remsi %rem3A_433, %rem3A_434 : i32
    %dma_start3A_436 = arith.constant 3 : i32
    %dma_start3A_437 = arith.constant 0 : i32
    %dma_start3A_438 = arith.constant 0 : i32
    %dma_start3A_439 = tpu.memref_slice %arg15[%rem3A_435, %dma_start3A_437, %dma_start3A_438] : memref<8x2x80xi32, #tpu.memory_space<vmem>> -> memref<1x2x80xi32, #tpu.memory_space<vmem>>
    %dma_start3A_440 = tpu.memref_squeeze %dma_start3A_439 : memref<1x2x80xi32, #tpu.memory_space<vmem>> -> memref<2x80xi32, #tpu.memory_space<vmem>>
    %dma_start3A_441 = arith.constant 0 : i32
    %dma_start3A_442 = arith.constant 0 : i32
    %dma_start3A_443 = tpu.memref_slice %arg4[%arg0, %arg1, %dma_start3A_436, %dma_start3A_441, %dma_start3A_442] : memref<2x16x250x2x80xi32, #tpu.memory_space<hbm>> -> memref<1x1x1x2x80xi32, #tpu.memory_space<hbm>>
    %dma_start3A_444 = tpu.memref_squeeze %dma_start3A_443 : memref<1x1x1x2x80xi32, #tpu.memory_space<hbm>> -> memref<2x80xi32, #tpu.memory_space<hbm>>
    %dma_start3A_445 = tpu.memref_slice %arg29[%rem3A_435] : memref<8x!tpu.dma_semaphore, #tpu.memory_space<semaphore_mem>> -> memref<1x!tpu.dma_semaphore, #tpu.memory_space<semaphore_mem>>
    %dma_start3A_446 = tpu.memref_squeeze %dma_start3A_445 : memref<1x!tpu.dma_semaphore, #tpu.memory_space<semaphore_mem>> -> memref<!tpu.dma_semaphore, #tpu.memory_space<semaphore_mem>>
    %dma_start3A_447 = arith.constant 0 : i32
    %dma_start3A_448 = arith.constant 0 : i32
    %dma_start3A_449 = tpu.memref_slice %arg15[%rem3A_435, %dma_start3A_447, %dma_start3A_448] : memref<8x2x80xi32, #tpu.memory_space<vmem>> -> memref<1x2x80xi32, #tpu.memory_space<vmem>>
    %dma_start3A_450 = tpu.memref_squeeze %dma_start3A_449 : memref<1x2x80xi32, #tpu.memory_space<vmem>> -> memref<2x80xi32, #tpu.memory_space<vmem>>
    %dma_start3A_451 = arith.constant 0 : i32
    %dma_start3A_452 = arith.constant 0 : i32
    %dma_start3A_453 = tpu.memref_slice %arg4[%arg0, %arg1, %dma_start3A_436, %dma_start3A_451, %dma_start3A_452] : memref<2x16x250x2x80xi32, #tpu.memory_space<hbm>> -> memref<1x1x1x2x80xi32, #tpu.memory_space<hbm>>
    %dma_start3A_454 = tpu.memref_squeeze %dma_start3A_453 : memref<1x1x1x2x80xi32, #tpu.memory_space<hbm>> -> memref<2x80xi32, #tpu.memory_space<hbm>>
    tpu.enqueue_dma source(%dma_start3A_454 : memref<2x80xi32, #tpu.memory_space<hbm>>) target(%dma_start3A_450 : memref<2x80xi32, #tpu.memory_space<vmem>>) target_semaphore(%dma_start3A_446 : memref<!tpu.dma_semaphore, #tpu.memory_space<semaphore_mem>>)
    %rem3A_455 = arith.constant 4 : i32
    %rem3A_456 = arith.constant 8 : i32
    %rem3A_457 = arith.remsi %rem3A_455, %rem3A_456 : i32
    %dma_start3A_458 = arith.constant 4 : i32
    %dma_start3A_459 = arith.constant 0 : i32
    %dma_start3A_460 = arith.constant 0 : i32
    %dma_start3A_461 = tpu.memref_slice %arg15[%rem3A_457, %dma_start3A_459, %dma_start3A_460] : memref<8x2x80xi32, #tpu.memory_space<vmem>> -> memref<1x2x80xi32, #tpu.memory_space<vmem>>
    %dma_start3A_462 = tpu.memref_squeeze %dma_start3A_461 : memref<1x2x80xi32, #tpu.memory_space<vmem>> -> memref<2x80xi32, #tpu.memory_space<vmem>>
    %dma_start3A_463 = arith.constant 0 : i32
    %dma_start3A_464 = arith.constant 0 : i32
    %dma_start3A_465 = tpu.memref_slice %arg4[%arg0, %arg1, %dma_start3A_458, %dma_start3A_463, %dma_start3A_464] : memref<2x16x250x2x80xi32, #tpu.memory_space<hbm>> -> memref<1x1x1x2x80xi32, #tpu.memory_space<hbm>>
    %dma_start3A_466 = tpu.memref_squeeze %dma_start3A_465 : memref<1x1x1x2x80xi32, #tpu.memory_space<hbm>> -> memref<2x80xi32, #tpu.memory_space<hbm>>
    %dma_start3A_467 = tpu.memref_slice %arg29[%rem3A_457] : memref<8x!tpu.dma_semaphore, #tpu.memory_space<semaphore_mem>> -> memref<1x!tpu.dma_semaphore, #tpu.memory_space<semaphore_mem>>
    %dma_start3A_468 = tpu.memref_squeeze %dma_start3A_467 : memref<1x!tpu.dma_semaphore, #tpu.memory_space<semaphore_mem>> -> memref<!tpu.dma_semaphore, #tpu.memory_space<semaphore_mem>>
    %dma_start3A_469 = arith.constant 0 : i32
    %dma_start3A_470 = arith.constant 0 : i32
    %dma_start3A_471 = tpu.memref_slice %arg15[%rem3A_457, %dma_start3A_469, %dma_start3A_470] : memref<8x2x80xi32, #tpu.memory_space<vmem>> -> memref<1x2x80xi32, #tpu.memory_space<vmem>>
    %dma_start3A_472 = tpu.memref_squeeze %dma_start3A_471 : memref<1x2x80xi32, #tpu.memory_space<vmem>> -> memref<2x80xi32, #tpu.memory_space<vmem>>
    %dma_start3A_473 = arith.constant 0 : i32
    %dma_start3A_474 = arith.constant 0 : i32
    %dma_start3A_475 = tpu.memref_slice %arg4[%arg0, %arg1, %dma_start3A_458, %dma_start3A_473, %dma_start3A_474] : memref<2x16x250x2x80xi32, #tpu.memory_space<hbm>> -> memref<1x1x1x2x80xi32, #tpu.memory_space<hbm>>
    %dma_start3A_476 = tpu.memref_squeeze %dma_start3A_475 : memref<1x1x1x2x80xi32, #tpu.memory_space<hbm>> -> memref<2x80xi32, #tpu.memory_space<hbm>>
    tpu.enqueue_dma source(%dma_start3A_476 : memref<2x80xi32, #tpu.memory_space<hbm>>) target(%dma_start3A_472 : memref<2x80xi32, #tpu.memory_space<vmem>>) target_semaphore(%dma_start3A_468 : memref<!tpu.dma_semaphore, #tpu.memory_space<semaphore_mem>>)
    %rem3A_477 = arith.constant 5 : i32
    %rem3A_478 = arith.constant 8 : i32
    %rem3A_479 = arith.remsi %rem3A_477, %rem3A_478 : i32
    %dma_start3A_480 = arith.constant 5 : i32
    %dma_start3A_481 = arith.constant 0 : i32
    %dma_start3A_482 = arith.constant 0 : i32
    %dma_start3A_483 = tpu.memref_slice %arg15[%rem3A_479, %dma_start3A_481, %dma_start3A_482] : memref<8x2x80xi32, #tpu.memory_space<vmem>> -> memref<1x2x80xi32, #tpu.memory_space<vmem>>
    %dma_start3A_484 = tpu.memref_squeeze %dma_start3A_483 : memref<1x2x80xi32, #tpu.memory_space<vmem>> -> memref<2x80xi32, #tpu.memory_space<vmem>>
    %dma_start3A_485 = arith.constant 0 : i32
    %dma_start3A_486 = arith.constant 0 : i32
    %dma_start3A_487 = tpu.memref_slice %arg4[%arg0, %arg1, %dma_start3A_480, %dma_start3A_485, %dma_start3A_486] : memref<2x16x250x2x80xi32, #tpu.memory_space<hbm>> -> memref<1x1x1x2x80xi32, #tpu.memory_space<hbm>>
    %dma_start3A_488 = tpu.memref_squeeze %dma_start3A_487 : memref<1x1x1x2x80xi32, #tpu.memory_space<hbm>> -> memref<2x80xi32, #tpu.memory_space<hbm>>
    %dma_start3A_489 = tpu.memref_slice %arg29[%rem3A_479] : memref<8x!tpu.dma_semaphore, #tpu.memory_space<semaphore_mem>> -> memref<1x!tpu.dma_semaphore, #tpu.memory_space<semaphore_mem>>
    %dma_start3A_490 = tpu.memref_squeeze %dma_start3A_489 : memref<1x!tpu.dma_semaphore, #tpu.memory_space<semaphore_mem>> -> memref<!tpu.dma_semaphore, #tpu.memory_space<semaphore_mem>>
    %dma_start3A_491 = arith.constant 0 : i32
    %dma_start3A_492 = arith.constant 0 : i32
    %dma_start3A_493 = tpu.memref_slice %arg15[%rem3A_479, %dma_start3A_491, %dma_start3A_492] : memref<8x2x80xi32, #tpu.memory_space<vmem>> -> memref<1x2x80xi32, #tpu.memory_space<vmem>>
    %dma_start3A_494 = tpu.memref_squeeze %dma_start3A_493 : memref<1x2x80xi32, #tpu.memory_space<vmem>> -> memref<2x80xi32, #tpu.memory_space<vmem>>
    %dma_start3A_495 = arith.constant 0 : i32
    %dma_start3A_496 = arith.constant 0 : i32
    %dma_start3A_497 = tpu.memref_slice %arg4[%arg0, %arg1, %dma_start3A_480, %dma_start3A_495, %dma_start3A_496] : memref<2x16x250x2x80xi32, #tpu.memory_space<hbm>> -> memref<1x1x1x2x80xi32, #tpu.memory_space<hbm>>
    %dma_start3A_498 = tpu.memref_squeeze %dma_start3A_497 : memref<1x1x1x2x80xi32, #tpu.memory_space<hbm>> -> memref<2x80xi32, #tpu.memory_space<hbm>>
    tpu.enqueue_dma source(%dma_start3A_498 : memref<2x80xi32, #tpu.memory_space<hbm>>) target(%dma_start3A_494 : memref<2x80xi32, #tpu.memory_space<vmem>>) target_semaphore(%dma_start3A_490 : memref<!tpu.dma_semaphore, #tpu.memory_space<semaphore_mem>>)
    %rem3A_499 = arith.constant 0 : i32
    %rem3A_500 = arith.constant 8 : i32
    %rem3A_501 = arith.remsi %rem3A_499, %rem3A_500 : i32
    %dma_wait3A_502 = arith.constant 0 : i32
    %dma_wait3A_503 = arith.constant 0 : i32
    %dma_wait3A_504 = arith.constant 0 : i32
    %dma_wait3A_505 = tpu.memref_slice %arg15[%rem3A_501, %dma_wait3A_503, %dma_wait3A_504] : memref<8x2x80xi32, #tpu.memory_space<vmem>> -> memref<1x2x80xi32, #tpu.memory_space<vmem>>
    %dma_wait3A_506 = tpu.memref_squeeze %dma_wait3A_505 : memref<1x2x80xi32, #tpu.memory_space<vmem>> -> memref<2x80xi32, #tpu.memory_space<vmem>>
    %dma_wait3A_507 = arith.constant 0 : i32
    %dma_wait3A_508 = arith.constant 0 : i32
    %dma_wait3A_509 = tpu.memref_slice %arg4[%arg0, %arg1, %dma_wait3A_502, %dma_wait3A_507, %dma_wait3A_508] : memref<2x16x250x2x80xi32, #tpu.memory_space<hbm>> -> memref<1x1x1x2x80xi32, #tpu.memory_space<hbm>>
    %dma_wait3A_510 = tpu.memref_squeeze %dma_wait3A_509 : memref<1x1x1x2x80xi32, #tpu.memory_space<hbm>> -> memref<2x80xi32, #tpu.memory_space<hbm>>
    %dma_wait3A_511 = tpu.memref_slice %arg29[%rem3A_501] : memref<8x!tpu.dma_semaphore, #tpu.memory_space<semaphore_mem>> -> memref<1x!tpu.dma_semaphore, #tpu.memory_space<semaphore_mem>>
    %dma_wait3A_512 = tpu.memref_squeeze %dma_wait3A_511 : memref<1x!tpu.dma_semaphore, #tpu.memory_space<semaphore_mem>> -> memref<!tpu.dma_semaphore, #tpu.memory_space<semaphore_mem>>
    %dma_wait3A_513 = arith.constant 0 : i32
    %dma_wait3A_514 = arith.constant 0 : i32
    %dma_wait3A_515 = tpu.memref_slice %arg15[%rem3A_501, %dma_wait3A_513, %dma_wait3A_514] : memref<8x2x80xi32, #tpu.memory_space<vmem>> -> memref<1x2x80xi32, #tpu.memory_space<vmem>>
    %dma_wait3A_516 = tpu.memref_squeeze %dma_wait3A_515 : memref<1x2x80xi32, #tpu.memory_space<vmem>> -> memref<2x80xi32, #tpu.memory_space<vmem>>
    %dma_wait3A_517 = arith.constant 0 : i32
    %dma_wait3A_518 = arith.constant 0 : i32
    %dma_wait3A_519 = tpu.memref_slice %arg4[%arg0, %arg1, %dma_wait3A_502, %dma_wait3A_517, %dma_wait3A_518] : memref<2x16x250x2x80xi32, #tpu.memory_space<hbm>> -> memref<1x1x1x2x80xi32, #tpu.memory_space<hbm>>
    %dma_wait3A_520 = tpu.memref_squeeze %dma_wait3A_519 : memref<1x1x1x2x80xi32, #tpu.memory_space<hbm>> -> memref<2x80xi32, #tpu.memory_space<hbm>>
    tpu.wait_dma2 semaphore(%dma_wait3A_512 : memref<!tpu.dma_semaphore, #tpu.memory_space<semaphore_mem>>) src(%dma_wait3A_520 : memref<2x80xi32, #tpu.memory_space<hbm>>) dst(%dma_wait3A_516 : memref<2x80xi32, #tpu.memory_space<vmem>>)
    %dma_start3A_521 = arith.constant 0 : i32
    %dma_start3A_522 = arith.constant 0 : i32
    %dma_start3A_523 = arith.constant 0 : i32
    %dma_start3A_524 = arith.constant 0 : i32
    %dma_start3A_525 = arith.constant 0 : i32
    %dma_start3A_526 = arith.constant 0 : i32
    %dma_start3A_527 = tpu.memref_slice %arg23[%dma_start3A_523, %dma_start3A_525, %dma_start3A_526] : memref<4x80x64xf32, #tpu.memory_space<vmem>> -> memref<1x80x64xf32, #tpu.memory_space<vmem>>
    %dma_start3A_528 = tpu.memref_squeeze %dma_start3A_527 : memref<1x80x64xf32, #tpu.memory_space<vmem>> -> memref<80x64xf32, #tpu.memory_space<vmem>>
    %dma_start3A_529 = arith.constant 0 : i32
    %dma_start3A_530 = tpu.memref_slice %arg15[%dma_start3A_521, %dma_start3A_522, %dma_start3A_529] : memref<8x2x80xi32, #tpu.memory_space<vmem>> -> memref<1x1x80xi32, #tpu.memory_space<vmem>>
    %dma_start3A_531 = tpu.memref_squeeze %dma_start3A_530 : memref<1x1x80xi32, #tpu.memory_space<vmem>> -> memref<80xi32, #tpu.memory_space<vmem>>
    %dma_start3A_532 = arith.constant 0 : i32
    %dma_start3A_533 = arith.constant 0 : i32
    %dma_start3A_534 = tpu.memref_slice %arg3[%dma_start3A_532, %dma_start3A_533] : memref<10000x64xf32, #tpu.memory_space<hbm>> -> memref<10000x64xf32, #tpu.memory_space<hbm>>
    %dma_start3A_535 = tpu.memref_slice %arg27[%dma_start3A_524] : memref<4x!tpu.dma_semaphore, #tpu.memory_space<semaphore_mem>> -> memref<1x!tpu.dma_semaphore, #tpu.memory_space<semaphore_mem>>
    %dma_start3A_536 = tpu.memref_squeeze %dma_start3A_535 : memref<1x!tpu.dma_semaphore, #tpu.memory_space<semaphore_mem>> -> memref<!tpu.dma_semaphore, #tpu.memory_space<semaphore_mem>>
    tpu.enqueue_indirect_dma source(%dma_start3A_534 : memref<10000x64xf32, #tpu.memory_space<hbm>>) target(%dma_start3A_528 : memref<80x64xf32, #tpu.memory_space<vmem>>) offsets(%dma_start3A_531 : memref<80xi32, #tpu.memory_space<vmem>>) semaphore(%dma_start3A_536 : memref<!tpu.dma_semaphore, #tpu.memory_space<semaphore_mem>>)
    %rem3A_537 = arith.constant 1 : i32
    %rem3A_538 = arith.constant 8 : i32
    %rem3A_539 = arith.remsi %rem3A_537, %rem3A_538 : i32
    %dma_wait3A_540 = arith.constant 1 : i32
    %dma_wait3A_541 = arith.constant 0 : i32
    %dma_wait3A_542 = arith.constant 0 : i32
    %dma_wait3A_543 = tpu.memref_slice %arg15[%rem3A_539, %dma_wait3A_541, %dma_wait3A_542] : memref<8x2x80xi32, #tpu.memory_space<vmem>> -> memref<1x2x80xi32, #tpu.memory_space<vmem>>
    %dma_wait3A_544 = tpu.memref_squeeze %dma_wait3A_543 : memref<1x2x80xi32, #tpu.memory_space<vmem>> -> memref<2x80xi32, #tpu.memory_space<vmem>>
    %dma_wait3A_545 = arith.constant 0 : i32
    %dma_wait3A_546 = arith.constant 0 : i32
    %dma_wait3A_547 = tpu.memref_slice %arg4[%arg0, %arg1, %dma_wait3A_540, %dma_wait3A_545, %dma_wait3A_546] : memref<2x16x250x2x80xi32, #tpu.memory_space<hbm>> -> memref<1x1x1x2x80xi32, #tpu.memory_space<hbm>>
    %dma_wait3A_548 = tpu.memref_squeeze %dma_wait3A_547 : memref<1x1x1x2x80xi32, #tpu.memory_space<hbm>> -> memref<2x80xi32, #tpu.memory_space<hbm>>
    %dma_wait3A_549 = tpu.memref_slice %arg29[%rem3A_539] : memref<8x!tpu.dma_semaphore, #tpu.memory_space<semaphore_mem>> -> memref<1x!tpu.dma_semaphore, #tpu.memory_space<semaphore_mem>>
    %dma_wait3A_550 = tpu.memref_squeeze %dma_wait3A_549 : memref<1x!tpu.dma_semaphore, #tpu.memory_space<semaphore_mem>> -> memref<!tpu.dma_semaphore, #tpu.memory_space<semaphore_mem>>
    %dma_wait3A_551 = arith.constant 0 : i32
    %dma_wait3A_552 = arith.constant 0 : i32
    %dma_wait3A_553 = tpu.memref_slice %arg15[%rem3A_539, %dma_wait3A_551, %dma_wait3A_552] : memref<8x2x80xi32, #tpu.memory_space<vmem>> -> memref<1x2x80xi32, #tpu.memory_space<vmem>>
    %dma_wait3A_554 = tpu.memref_squeeze %dma_wait3A_553 : memref<1x2x80xi32, #tpu.memory_space<vmem>> -> memref<2x80xi32, #tpu.memory_space<vmem>>
    %dma_wait3A_555 = arith.constant 0 : i32
    %dma_wait3A_556 = arith.constant 0 : i32
    %dma_wait3A_557 = tpu.memref_slice %arg4[%arg0, %arg1, %dma_wait3A_540, %dma_wait3A_555, %dma_wait3A_556] : memref<2x16x250x2x80xi32, #tpu.memory_space<hbm>> -> memref<1x1x1x2x80xi32, #tpu.memory_space<hbm>>
    %dma_wait3A_558 = tpu.memref_squeeze %dma_wait3A_557 : memref<1x1x1x2x80xi32, #tpu.memory_space<hbm>> -> memref<2x80xi32, #tpu.memory_space<hbm>>
    tpu.wait_dma2 semaphore(%dma_wait3A_550 : memref<!tpu.dma_semaphore, #tpu.memory_space<semaphore_mem>>) src(%dma_wait3A_558 : memref<2x80xi32, #tpu.memory_space<hbm>>) dst(%dma_wait3A_554 : memref<2x80xi32, #tpu.memory_space<vmem>>)
    %dma_start3A_559 = arith.constant 1 : i32
    %dma_start3A_560 = arith.constant 0 : i32
    %dma_start3A_561 = arith.constant 1 : i32
    %dma_start3A_562 = arith.constant 1 : i32
    %dma_start3A_563 = arith.constant 0 : i32
    %dma_start3A_564 = arith.constant 0 : i32
    %dma_start3A_565 = tpu.memref_slice %arg23[%dma_start3A_561, %dma_start3A_563, %dma_start3A_564] : memref<4x80x64xf32, #tpu.memory_space<vmem>> -> memref<1x80x64xf32, #tpu.memory_space<vmem>>
    %dma_start3A_566 = tpu.memref_squeeze %dma_start3A_565 : memref<1x80x64xf32, #tpu.memory_space<vmem>> -> memref<80x64xf32, #tpu.memory_space<vmem>>
    %dma_start3A_567 = arith.constant 0 : i32
    %dma_start3A_568 = tpu.memref_slice %arg15[%dma_start3A_559, %dma_start3A_560, %dma_start3A_567] : memref<8x2x80xi32, #tpu.memory_space<vmem>> -> memref<1x1x80xi32, #tpu.memory_space<vmem>>
    %dma_start3A_569 = tpu.memref_squeeze %dma_start3A_568 : memref<1x1x80xi32, #tpu.memory_space<vmem>> -> memref<80xi32, #tpu.memory_space<vmem>>
    %dma_start3A_570 = arith.constant 0 : i32
    %dma_start3A_571 = arith.constant 0 : i32
    %dma_start3A_572 = tpu.memref_slice %arg3[%dma_start3A_570, %dma_start3A_571] : memref<10000x64xf32, #tpu.memory_space<hbm>> -> memref<10000x64xf32, #tpu.memory_space<hbm>>
    %dma_start3A_573 = tpu.memref_slice %arg27[%dma_start3A_562] : memref<4x!tpu.dma_semaphore, #tpu.memory_space<semaphore_mem>> -> memref<1x!tpu.dma_semaphore, #tpu.memory_space<semaphore_mem>>
    %dma_start3A_574 = tpu.memref_squeeze %dma_start3A_573 : memref<1x!tpu.dma_semaphore, #tpu.memory_space<semaphore_mem>> -> memref<!tpu.dma_semaphore, #tpu.memory_space<semaphore_mem>>
    tpu.enqueue_indirect_dma source(%dma_start3A_572 : memref<10000x64xf32, #tpu.memory_space<hbm>>) target(%dma_start3A_566 : memref<80x64xf32, #tpu.memory_space<vmem>>) offsets(%dma_start3A_569 : memref<80xi32, #tpu.memory_space<vmem>>) semaphore(%dma_start3A_574 : memref<!tpu.dma_semaphore, #tpu.memory_space<semaphore_mem>>)
    %rem3A_575 = arith.constant 2 : i32
    %rem3A_576 = arith.constant 8 : i32
    %rem3A_577 = arith.remsi %rem3A_575, %rem3A_576 : i32
    %dma_wait3A_578 = arith.constant 2 : i32
    %dma_wait3A_579 = arith.constant 0 : i32
    %dma_wait3A_580 = arith.constant 0 : i32
    %dma_wait3A_581 = tpu.memref_slice %arg15[%rem3A_577, %dma_wait3A_579, %dma_wait3A_580] : memref<8x2x80xi32, #tpu.memory_space<vmem>> -> memref<1x2x80xi32, #tpu.memory_space<vmem>>
    %dma_wait3A_582 = tpu.memref_squeeze %dma_wait3A_581 : memref<1x2x80xi32, #tpu.memory_space<vmem>> -> memref<2x80xi32, #tpu.memory_space<vmem>>
    %dma_wait3A_583 = arith.constant 0 : i32
    %dma_wait3A_584 = arith.constant 0 : i32
    %dma_wait3A_585 = tpu.memref_slice %arg4[%arg0, %arg1, %dma_wait3A_578, %dma_wait3A_583, %dma_wait3A_584] : memref<2x16x250x2x80xi32, #tpu.memory_space<hbm>> -> memref<1x1x1x2x80xi32, #tpu.memory_space<hbm>>
    %dma_wait3A_586 = tpu.memref_squeeze %dma_wait3A_585 : memref<1x1x1x2x80xi32, #tpu.memory_space<hbm>> -> memref<2x80xi32, #tpu.memory_space<hbm>>
    %dma_wait3A_587 = tpu.memref_slice %arg29[%rem3A_577] : memref<8x!tpu.dma_semaphore, #tpu.memory_space<semaphore_mem>> -> memref<1x!tpu.dma_semaphore, #tpu.memory_space<semaphore_mem>>
    %dma_wait3A_588 = tpu.memref_squeeze %dma_wait3A_587 : memref<1x!tpu.dma_semaphore, #tpu.memory_space<semaphore_mem>> -> memref<!tpu.dma_semaphore, #tpu.memory_space<semaphore_mem>>
    %dma_wait3A_589 = arith.constant 0 : i32
    %dma_wait3A_590 = arith.constant 0 : i32
    %dma_wait3A_591 = tpu.memref_slice %arg15[%rem3A_577, %dma_wait3A_589, %dma_wait3A_590] : memref<8x2x80xi32, #tpu.memory_space<vmem>> -> memref<1x2x80xi32, #tpu.memory_space<vmem>>
    %dma_wait3A_592 = tpu.memref_squeeze %dma_wait3A_591 : memref<1x2x80xi32, #tpu.memory_space<vmem>> -> memref<2x80xi32, #tpu.memory_space<vmem>>
    %dma_wait3A_593 = arith.constant 0 : i32
    %dma_wait3A_594 = arith.constant 0 : i32
    %dma_wait3A_595 = tpu.memref_slice %arg4[%arg0, %arg1, %dma_wait3A_578, %dma_wait3A_593, %dma_wait3A_594] : memref<2x16x250x2x80xi32, #tpu.memory_space<hbm>> -> memref<1x1x1x2x80xi32, #tpu.memory_space<hbm>>
    %dma_wait3A_596 = tpu.memref_squeeze %dma_wait3A_595 : memref<1x1x1x2x80xi32, #tpu.memory_space<hbm>> -> memref<2x80xi32, #tpu.memory_space<hbm>>
    tpu.wait_dma2 semaphore(%dma_wait3A_588 : memref<!tpu.dma_semaphore, #tpu.memory_space<semaphore_mem>>) src(%dma_wait3A_596 : memref<2x80xi32, #tpu.memory_space<hbm>>) dst(%dma_wait3A_592 : memref<2x80xi32, #tpu.memory_space<vmem>>)
    %dma_start3A_597 = arith.constant 2 : i32
    %dma_start3A_598 = arith.constant 0 : i32
    %dma_start3A_599 = arith.constant 2 : i32
    %dma_start3A_600 = arith.constant 2 : i32
    %dma_start3A_601 = arith.constant 0 : i32
    %dma_start3A_602 = arith.constant 0 : i32
    %dma_start3A_603 = tpu.memref_slice %arg23[%dma_start3A_599, %dma_start3A_601, %dma_start3A_602] : memref<4x80x64xf32, #tpu.memory_space<vmem>> -> memref<1x80x64xf32, #tpu.memory_space<vmem>>
    %dma_start3A_604 = tpu.memref_squeeze %dma_start3A_603 : memref<1x80x64xf32, #tpu.memory_space<vmem>> -> memref<80x64xf32, #tpu.memory_space<vmem>>
    %dma_start3A_605 = arith.constant 0 : i32
    %dma_start3A_606 = tpu.memref_slice %arg15[%dma_start3A_597, %dma_start3A_598, %dma_start3A_605] : memref<8x2x80xi32, #tpu.memory_space<vmem>> -> memref<1x1x80xi32, #tpu.memory_space<vmem>>
    %dma_start3A_607 = tpu.memref_squeeze %dma_start3A_606 : memref<1x1x80xi32, #tpu.memory_space<vmem>> -> memref<80xi32, #tpu.memory_space<vmem>>
    %dma_start3A_608 = arith.constant 0 : i32
    %dma_start3A_609 = arith.constant 0 : i32
    %dma_start3A_610 = tpu.memref_slice %arg3[%dma_start3A_608, %dma_start3A_609] : memref<10000x64xf32, #tpu.memory_space<hbm>> -> memref<10000x64xf32, #tpu.memory_space<hbm>>
    %dma_start3A_611 = tpu.memref_slice %arg27[%dma_start3A_600] : memref<4x!tpu.dma_semaphore, #tpu.memory_space<semaphore_mem>> -> memref<1x!tpu.dma_semaphore, #tpu.memory_space<semaphore_mem>>
    %dma_start3A_612 = tpu.memref_squeeze %dma_start3A_611 : memref<1x!tpu.dma_semaphore, #tpu.memory_space<semaphore_mem>> -> memref<!tpu.dma_semaphore, #tpu.memory_space<semaphore_mem>>
    tpu.enqueue_indirect_dma source(%dma_start3A_610 : memref<10000x64xf32, #tpu.memory_space<hbm>>) target(%dma_start3A_604 : memref<80x64xf32, #tpu.memory_space<vmem>>) offsets(%dma_start3A_607 : memref<80xi32, #tpu.memory_space<vmem>>) semaphore(%dma_start3A_612 : memref<!tpu.dma_semaphore, #tpu.memory_space<semaphore_mem>>)
    %scan3A_613 = arith.constant 0 : i32
    %scan3A_614 = arith.constant 0 : i32
    %scan3A_615 = arith.constant 250 : i32
    %scan3A_616 = arith.addi %scan3A_614, %scan3A_615 : i32
    %scan3A_617 = arith.constant 1 : i32
    %scan3A_618 = scf.for %scan3A_698 = %scan3A_614 to %scan3A_616 step %scan3A_617 iter_args(%scan3A_699 = %scan3A_613) -> (i32)  : i32 {
      %rem3A_700 = arith.constant 4 : i32
      %rem3A_701 = arith.remsi %scan3A_698, %rem3A_700 : i32
      %rem3A_702 = arith.constant 8 : i32
      %rem3A_703 = arith.remsi %scan3A_698, %rem3A_702 : i32
      %get3A = arith.constant 0 : i32
      %get3A_704 = arith.index_cast %rem3A_703 : i32 to index
      %get3A_705 = arith.index_cast %get3A : i32 to index
      %get3A_706 = arith.constant 0 : index
      %get3A_707 = tpu.vector_load %arg15[%get3A_704, %get3A_705, %get3A_706] {strides = array<i32>} : memref<8x2x80xi32, #tpu.memory_space<vmem>>, vector<16xi32>,
      %get3A_708 = arith.constant 1 : i32
      %get3A_709 = arith.index_cast %rem3A_703 : i32 to index
      %get3A_710 = arith.index_cast %get3A_708 : i32 to index
      %get3A_711 = arith.constant 0 : index
      %get3A_712 = tpu.vector_load %arg15[%get3A_709, %get3A_710, %get3A_711] {strides = array<i32>} : memref<8x2x80xi32, #tpu.memory_space<vmem>>, vector<16xi32>,
      %gather3A = tpu.vector_load_idx %arg16[%get3A_707] : memref<10000xf32, #tpu.memory_space<vmem>>[vector<16xi32>], vector<16xf32>,
      %gather3A_713 = tpu.vector_load_idx %arg17[%get3A_707] : memref<10000xf32, #tpu.memory_space<vmem>>[vector<16xi32>], vector<16xf32>,
      %gather3A_714 = tpu.vector_load_idx %arg18[%get3A_712] : memref<10000xf32, #tpu.memory_space<vmem>>[vector<16xi32>], vector<16xf32>,
      %add3A = arith.addf %gather3A_713, %gather3A_714 : vector<16xf32>
      %ge3A = arith.constant 0.000000e+00 : f32
      %ge3A_715 = vector.broadcast %ge3A : f32 to vector<16xf32>
      %ge3A_716 = arith.cmpf oge, %add3A, %ge3A_715 : vector<16xf32>
      %mul3A_717 = arith.constant 2.000000e-01 : f32
      %mul3A_718 = vector.broadcast %mul3A_717 : f32 to vector<16xf32>
      %mul3A_719 = arith.mulf %add3A, %mul3A_718 : vector<16xf32>
      %select_n3A = arith.select %ge3A_716, %add3A, %mul3A_719 : vector<16xi1>, vector<16xf32>
      %add3A_720 = arith.addf %select_n3A, %gather3A : vector<16xf32>
      %exp3A = math.exp %add3A_720 : vector<16xf32>
      %swap3A = arith.constant 0 : index
      %swap3A_721 = tpu.vector_load %arg19[%swap3A] {strides = array<i32>} : memref<80xf32, #tpu.memory_space<vmem>>, vector<16xf32>,
      tpu.vector_store %arg19[%swap3A], %exp3A {strides = array<i32>} : memref<80xf32, #tpu.memory_space<vmem>>, vector<16xf32>,
      %get3A_722 = arith.constant 0 : i32
      %get3A_723 = arith.index_cast %rem3A_703 : i32 to index
      %get3A_724 = arith.index_cast %get3A_722 : i32 to index
      %get3A_725 = arith.constant 16 : index
      %get3A_726 = tpu.vector_load %arg15[%get3A_723, %get3A_724, %get3A_725] {strides = array<i32>} : memref<8x2x80xi32, #tpu.memory_space<vmem>>, vector<16xi32>,
      %get3A_727 = arith.constant 1 : i32
      %get3A_728 = arith.index_cast %rem3A_703 : i32 to index
      %get3A_729 = arith.index_cast %get3A_727 : i32 to index
      %get3A_730 = arith.constant 16 : index
      %get3A_731 = tpu.vector_load %arg15[%get3A_728, %get3A_729, %get3A_730] {strides = array<i32>} : memref<8x2x80xi32, #tpu.memory_space<vmem>>, vector<16xi32>,
      %gather3A_732 = tpu.vector_load_idx %arg16[%get3A_726] : memref<10000xf32, #tpu.memory_space<vmem>>[vector<16xi32>], vector<16xf32>,
      %gather3A_733 = tpu.vector_load_idx %arg17[%get3A_726] : memref<10000xf32, #tpu.memory_space<vmem>>[vector<16xi32>], vector<16xf32>,
      %gather3A_734 = tpu.vector_load_idx %arg18[%get3A_731] : memref<10000xf32, #tpu.memory_space<vmem>>[vector<16xi32>], vector<16xf32>,
      %add3A_735 = arith.addf %gather3A_733, %gather3A_734 : vector<16xf32>
      %ge3A_736 = arith.constant 0.000000e+00 : f32
      %ge3A_737 = vector.broadcast %ge3A_736 : f32 to vector<16xf32>
      %ge3A_738 = arith.cmpf oge, %add3A_735, %ge3A_737 : vector<16xf32>
      %mul3A_739 = arith.constant 2.000000e-01 : f32
      %mul3A_740 = vector.broadcast %mul3A_739 : f32 to vector<16xf32>
      %mul3A_741 = arith.mulf %add3A_735, %mul3A_740 : vector<16xf32>
      %select_n3A_742 = arith.select %ge3A_738, %add3A_735, %mul3A_741 : vector<16xi1>, vector<16xf32>
      %add3A_743 = arith.addf %select_n3A_742, %gather3A_732 : vector<16xf32>
      %exp3A_744 = math.exp %add3A_743 : vector<16xf32>
      %swap3A_745 = arith.constant 16 : index
      %swap3A_746 = tpu.vector_load %arg19[%swap3A_745] {strides = array<i32>} : memref<80xf32, #tpu.memory_space<vmem>>, vector<16xf32>,
      tpu.vector_store %arg19[%swap3A_745], %exp3A_744 {strides = array<i32>} : memref<80xf32, #tpu.memory_space<vmem>>, vector<16xf32>,
      %get3A_747 = arith.constant 0 : i32
      %get3A_748 = arith.index_cast %rem3A_703 : i32 to index
      %get3A_749 = arith.index_cast %get3A_747 : i32 to index
      %get3A_750 = arith.constant 32 : index
      %get3A_751 = tpu.vector_load %arg15[%get3A_748, %get3A_749, %get3A_750] {strides = array<i32>} : memref<8x2x80xi32, #tpu.memory_space<vmem>>, vector<16xi32>,
      %get3A_752 = arith.constant 1 : i32
      %get3A_753 = arith.index_cast %rem3A_703 : i32 to index
      %get3A_754 = arith.index_cast %get3A_752 : i32 to index
      %get3A_755 = arith.constant 32 : index
      %get3A_756 = tpu.vector_load %arg15[%get3A_753, %get3A_754, %get3A_755] {strides = array<i32>} : memref<8x2x80xi32, #tpu.memory_space<vmem>>, vector<16xi32>,
      %gather3A_757 = tpu.vector_load_idx %arg16[%get3A_751] : memref<10000xf32, #tpu.memory_space<vmem>>[vector<16xi32>], vector<16xf32>,
      %gather3A_758 = tpu.vector_load_idx %arg17[%get3A_751] : memref<10000xf32, #tpu.memory_space<vmem>>[vector<16xi32>], vector<16xf32>,
      %gather3A_759 = tpu.vector_load_idx %arg18[%get3A_756] : memref<10000xf32, #tpu.memory_space<vmem>>[vector<16xi32>], vector<16xf32>,
      %add3A_760 = arith.addf %gather3A_758, %gather3A_759 : vector<16xf32>
      %ge3A_761 = arith.constant 0.000000e+00 : f32
      %ge3A_762 = vector.broadcast %ge3A_761 : f32 to vector<16xf32>
      %ge3A_763 = arith.cmpf oge, %add3A_760, %ge3A_762 : vector<16xf32>
      %mul3A_764 = arith.constant 2.000000e-01 : f32
      %mul3A_765 = vector.broadcast %mul3A_764 : f32 to vector<16xf32>
      %mul3A_766 = arith.mulf %add3A_760, %mul3A_765 : vector<16xf32>
      %select_n3A_767 = arith.select %ge3A_763, %add3A_760, %mul3A_766 : vector<16xi1>, vector<16xf32>
      %add3A_768 = arith.addf %select_n3A_767, %gather3A_757 : vector<16xf32>
      %exp3A_769 = math.exp %add3A_768 : vector<16xf32>
      %swap3A_770 = arith.constant 32 : index
      %swap3A_771 = tpu.vector_load %arg19[%swap3A_770] {strides = array<i32>} : memref<80xf32, #tpu.memory_space<vmem>>, vector<16xf32>,
      tpu.vector_store %arg19[%swap3A_770], %exp3A_769 {strides = array<i32>} : memref<80xf32, #tpu.memory_space<vmem>>, vector<16xf32>,
      %get3A_772 = arith.constant 0 : i32
      %get3A_773 = arith.index_cast %rem3A_703 : i32 to index
      %get3A_774 = arith.index_cast %get3A_772 : i32 to index
      %get3A_775 = arith.constant 48 : index
      %get3A_776 = tpu.vector_load %arg15[%get3A_773, %get3A_774, %get3A_775] {strides = array<i32>} : memref<8x2x80xi32, #tpu.memory_space<vmem>>, vector<16xi32>,
      %get3A_777 = arith.constant 1 : i32
      %get3A_778 = arith.index_cast %rem3A_703 : i32 to index
      %get3A_779 = arith.index_cast %get3A_777 : i32 to index
      %get3A_780 = arith.constant 48 : index
      %get3A_781 = tpu.vector_load %arg15[%get3A_778, %get3A_779, %get3A_780] {strides = array<i32>} : memref<8x2x80xi32, #tpu.memory_space<vmem>>, vector<16xi32>,
      %gather3A_782 = tpu.vector_load_idx %arg16[%get3A_776] : memref<10000xf32, #tpu.memory_space<vmem>>[vector<16xi32>], vector<16xf32>,
      %gather3A_783 = tpu.vector_load_idx %arg17[%get3A_776] : memref<10000xf32, #tpu.memory_space<vmem>>[vector<16xi32>], vector<16xf32>,
      %gather3A_784 = tpu.vector_load_idx %arg18[%get3A_781] : memref<10000xf32, #tpu.memory_space<vmem>>[vector<16xi32>], vector<16xf32>,
      %add3A_785 = arith.addf %gather3A_783, %gather3A_784 : vector<16xf32>
      %ge3A_786 = arith.constant 0.000000e+00 : f32
      %ge3A_787 = vector.broadcast %ge3A_786 : f32 to vector<16xf32>
      %ge3A_788 = arith.cmpf oge, %add3A_785, %ge3A_787 : vector<16xf32>
      %mul3A_789 = arith.constant 2.000000e-01 : f32
      %mul3A_790 = vector.broadcast %mul3A_789 : f32 to vector<16xf32>
      %mul3A_791 = arith.mulf %add3A_785, %mul3A_790 : vector<16xf32>
      %select_n3A_792 = arith.select %ge3A_788, %add3A_785, %mul3A_791 : vector<16xi1>, vector<16xf32>
      %add3A_793 = arith.addf %select_n3A_792, %gather3A_782 : vector<16xf32>
      %exp3A_794 = math.exp %add3A_793 : vector<16xf32>
      %swap3A_795 = arith.constant 48 : index
      %swap3A_796 = tpu.vector_load %arg19[%swap3A_795] {strides = array<i32>} : memref<80xf32, #tpu.memory_space<vmem>>, vector<16xf32>,
      tpu.vector_store %arg19[%swap3A_795], %exp3A_794 {strides = array<i32>} : memref<80xf32, #tpu.memory_space<vmem>>, vector<16xf32>,
      %get3A_797 = arith.constant 0 : i32
      %get3A_798 = arith.index_cast %rem3A_703 : i32 to index
      %get3A_799 = arith.index_cast %get3A_797 : i32 to index
      %get3A_800 = arith.constant 64 : index
      %get3A_801 = tpu.vector_load %arg15[%get3A_798, %get3A_799, %get3A_800] {strides = array<i32>} : memref<8x2x80xi32, #tpu.memory_space<vmem>>, vector<16xi32>,
      %get3A_802 = arith.constant 1 : i32
      %get3A_803 = arith.index_cast %rem3A_703 : i32 to index
      %get3A_804 = arith.index_cast %get3A_802 : i32 to index
      %get3A_805 = arith.constant 64 : index
      %get3A_806 = tpu.vector_load %arg15[%get3A_803, %get3A_804, %get3A_805] {strides = array<i32>} : memref<8x2x80xi32, #tpu.memory_space<vmem>>, vector<16xi32>,
      %gather3A_807 = tpu.vector_load_idx %arg16[%get3A_801] : memref<10000xf32, #tpu.memory_space<vmem>>[vector<16xi32>], vector<16xf32>,
      %gather3A_808 = tpu.vector_load_idx %arg17[%get3A_801] : memref<10000xf32, #tpu.memory_space<vmem>>[vector<16xi32>], vector<16xf32>,
      %gather3A_809 = tpu.vector_load_idx %arg18[%get3A_806] : memref<10000xf32, #tpu.memory_space<vmem>>[vector<16xi32>], vector<16xf32>,
      %add3A_810 = arith.addf %gather3A_808, %gather3A_809 : vector<16xf32>
      %ge3A_811 = arith.constant 0.000000e+00 : f32
      %ge3A_812 = vector.broadcast %ge3A_811 : f32 to vector<16xf32>
      %ge3A_813 = arith.cmpf oge, %add3A_810, %ge3A_812 : vector<16xf32>
      %mul3A_814 = arith.constant 2.000000e-01 : f32
      %mul3A_815 = vector.broadcast %mul3A_814 : f32 to vector<16xf32>
      %mul3A_816 = arith.mulf %add3A_810, %mul3A_815 : vector<16xf32>
      %select_n3A_817 = arith.select %ge3A_813, %add3A_810, %mul3A_816 : vector<16xi1>, vector<16xf32>
      %add3A_818 = arith.addf %select_n3A_817, %gather3A_807 : vector<16xf32>
      %exp3A_819 = math.exp %add3A_818 : vector<16xf32>
      %swap3A_820 = arith.constant 64 : index
      %swap3A_821 = tpu.vector_load %arg19[%swap3A_820] {strides = array<i32>} : memref<80xf32, #tpu.memory_space<vmem>>, vector<16xf32>,
      tpu.vector_store %arg19[%swap3A_820], %exp3A_819 {strides = array<i32>} : memref<80xf32, #tpu.memory_space<vmem>>, vector<16xf32>,
      %dma_wait3A_822 = arith.constant 0 : i32
      %dma_wait3A_823 = arith.constant 0 : i32
      %dma_wait3A_824 = arith.constant 0 : i32
      %dma_wait3A_825 = tpu.memref_slice %arg23[%rem3A_701, %dma_wait3A_823, %dma_wait3A_824] : memref<4x80x64xf32, #tpu.memory_space<vmem>> -> memref<1x80x64xf32, #tpu.memory_space<vmem>>
      %dma_wait3A_826 = tpu.memref_squeeze %dma_wait3A_825 : memref<1x80x64xf32, #tpu.memory_space<vmem>> -> memref<80x64xf32, #tpu.memory_space<vmem>>
      %dma_wait3A_827 = arith.constant 0 : i32
      %dma_wait3A_828 = tpu.memref_slice %arg15[%rem3A_703, %dma_wait3A_822, %dma_wait3A_827] : memref<8x2x80xi32, #tpu.memory_space<vmem>> -> memref<1x1x80xi32, #tpu.memory_space<vmem>>
      %dma_wait3A_829 = tpu.memref_squeeze %dma_wait3A_828 : memref<1x1x80xi32, #tpu.memory_space<vmem>> -> memref<80xi32, #tpu.memory_space<vmem>>
      %dma_wait3A_830 = arith.constant 0 : i32
      %dma_wait3A_831 = arith.constant 0 : i32
      %dma_wait3A_832 = tpu.memref_slice %arg3[%dma_wait3A_830, %dma_wait3A_831] : memref<10000x64xf32, #tpu.memory_space<hbm>> -> memref<10000x64xf32, #tpu.memory_space<hbm>>
      %dma_wait3A_833 = tpu.memref_slice %arg27[%rem3A_701] : memref<4x!tpu.dma_semaphore, #tpu.memory_space<semaphore_mem>> -> memref<1x!tpu.dma_semaphore, #tpu.memory_space<semaphore_mem>>
      %dma_wait3A_834 = tpu.memref_squeeze %dma_wait3A_833 : memref<1x!tpu.dma_semaphore, #tpu.memory_space<semaphore_mem>> -> memref<!tpu.dma_semaphore, #tpu.memory_space<semaphore_mem>>
      tpu.wait_indirect_dma semaphore(%dma_wait3A_834 : memref<!tpu.dma_semaphore, #tpu.memory_space<semaphore_mem>>) src(%dma_wait3A_832 : memref<10000x64xf32, #tpu.memory_space<hbm>>) dst(%dma_wait3A_826 : memref<80x64xf32, #tpu.memory_space<vmem>>)
      %scan3A_835 = arith.constant 0 : i32
      %scan3A_836 = arith.constant 0 : i32
      %scan3A_837 = arith.constant 20 : i32
      %scan3A_838 = arith.addi %scan3A_836, %scan3A_837 : i32
      %scan3A_839 = arith.constant 1 : i32
      %scan3A_840 = scf.for %scan3A_870 = %scan3A_836 to %scan3A_838 step %scan3A_839 iter_args(%scan3A_871 = %scan3A_835) -> (i32)  : i32 {
        %mul3A_872 = arith.constant 4 : i32
        %mul3A_873 = arith.muli %scan3A_870, %mul3A_872 : i32
        %add3A_874 = arith.constant 0 : i32
        %add3A_875 = arith.addi %mul3A_873, %add3A_874 : i32
        %broadcast_in_dim3A_876 = vector.broadcast %add3A_875 : i32 to vector<16xi32>
        %gather3A_877 = tpu.vector_load_idx %arg19[%broadcast_in_dim3A_876] : memref<80xf32, #tpu.memory_space<vmem>>[vector<16xi32>], vector<16xf32>,
        %add3A_878 = arith.constant 0 : i32
        %add3A_879 = arith.addi %mul3A_873, %add3A_878 : i32
        %get3A_880 = arith.index_cast %rem3A_701 : i32 to index
        %get3A_881 = arith.index_cast %add3A_879 : i32 to index
        %get3A_882 = arith.constant 0 : index
        %get3A_883 = tpu.vector_load %arg23[%get3A_880, %get3A_881, %get3A_882] {strides = array<i32>} : memref<4x80x64xf32, #tpu.memory_space<vmem>>, vector<16xf32>,
        %mul3A_884 = arith.mulf %get3A_883, %gather3A_877 : vector<16xf32>
        %add3A_885 = arith.constant 0 : i32
        %add3A_886 = arith.addi %mul3A_873, %add3A_885 : i32
        %swap3A_887 = arith.index_cast %rem3A_701 : i32 to index
        %swap3A_888 = arith.index_cast %add3A_886 : i32 to index
        %swap3A_889 = arith.constant 0 : index
        %swap3A_890 = tpu.vector_load %arg23[%swap3A_887, %swap3A_888, %swap3A_889] {strides = array<i32>} : memref<4x80x64xf32, #tpu.memory_space<vmem>>, vector<16xf32>,
        tpu.vector_store %arg23[%swap3A_887, %swap3A_888, %swap3A_889], %mul3A_884 {strides = array<i32>} : memref<4x80x64xf32, #tpu.memory_space<vmem>>, vector<16xf32>,
        %add3A_891 = arith.constant 0 : i32
        %add3A_892 = arith.addi %mul3A_873, %add3A_891 : i32
        %get3A_893 = arith.index_cast %rem3A_701 : i32 to index
        %get3A_894 = arith.index_cast %add3A_892 : i32 to index
        %get3A_895 = arith.constant 16 : index
        %get3A_896 = tpu.vector_load %arg23[%get3A_893, %get3A_894, %get3A_895] {strides = array<i32>} : memref<4x80x64xf32, #tpu.memory_space<vmem>>, vector<16xf32>,
        %mul3A_897 = arith.mulf %get3A_896, %gather3A_877 : vector<16xf32>
        %add3A_898 = arith.constant 0 : i32
        %add3A_899 = arith.addi %mul3A_873, %add3A_898 : i32
        %swap3A_900 = arith.index_cast %rem3A_701 : i32 to index
        %swap3A_901 = arith.index_cast %add3A_899 : i32 to index
        %swap3A_902 = arith.constant 16 : index
        %swap3A_903 = tpu.vector_load %arg23[%swap3A_900, %swap3A_901, %swap3A_902] {strides = array<i32>} : memref<4x80x64xf32, #tpu.memory_space<vmem>>, vector<16xf32>,
        tpu.vector_store %arg23[%swap3A_900, %swap3A_901, %swap3A_902], %mul3A_897 {strides = array<i32>} : memref<4x80x64xf32, #tpu.memory_space<vmem>>, vector<16xf32>,
        %add3A_904 = arith.constant 0 : i32
        %add3A_905 = arith.addi %mul3A_873, %add3A_904 : i32
        %get3A_906 = arith.index_cast %rem3A_701 : i32 to index
        %get3A_907 = arith.index_cast %add3A_905 : i32 to index
        %get3A_908 = arith.constant 32 : index
        %get3A_909 = tpu.vector_load %arg23[%get3A_906, %get3A_907, %get3A_908] {strides = array<i32>} : memref<4x80x64xf32, #tpu.memory_space<vmem>>, vector<16xf32>,
        %mul3A_910 = arith.mulf %get3A_909, %gather3A_877 : vector<16xf32>
        %add3A_911 = arith.constant 0 : i32
        %add3A_912 = arith.addi %mul3A_873, %add3A_911 : i32
        %swap3A_913 = arith.index_cast %rem3A_701 : i32 to index
        %swap3A_914 = arith.index_cast %add3A_912 : i32 to index
        %swap3A_915 = arith.constant 32 : index
        %swap3A_916 = tpu.vector_load %arg23[%swap3A_913, %swap3A_914, %swap3A_915] {strides = array<i32>} : memref<4x80x64xf32, #tpu.memory_space<vmem>>, vector<16xf32>,
        tpu.vector_store %arg23[%swap3A_913, %swap3A_914, %swap3A_915], %mul3A_910 {strides = array<i32>} : memref<4x80x64xf32, #tpu.memory_space<vmem>>, vector<16xf32>,
        %add3A_917 = arith.constant 0 : i32
        %add3A_918 = arith.addi %mul3A_873, %add3A_917 : i32
        %get3A_919 = arith.index_cast %rem3A_701 : i32 to index
        %get3A_920 = arith.index_cast %add3A_918 : i32 to index
        %get3A_921 = arith.constant 48 : index
        %get3A_922 = tpu.vector_load %arg23[%get3A_919, %get3A_920, %get3A_921] {strides = array<i32>} : memref<4x80x64xf32, #tpu.memory_space<vmem>>, vector<16xf32>,
        %mul3A_923 = arith.mulf %get3A_922, %gather3A_877 : vector<16xf32>
        %add3A_924 = arith.constant 0 : i32
        %add3A_925 = arith.addi %mul3A_873, %add3A_924 : i32
        %swap3A_926 = arith.index_cast %rem3A_701 : i32 to index
        %swap3A_927 = arith.index_cast %add3A_925 : i32 to index
        %swap3A_928 = arith.constant 48 : index
        %swap3A_929 = tpu.vector_load %arg23[%swap3A_926, %swap3A_927, %swap3A_928] {strides = array<i32>} : memref<4x80x64xf32, #tpu.memory_space<vmem>>, vector<16xf32>,
        tpu.vector_store %arg23[%swap3A_926, %swap3A_927, %swap3A_928], %mul3A_923 {strides = array<i32>} : memref<4x80x64xf32, #tpu.memory_space<vmem>>, vector<16xf32>,
        %add3A_930 = arith.constant 1 : i32
        %add3A_931 = arith.addi %mul3A_873, %add3A_930 : i32
        %broadcast_in_dim3A_932 = vector.broadcast %add3A_931 : i32 to vector<16xi32>
        %gather3A_933 = tpu.vector_load_idx %arg19[%broadcast_in_dim3A_932] : memref<80xf32, #tpu.memory_space<vmem>>[vector<16xi32>], vector<16xf32>,
        %add3A_934 = arith.constant 1 : i32
        %add3A_935 = arith.addi %mul3A_873, %add3A_934 : i32
        %get3A_936 = arith.index_cast %rem3A_701 : i32 to index
        %get3A_937 = arith.index_cast %add3A_935 : i32 to index
        %get3A_938 = arith.constant 0 : index
        %get3A_939 = tpu.vector_load %arg23[%get3A_936, %get3A_937, %get3A_938] {strides = array<i32>} : memref<4x80x64xf32, #tpu.memory_space<vmem>>, vector<16xf32>,
        %mul3A_940 = arith.mulf %get3A_939, %gather3A_933 : vector<16xf32>
        %add3A_941 = arith.constant 1 : i32
        %add3A_942 = arith.addi %mul3A_873, %add3A_941 : i32
        %swap3A_943 = arith.index_cast %rem3A_701 : i32 to index
        %swap3A_944 = arith.index_cast %add3A_942 : i32 to index
        %swap3A_945 = arith.constant 0 : index
        %swap3A_946 = tpu.vector_load %arg23[%swap3A_943, %swap3A_944, %swap3A_945] {strides = array<i32>} : memref<4x80x64xf32, #tpu.memory_space<vmem>>, vector<16xf32>,
        tpu.vector_store %arg23[%swap3A_943, %swap3A_944, %swap3A_945], %mul3A_940 {strides = array<i32>} : memref<4x80x64xf32, #tpu.memory_space<vmem>>, vector<16xf32>,
        %add3A_947 = arith.constant 1 : i32
        %add3A_948 = arith.addi %mul3A_873, %add3A_947 : i32
        %get3A_949 = arith.index_cast %rem3A_701 : i32 to index
        %get3A_950 = arith.index_cast %add3A_948 : i32 to index
        %get3A_951 = arith.constant 16 : index
        %get3A_952 = tpu.vector_load %arg23[%get3A_949, %get3A_950, %get3A_951] {strides = array<i32>} : memref<4x80x64xf32, #tpu.memory_space<vmem>>, vector<16xf32>,
        %mul3A_953 = arith.mulf %get3A_952, %gather3A_933 : vector<16xf32>
        %add3A_954 = arith.constant 1 : i32
        %add3A_955 = arith.addi %mul3A_873, %add3A_954 : i32
        %swap3A_956 = arith.index_cast %rem3A_701 : i32 to index
        %swap3A_957 = arith.index_cast %add3A_955 : i32 to index
        %swap3A_958 = arith.constant 16 : index
        %swap3A_959 = tpu.vector_load %arg23[%swap3A_956, %swap3A_957, %swap3A_958] {strides = array<i32>} : memref<4x80x64xf32, #tpu.memory_space<vmem>>, vector<16xf32>,
        tpu.vector_store %arg23[%swap3A_956, %swap3A_957, %swap3A_958], %mul3A_953 {strides = array<i32>} : memref<4x80x64xf32, #tpu.memory_space<vmem>>, vector<16xf32>,
        %add3A_960 = arith.constant 1 : i32
        %add3A_961 = arith.addi %mul3A_873, %add3A_960 : i32
        %get3A_962 = arith.index_cast %rem3A_701 : i32 to index
        %get3A_963 = arith.index_cast %add3A_961 : i32 to index
        %get3A_964 = arith.constant 32 : index
        %get3A_965 = tpu.vector_load %arg23[%get3A_962, %get3A_963, %get3A_964] {strides = array<i32>} : memref<4x80x64xf32, #tpu.memory_space<vmem>>, vector<16xf32>,
        %mul3A_966 = arith.mulf %get3A_965, %gather3A_933 : vector<16xf32>
        %add3A_967 = arith.constant 1 : i32
        %add3A_968 = arith.addi %mul3A_873, %add3A_967 : i32
        %swap3A_969 = arith.index_cast %rem3A_701 : i32 to index
        %swap3A_970 = arith.index_cast %add3A_968 : i32 to index
        %swap3A_971 = arith.constant 32 : index
        %swap3A_972 = tpu.vector_load %arg23[%swap3A_969, %swap3A_970, %swap3A_971] {strides = array<i32>} : memref<4x80x64xf32, #tpu.memory_space<vmem>>, vector<16xf32>,
        tpu.vector_store %arg23[%swap3A_969, %swap3A_970, %swap3A_971], %mul3A_966 {strides = array<i32>} : memref<4x80x64xf32, #tpu.memory_space<vmem>>, vector<16xf32>,
        %add3A_973 = arith.constant 1 : i32
        %add3A_974 = arith.addi %mul3A_873, %add3A_973 : i32
        %get3A_975 = arith.index_cast %rem3A_701 : i32 to index
        %get3A_976 = arith.index_cast %add3A_974 : i32 to index
        %get3A_977 = arith.constant 48 : index
        %get3A_978 = tpu.vector_load %arg23[%get3A_975, %get3A_976, %get3A_977] {strides = array<i32>} : memref<4x80x64xf32, #tpu.memory_space<vmem>>, vector<16xf32>,
        %mul3A_979 = arith.mulf %get3A_978, %gather3A_933 : vector<16xf32>
        %add3A_980 = arith.constant 1 : i32
        %add3A_981 = arith.addi %mul3A_873, %add3A_980 : i32
        %swap3A_982 = arith.index_cast %rem3A_701 : i32 to index
        %swap3A_983 = arith.index_cast %add3A_981 : i32 to index
        %swap3A_984 = arith.constant 48 : index
        %swap3A_985 = tpu.vector_load %arg23[%swap3A_982, %swap3A_983, %swap3A_984] {strides = array<i32>} : memref<4x80x64xf32, #tpu.memory_space<vmem>>, vector<16xf32>,
        tpu.vector_store %arg23[%swap3A_982, %swap3A_983, %swap3A_984], %mul3A_979 {strides = array<i32>} : memref<4x80x64xf32, #tpu.memory_space<vmem>>, vector<16xf32>,
        %add3A_986 = arith.constant 2 : i32
        %add3A_987 = arith.addi %mul3A_873, %add3A_986 : i32
        %broadcast_in_dim3A_988 = vector.broadcast %add3A_987 : i32 to vector<16xi32>
        %gather3A_989 = tpu.vector_load_idx %arg19[%broadcast_in_dim3A_988] : memref<80xf32, #tpu.memory_space<vmem>>[vector<16xi32>], vector<16xf32>,
        %add3A_990 = arith.constant 2 : i32
        %add3A_991 = arith.addi %mul3A_873, %add3A_990 : i32
        %get3A_992 = arith.index_cast %rem3A_701 : i32 to index
        %get3A_993 = arith.index_cast %add3A_991 : i32 to index
        %get3A_994 = arith.constant 0 : index
        %get3A_995 = tpu.vector_load %arg23[%get3A_992, %get3A_993, %get3A_994] {strides = array<i32>} : memref<4x80x64xf32, #tpu.memory_space<vmem>>, vector<16xf32>,
        %mul3A_996 = arith.mulf %get3A_995, %gather3A_989 : vector<16xf32>
        %add3A_997 = arith.constant 2 : i32
        %add3A_998 = arith.addi %mul3A_873, %add3A_997 : i32
        %swap3A_999 = arith.index_cast %rem3A_701 : i32 to index
        %swap3A_1000 = arith.index_cast %add3A_998 : i32 to index
        %swap3A_1001 = arith.constant 0 : index
        %swap3A_1002 = tpu.vector_load %arg23[%swap3A_999, %swap3A_1000, %swap3A_1001] {strides = array<i32>} : memref<4x80x64xf32, #tpu.memory_space<vmem>>, vector<16xf32>,
        tpu.vector_store %arg23[%swap3A_999, %swap3A_1000, %swap3A_1001], %mul3A_996 {strides = array<i32>} : memref<4x80x64xf32, #tpu.memory_space<vmem>>, vector<16xf32>,
        %add3A_1003 = arith.constant 2 : i32
        %add3A_1004 = arith.addi %mul3A_873, %add3A_1003 : i32
        %get3A_1005 = arith.index_cast %rem3A_701 : i32 to index
        %get3A_1006 = arith.index_cast %add3A_1004 : i32 to index
        %get3A_1007 = arith.constant 16 : index
        %get3A_1008 = tpu.vector_load %arg23[%get3A_1005, %get3A_1006, %get3A_1007] {strides = array<i32>} : memref<4x80x64xf32, #tpu.memory_space<vmem>>, vector<16xf32>,
        %mul3A_1009 = arith.mulf %get3A_1008, %gather3A_989 : vector<16xf32>
        %add3A_1010 = arith.constant 2 : i32
        %add3A_1011 = arith.addi %mul3A_873, %add3A_1010 : i32
        %swap3A_1012 = arith.index_cast %rem3A_701 : i32 to index
        %swap3A_1013 = arith.index_cast %add3A_1011 : i32 to index
        %swap3A_1014 = arith.constant 16 : index
        %swap3A_1015 = tpu.vector_load %arg23[%swap3A_1012, %swap3A_1013, %swap3A_1014] {strides = array<i32>} : memref<4x80x64xf32, #tpu.memory_space<vmem>>, vector<16xf32>,
        tpu.vector_store %arg23[%swap3A_1012, %swap3A_1013, %swap3A_1014], %mul3A_1009 {strides = array<i32>} : memref<4x80x64xf32, #tpu.memory_space<vmem>>, vector<16xf32>,
        %add3A_1016 = arith.constant 2 : i32
        %add3A_1017 = arith.addi %mul3A_873, %add3A_1016 : i32
        %get3A_1018 = arith.index_cast %rem3A_701 : i32 to index
        %get3A_1019 = arith.index_cast %add3A_1017 : i32 to index
        %get3A_1020 = arith.constant 32 : index
        %get3A_1021 = tpu.vector_load %arg23[%get3A_1018, %get3A_1019, %get3A_1020] {strides = array<i32>} : memref<4x80x64xf32, #tpu.memory_space<vmem>>, vector<16xf32>,
        %mul3A_1022 = arith.mulf %get3A_1021, %gather3A_989 : vector<16xf32>
        %add3A_1023 = arith.constant 2 : i32
        %add3A_1024 = arith.addi %mul3A_873, %add3A_1023 : i32
        %swap3A_1025 = arith.index_cast %rem3A_701 : i32 to index
        %swap3A_1026 = arith.index_cast %add3A_1024 : i32 to index
        %swap3A_1027 = arith.constant 32 : index
        %swap3A_1028 = tpu.vector_load %arg23[%swap3A_1025, %swap3A_1026, %swap3A_1027] {strides = array<i32>} : memref<4x80x64xf32, #tpu.memory_space<vmem>>, vector<16xf32>,
        tpu.vector_store %arg23[%swap3A_1025, %swap3A_1026, %swap3A_1027], %mul3A_1022 {strides = array<i32>} : memref<4x80x64xf32, #tpu.memory_space<vmem>>, vector<16xf32>,
        %add3A_1029 = arith.constant 2 : i32
        %add3A_1030 = arith.addi %mul3A_873, %add3A_1029 : i32
        %get3A_1031 = arith.index_cast %rem3A_701 : i32 to index
        %get3A_1032 = arith.index_cast %add3A_1030 : i32 to index
        %get3A_1033 = arith.constant 48 : index
        %get3A_1034 = tpu.vector_load %arg23[%get3A_1031, %get3A_1032, %get3A_1033] {strides = array<i32>} : memref<4x80x64xf32, #tpu.memory_space<vmem>>, vector<16xf32>,
        %mul3A_1035 = arith.mulf %get3A_1034, %gather3A_989 : vector<16xf32>
        %add3A_1036 = arith.constant 2 : i32
        %add3A_1037 = arith.addi %mul3A_873, %add3A_1036 : i32
        %swap3A_1038 = arith.index_cast %rem3A_701 : i32 to index
        %swap3A_1039 = arith.index_cast %add3A_1037 : i32 to index
        %swap3A_1040 = arith.constant 48 : index
        %swap3A_1041 = tpu.vector_load %arg23[%swap3A_1038, %swap3A_1039, %swap3A_1040] {strides = array<i32>} : memref<4x80x64xf32, #tpu.memory_space<vmem>>, vector<16xf32>,
        tpu.vector_store %arg23[%swap3A_1038, %swap3A_1039, %swap3A_1040], %mul3A_1035 {strides = array<i32>} : memref<4x80x64xf32, #tpu.memory_space<vmem>>, vector<16xf32>,
        %add3A_1042 = arith.constant 3 : i32
        %add3A_1043 = arith.addi %mul3A_873, %add3A_1042 : i32
        %broadcast_in_dim3A_1044 = vector.broadcast %add3A_1043 : i32 to vector<16xi32>
        %gather3A_1045 = tpu.vector_load_idx %arg19[%broadcast_in_dim3A_1044] : memref<80xf32, #tpu.memory_space<vmem>>[vector<16xi32>], vector<16xf32>,
        %add3A_1046 = arith.constant 3 : i32
        %add3A_1047 = arith.addi %mul3A_873, %add3A_1046 : i32
        %get3A_1048 = arith.index_cast %rem3A_701 : i32 to index
        %get3A_1049 = arith.index_cast %add3A_1047 : i32 to index
        %get3A_1050 = arith.constant 0 : index
        %get3A_1051 = tpu.vector_load %arg23[%get3A_1048, %get3A_1049, %get3A_1050] {strides = array<i32>} : memref<4x80x64xf32, #tpu.memory_space<vmem>>, vector<16xf32>,
        %mul3A_1052 = arith.mulf %get3A_1051, %gather3A_1045 : vector<16xf32>
        %add3A_1053 = arith.constant 3 : i32
        %add3A_1054 = arith.addi %mul3A_873, %add3A_1053 : i32
        %swap3A_1055 = arith.index_cast %rem3A_701 : i32 to index
        %swap3A_1056 = arith.index_cast %add3A_1054 : i32 to index
        %swap3A_1057 = arith.constant 0 : index
        %swap3A_1058 = tpu.vector_load %arg23[%swap3A_1055, %swap3A_1056, %swap3A_1057] {strides = array<i32>} : memref<4x80x64xf32, #tpu.memory_space<vmem>>, vector<16xf32>,
        tpu.vector_store %arg23[%swap3A_1055, %swap3A_1056, %swap3A_1057], %mul3A_1052 {strides = array<i32>} : memref<4x80x64xf32, #tpu.memory_space<vmem>>, vector<16xf32>,
        %add3A_1059 = arith.constant 3 : i32
        %add3A_1060 = arith.addi %mul3A_873, %add3A_1059 : i32
        %get3A_1061 = arith.index_cast %rem3A_701 : i32 to index
        %get3A_1062 = arith.index_cast %add3A_1060 : i32 to index
        %get3A_1063 = arith.constant 16 : index
        %get3A_1064 = tpu.vector_load %arg23[%get3A_1061, %get3A_1062, %get3A_1063] {strides = array<i32>} : memref<4x80x64xf32, #tpu.memory_space<vmem>>, vector<16xf32>,
        %mul3A_1065 = arith.mulf %get3A_1064, %gather3A_1045 : vector<16xf32>
        %add3A_1066 = arith.constant 3 : i32
        %add3A_1067 = arith.addi %mul3A_873, %add3A_1066 : i32
        %swap3A_1068 = arith.index_cast %rem3A_701 : i32 to index
        %swap3A_1069 = arith.index_cast %add3A_1067 : i32 to index
        %swap3A_1070 = arith.constant 16 : index
        %swap3A_1071 = tpu.vector_load %arg23[%swap3A_1068, %swap3A_1069, %swap3A_1070] {strides = array<i32>} : memref<4x80x64xf32, #tpu.memory_space<vmem>>, vector<16xf32>,
        tpu.vector_store %arg23[%swap3A_1068, %swap3A_1069, %swap3A_1070], %mul3A_1065 {strides = array<i32>} : memref<4x80x64xf32, #tpu.memory_space<vmem>>, vector<16xf32>,
        %add3A_1072 = arith.constant 3 : i32
        %add3A_1073 = arith.addi %mul3A_873, %add3A_1072 : i32
        %get3A_1074 = arith.index_cast %rem3A_701 : i32 to index
        %get3A_1075 = arith.index_cast %add3A_1073 : i32 to index
        %get3A_1076 = arith.constant 32 : index
        %get3A_1077 = tpu.vector_load %arg23[%get3A_1074, %get3A_1075, %get3A_1076] {strides = array<i32>} : memref<4x80x64xf32, #tpu.memory_space<vmem>>, vector<16xf32>,
        %mul3A_1078 = arith.mulf %get3A_1077, %gather3A_1045 : vector<16xf32>
        %add3A_1079 = arith.constant 3 : i32
        %add3A_1080 = arith.addi %mul3A_873, %add3A_1079 : i32
        %swap3A_1081 = arith.index_cast %rem3A_701 : i32 to index
        %swap3A_1082 = arith.index_cast %add3A_1080 : i32 to index
        %swap3A_1083 = arith.constant 32 : index
        %swap3A_1084 = tpu.vector_load %arg23[%swap3A_1081, %swap3A_1082, %swap3A_1083] {strides = array<i32>} : memref<4x80x64xf32, #tpu.memory_space<vmem>>, vector<16xf32>,
        tpu.vector_store %arg23[%swap3A_1081, %swap3A_1082, %swap3A_1083], %mul3A_1078 {strides = array<i32>} : memref<4x80x64xf32, #tpu.memory_space<vmem>>, vector<16xf32>,
        %add3A_1085 = arith.constant 3 : i32
        %add3A_1086 = arith.addi %mul3A_873, %add3A_1085 : i32
        %get3A_1087 = arith.index_cast %rem3A_701 : i32 to index
        %get3A_1088 = arith.index_cast %add3A_1086 : i32 to index
        %get3A_1089 = arith.constant 48 : index
        %get3A_1090 = tpu.vector_load %arg23[%get3A_1087, %get3A_1088, %get3A_1089] {strides = array<i32>} : memref<4x80x64xf32, #tpu.memory_space<vmem>>, vector<16xf32>,
        %mul3A_1091 = arith.mulf %get3A_1090, %gather3A_1045 : vector<16xf32>
        %add3A_1092 = arith.constant 3 : i32
        %add3A_1093 = arith.addi %mul3A_873, %add3A_1092 : i32
        %swap3A_1094 = arith.index_cast %rem3A_701 : i32 to index
        %swap3A_1095 = arith.index_cast %add3A_1093 : i32 to index
        %swap3A_1096 = arith.constant 48 : index
        %swap3A_1097 = tpu.vector_load %arg23[%swap3A_1094, %swap3A_1095, %swap3A_1096] {strides = array<i32>} : memref<4x80x64xf32, #tpu.memory_space<vmem>>, vector<16xf32>,
        tpu.vector_store %arg23[%swap3A_1094, %swap3A_1095, %swap3A_1096], %mul3A_1091 {strides = array<i32>} : memref<4x80x64xf32, #tpu.memory_space<vmem>>, vector<16xf32>,
        %scan3A_1098 = arith.constant 0 : i32
        scf.yield %scan3A_1098 : i32
      }
      %scan3A_841 = arith.constant 20 : i32
      %dma_start3A_842 = arith.constant 1 : i32
      %dma_start3A_843 = arith.constant 0 : i32
      %dma_start3A_844 = arith.constant 0 : i32
      %dma_start3A_845 = tpu.memref_slice %arg23[%rem3A_701, %dma_start3A_843, %dma_start3A_844] : memref<4x80x64xf32, #tpu.memory_space<vmem>> -> memref<1x80x64xf32, #tpu.memory_space<vmem>>
      %dma_start3A_846 = tpu.memref_squeeze %dma_start3A_845 : memref<1x80x64xf32, #tpu.memory_space<vmem>> -> memref<80x64xf32, #tpu.memory_space<vmem>>
      %dma_start3A_847 = arith.constant 0 : i32
      %dma_start3A_848 = tpu.memref_slice %arg15[%rem3A_703, %dma_start3A_842, %dma_start3A_847] : memref<8x2x80xi32, #tpu.memory_space<vmem>> -> memref<1x1x80xi32, #tpu.memory_space<vmem>>
      %dma_start3A_849 = tpu.memref_squeeze %dma_start3A_848 : memref<1x1x80xi32, #tpu.memory_space<vmem>> -> memref<80xi32, #tpu.memory_space<vmem>>
      %dma_start3A_850 = arith.constant 0 : i32
      %dma_start3A_851 = arith.constant 0 : i32
      %dma_start3A_852 = tpu.memref_slice %arg24[%dma_start3A_850, %dma_start3A_851] : memref<10000x64xf32, #tpu.memory_space<vmem_shared>> -> memref<10000x64xf32, #tpu.memory_space<vmem_shared>>
      %dma_start3A_853 = tpu.memref_slice %arg28[%rem3A_701] : memref<4x!tpu.dma_semaphore, #tpu.memory_space<semaphore_mem>> -> memref<1x!tpu.dma_semaphore, #tpu.memory_space<semaphore_mem>>
      %dma_start3A_854 = tpu.memref_squeeze %dma_start3A_853 : memref<1x!tpu.dma_semaphore, #tpu.memory_space<semaphore_mem>> -> memref<!tpu.dma_semaphore, #tpu.memory_space<semaphore_mem>>
      tpu.enqueue_indirect_dma source(%dma_start3A_846 : memref<80x64xf32, #tpu.memory_space<vmem>>) target(%dma_start3A_852 : memref<10000x64xf32, #tpu.memory_space<vmem_shared>>) offsets(%dma_start3A_849 : memref<80xi32, #tpu.memory_space<vmem>>) semaphore(%dma_start3A_854 : memref<!tpu.dma_semaphore, #tpu.memory_space<semaphore_mem>>) {add = true}
      %add3A_855 = arith.constant 6 : i32
      %add3A_856 = arith.addi %scan3A_698, %add3A_855 : i32
      %lt3A_857 = arith.constant 250 : i32
      %lt3A_858 = arith.cmpi slt, %add3A_856, %lt3A_857 : i32
      %convert_element_type3A_859 = arith.extui %lt3A_858 : i1 to i32
      %cond3A_860 = arith.constant 0 : i32
      %cond3A_861 = arith.cmpi ne, %convert_element_type3A_859, %cond3A_860 : i32
      scf.if %cond3A_861 {
        %rem3A_870 = arith.constant 8 : i32
        %rem3A_871 = arith.remsi %add3A_856, %rem3A_870 : i32
        %dma_start3A_872 = arith.constant 0 : i32
        %dma_start3A_873 = arith.constant 0 : i32
        %dma_start3A_874 = tpu.memref_slice %arg15[%rem3A_871, %dma_start3A_872, %dma_start3A_873] : memref<8x2x80xi32, #tpu.memory_space<vmem>> -> memref<1x2x80xi32, #tpu.memory_space<vmem>>
        %dma_start3A_875 = tpu.memref_squeeze %dma_start3A_874 : memref<1x2x80xi32, #tpu.memory_space<vmem>> -> memref<2x80xi32, #tpu.memory_space<vmem>>
        %dma_start3A_876 = arith.constant 0 : i32
        %dma_start3A_877 = arith.constant 0 : i32
        %dma_start3A_878 = tpu.memref_slice %arg4[%arg0, %arg1, %add3A_856, %dma_start3A_876, %dma_start3A_877] : memref<2x16x250x2x80xi32, #tpu.memory_space<hbm>> -> memref<1x1x1x2x80xi32, #tpu.memory_space<hbm>>
        %dma_start3A_879 = tpu.memref_squeeze %dma_start3A_878 : memref<1x1x1x2x80xi32, #tpu.memory_space<hbm>> -> memref<2x80xi32, #tpu.memory_space<hbm>>
        %dma_start3A_880 = tpu.memref_slice %arg29[%rem3A_871] : memref<8x!tpu.dma_semaphore, #tpu.memory_space<semaphore_mem>> -> memref<1x!tpu.dma_semaphore, #tpu.memory_space<semaphore_mem>>
        %dma_start3A_881 = tpu.memref_squeeze %dma_start3A_880 : memref<1x!tpu.dma_semaphore, #tpu.memory_space<semaphore_mem>> -> memref<!tpu.dma_semaphore, #tpu.memory_space<semaphore_mem>>
        %dma_start3A_882 = arith.constant 0 : i32
        %dma_start3A_883 = arith.constant 0 : i32
        %dma_start3A_884 = tpu.memref_slice %arg15[%rem3A_871, %dma_start3A_882, %dma_start3A_883] : memref<8x2x80xi32, #tpu.memory_space<vmem>> -> memref<1x2x80xi32, #tpu.memory_space<vmem>>
        %dma_start3A_885 = tpu.memref_squeeze %dma_start3A_884 : memref<1x2x80xi32, #tpu.memory_space<vmem>> -> memref<2x80xi32, #tpu.memory_space<vmem>>
        %dma_start3A_886 = arith.constant 0 : i32
        %dma_start3A_887 = arith.constant 0 : i32
        %dma_start3A_888 = tpu.memref_slice %arg4[%arg0, %arg1, %add3A_856, %dma_start3A_886, %dma_start3A_887] : memref<2x16x250x2x80xi32, #tpu.memory_space<hbm>> -> memref<1x1x1x2x80xi32, #tpu.memory_space<hbm>>
        %dma_start3A_889 = tpu.memref_squeeze %dma_start3A_888 : memref<1x1x1x2x80xi32, #tpu.memory_space<hbm>> -> memref<2x80xi32, #tpu.memory_space<hbm>>
        tpu.enqueue_dma source(%dma_start3A_889 : memref<2x80xi32, #tpu.memory_space<hbm>>) target(%dma_start3A_885 : memref<2x80xi32, #tpu.memory_space<vmem>>) target_semaphore(%dma_start3A_881 : memref<!tpu.dma_semaphore, #tpu.memory_space<semaphore_mem>>)
      } else {
      }
      %add3A_862 = arith.constant 3 : i32
      %add3A_863 = arith.addi %scan3A_698, %add3A_862 : i32
      %lt3A_864 = arith.constant 250 : i32
      %lt3A_865 = arith.cmpi slt, %add3A_863, %lt3A_864 : i32
      %convert_element_type3A_866 = arith.extui %lt3A_865 : i1 to i32
      %cond3A_867 = arith.constant 0 : i32
      %cond3A_868 = arith.cmpi ne, %convert_element_type3A_866, %cond3A_867 : i32
      scf.if %cond3A_868 {
        %rem3A_870 = arith.constant 4 : i32
        %rem3A_871 = arith.remsi %add3A_863, %rem3A_870 : i32
        %ge3A_872 = arith.constant 1 : i32
        %ge3A_873 = arith.cmpi sge, %scan3A_698, %ge3A_872 : i32
        %convert_element_type3A_874 = arith.extui %ge3A_873 : i1 to i32
        %cond3A_875 = arith.constant 0 : i32
        %cond3A_876 = arith.cmpi ne, %convert_element_type3A_874, %cond3A_875 : i32
        scf.if %cond3A_876 {
          %sub3A = arith.constant 1 : i32
          %sub3A_912 = arith.subi %scan3A_698, %sub3A : i32
          %rem3A_913 = arith.constant 8 : i32
          %rem3A_914 = arith.remsi %sub3A_912, %rem3A_913 : i32
          %dma_wait3A_915 = arith.constant 1 : i32
          %dma_wait3A_916 = arith.constant 0 : i32
          %dma_wait3A_917 = arith.constant 0 : i32
          %dma_wait3A_918 = tpu.memref_slice %arg23[%rem3A_871, %dma_wait3A_916, %dma_wait3A_917] : memref<4x80x64xf32, #tpu.memory_space<vmem>> -> memref<1x80x64xf32, #tpu.memory_space<vmem>>
          %dma_wait3A_919 = tpu.memref_squeeze %dma_wait3A_918 : memref<1x80x64xf32, #tpu.memory_space<vmem>> -> memref<80x64xf32, #tpu.memory_space<vmem>>
          %dma_wait3A_920 = arith.constant 0 : i32
          %dma_wait3A_921 = tpu.memref_slice %arg15[%rem3A_914, %dma_wait3A_915, %dma_wait3A_920] : memref<8x2x80xi32, #tpu.memory_space<vmem>> -> memref<1x1x80xi32, #tpu.memory_space<vmem>>
          %dma_wait3A_922 = tpu.memref_squeeze %dma_wait3A_921 : memref<1x1x80xi32, #tpu.memory_space<vmem>> -> memref<80xi32, #tpu.memory_space<vmem>>
          %dma_wait3A_923 = arith.constant 0 : i32
          %dma_wait3A_924 = arith.constant 0 : i32
          %dma_wait3A_925 = tpu.memref_slice %arg24[%dma_wait3A_923, %dma_wait3A_924] : memref<10000x64xf32, #tpu.memory_space<vmem_shared>> -> memref<10000x64xf32, #tpu.memory_space<vmem_shared>>
          %dma_wait3A_926 = tpu.memref_slice %arg28[%rem3A_871] : memref<4x!tpu.dma_semaphore, #tpu.memory_space<semaphore_mem>> -> memref<1x!tpu.dma_semaphore, #tpu.memory_space<semaphore_mem>>
          %dma_wait3A_927 = tpu.memref_squeeze %dma_wait3A_926 : memref<1x!tpu.dma_semaphore, #tpu.memory_space<semaphore_mem>> -> memref<!tpu.dma_semaphore, #tpu.memory_space<semaphore_mem>>
          tpu.wait_indirect_dma semaphore(%dma_wait3A_927 : memref<!tpu.dma_semaphore, #tpu.memory_space<semaphore_mem>>) src(%dma_wait3A_919 : memref<80x64xf32, #tpu.memory_space<vmem>>) dst(%dma_wait3A_925 : memref<10000x64xf32, #tpu.memory_space<vmem_shared>>)
        } else {
        }
        %rem3A_877 = arith.constant 8 : i32
        %rem3A_878 = arith.remsi %add3A_863, %rem3A_877 : i32
        %dma_wait3A_879 = arith.constant 0 : i32
        %dma_wait3A_880 = arith.constant 0 : i32
        %dma_wait3A_881 = tpu.memref_slice %arg15[%rem3A_878, %dma_wait3A_879, %dma_wait3A_880] : memref<8x2x80xi32, #tpu.memory_space<vmem>> -> memref<1x2x80xi32, #tpu.memory_space<vmem>>
        %dma_wait3A_882 = tpu.memref_squeeze %dma_wait3A_881 : memref<1x2x80xi32, #tpu.memory_space<vmem>> -> memref<2x80xi32, #tpu.memory_space<vmem>>
        %dma_wait3A_883 = arith.constant 0 : i32
        %dma_wait3A_884 = arith.constant 0 : i32
        %dma_wait3A_885 = tpu.memref_slice %arg4[%arg0, %arg1, %add3A_863, %dma_wait3A_883, %dma_wait3A_884] : memref<2x16x250x2x80xi32, #tpu.memory_space<hbm>> -> memref<1x1x1x2x80xi32, #tpu.memory_space<hbm>>
        %dma_wait3A_886 = tpu.memref_squeeze %dma_wait3A_885 : memref<1x1x1x2x80xi32, #tpu.memory_space<hbm>> -> memref<2x80xi32, #tpu.memory_space<hbm>>
        %dma_wait3A_887 = tpu.memref_slice %arg29[%rem3A_878] : memref<8x!tpu.dma_semaphore, #tpu.memory_space<semaphore_mem>> -> memref<1x!tpu.dma_semaphore, #tpu.memory_space<semaphore_mem>>
        %dma_wait3A_888 = tpu.memref_squeeze %dma_wait3A_887 : memref<1x!tpu.dma_semaphore, #tpu.memory_space<semaphore_mem>> -> memref<!tpu.dma_semaphore, #tpu.memory_space<semaphore_mem>>
        %dma_wait3A_889 = arith.constant 0 : i32
        %dma_wait3A_890 = arith.constant 0 : i32
        %dma_wait3A_891 = tpu.memref_slice %arg15[%rem3A_878, %dma_wait3A_889, %dma_wait3A_890] : memref<8x2x80xi32, #tpu.memory_space<vmem>> -> memref<1x2x80xi32, #tpu.memory_space<vmem>>
        %dma_wait3A_892 = tpu.memref_squeeze %dma_wait3A_891 : memref<1x2x80xi32, #tpu.memory_space<vmem>> -> memref<2x80xi32, #tpu.memory_space<vmem>>
        %dma_wait3A_893 = arith.constant 0 : i32
        %dma_wait3A_894 = arith.constant 0 : i32
        %dma_wait3A_895 = tpu.memref_slice %arg4[%arg0, %arg1, %add3A_863, %dma_wait3A_893, %dma_wait3A_894] : memref<2x16x250x2x80xi32, #tpu.memory_space<hbm>> -> memref<1x1x1x2x80xi32, #tpu.memory_space<hbm>>
        %dma_wait3A_896 = tpu.memref_squeeze %dma_wait3A_895 : memref<1x1x1x2x80xi32, #tpu.memory_space<hbm>> -> memref<2x80xi32, #tpu.memory_space<hbm>>
        tpu.wait_dma2 semaphore(%dma_wait3A_888 : memref<!tpu.dma_semaphore, #tpu.memory_space<semaphore_mem>>) src(%dma_wait3A_896 : memref<2x80xi32, #tpu.memory_space<hbm>>) dst(%dma_wait3A_892 : memref<2x80xi32, #tpu.memory_space<vmem>>)
        %rem3A_897 = arith.constant 8 : i32
        %rem3A_898 = arith.remsi %add3A_863, %rem3A_897 : i32
        %dma_start3A_899 = arith.constant 0 : i32
        %dma_start3A_900 = arith.constant 0 : i32
        %dma_start3A_901 = arith.constant 0 : i32
        %dma_start3A_902 = tpu.memref_slice %arg23[%rem3A_871, %dma_start3A_900, %dma_start3A_901] : memref<4x80x64xf32, #tpu.memory_space<vmem>> -> memref<1x80x64xf32, #tpu.memory_space<vmem>>
        %dma_start3A_903 = tpu.memref_squeeze %dma_start3A_902 : memref<1x80x64xf32, #tpu.memory_space<vmem>> -> memref<80x64xf32, #tpu.memory_space<vmem>>
        %dma_start3A_904 = arith.constant 0 : i32
        %dma_start3A_905 = tpu.memref_slice %arg15[%rem3A_898, %dma_start3A_899, %dma_start3A_904] : memref<8x2x80xi32, #tpu.memory_space<vmem>> -> memref<1x1x80xi32, #tpu.memory_space<vmem>>
        %dma_start3A_906 = tpu.memref_squeeze %dma_start3A_905 : memref<1x1x80xi32, #tpu.memory_space<vmem>> -> memref<80xi32, #tpu.memory_space<vmem>>
        %dma_start3A_907 = arith.constant 0 : i32
        %dma_start3A_908 = arith.constant 0 : i32
        %dma_start3A_909 = tpu.memref_slice %arg3[%dma_start3A_907, %dma_start3A_908] : memref<10000x64xf32, #tpu.memory_space<hbm>> -> memref<10000x64xf32, #tpu.memory_space<hbm>>
        %dma_start3A_910 = tpu.memref_slice %arg27[%rem3A_871] : memref<4x!tpu.dma_semaphore, #tpu.memory_space<semaphore_mem>> -> memref<1x!tpu.dma_semaphore, #tpu.memory_space<semaphore_mem>>
        %dma_start3A_911 = tpu.memref_squeeze %dma_start3A_910 : memref<1x!tpu.dma_semaphore, #tpu.memory_space<semaphore_mem>> -> memref<!tpu.dma_semaphore, #tpu.memory_space<semaphore_mem>>
        tpu.enqueue_indirect_dma source(%dma_start3A_909 : memref<10000x64xf32, #tpu.memory_space<hbm>>) target(%dma_start3A_903 : memref<80x64xf32, #tpu.memory_space<vmem>>) offsets(%dma_start3A_906 : memref<80xi32, #tpu.memory_space<vmem>>) semaphore(%dma_start3A_911 : memref<!tpu.dma_semaphore, #tpu.memory_space<semaphore_mem>>)
      } else {
      }
      %scan3A_869 = arith.constant 0 : i32
      scf.yield %scan3A_869 : i32
    }
    %scan3A_619 = arith.constant 250 : i32
    %dma_wait3A_620 = arith.constant 2 : i32
    %dma_wait3A_621 = arith.constant 6 : i32
    %dma_wait3A_622 = arith.constant 1 : i32
    %dma_wait3A_623 = arith.constant 2 : i32
    %dma_wait3A_624 = arith.constant 0 : i32
    %dma_wait3A_625 = arith.constant 0 : i32
    %dma_wait3A_626 = tpu.memref_slice %arg23[%dma_wait3A_620, %dma_wait3A_624, %dma_wait3A_625] : memref<4x80x64xf32, #tpu.memory_space<vmem>> -> memref<1x80x64xf32, #tpu.memory_space<vmem>>
    %dma_wait3A_627 = tpu.memref_squeeze %dma_wait3A_626 : memref<1x80x64xf32, #tpu.memory_space<vmem>> -> memref<80x64xf32, #tpu.memory_space<vmem>>
    %dma_wait3A_628 = arith.constant 0 : i32
    %dma_wait3A_629 = tpu.memref_slice %arg15[%dma_wait3A_621, %dma_wait3A_622, %dma_wait3A_628] : memref<8x2x80xi32, #tpu.memory_space<vmem>> -> memref<1x1x80xi32, #tpu.memory_space<vmem>>
    %dma_wait3A_630 = tpu.memref_squeeze %dma_wait3A_629 : memref<1x1x80xi32, #tpu.memory_space<vmem>> -> memref<80xi32, #tpu.memory_space<vmem>>
    %dma_wait3A_631 = arith.constant 0 : i32
    %dma_wait3A_632 = arith.constant 0 : i32
    %dma_wait3A_633 = tpu.memref_slice %arg24[%dma_wait3A_631, %dma_wait3A_632] : memref<10000x64xf32, #tpu.memory_space<vmem_shared>> -> memref<10000x64xf32, #tpu.memory_space<vmem_shared>>
    %dma_wait3A_634 = tpu.memref_slice %arg28[%dma_wait3A_623] : memref<4x!tpu.dma_semaphore, #tpu.memory_space<semaphore_mem>> -> memref<1x!tpu.dma_semaphore, #tpu.memory_space<semaphore_mem>>
    %dma_wait3A_635 = tpu.memref_squeeze %dma_wait3A_634 : memref<1x!tpu.dma_semaphore, #tpu.memory_space<semaphore_mem>> -> memref<!tpu.dma_semaphore, #tpu.memory_space<semaphore_mem>>
    tpu.wait_indirect_dma semaphore(%dma_wait3A_635 : memref<!tpu.dma_semaphore, #tpu.memory_space<semaphore_mem>>) src(%dma_wait3A_627 : memref<80x64xf32, #tpu.memory_space<vmem>>) dst(%dma_wait3A_633 : memref<10000x64xf32, #tpu.memory_space<vmem_shared>>)
    %dma_wait3A_636 = arith.constant 3 : i32
    %dma_wait3A_637 = arith.constant 7 : i32
    %dma_wait3A_638 = arith.constant 1 : i32
    %dma_wait3A_639 = arith.constant 3 : i32
    %dma_wait3A_640 = arith.constant 0 : i32
    %dma_wait3A_641 = arith.constant 0 : i32
    %dma_wait3A_642 = tpu.memref_slice %arg23[%dma_wait3A_636, %dma_wait3A_640, %dma_wait3A_641] : memref<4x80x64xf32, #tpu.memory_space<vmem>> -> memref<1x80x64xf32, #tpu.memory_space<vmem>>
    %dma_wait3A_643 = tpu.memref_squeeze %dma_wait3A_642 : memref<1x80x64xf32, #tpu.memory_space<vmem>> -> memref<80x64xf32, #tpu.memory_space<vmem>>
    %dma_wait3A_644 = arith.constant 0 : i32
    %dma_wait3A_645 = tpu.memref_slice %arg15[%dma_wait3A_637, %dma_wait3A_638, %dma_wait3A_644] : memref<8x2x80xi32, #tpu.memory_space<vmem>> -> memref<1x1x80xi32, #tpu.memory_space<vmem>>
    %dma_wait3A_646 = tpu.memref_squeeze %dma_wait3A_645 : memref<1x1x80xi32, #tpu.memory_space<vmem>> -> memref<80xi32, #tpu.memory_space<vmem>>
    %dma_wait3A_647 = arith.constant 0 : i32
    %dma_wait3A_648 = arith.constant 0 : i32
    %dma_wait3A_649 = tpu.memref_slice %arg24[%dma_wait3A_647, %dma_wait3A_648] : memref<10000x64xf32, #tpu.memory_space<vmem_shared>> -> memref<10000x64xf32, #tpu.memory_space<vmem_shared>>
    %dma_wait3A_650 = tpu.memref_slice %arg28[%dma_wait3A_639] : memref<4x!tpu.dma_semaphore, #tpu.memory_space<semaphore_mem>> -> memref<1x!tpu.dma_semaphore, #tpu.memory_space<semaphore_mem>>
    %dma_wait3A_651 = tpu.memref_squeeze %dma_wait3A_650 : memref<1x!tpu.dma_semaphore, #tpu.memory_space<semaphore_mem>> -> memref<!tpu.dma_semaphore, #tpu.memory_space<semaphore_mem>>
    tpu.wait_indirect_dma semaphore(%dma_wait3A_651 : memref<!tpu.dma_semaphore, #tpu.memory_space<semaphore_mem>>) src(%dma_wait3A_643 : memref<80x64xf32, #tpu.memory_space<vmem>>) dst(%dma_wait3A_649 : memref<10000x64xf32, #tpu.memory_space<vmem_shared>>)
    %dma_wait3A_652 = arith.constant 0 : i32
    %dma_wait3A_653 = arith.constant 0 : i32
    %dma_wait3A_654 = arith.constant 1 : i32
    %dma_wait3A_655 = arith.constant 0 : i32
    %dma_wait3A_656 = arith.constant 0 : i32
    %dma_wait3A_657 = arith.constant 0 : i32
    %dma_wait3A_658 = tpu.memref_slice %arg23[%dma_wait3A_652, %dma_wait3A_656, %dma_wait3A_657] : memref<4x80x64xf32, #tpu.memory_space<vmem>> -> memref<1x80x64xf32, #tpu.memory_space<vmem>>
    %dma_wait3A_659 = tpu.memref_squeeze %dma_wait3A_658 : memref<1x80x64xf32, #tpu.memory_space<vmem>> -> memref<80x64xf32, #tpu.memory_space<vmem>>
    %dma_wait3A_660 = arith.constant 0 : i32
    %dma_wait3A_661 = tpu.memref_slice %arg15[%dma_wait3A_653, %dma_wait3A_654, %dma_wait3A_660] : memref<8x2x80xi32, #tpu.memory_space<vmem>> -> memref<1x1x80xi32, #tpu.memory_space<vmem>>
    %dma_wait3A_662 = tpu.memref_squeeze %dma_wait3A_661 : memref<1x1x80xi32, #tpu.memory_space<vmem>> -> memref<80xi32, #tpu.memory_space<vmem>>
    %dma_wait3A_663 = arith.constant 0 : i32
    %dma_wait3A_664 = arith.constant 0 : i32
    %dma_wait3A_665 = tpu.memref_slice %arg24[%dma_wait3A_663, %dma_wait3A_664] : memref<10000x64xf32, #tpu.memory_space<vmem_shared>> -> memref<10000x64xf32, #tpu.memory_space<vmem_shared>>
    %dma_wait3A_666 = tpu.memref_slice %arg28[%dma_wait3A_655] : memref<4x!tpu.dma_semaphore, #tpu.memory_space<semaphore_mem>> -> memref<1x!tpu.dma_semaphore, #tpu.memory_space<semaphore_mem>>
    %dma_wait3A_667 = tpu.memref_squeeze %dma_wait3A_666 : memref<1x!tpu.dma_semaphore, #tpu.memory_space<semaphore_mem>> -> memref<!tpu.dma_semaphore, #tpu.memory_space<semaphore_mem>>
    tpu.wait_indirect_dma semaphore(%dma_wait3A_667 : memref<!tpu.dma_semaphore, #tpu.memory_space<semaphore_mem>>) src(%dma_wait3A_659 : memref<80x64xf32, #tpu.memory_space<vmem>>) dst(%dma_wait3A_665 : memref<10000x64xf32, #tpu.memory_space<vmem_shared>>)
    %dma_wait3A_668 = arith.constant 1 : i32
    %dma_wait3A_669 = arith.constant 1 : i32
    %dma_wait3A_670 = arith.constant 1 : i32
    %dma_wait3A_671 = arith.constant 1 : i32
    %dma_wait3A_672 = arith.constant 0 : i32
    %dma_wait3A_673 = arith.constant 0 : i32
    %dma_wait3A_674 = tpu.memref_slice %arg23[%dma_wait3A_668, %dma_wait3A_672, %dma_wait3A_673] : memref<4x80x64xf32, #tpu.memory_space<vmem>> -> memref<1x80x64xf32, #tpu.memory_space<vmem>>
    %dma_wait3A_675 = tpu.memref_squeeze %dma_wait3A_674 : memref<1x80x64xf32, #tpu.memory_space<vmem>> -> memref<80x64xf32, #tpu.memory_space<vmem>>
    %dma_wait3A_676 = arith.constant 0 : i32
    %dma_wait3A_677 = tpu.memref_slice %arg15[%dma_wait3A_669, %dma_wait3A_670, %dma_wait3A_676] : memref<8x2x80xi32, #tpu.memory_space<vmem>> -> memref<1x1x80xi32, #tpu.memory_space<vmem>>
    %dma_wait3A_678 = tpu.memref_squeeze %dma_wait3A_677 : memref<1x1x80xi32, #tpu.memory_space<vmem>> -> memref<80xi32, #tpu.memory_space<vmem>>
    %dma_wait3A_679 = arith.constant 0 : i32
    %dma_wait3A_680 = arith.constant 0 : i32
    %dma_wait3A_681 = tpu.memref_slice %arg24[%dma_wait3A_679, %dma_wait3A_680] : memref<10000x64xf32, #tpu.memory_space<vmem_shared>> -> memref<10000x64xf32, #tpu.memory_space<vmem_shared>>
    %dma_wait3A_682 = tpu.memref_slice %arg28[%dma_wait3A_671] : memref<4x!tpu.dma_semaphore, #tpu.memory_space<semaphore_mem>> -> memref<1x!tpu.dma_semaphore, #tpu.memory_space<semaphore_mem>>
    %dma_wait3A_683 = tpu.memref_squeeze %dma_wait3A_682 : memref<1x!tpu.dma_semaphore, #tpu.memory_space<semaphore_mem>> -> memref<!tpu.dma_semaphore, #tpu.memory_space<semaphore_mem>>
    tpu.wait_indirect_dma semaphore(%dma_wait3A_683 : memref<!tpu.dma_semaphore, #tpu.memory_space<semaphore_mem>>) src(%dma_wait3A_675 : memref<80x64xf32, #tpu.memory_space<vmem>>) dst(%dma_wait3A_681 : memref<10000x64xf32, #tpu.memory_space<vmem_shared>>)
    %barrier3A_684 = arith.constant 0 : index
    tpu.barrier barrier_id(%barrier3A_684)
    %mul3A_685 = arith.constant 632 : i32
    %mul3A_686 = arith.muli %arg1, %mul3A_685 : i32
    %multiple_of3A_687 = tpu.assume_multiple %mul3A_686, 8 : i32
    %lt3A_688 = arith.constant 15 : i32
    %lt3A_689 = arith.cmpi slt, %arg1, %lt3A_688 : i32
    %convert_element_type3A_690 = arith.extui %lt3A_689 : i1 to i32
    %cond3A_691 = arith.constant 0 : i32
    %cond3A_692 = arith.cmpi ne, %convert_element_type3A_690, %cond3A_691 : i32
    scf.if %cond3A_692 {
      "tpu.region"() ({
        %run_scoped3A = tpu.sem_alloc : memref<!tpu.dma_semaphore, #tpu.memory_space<semaphore_mem>>
        %dma_start3A_698 = arith.constant 0 : i32
        %dma_start3A_699 = tpu.memref_slice %arg12[%arg0, %multiple_of3A_687, %dma_start3A_698] : memref<2x10000x64xf32, #tpu.memory_space<hbm>> -> memref<1x632x64xf32, #tpu.memory_space<hbm>>
        %dma_start3A_700 = tpu.memref_squeeze %dma_start3A_699 : memref<1x632x64xf32, #tpu.memory_space<hbm>> -> memref<632x64xf32, #tpu.memory_space<hbm>>
        %dma_start3A_701 = arith.constant 0 : i32
        %dma_start3A_702 = tpu.memref_slice %arg24[%multiple_of3A_687, %dma_start3A_701] : memref<10000x64xf32, #tpu.memory_space<vmem_shared>> -> memref<632x64xf32, #tpu.memory_space<vmem_shared>>
        tpu.enqueue_dma source(%dma_start3A_702 : memref<632x64xf32, #tpu.memory_space<vmem_shared>>) target(%dma_start3A_700 : memref<632x64xf32, #tpu.memory_space<hbm>>) target_semaphore(%run_scoped3A : memref<!tpu.dma_semaphore, #tpu.memory_space<semaphore_mem>>)
        %dma_wait3A_703 = arith.constant 0 : i32
        %dma_wait3A_704 = tpu.memref_slice %arg12[%arg0, %multiple_of3A_687, %dma_wait3A_703] : memref<2x10000x64xf32, #tpu.memory_space<hbm>> -> memref<1x632x64xf32, #tpu.memory_space<hbm>>
        %dma_wait3A_705 = tpu.memref_squeeze %dma_wait3A_704 : memref<1x632x64xf32, #tpu.memory_space<hbm>> -> memref<632x64xf32, #tpu.memory_space<hbm>>
        %dma_wait3A_706 = arith.constant 0 : i32
        %dma_wait3A_707 = tpu.memref_slice %arg24[%multiple_of3A_687, %dma_wait3A_706] : memref<10000x64xf32, #tpu.memory_space<vmem_shared>> -> memref<632x64xf32, #tpu.memory_space<vmem_shared>>
        tpu.wait_dma2 semaphore(%run_scoped3A : memref<!tpu.dma_semaphore, #tpu.memory_space<semaphore_mem>>) src(%dma_wait3A_707 : memref<632x64xf32, #tpu.memory_space<vmem_shared>>) dst(%dma_wait3A_705 : memref<632x64xf32, #tpu.memory_space<hbm>>)
        tpu.yield
      }) : () -> ()
    } else {
    }
    %eq3A_693 = arith.constant 15 : i32
    %eq3A_694 = arith.cmpi eq, %arg1, %eq3A_693 : i32
    %convert_element_type3A_695 = arith.extui %eq3A_694 : i1 to i32
    %cond3A_696 = arith.constant 0 : i32
    %cond3A_697 = arith.cmpi ne, %convert_element_type3A_695, %cond3A_696 : i32
    scf.if %cond3A_697 {
      "tpu.region"() ({
        %run_scoped3A = tpu.sem_alloc : memref<!tpu.dma_semaphore, #tpu.memory_space<semaphore_mem>>
        %dma_start3A_698 = arith.constant 9480 : i32
        %dma_start3A_699 = arith.constant 0 : i32
        %dma_start3A_700 = tpu.memref_slice %arg12[%arg0, %dma_start3A_698, %dma_start3A_699] : memref<2x10000x64xf32, #tpu.memory_space<hbm>> -> memref<1x520x64xf32, #tpu.memory_space<hbm>>
        %dma_start3A_701 = tpu.memref_squeeze %dma_start3A_700 : memref<1x520x64xf32, #tpu.memory_space<hbm>> -> memref<520x64xf32, #tpu.memory_space<hbm>>
        %dma_start3A_702 = arith.constant 9480 : i32
        %dma_start3A_703 = arith.constant 0 : i32
        %dma_start3A_704 = tpu.memref_slice %arg24[%dma_start3A_702, %dma_start3A_703] : memref<10000x64xf32, #tpu.memory_space<vmem_shared>> -> memref<520x64xf32, #tpu.memory_space<vmem_shared>>
        tpu.enqueue_dma source(%dma_start3A_704 : memref<520x64xf32, #tpu.memory_space<vmem_shared>>) target(%dma_start3A_701 : memref<520x64xf32, #tpu.memory_space<hbm>>) target_semaphore(%run_scoped3A : memref<!tpu.dma_semaphore, #tpu.memory_space<semaphore_mem>>)
        %dma_wait3A_705 = arith.constant 9480 : i32
        %dma_wait3A_706 = arith.constant 0 : i32
        %dma_wait3A_707 = tpu.memref_slice %arg12[%arg0, %dma_wait3A_705, %dma_wait3A_706] : memref<2x10000x64xf32, #tpu.memory_space<hbm>> -> memref<1x520x64xf32, #tpu.memory_space<hbm>>
        %dma_wait3A_708 = tpu.memref_squeeze %dma_wait3A_707 : memref<1x520x64xf32, #tpu.memory_space<hbm>> -> memref<520x64xf32, #tpu.memory_space<hbm>>
        %dma_wait3A_709 = arith.constant 9480 : i32
        %dma_wait3A_710 = arith.constant 0 : i32
        %dma_wait3A_711 = tpu.memref_slice %arg24[%dma_wait3A_709, %dma_wait3A_710] : memref<10000x64xf32, #tpu.memory_space<vmem_shared>> -> memref<520x64xf32, #tpu.memory_space<vmem_shared>>
        tpu.wait_dma2 semaphore(%run_scoped3A : memref<!tpu.dma_semaphore, #tpu.memory_space<semaphore_mem>>) src(%dma_wait3A_711 : memref<520x64xf32, #tpu.memory_space<vmem_shared>>) dst(%dma_wait3A_708 : memref<520x64xf32, #tpu.memory_space<hbm>>)
        tpu.yield
      }) : () -> ()
    } else {
    }
    return
  }
}

#map = affine_map<(d0, d1) -> (0, 0)>
#map1 = affine_map<(d0, d1) -> (0, 0, 0, 0, 0)>
#map2 = affine_map<(d0, d1) -> (0, 0, 0)>
module attributes {stable_mosaic.version = 14 : i64} {
  func.func @_sc2_body(%arg0: i32, %arg1: i32, %arg2: memref<10000x64xf32, #tpu.memory_space<hbm>>, %arg3: memref<10000x64xf32, #tpu.memory_space<hbm>>, %arg4: memref<2x16x250x2x80xi32, #tpu.memory_space<hbm>>, %arg5: memref<632x64xf32, #tpu.memory_space<hbm>>, %arg6: memref<2x10000x64xf32, #tpu.memory_space<hbm>>, %arg7: memref<8x2x80xi32, #tpu.memory_space<vmem>>, %arg8: memref<4x80x64xf32, #tpu.memory_space<vmem>>, %arg9: memref<10000x64xf32, #tpu.memory_space<vmem_shared>>, %arg10: memref<4x!tpu.dma_semaphore, #tpu.memory_space<semaphore_mem>>, %arg11: memref<4x!tpu.dma_semaphore, #tpu.memory_space<semaphore_mem>>, %arg12: memref<8x!tpu.dma_semaphore, #tpu.memory_space<semaphore_mem>>) attributes {dimension_semantics = [#tpu.dimension_semantics<core_parallel>, #tpu.dimension_semantics<subcore_parallel>], iteration_bounds = array<i64: 2, 16>, scalar_prefetch = 0 : i64, scratch_operands = 6 : i64, tpu.core_type = #tpu.core_type<sc_vector_subcore>, window_params = [{transform_indices = #map}, {transform_indices = #map}, {transform_indices = #map1}, {transform_indices = #map}, {transform_indices = #map2}]} {
    %mul3A = arith.constant 632 : i32
    %mul3A_0 = arith.muli %arg1, %mul3A : i32
    %multiple_of3A = tpu.assume_multiple %mul3A_0, 8 : i32
    %lt3A = arith.constant 15 : i32
    %lt3A_1 = arith.cmpi slt, %arg1, %lt3A : i32
    %convert_element_type3A = arith.extui %lt3A_1 : i1 to i32
    %cond3A = arith.constant 0 : i32
    %cond3A_2 = arith.cmpi ne, %convert_element_type3A, %cond3A : i32
    scf.if %cond3A_2 {
      "tpu.region"() ({
        %run_scoped3A = tpu.sem_alloc : memref<!tpu.dma_semaphore, #tpu.memory_space<semaphore_mem>>
        %dma_start3A = arith.constant 0 : i32
        %dma_start3A_31 = tpu.memref_slice %arg9[%multiple_of3A, %dma_start3A] : memref<10000x64xf32, #tpu.memory_space<vmem_shared>> -> memref<632x64xf32, #tpu.memory_space<vmem_shared>>
        %dma_start3A_32 = arith.constant 0 : i32
        %dma_start3A_33 = arith.constant 0 : i32
        %dma_start3A_34 = tpu.memref_slice %arg5[%dma_start3A_32, %dma_start3A_33] : memref<632x64xf32, #tpu.memory_space<hbm>> -> memref<632x64xf32, #tpu.memory_space<hbm>>
        tpu.enqueue_dma source(%dma_start3A_34 : memref<632x64xf32, #tpu.memory_space<hbm>>) target(%dma_start3A_31 : memref<632x64xf32, #tpu.memory_space<vmem_shared>>) target_semaphore(%run_scoped3A : memref<!tpu.dma_semaphore, #tpu.memory_space<semaphore_mem>>)
        %dma_wait3A = arith.constant 0 : i32
        %dma_wait3A_35 = tpu.memref_slice %arg9[%multiple_of3A, %dma_wait3A] : memref<10000x64xf32, #tpu.memory_space<vmem_shared>> -> memref<632x64xf32, #tpu.memory_space<vmem_shared>>
        %dma_wait3A_36 = arith.constant 0 : i32
        %dma_wait3A_37 = arith.constant 0 : i32
        %dma_wait3A_38 = tpu.memref_slice %arg5[%dma_wait3A_36, %dma_wait3A_37] : memref<632x64xf32, #tpu.memory_space<hbm>> -> memref<632x64xf32, #tpu.memory_space<hbm>>
        tpu.wait_dma2 semaphore(%run_scoped3A : memref<!tpu.dma_semaphore, #tpu.memory_space<semaphore_mem>>) src(%dma_wait3A_38 : memref<632x64xf32, #tpu.memory_space<hbm>>) dst(%dma_wait3A_35 : memref<632x64xf32, #tpu.memory_space<vmem_shared>>)
        tpu.yield
      }) : () -> ()
    } else {
    }
    %eq3A = arith.constant 15 : i32
    %eq3A_3 = arith.cmpi eq, %arg1, %eq3A : i32
    %convert_element_type3A_4 = arith.extui %eq3A_3 : i1 to i32
    %cond3A_5 = arith.constant 0 : i32
    %cond3A_6 = arith.cmpi ne, %convert_element_type3A_4, %cond3A_5 : i32
    scf.if %cond3A_6 {
      "tpu.region"() ({
        %run_scoped3A = tpu.sem_alloc : memref<!tpu.dma_semaphore, #tpu.memory_space<semaphore_mem>>
        %dma_start3A = arith.constant 9480 : i32
        %dma_start3A_31 = arith.constant 0 : i32
        %dma_start3A_32 = tpu.memref_slice %arg9[%dma_start3A, %dma_start3A_31] : memref<10000x64xf32, #tpu.memory_space<vmem_shared>> -> memref<520x64xf32, #tpu.memory_space<vmem_shared>>
        %dma_start3A_33 = arith.constant 0 : i32
        %dma_start3A_34 = arith.constant 0 : i32
        %dma_start3A_35 = tpu.memref_slice %arg5[%dma_start3A_33, %dma_start3A_34] : memref<632x64xf32, #tpu.memory_space<hbm>> -> memref<520x64xf32, #tpu.memory_space<hbm>>
        tpu.enqueue_dma source(%dma_start3A_35 : memref<520x64xf32, #tpu.memory_space<hbm>>) target(%dma_start3A_32 : memref<520x64xf32, #tpu.memory_space<vmem_shared>>) target_semaphore(%run_scoped3A : memref<!tpu.dma_semaphore, #tpu.memory_space<semaphore_mem>>)
        %dma_wait3A = arith.constant 9480 : i32
        %dma_wait3A_36 = arith.constant 0 : i32
        %dma_wait3A_37 = tpu.memref_slice %arg9[%dma_wait3A, %dma_wait3A_36] : memref<10000x64xf32, #tpu.memory_space<vmem_shared>> -> memref<520x64xf32, #tpu.memory_space<vmem_shared>>
        %dma_wait3A_38 = arith.constant 0 : i32
        %dma_wait3A_39 = arith.constant 0 : i32
        %dma_wait3A_40 = tpu.memref_slice %arg5[%dma_wait3A_38, %dma_wait3A_39] : memref<632x64xf32, #tpu.memory_space<hbm>> -> memref<520x64xf32, #tpu.memory_space<hbm>>
        tpu.wait_dma2 semaphore(%run_scoped3A : memref<!tpu.dma_semaphore, #tpu.memory_space<semaphore_mem>>) src(%dma_wait3A_40 : memref<520x64xf32, #tpu.memory_space<hbm>>) dst(%dma_wait3A_37 : memref<520x64xf32, #tpu.memory_space<vmem_shared>>)
        tpu.yield
      }) : () -> ()
    } else {
    }
    %barrier3A = arith.constant 0 : index
    tpu.barrier barrier_id(%barrier3A)
    %eq3A_7 = arith.constant 0 : i32
    %eq3A_8 = arith.cmpi eq, %arg0, %eq3A_7 : i32
    %convert_element_type3A_9 = arith.extui %eq3A_8 : i1 to i32
    %cond3A_10 = arith.constant 0 : i32
    %cond3A_11 = arith.cmpi ne, %convert_element_type3A_9, %cond3A_10 : i32
    scf.if %cond3A_11 {
      %rem3A = arith.constant 0 : i32
      %rem3A_31 = arith.constant 8 : i32
      %rem3A_32 = arith.remsi %rem3A, %rem3A_31 : i32
      %dma_start3A = arith.constant 0 : i32
      %dma_start3A_33 = arith.constant 0 : i32
      %dma_start3A_34 = arith.constant 0 : i32
      %dma_start3A_35 = tpu.memref_slice %arg7[%rem3A_32, %dma_start3A_33, %dma_start3A_34] : memref<8x2x80xi32, #tpu.memory_space<vmem>> -> memref<1x2x80xi32, #tpu.memory_space<vmem>>
      %dma_start3A_36 = tpu.memref_squeeze %dma_start3A_35 : memref<1x2x80xi32, #tpu.memory_space<vmem>> -> memref<2x80xi32, #tpu.memory_space<vmem>>
      %dma_start3A_37 = arith.constant 0 : i32
      %dma_start3A_38 = arith.constant 0 : i32
      %dma_start3A_39 = tpu.memref_slice %arg4[%arg0, %arg1, %dma_start3A, %dma_start3A_37, %dma_start3A_38] : memref<2x16x250x2x80xi32, #tpu.memory_space<hbm>> -> memref<1x1x1x2x80xi32, #tpu.memory_space<hbm>>
      %dma_start3A_40 = tpu.memref_squeeze %dma_start3A_39 : memref<1x1x1x2x80xi32, #tpu.memory_space<hbm>> -> memref<2x80xi32, #tpu.memory_space<hbm>>
      %dma_start3A_41 = tpu.memref_slice %arg12[%rem3A_32] : memref<8x!tpu.dma_semaphore, #tpu.memory_space<semaphore_mem>> -> memref<1x!tpu.dma_semaphore, #tpu.memory_space<semaphore_mem>>
      %dma_start3A_42 = tpu.memref_squeeze %dma_start3A_41 : memref<1x!tpu.dma_semaphore, #tpu.memory_space<semaphore_mem>> -> memref<!tpu.dma_semaphore, #tpu.memory_space<semaphore_mem>>
      %dma_start3A_43 = arith.constant 0 : i32
      %dma_start3A_44 = arith.constant 0 : i32
      %dma_start3A_45 = tpu.memref_slice %arg7[%rem3A_32, %dma_start3A_43, %dma_start3A_44] : memref<8x2x80xi32, #tpu.memory_space<vmem>> -> memref<1x2x80xi32, #tpu.memory_space<vmem>>
      %dma_start3A_46 = tpu.memref_squeeze %dma_start3A_45 : memref<1x2x80xi32, #tpu.memory_space<vmem>> -> memref<2x80xi32, #tpu.memory_space<vmem>>
      %dma_start3A_47 = arith.constant 0 : i32
      %dma_start3A_48 = arith.constant 0 : i32
      %dma_start3A_49 = tpu.memref_slice %arg4[%arg0, %arg1, %dma_start3A, %dma_start3A_47, %dma_start3A_48] : memref<2x16x250x2x80xi32, #tpu.memory_space<hbm>> -> memref<1x1x1x2x80xi32, #tpu.memory_space<hbm>>
      %dma_start3A_50 = tpu.memref_squeeze %dma_start3A_49 : memref<1x1x1x2x80xi32, #tpu.memory_space<hbm>> -> memref<2x80xi32, #tpu.memory_space<hbm>>
      tpu.enqueue_dma source(%dma_start3A_50 : memref<2x80xi32, #tpu.memory_space<hbm>>) target(%dma_start3A_46 : memref<2x80xi32, #tpu.memory_space<vmem>>) target_semaphore(%dma_start3A_42 : memref<!tpu.dma_semaphore, #tpu.memory_space<semaphore_mem>>)
      %rem3A_51 = arith.constant 1 : i32
      %rem3A_52 = arith.constant 8 : i32
      %rem3A_53 = arith.remsi %rem3A_51, %rem3A_52 : i32
      %dma_start3A_54 = arith.constant 1 : i32
      %dma_start3A_55 = arith.constant 0 : i32
      %dma_start3A_56 = arith.constant 0 : i32
      %dma_start3A_57 = tpu.memref_slice %arg7[%rem3A_53, %dma_start3A_55, %dma_start3A_56] : memref<8x2x80xi32, #tpu.memory_space<vmem>> -> memref<1x2x80xi32, #tpu.memory_space<vmem>>
      %dma_start3A_58 = tpu.memref_squeeze %dma_start3A_57 : memref<1x2x80xi32, #tpu.memory_space<vmem>> -> memref<2x80xi32, #tpu.memory_space<vmem>>
      %dma_start3A_59 = arith.constant 0 : i32
      %dma_start3A_60 = arith.constant 0 : i32
      %dma_start3A_61 = tpu.memref_slice %arg4[%arg0, %arg1, %dma_start3A_54, %dma_start3A_59, %dma_start3A_60] : memref<2x16x250x2x80xi32, #tpu.memory_space<hbm>> -> memref<1x1x1x2x80xi32, #tpu.memory_space<hbm>>
      %dma_start3A_62 = tpu.memref_squeeze %dma_start3A_61 : memref<1x1x1x2x80xi32, #tpu.memory_space<hbm>> -> memref<2x80xi32, #tpu.memory_space<hbm>>
      %dma_start3A_63 = tpu.memref_slice %arg12[%rem3A_53] : memref<8x!tpu.dma_semaphore, #tpu.memory_space<semaphore_mem>> -> memref<1x!tpu.dma_semaphore, #tpu.memory_space<semaphore_mem>>
      %dma_start3A_64 = tpu.memref_squeeze %dma_start3A_63 : memref<1x!tpu.dma_semaphore, #tpu.memory_space<semaphore_mem>> -> memref<!tpu.dma_semaphore, #tpu.memory_space<semaphore_mem>>
      %dma_start3A_65 = arith.constant 0 : i32
      %dma_start3A_66 = arith.constant 0 : i32
      %dma_start3A_67 = tpu.memref_slice %arg7[%rem3A_53, %dma_start3A_65, %dma_start3A_66] : memref<8x2x80xi32, #tpu.memory_space<vmem>> -> memref<1x2x80xi32, #tpu.memory_space<vmem>>
      %dma_start3A_68 = tpu.memref_squeeze %dma_start3A_67 : memref<1x2x80xi32, #tpu.memory_space<vmem>> -> memref<2x80xi32, #tpu.memory_space<vmem>>
      %dma_start3A_69 = arith.constant 0 : i32
      %dma_start3A_70 = arith.constant 0 : i32
      %dma_start3A_71 = tpu.memref_slice %arg4[%arg0, %arg1, %dma_start3A_54, %dma_start3A_69, %dma_start3A_70] : memref<2x16x250x2x80xi32, #tpu.memory_space<hbm>> -> memref<1x1x1x2x80xi32, #tpu.memory_space<hbm>>
      %dma_start3A_72 = tpu.memref_squeeze %dma_start3A_71 : memref<1x1x1x2x80xi32, #tpu.memory_space<hbm>> -> memref<2x80xi32, #tpu.memory_space<hbm>>
      tpu.enqueue_dma source(%dma_start3A_72 : memref<2x80xi32, #tpu.memory_space<hbm>>) target(%dma_start3A_68 : memref<2x80xi32, #tpu.memory_space<vmem>>) target_semaphore(%dma_start3A_64 : memref<!tpu.dma_semaphore, #tpu.memory_space<semaphore_mem>>)
      %rem3A_73 = arith.constant 2 : i32
      %rem3A_74 = arith.constant 8 : i32
      %rem3A_75 = arith.remsi %rem3A_73, %rem3A_74 : i32
      %dma_start3A_76 = arith.constant 2 : i32
      %dma_start3A_77 = arith.constant 0 : i32
      %dma_start3A_78 = arith.constant 0 : i32
      %dma_start3A_79 = tpu.memref_slice %arg7[%rem3A_75, %dma_start3A_77, %dma_start3A_78] : memref<8x2x80xi32, #tpu.memory_space<vmem>> -> memref<1x2x80xi32, #tpu.memory_space<vmem>>
      %dma_start3A_80 = tpu.memref_squeeze %dma_start3A_79 : memref<1x2x80xi32, #tpu.memory_space<vmem>> -> memref<2x80xi32, #tpu.memory_space<vmem>>
      %dma_start3A_81 = arith.constant 0 : i32
      %dma_start3A_82 = arith.constant 0 : i32
      %dma_start3A_83 = tpu.memref_slice %arg4[%arg0, %arg1, %dma_start3A_76, %dma_start3A_81, %dma_start3A_82] : memref<2x16x250x2x80xi32, #tpu.memory_space<hbm>> -> memref<1x1x1x2x80xi32, #tpu.memory_space<hbm>>
      %dma_start3A_84 = tpu.memref_squeeze %dma_start3A_83 : memref<1x1x1x2x80xi32, #tpu.memory_space<hbm>> -> memref<2x80xi32, #tpu.memory_space<hbm>>
      %dma_start3A_85 = tpu.memref_slice %arg12[%rem3A_75] : memref<8x!tpu.dma_semaphore, #tpu.memory_space<semaphore_mem>> -> memref<1x!tpu.dma_semaphore, #tpu.memory_space<semaphore_mem>>
      %dma_start3A_86 = tpu.memref_squeeze %dma_start3A_85 : memref<1x!tpu.dma_semaphore, #tpu.memory_space<semaphore_mem>> -> memref<!tpu.dma_semaphore, #tpu.memory_space<semaphore_mem>>
      %dma_start3A_87 = arith.constant 0 : i32
      %dma_start3A_88 = arith.constant 0 : i32
      %dma_start3A_89 = tpu.memref_slice %arg7[%rem3A_75, %dma_start3A_87, %dma_start3A_88] : memref<8x2x80xi32, #tpu.memory_space<vmem>> -> memref<1x2x80xi32, #tpu.memory_space<vmem>>
      %dma_start3A_90 = tpu.memref_squeeze %dma_start3A_89 : memref<1x2x80xi32, #tpu.memory_space<vmem>> -> memref<2x80xi32, #tpu.memory_space<vmem>>
      %dma_start3A_91 = arith.constant 0 : i32
      %dma_start3A_92 = arith.constant 0 : i32
      %dma_start3A_93 = tpu.memref_slice %arg4[%arg0, %arg1, %dma_start3A_76, %dma_start3A_91, %dma_start3A_92] : memref<2x16x250x2x80xi32, #tpu.memory_space<hbm>> -> memref<1x1x1x2x80xi32, #tpu.memory_space<hbm>>
      %dma_start3A_94 = tpu.memref_squeeze %dma_start3A_93 : memref<1x1x1x2x80xi32, #tpu.memory_space<hbm>> -> memref<2x80xi32, #tpu.memory_space<hbm>>
      tpu.enqueue_dma source(%dma_start3A_94 : memref<2x80xi32, #tpu.memory_space<hbm>>) target(%dma_start3A_90 : memref<2x80xi32, #tpu.memory_space<vmem>>) target_semaphore(%dma_start3A_86 : memref<!tpu.dma_semaphore, #tpu.memory_space<semaphore_mem>>)
      %rem3A_95 = arith.constant 3 : i32
      %rem3A_96 = arith.constant 8 : i32
      %rem3A_97 = arith.remsi %rem3A_95, %rem3A_96 : i32
      %dma_start3A_98 = arith.constant 3 : i32
      %dma_start3A_99 = arith.constant 0 : i32
      %dma_start3A_100 = arith.constant 0 : i32
      %dma_start3A_101 = tpu.memref_slice %arg7[%rem3A_97, %dma_start3A_99, %dma_start3A_100] : memref<8x2x80xi32, #tpu.memory_space<vmem>> -> memref<1x2x80xi32, #tpu.memory_space<vmem>>
      %dma_start3A_102 = tpu.memref_squeeze %dma_start3A_101 : memref<1x2x80xi32, #tpu.memory_space<vmem>> -> memref<2x80xi32, #tpu.memory_space<vmem>>
      %dma_start3A_103 = arith.constant 0 : i32
      %dma_start3A_104 = arith.constant 0 : i32
      %dma_start3A_105 = tpu.memref_slice %arg4[%arg0, %arg1, %dma_start3A_98, %dma_start3A_103, %dma_start3A_104] : memref<2x16x250x2x80xi32, #tpu.memory_space<hbm>> -> memref<1x1x1x2x80xi32, #tpu.memory_space<hbm>>
      %dma_start3A_106 = tpu.memref_squeeze %dma_start3A_105 : memref<1x1x1x2x80xi32, #tpu.memory_space<hbm>> -> memref<2x80xi32, #tpu.memory_space<hbm>>
      %dma_start3A_107 = tpu.memref_slice %arg12[%rem3A_97] : memref<8x!tpu.dma_semaphore, #tpu.memory_space<semaphore_mem>> -> memref<1x!tpu.dma_semaphore, #tpu.memory_space<semaphore_mem>>
      %dma_start3A_108 = tpu.memref_squeeze %dma_start3A_107 : memref<1x!tpu.dma_semaphore, #tpu.memory_space<semaphore_mem>> -> memref<!tpu.dma_semaphore, #tpu.memory_space<semaphore_mem>>
      %dma_start3A_109 = arith.constant 0 : i32
      %dma_start3A_110 = arith.constant 0 : i32
      %dma_start3A_111 = tpu.memref_slice %arg7[%rem3A_97, %dma_start3A_109, %dma_start3A_110] : memref<8x2x80xi32, #tpu.memory_space<vmem>> -> memref<1x2x80xi32, #tpu.memory_space<vmem>>
      %dma_start3A_112 = tpu.memref_squeeze %dma_start3A_111 : memref<1x2x80xi32, #tpu.memory_space<vmem>> -> memref<2x80xi32, #tpu.memory_space<vmem>>
      %dma_start3A_113 = arith.constant 0 : i32
      %dma_start3A_114 = arith.constant 0 : i32
      %dma_start3A_115 = tpu.memref_slice %arg4[%arg0, %arg1, %dma_start3A_98, %dma_start3A_113, %dma_start3A_114] : memref<2x16x250x2x80xi32, #tpu.memory_space<hbm>> -> memref<1x1x1x2x80xi32, #tpu.memory_space<hbm>>
      %dma_start3A_116 = tpu.memref_squeeze %dma_start3A_115 : memref<1x1x1x2x80xi32, #tpu.memory_space<hbm>> -> memref<2x80xi32, #tpu.memory_space<hbm>>
      tpu.enqueue_dma source(%dma_start3A_116 : memref<2x80xi32, #tpu.memory_space<hbm>>) target(%dma_start3A_112 : memref<2x80xi32, #tpu.memory_space<vmem>>) target_semaphore(%dma_start3A_108 : memref<!tpu.dma_semaphore, #tpu.memory_space<semaphore_mem>>)
      %rem3A_117 = arith.constant 4 : i32
      %rem3A_118 = arith.constant 8 : i32
      %rem3A_119 = arith.remsi %rem3A_117, %rem3A_118 : i32
      %dma_start3A_120 = arith.constant 4 : i32
      %dma_start3A_121 = arith.constant 0 : i32
      %dma_start3A_122 = arith.constant 0 : i32
      %dma_start3A_123 = tpu.memref_slice %arg7[%rem3A_119, %dma_start3A_121, %dma_start3A_122] : memref<8x2x80xi32, #tpu.memory_space<vmem>> -> memref<1x2x80xi32, #tpu.memory_space<vmem>>
      %dma_start3A_124 = tpu.memref_squeeze %dma_start3A_123 : memref<1x2x80xi32, #tpu.memory_space<vmem>> -> memref<2x80xi32, #tpu.memory_space<vmem>>
      %dma_start3A_125 = arith.constant 0 : i32
      %dma_start3A_126 = arith.constant 0 : i32
      %dma_start3A_127 = tpu.memref_slice %arg4[%arg0, %arg1, %dma_start3A_120, %dma_start3A_125, %dma_start3A_126] : memref<2x16x250x2x80xi32, #tpu.memory_space<hbm>> -> memref<1x1x1x2x80xi32, #tpu.memory_space<hbm>>
      %dma_start3A_128 = tpu.memref_squeeze %dma_start3A_127 : memref<1x1x1x2x80xi32, #tpu.memory_space<hbm>> -> memref<2x80xi32, #tpu.memory_space<hbm>>
      %dma_start3A_129 = tpu.memref_slice %arg12[%rem3A_119] : memref<8x!tpu.dma_semaphore, #tpu.memory_space<semaphore_mem>> -> memref<1x!tpu.dma_semaphore, #tpu.memory_space<semaphore_mem>>
      %dma_start3A_130 = tpu.memref_squeeze %dma_start3A_129 : memref<1x!tpu.dma_semaphore, #tpu.memory_space<semaphore_mem>> -> memref<!tpu.dma_semaphore, #tpu.memory_space<semaphore_mem>>
      %dma_start3A_131 = arith.constant 0 : i32
      %dma_start3A_132 = arith.constant 0 : i32
      %dma_start3A_133 = tpu.memref_slice %arg7[%rem3A_119, %dma_start3A_131, %dma_start3A_132] : memref<8x2x80xi32, #tpu.memory_space<vmem>> -> memref<1x2x80xi32, #tpu.memory_space<vmem>>
      %dma_start3A_134 = tpu.memref_squeeze %dma_start3A_133 : memref<1x2x80xi32, #tpu.memory_space<vmem>> -> memref<2x80xi32, #tpu.memory_space<vmem>>
      %dma_start3A_135 = arith.constant 0 : i32
      %dma_start3A_136 = arith.constant 0 : i32
      %dma_start3A_137 = tpu.memref_slice %arg4[%arg0, %arg1, %dma_start3A_120, %dma_start3A_135, %dma_start3A_136] : memref<2x16x250x2x80xi32, #tpu.memory_space<hbm>> -> memref<1x1x1x2x80xi32, #tpu.memory_space<hbm>>
      %dma_start3A_138 = tpu.memref_squeeze %dma_start3A_137 : memref<1x1x1x2x80xi32, #tpu.memory_space<hbm>> -> memref<2x80xi32, #tpu.memory_space<hbm>>
      tpu.enqueue_dma source(%dma_start3A_138 : memref<2x80xi32, #tpu.memory_space<hbm>>) target(%dma_start3A_134 : memref<2x80xi32, #tpu.memory_space<vmem>>) target_semaphore(%dma_start3A_130 : memref<!tpu.dma_semaphore, #tpu.memory_space<semaphore_mem>>)
      %rem3A_139 = arith.constant 5 : i32
      %rem3A_140 = arith.constant 8 : i32
      %rem3A_141 = arith.remsi %rem3A_139, %rem3A_140 : i32
      %dma_start3A_142 = arith.constant 5 : i32
      %dma_start3A_143 = arith.constant 0 : i32
      %dma_start3A_144 = arith.constant 0 : i32
      %dma_start3A_145 = tpu.memref_slice %arg7[%rem3A_141, %dma_start3A_143, %dma_start3A_144] : memref<8x2x80xi32, #tpu.memory_space<vmem>> -> memref<1x2x80xi32, #tpu.memory_space<vmem>>
      %dma_start3A_146 = tpu.memref_squeeze %dma_start3A_145 : memref<1x2x80xi32, #tpu.memory_space<vmem>> -> memref<2x80xi32, #tpu.memory_space<vmem>>
      %dma_start3A_147 = arith.constant 0 : i32
      %dma_start3A_148 = arith.constant 0 : i32
      %dma_start3A_149 = tpu.memref_slice %arg4[%arg0, %arg1, %dma_start3A_142, %dma_start3A_147, %dma_start3A_148] : memref<2x16x250x2x80xi32, #tpu.memory_space<hbm>> -> memref<1x1x1x2x80xi32, #tpu.memory_space<hbm>>
      %dma_start3A_150 = tpu.memref_squeeze %dma_start3A_149 : memref<1x1x1x2x80xi32, #tpu.memory_space<hbm>> -> memref<2x80xi32, #tpu.memory_space<hbm>>
      %dma_start3A_151 = tpu.memref_slice %arg12[%rem3A_141] : memref<8x!tpu.dma_semaphore, #tpu.memory_space<semaphore_mem>> -> memref<1x!tpu.dma_semaphore, #tpu.memory_space<semaphore_mem>>
      %dma_start3A_152 = tpu.memref_squeeze %dma_start3A_151 : memref<1x!tpu.dma_semaphore, #tpu.memory_space<semaphore_mem>> -> memref<!tpu.dma_semaphore, #tpu.memory_space<semaphore_mem>>
      %dma_start3A_153 = arith.constant 0 : i32
      %dma_start3A_154 = arith.constant 0 : i32
      %dma_start3A_155 = tpu.memref_slice %arg7[%rem3A_141, %dma_start3A_153, %dma_start3A_154] : memref<8x2x80xi32, #tpu.memory_space<vmem>> -> memref<1x2x80xi32, #tpu.memory_space<vmem>>
      %dma_start3A_156 = tpu.memref_squeeze %dma_start3A_155 : memref<1x2x80xi32, #tpu.memory_space<vmem>> -> memref<2x80xi32, #tpu.memory_space<vmem>>
      %dma_start3A_157 = arith.constant 0 : i32
      %dma_start3A_158 = arith.constant 0 : i32
      %dma_start3A_159 = tpu.memref_slice %arg4[%arg0, %arg1, %dma_start3A_142, %dma_start3A_157, %dma_start3A_158] : memref<2x16x250x2x80xi32, #tpu.memory_space<hbm>> -> memref<1x1x1x2x80xi32, #tpu.memory_space<hbm>>
      %dma_start3A_160 = tpu.memref_squeeze %dma_start3A_159 : memref<1x1x1x2x80xi32, #tpu.memory_space<hbm>> -> memref<2x80xi32, #tpu.memory_space<hbm>>
      tpu.enqueue_dma source(%dma_start3A_160 : memref<2x80xi32, #tpu.memory_space<hbm>>) target(%dma_start3A_156 : memref<2x80xi32, #tpu.memory_space<vmem>>) target_semaphore(%dma_start3A_152 : memref<!tpu.dma_semaphore, #tpu.memory_space<semaphore_mem>>)
      %rem3A_161 = arith.constant 0 : i32
      %rem3A_162 = arith.constant 8 : i32
      %rem3A_163 = arith.remsi %rem3A_161, %rem3A_162 : i32
      %dma_wait3A = arith.constant 0 : i32
      %dma_wait3A_164 = arith.constant 0 : i32
      %dma_wait3A_165 = arith.constant 0 : i32
      %dma_wait3A_166 = tpu.memref_slice %arg7[%rem3A_163, %dma_wait3A_164, %dma_wait3A_165] : memref<8x2x80xi32, #tpu.memory_space<vmem>> -> memref<1x2x80xi32, #tpu.memory_space<vmem>>
      %dma_wait3A_167 = tpu.memref_squeeze %dma_wait3A_166 : memref<1x2x80xi32, #tpu.memory_space<vmem>> -> memref<2x80xi32, #tpu.memory_space<vmem>>
      %dma_wait3A_168 = arith.constant 0 : i32
      %dma_wait3A_169 = arith.constant 0 : i32
      %dma_wait3A_170 = tpu.memref_slice %arg4[%arg0, %arg1, %dma_wait3A, %dma_wait3A_168, %dma_wait3A_169] : memref<2x16x250x2x80xi32, #tpu.memory_space<hbm>> -> memref<1x1x1x2x80xi32, #tpu.memory_space<hbm>>
      %dma_wait3A_171 = tpu.memref_squeeze %dma_wait3A_170 : memref<1x1x1x2x80xi32, #tpu.memory_space<hbm>> -> memref<2x80xi32, #tpu.memory_space<hbm>>
      %dma_wait3A_172 = tpu.memref_slice %arg12[%rem3A_163] : memref<8x!tpu.dma_semaphore, #tpu.memory_space<semaphore_mem>> -> memref<1x!tpu.dma_semaphore, #tpu.memory_space<semaphore_mem>>
      %dma_wait3A_173 = tpu.memref_squeeze %dma_wait3A_172 : memref<1x!tpu.dma_semaphore, #tpu.memory_space<semaphore_mem>> -> memref<!tpu.dma_semaphore, #tpu.memory_space<semaphore_mem>>
      %dma_wait3A_174 = arith.constant 0 : i32
      %dma_wait3A_175 = arith.constant 0 : i32
      %dma_wait3A_176 = tpu.memref_slice %arg7[%rem3A_163, %dma_wait3A_174, %dma_wait3A_175] : memref<8x2x80xi32, #tpu.memory_space<vmem>> -> memref<1x2x80xi32, #tpu.memory_space<vmem>>
      %dma_wait3A_177 = tpu.memref_squeeze %dma_wait3A_176 : memref<1x2x80xi32, #tpu.memory_space<vmem>> -> memref<2x80xi32, #tpu.memory_space<vmem>>
      %dma_wait3A_178 = arith.constant 0 : i32
      %dma_wait3A_179 = arith.constant 0 : i32
      %dma_wait3A_180 = tpu.memref_slice %arg4[%arg0, %arg1, %dma_wait3A, %dma_wait3A_178, %dma_wait3A_179] : memref<2x16x250x2x80xi32, #tpu.memory_space<hbm>> -> memref<1x1x1x2x80xi32, #tpu.memory_space<hbm>>
      %dma_wait3A_181 = tpu.memref_squeeze %dma_wait3A_180 : memref<1x1x1x2x80xi32, #tpu.memory_space<hbm>> -> memref<2x80xi32, #tpu.memory_space<hbm>>
      tpu.wait_dma2 semaphore(%dma_wait3A_173 : memref<!tpu.dma_semaphore, #tpu.memory_space<semaphore_mem>>) src(%dma_wait3A_181 : memref<2x80xi32, #tpu.memory_space<hbm>>) dst(%dma_wait3A_177 : memref<2x80xi32, #tpu.memory_space<vmem>>)
      %dma_start3A_182 = arith.constant 0 : i32
      %dma_start3A_183 = arith.constant 0 : i32
      %dma_start3A_184 = arith.constant 0 : i32
      %dma_start3A_185 = arith.constant 0 : i32
      %dma_start3A_186 = arith.constant 0 : i32
      %dma_start3A_187 = arith.constant 0 : i32
      %dma_start3A_188 = tpu.memref_slice %arg8[%dma_start3A_184, %dma_start3A_186, %dma_start3A_187] : memref<4x80x64xf32, #tpu.memory_space<vmem>> -> memref<1x80x64xf32, #tpu.memory_space<vmem>>
      %dma_start3A_189 = tpu.memref_squeeze %dma_start3A_188 : memref<1x80x64xf32, #tpu.memory_space<vmem>> -> memref<80x64xf32, #tpu.memory_space<vmem>>
      %dma_start3A_190 = arith.constant 0 : i32
      %dma_start3A_191 = tpu.memref_slice %arg7[%dma_start3A_182, %dma_start3A_183, %dma_start3A_190] : memref<8x2x80xi32, #tpu.memory_space<vmem>> -> memref<1x1x80xi32, #tpu.memory_space<vmem>>
      %dma_start3A_192 = tpu.memref_squeeze %dma_start3A_191 : memref<1x1x80xi32, #tpu.memory_space<vmem>> -> memref<80xi32, #tpu.memory_space<vmem>>
      %dma_start3A_193 = arith.constant 0 : i32
      %dma_start3A_194 = arith.constant 0 : i32
      %dma_start3A_195 = tpu.memref_slice %arg2[%dma_start3A_193, %dma_start3A_194] : memref<10000x64xf32, #tpu.memory_space<hbm>> -> memref<10000x64xf32, #tpu.memory_space<hbm>>
      %dma_start3A_196 = tpu.memref_slice %arg10[%dma_start3A_185] : memref<4x!tpu.dma_semaphore, #tpu.memory_space<semaphore_mem>> -> memref<1x!tpu.dma_semaphore, #tpu.memory_space<semaphore_mem>>
      %dma_start3A_197 = tpu.memref_squeeze %dma_start3A_196 : memref<1x!tpu.dma_semaphore, #tpu.memory_space<semaphore_mem>> -> memref<!tpu.dma_semaphore, #tpu.memory_space<semaphore_mem>>
      tpu.enqueue_indirect_dma source(%dma_start3A_195 : memref<10000x64xf32, #tpu.memory_space<hbm>>) target(%dma_start3A_189 : memref<80x64xf32, #tpu.memory_space<vmem>>) offsets(%dma_start3A_192 : memref<80xi32, #tpu.memory_space<vmem>>) semaphore(%dma_start3A_197 : memref<!tpu.dma_semaphore, #tpu.memory_space<semaphore_mem>>)
      %rem3A_198 = arith.constant 1 : i32
      %rem3A_199 = arith.constant 8 : i32
      %rem3A_200 = arith.remsi %rem3A_198, %rem3A_199 : i32
      %dma_wait3A_201 = arith.constant 1 : i32
      %dma_wait3A_202 = arith.constant 0 : i32
      %dma_wait3A_203 = arith.constant 0 : i32
      %dma_wait3A_204 = tpu.memref_slice %arg7[%rem3A_200, %dma_wait3A_202, %dma_wait3A_203] : memref<8x2x80xi32, #tpu.memory_space<vmem>> -> memref<1x2x80xi32, #tpu.memory_space<vmem>>
      %dma_wait3A_205 = tpu.memref_squeeze %dma_wait3A_204 : memref<1x2x80xi32, #tpu.memory_space<vmem>> -> memref<2x80xi32, #tpu.memory_space<vmem>>
      %dma_wait3A_206 = arith.constant 0 : i32
      %dma_wait3A_207 = arith.constant 0 : i32
      %dma_wait3A_208 = tpu.memref_slice %arg4[%arg0, %arg1, %dma_wait3A_201, %dma_wait3A_206, %dma_wait3A_207] : memref<2x16x250x2x80xi32, #tpu.memory_space<hbm>> -> memref<1x1x1x2x80xi32, #tpu.memory_space<hbm>>
      %dma_wait3A_209 = tpu.memref_squeeze %dma_wait3A_208 : memref<1x1x1x2x80xi32, #tpu.memory_space<hbm>> -> memref<2x80xi32, #tpu.memory_space<hbm>>
      %dma_wait3A_210 = tpu.memref_slice %arg12[%rem3A_200] : memref<8x!tpu.dma_semaphore, #tpu.memory_space<semaphore_mem>> -> memref<1x!tpu.dma_semaphore, #tpu.memory_space<semaphore_mem>>
      %dma_wait3A_211 = tpu.memref_squeeze %dma_wait3A_210 : memref<1x!tpu.dma_semaphore, #tpu.memory_space<semaphore_mem>> -> memref<!tpu.dma_semaphore, #tpu.memory_space<semaphore_mem>>
      %dma_wait3A_212 = arith.constant 0 : i32
      %dma_wait3A_213 = arith.constant 0 : i32
      %dma_wait3A_214 = tpu.memref_slice %arg7[%rem3A_200, %dma_wait3A_212, %dma_wait3A_213] : memref<8x2x80xi32, #tpu.memory_space<vmem>> -> memref<1x2x80xi32, #tpu.memory_space<vmem>>
      %dma_wait3A_215 = tpu.memref_squeeze %dma_wait3A_214 : memref<1x2x80xi32, #tpu.memory_space<vmem>> -> memref<2x80xi32, #tpu.memory_space<vmem>>
      %dma_wait3A_216 = arith.constant 0 : i32
      %dma_wait3A_217 = arith.constant 0 : i32
      %dma_wait3A_218 = tpu.memref_slice %arg4[%arg0, %arg1, %dma_wait3A_201, %dma_wait3A_216, %dma_wait3A_217] : memref<2x16x250x2x80xi32, #tpu.memory_space<hbm>> -> memref<1x1x1x2x80xi32, #tpu.memory_space<hbm>>
      %dma_wait3A_219 = tpu.memref_squeeze %dma_wait3A_218 : memref<1x1x1x2x80xi32, #tpu.memory_space<hbm>> -> memref<2x80xi32, #tpu.memory_space<hbm>>
      tpu.wait_dma2 semaphore(%dma_wait3A_211 : memref<!tpu.dma_semaphore, #tpu.memory_space<semaphore_mem>>) src(%dma_wait3A_219 : memref<2x80xi32, #tpu.memory_space<hbm>>) dst(%dma_wait3A_215 : memref<2x80xi32, #tpu.memory_space<vmem>>)
      %dma_start3A_220 = arith.constant 1 : i32
      %dma_start3A_221 = arith.constant 0 : i32
      %dma_start3A_222 = arith.constant 1 : i32
      %dma_start3A_223 = arith.constant 1 : i32
      %dma_start3A_224 = arith.constant 0 : i32
      %dma_start3A_225 = arith.constant 0 : i32
      %dma_start3A_226 = tpu.memref_slice %arg8[%dma_start3A_222, %dma_start3A_224, %dma_start3A_225] : memref<4x80x64xf32, #tpu.memory_space<vmem>> -> memref<1x80x64xf32, #tpu.memory_space<vmem>>
      %dma_start3A_227 = tpu.memref_squeeze %dma_start3A_226 : memref<1x80x64xf32, #tpu.memory_space<vmem>> -> memref<80x64xf32, #tpu.memory_space<vmem>>
      %dma_start3A_228 = arith.constant 0 : i32
      %dma_start3A_229 = tpu.memref_slice %arg7[%dma_start3A_220, %dma_start3A_221, %dma_start3A_228] : memref<8x2x80xi32, #tpu.memory_space<vmem>> -> memref<1x1x80xi32, #tpu.memory_space<vmem>>
      %dma_start3A_230 = tpu.memref_squeeze %dma_start3A_229 : memref<1x1x80xi32, #tpu.memory_space<vmem>> -> memref<80xi32, #tpu.memory_space<vmem>>
      %dma_start3A_231 = arith.constant 0 : i32
      %dma_start3A_232 = arith.constant 0 : i32
      %dma_start3A_233 = tpu.memref_slice %arg2[%dma_start3A_231, %dma_start3A_232] : memref<10000x64xf32, #tpu.memory_space<hbm>> -> memref<10000x64xf32, #tpu.memory_space<hbm>>
      %dma_start3A_234 = tpu.memref_slice %arg10[%dma_start3A_223] : memref<4x!tpu.dma_semaphore, #tpu.memory_space<semaphore_mem>> -> memref<1x!tpu.dma_semaphore, #tpu.memory_space<semaphore_mem>>
      %dma_start3A_235 = tpu.memref_squeeze %dma_start3A_234 : memref<1x!tpu.dma_semaphore, #tpu.memory_space<semaphore_mem>> -> memref<!tpu.dma_semaphore, #tpu.memory_space<semaphore_mem>>
      tpu.enqueue_indirect_dma source(%dma_start3A_233 : memref<10000x64xf32, #tpu.memory_space<hbm>>) target(%dma_start3A_227 : memref<80x64xf32, #tpu.memory_space<vmem>>) offsets(%dma_start3A_230 : memref<80xi32, #tpu.memory_space<vmem>>) semaphore(%dma_start3A_235 : memref<!tpu.dma_semaphore, #tpu.memory_space<semaphore_mem>>)
      %rem3A_236 = arith.constant 2 : i32
      %rem3A_237 = arith.constant 8 : i32
      %rem3A_238 = arith.remsi %rem3A_236, %rem3A_237 : i32
      %dma_wait3A_239 = arith.constant 2 : i32
      %dma_wait3A_240 = arith.constant 0 : i32
      %dma_wait3A_241 = arith.constant 0 : i32
      %dma_wait3A_242 = tpu.memref_slice %arg7[%rem3A_238, %dma_wait3A_240, %dma_wait3A_241] : memref<8x2x80xi32, #tpu.memory_space<vmem>> -> memref<1x2x80xi32, #tpu.memory_space<vmem>>
      %dma_wait3A_243 = tpu.memref_squeeze %dma_wait3A_242 : memref<1x2x80xi32, #tpu.memory_space<vmem>> -> memref<2x80xi32, #tpu.memory_space<vmem>>
      %dma_wait3A_244 = arith.constant 0 : i32
      %dma_wait3A_245 = arith.constant 0 : i32
      %dma_wait3A_246 = tpu.memref_slice %arg4[%arg0, %arg1, %dma_wait3A_239, %dma_wait3A_244, %dma_wait3A_245] : memref<2x16x250x2x80xi32, #tpu.memory_space<hbm>> -> memref<1x1x1x2x80xi32, #tpu.memory_space<hbm>>
      %dma_wait3A_247 = tpu.memref_squeeze %dma_wait3A_246 : memref<1x1x1x2x80xi32, #tpu.memory_space<hbm>> -> memref<2x80xi32, #tpu.memory_space<hbm>>
      %dma_wait3A_248 = tpu.memref_slice %arg12[%rem3A_238] : memref<8x!tpu.dma_semaphore, #tpu.memory_space<semaphore_mem>> -> memref<1x!tpu.dma_semaphore, #tpu.memory_space<semaphore_mem>>
      %dma_wait3A_249 = tpu.memref_squeeze %dma_wait3A_248 : memref<1x!tpu.dma_semaphore, #tpu.memory_space<semaphore_mem>> -> memref<!tpu.dma_semaphore, #tpu.memory_space<semaphore_mem>>
      %dma_wait3A_250 = arith.constant 0 : i32
      %dma_wait3A_251 = arith.constant 0 : i32
      %dma_wait3A_252 = tpu.memref_slice %arg7[%rem3A_238, %dma_wait3A_250, %dma_wait3A_251] : memref<8x2x80xi32, #tpu.memory_space<vmem>> -> memref<1x2x80xi32, #tpu.memory_space<vmem>>
      %dma_wait3A_253 = tpu.memref_squeeze %dma_wait3A_252 : memref<1x2x80xi32, #tpu.memory_space<vmem>> -> memref<2x80xi32, #tpu.memory_space<vmem>>
      %dma_wait3A_254 = arith.constant 0 : i32
      %dma_wait3A_255 = arith.constant 0 : i32
      %dma_wait3A_256 = tpu.memref_slice %arg4[%arg0, %arg1, %dma_wait3A_239, %dma_wait3A_254, %dma_wait3A_255] : memref<2x16x250x2x80xi32, #tpu.memory_space<hbm>> -> memref<1x1x1x2x80xi32, #tpu.memory_space<hbm>>
      %dma_wait3A_257 = tpu.memref_squeeze %dma_wait3A_256 : memref<1x1x1x2x80xi32, #tpu.memory_space<hbm>> -> memref<2x80xi32, #tpu.memory_space<hbm>>
      tpu.wait_dma2 semaphore(%dma_wait3A_249 : memref<!tpu.dma_semaphore, #tpu.memory_space<semaphore_mem>>) src(%dma_wait3A_257 : memref<2x80xi32, #tpu.memory_space<hbm>>) dst(%dma_wait3A_253 : memref<2x80xi32, #tpu.memory_space<vmem>>)
      %dma_start3A_258 = arith.constant 2 : i32
      %dma_start3A_259 = arith.constant 0 : i32
      %dma_start3A_260 = arith.constant 2 : i32
      %dma_start3A_261 = arith.constant 2 : i32
      %dma_start3A_262 = arith.constant 0 : i32
      %dma_start3A_263 = arith.constant 0 : i32
      %dma_start3A_264 = tpu.memref_slice %arg8[%dma_start3A_260, %dma_start3A_262, %dma_start3A_263] : memref<4x80x64xf32, #tpu.memory_space<vmem>> -> memref<1x80x64xf32, #tpu.memory_space<vmem>>
      %dma_start3A_265 = tpu.memref_squeeze %dma_start3A_264 : memref<1x80x64xf32, #tpu.memory_space<vmem>> -> memref<80x64xf32, #tpu.memory_space<vmem>>
      %dma_start3A_266 = arith.constant 0 : i32
      %dma_start3A_267 = tpu.memref_slice %arg7[%dma_start3A_258, %dma_start3A_259, %dma_start3A_266] : memref<8x2x80xi32, #tpu.memory_space<vmem>> -> memref<1x1x80xi32, #tpu.memory_space<vmem>>
      %dma_start3A_268 = tpu.memref_squeeze %dma_start3A_267 : memref<1x1x80xi32, #tpu.memory_space<vmem>> -> memref<80xi32, #tpu.memory_space<vmem>>
      %dma_start3A_269 = arith.constant 0 : i32
      %dma_start3A_270 = arith.constant 0 : i32
      %dma_start3A_271 = tpu.memref_slice %arg2[%dma_start3A_269, %dma_start3A_270] : memref<10000x64xf32, #tpu.memory_space<hbm>> -> memref<10000x64xf32, #tpu.memory_space<hbm>>
      %dma_start3A_272 = tpu.memref_slice %arg10[%dma_start3A_261] : memref<4x!tpu.dma_semaphore, #tpu.memory_space<semaphore_mem>> -> memref<1x!tpu.dma_semaphore, #tpu.memory_space<semaphore_mem>>
      %dma_start3A_273 = tpu.memref_squeeze %dma_start3A_272 : memref<1x!tpu.dma_semaphore, #tpu.memory_space<semaphore_mem>> -> memref<!tpu.dma_semaphore, #tpu.memory_space<semaphore_mem>>
      tpu.enqueue_indirect_dma source(%dma_start3A_271 : memref<10000x64xf32, #tpu.memory_space<hbm>>) target(%dma_start3A_265 : memref<80x64xf32, #tpu.memory_space<vmem>>) offsets(%dma_start3A_268 : memref<80xi32, #tpu.memory_space<vmem>>) semaphore(%dma_start3A_273 : memref<!tpu.dma_semaphore, #tpu.memory_space<semaphore_mem>>)
      %scan3A = arith.constant 0 : i32
      %scan3A_274 = arith.constant 0 : i32
      %scan3A_275 = arith.constant 250 : i32
      %scan3A_276 = arith.addi %scan3A_274, %scan3A_275 : i32
      %scan3A_277 = arith.constant 1 : i32
      %scan3A_278 = scf.for %scan3A_344 = %scan3A_274 to %scan3A_276 step %scan3A_277 iter_args(%scan3A_345 = %scan3A) -> (i32)  : i32 {
        %rem3A_346 = arith.constant 4 : i32
        %rem3A_347 = arith.remsi %scan3A_344, %rem3A_346 : i32
        %rem3A_348 = arith.constant 8 : i32
        %rem3A_349 = arith.remsi %scan3A_344, %rem3A_348 : i32
        %dma_wait3A_350 = arith.constant 0 : i32
        %dma_wait3A_351 = arith.constant 0 : i32
        %dma_wait3A_352 = arith.constant 0 : i32
        %dma_wait3A_353 = tpu.memref_slice %arg8[%rem3A_347, %dma_wait3A_351, %dma_wait3A_352] : memref<4x80x64xf32, #tpu.memory_space<vmem>> -> memref<1x80x64xf32, #tpu.memory_space<vmem>>
        %dma_wait3A_354 = tpu.memref_squeeze %dma_wait3A_353 : memref<1x80x64xf32, #tpu.memory_space<vmem>> -> memref<80x64xf32, #tpu.memory_space<vmem>>
        %dma_wait3A_355 = arith.constant 0 : i32
        %dma_wait3A_356 = tpu.memref_slice %arg7[%rem3A_349, %dma_wait3A_350, %dma_wait3A_355] : memref<8x2x80xi32, #tpu.memory_space<vmem>> -> memref<1x1x80xi32, #tpu.memory_space<vmem>>
        %dma_wait3A_357 = tpu.memref_squeeze %dma_wait3A_356 : memref<1x1x80xi32, #tpu.memory_space<vmem>> -> memref<80xi32, #tpu.memory_space<vmem>>
        %dma_wait3A_358 = arith.constant 0 : i32
        %dma_wait3A_359 = arith.constant 0 : i32
        %dma_wait3A_360 = tpu.memref_slice %arg2[%dma_wait3A_358, %dma_wait3A_359] : memref<10000x64xf32, #tpu.memory_space<hbm>> -> memref<10000x64xf32, #tpu.memory_space<hbm>>
        %dma_wait3A_361 = tpu.memref_slice %arg10[%rem3A_347] : memref<4x!tpu.dma_semaphore, #tpu.memory_space<semaphore_mem>> -> memref<1x!tpu.dma_semaphore, #tpu.memory_space<semaphore_mem>>
        %dma_wait3A_362 = tpu.memref_squeeze %dma_wait3A_361 : memref<1x!tpu.dma_semaphore, #tpu.memory_space<semaphore_mem>> -> memref<!tpu.dma_semaphore, #tpu.memory_space<semaphore_mem>>
        tpu.wait_indirect_dma semaphore(%dma_wait3A_362 : memref<!tpu.dma_semaphore, #tpu.memory_space<semaphore_mem>>) src(%dma_wait3A_360 : memref<10000x64xf32, #tpu.memory_space<hbm>>) dst(%dma_wait3A_354 : memref<80x64xf32, #tpu.memory_space<vmem>>)
        %dma_start3A_363 = arith.constant 1 : i32
        %dma_start3A_364 = arith.constant 0 : i32
        %dma_start3A_365 = arith.constant 0 : i32
        %dma_start3A_366 = tpu.memref_slice %arg8[%rem3A_347, %dma_start3A_364, %dma_start3A_365] : memref<4x80x64xf32, #tpu.memory_space<vmem>> -> memref<1x80x64xf32, #tpu.memory_space<vmem>>
        %dma_start3A_367 = tpu.memref_squeeze %dma_start3A_366 : memref<1x80x64xf32, #tpu.memory_space<vmem>> -> memref<80x64xf32, #tpu.memory_space<vmem>>
        %dma_start3A_368 = arith.constant 0 : i32
        %dma_start3A_369 = tpu.memref_slice %arg7[%rem3A_349, %dma_start3A_363, %dma_start3A_368] : memref<8x2x80xi32, #tpu.memory_space<vmem>> -> memref<1x1x80xi32, #tpu.memory_space<vmem>>
        %dma_start3A_370 = tpu.memref_squeeze %dma_start3A_369 : memref<1x1x80xi32, #tpu.memory_space<vmem>> -> memref<80xi32, #tpu.memory_space<vmem>>
        %dma_start3A_371 = arith.constant 0 : i32
        %dma_start3A_372 = arith.constant 0 : i32
        %dma_start3A_373 = tpu.memref_slice %arg9[%dma_start3A_371, %dma_start3A_372] : memref<10000x64xf32, #tpu.memory_space<vmem_shared>> -> memref<10000x64xf32, #tpu.memory_space<vmem_shared>>
        %dma_start3A_374 = tpu.memref_slice %arg11[%rem3A_347] : memref<4x!tpu.dma_semaphore, #tpu.memory_space<semaphore_mem>> -> memref<1x!tpu.dma_semaphore, #tpu.memory_space<semaphore_mem>>
        %dma_start3A_375 = tpu.memref_squeeze %dma_start3A_374 : memref<1x!tpu.dma_semaphore, #tpu.memory_space<semaphore_mem>> -> memref<!tpu.dma_semaphore, #tpu.memory_space<semaphore_mem>>
        tpu.enqueue_indirect_dma source(%dma_start3A_367 : memref<80x64xf32, #tpu.memory_space<vmem>>) target(%dma_start3A_373 : memref<10000x64xf32, #tpu.memory_space<vmem_shared>>) offsets(%dma_start3A_370 : memref<80xi32, #tpu.memory_space<vmem>>) semaphore(%dma_start3A_375 : memref<!tpu.dma_semaphore, #tpu.memory_space<semaphore_mem>>) {add = true}
        %add3A = arith.constant 6 : i32
        %add3A_376 = arith.addi %scan3A_344, %add3A : i32
        %lt3A_377 = arith.constant 250 : i32
        %lt3A_378 = arith.cmpi slt, %add3A_376, %lt3A_377 : i32
        %convert_element_type3A_379 = arith.extui %lt3A_378 : i1 to i32
        %cond3A_380 = arith.constant 0 : i32
        %cond3A_381 = arith.cmpi ne, %convert_element_type3A_379, %cond3A_380 : i32
        scf.if %cond3A_381 {
          %rem3A_390 = arith.constant 8 : i32
          %rem3A_391 = arith.remsi %add3A_376, %rem3A_390 : i32
          %dma_start3A_392 = arith.constant 0 : i32
          %dma_start3A_393 = arith.constant 0 : i32
          %dma_start3A_394 = tpu.memref_slice %arg7[%rem3A_391, %dma_start3A_392, %dma_start3A_393] : memref<8x2x80xi32, #tpu.memory_space<vmem>> -> memref<1x2x80xi32, #tpu.memory_space<vmem>>
          %dma_start3A_395 = tpu.memref_squeeze %dma_start3A_394 : memref<1x2x80xi32, #tpu.memory_space<vmem>> -> memref<2x80xi32, #tpu.memory_space<vmem>>
          %dma_start3A_396 = arith.constant 0 : i32
          %dma_start3A_397 = arith.constant 0 : i32
          %dma_start3A_398 = tpu.memref_slice %arg4[%arg0, %arg1, %add3A_376, %dma_start3A_396, %dma_start3A_397] : memref<2x16x250x2x80xi32, #tpu.memory_space<hbm>> -> memref<1x1x1x2x80xi32, #tpu.memory_space<hbm>>
          %dma_start3A_399 = tpu.memref_squeeze %dma_start3A_398 : memref<1x1x1x2x80xi32, #tpu.memory_space<hbm>> -> memref<2x80xi32, #tpu.memory_space<hbm>>
          %dma_start3A_400 = tpu.memref_slice %arg12[%rem3A_391] : memref<8x!tpu.dma_semaphore, #tpu.memory_space<semaphore_mem>> -> memref<1x!tpu.dma_semaphore, #tpu.memory_space<semaphore_mem>>
          %dma_start3A_401 = tpu.memref_squeeze %dma_start3A_400 : memref<1x!tpu.dma_semaphore, #tpu.memory_space<semaphore_mem>> -> memref<!tpu.dma_semaphore, #tpu.memory_space<semaphore_mem>>
          %dma_start3A_402 = arith.constant 0 : i32
          %dma_start3A_403 = arith.constant 0 : i32
          %dma_start3A_404 = tpu.memref_slice %arg7[%rem3A_391, %dma_start3A_402, %dma_start3A_403] : memref<8x2x80xi32, #tpu.memory_space<vmem>> -> memref<1x2x80xi32, #tpu.memory_space<vmem>>
          %dma_start3A_405 = tpu.memref_squeeze %dma_start3A_404 : memref<1x2x80xi32, #tpu.memory_space<vmem>> -> memref<2x80xi32, #tpu.memory_space<vmem>>
          %dma_start3A_406 = arith.constant 0 : i32
          %dma_start3A_407 = arith.constant 0 : i32
          %dma_start3A_408 = tpu.memref_slice %arg4[%arg0, %arg1, %add3A_376, %dma_start3A_406, %dma_start3A_407] : memref<2x16x250x2x80xi32, #tpu.memory_space<hbm>> -> memref<1x1x1x2x80xi32, #tpu.memory_space<hbm>>
          %dma_start3A_409 = tpu.memref_squeeze %dma_start3A_408 : memref<1x1x1x2x80xi32, #tpu.memory_space<hbm>> -> memref<2x80xi32, #tpu.memory_space<hbm>>
          tpu.enqueue_dma source(%dma_start3A_409 : memref<2x80xi32, #tpu.memory_space<hbm>>) target(%dma_start3A_405 : memref<2x80xi32, #tpu.memory_space<vmem>>) target_semaphore(%dma_start3A_401 : memref<!tpu.dma_semaphore, #tpu.memory_space<semaphore_mem>>)
        } else {
        }
        %add3A_382 = arith.constant 3 : i32
        %add3A_383 = arith.addi %scan3A_344, %add3A_382 : i32
        %lt3A_384 = arith.constant 250 : i32
        %lt3A_385 = arith.cmpi slt, %add3A_383, %lt3A_384 : i32
        %convert_element_type3A_386 = arith.extui %lt3A_385 : i1 to i32
        %cond3A_387 = arith.constant 0 : i32
        %cond3A_388 = arith.cmpi ne, %convert_element_type3A_386, %cond3A_387 : i32
        scf.if %cond3A_388 {
          %rem3A_390 = arith.constant 4 : i32
          %rem3A_391 = arith.remsi %add3A_383, %rem3A_390 : i32
          %ge3A = arith.constant 1 : i32
          %ge3A_392 = arith.cmpi sge, %scan3A_344, %ge3A : i32
          %convert_element_type3A_393 = arith.extui %ge3A_392 : i1 to i32
          %cond3A_394 = arith.constant 0 : i32
          %cond3A_395 = arith.cmpi ne, %convert_element_type3A_393, %cond3A_394 : i32
          scf.if %cond3A_395 {
            %sub3A = arith.constant 1 : i32
            %sub3A_431 = arith.subi %scan3A_344, %sub3A : i32
            %rem3A_432 = arith.constant 8 : i32
            %rem3A_433 = arith.remsi %sub3A_431, %rem3A_432 : i32
            %dma_wait3A_434 = arith.constant 1 : i32
            %dma_wait3A_435 = arith.constant 0 : i32
            %dma_wait3A_436 = arith.constant 0 : i32
            %dma_wait3A_437 = tpu.memref_slice %arg8[%rem3A_391, %dma_wait3A_435, %dma_wait3A_436] : memref<4x80x64xf32, #tpu.memory_space<vmem>> -> memref<1x80x64xf32, #tpu.memory_space<vmem>>
            %dma_wait3A_438 = tpu.memref_squeeze %dma_wait3A_437 : memref<1x80x64xf32, #tpu.memory_space<vmem>> -> memref<80x64xf32, #tpu.memory_space<vmem>>
            %dma_wait3A_439 = arith.constant 0 : i32
            %dma_wait3A_440 = tpu.memref_slice %arg7[%rem3A_433, %dma_wait3A_434, %dma_wait3A_439] : memref<8x2x80xi32, #tpu.memory_space<vmem>> -> memref<1x1x80xi32, #tpu.memory_space<vmem>>
            %dma_wait3A_441 = tpu.memref_squeeze %dma_wait3A_440 : memref<1x1x80xi32, #tpu.memory_space<vmem>> -> memref<80xi32, #tpu.memory_space<vmem>>
            %dma_wait3A_442 = arith.constant 0 : i32
            %dma_wait3A_443 = arith.constant 0 : i32
            %dma_wait3A_444 = tpu.memref_slice %arg9[%dma_wait3A_442, %dma_wait3A_443] : memref<10000x64xf32, #tpu.memory_space<vmem_shared>> -> memref<10000x64xf32, #tpu.memory_space<vmem_shared>>
            %dma_wait3A_445 = tpu.memref_slice %arg11[%rem3A_391] : memref<4x!tpu.dma_semaphore, #tpu.memory_space<semaphore_mem>> -> memref<1x!tpu.dma_semaphore, #tpu.memory_space<semaphore_mem>>
            %dma_wait3A_446 = tpu.memref_squeeze %dma_wait3A_445 : memref<1x!tpu.dma_semaphore, #tpu.memory_space<semaphore_mem>> -> memref<!tpu.dma_semaphore, #tpu.memory_space<semaphore_mem>>
            tpu.wait_indirect_dma semaphore(%dma_wait3A_446 : memref<!tpu.dma_semaphore, #tpu.memory_space<semaphore_mem>>) src(%dma_wait3A_438 : memref<80x64xf32, #tpu.memory_space<vmem>>) dst(%dma_wait3A_444 : memref<10000x64xf32, #tpu.memory_space<vmem_shared>>)
          } else {
          }
          %rem3A_396 = arith.constant 8 : i32
          %rem3A_397 = arith.remsi %add3A_383, %rem3A_396 : i32
          %dma_wait3A_398 = arith.constant 0 : i32
          %dma_wait3A_399 = arith.constant 0 : i32
          %dma_wait3A_400 = tpu.memref_slice %arg7[%rem3A_397, %dma_wait3A_398, %dma_wait3A_399] : memref<8x2x80xi32, #tpu.memory_space<vmem>> -> memref<1x2x80xi32, #tpu.memory_space<vmem>>
          %dma_wait3A_401 = tpu.memref_squeeze %dma_wait3A_400 : memref<1x2x80xi32, #tpu.memory_space<vmem>> -> memref<2x80xi32, #tpu.memory_space<vmem>>
          %dma_wait3A_402 = arith.constant 0 : i32
          %dma_wait3A_403 = arith.constant 0 : i32
          %dma_wait3A_404 = tpu.memref_slice %arg4[%arg0, %arg1, %add3A_383, %dma_wait3A_402, %dma_wait3A_403] : memref<2x16x250x2x80xi32, #tpu.memory_space<hbm>> -> memref<1x1x1x2x80xi32, #tpu.memory_space<hbm>>
          %dma_wait3A_405 = tpu.memref_squeeze %dma_wait3A_404 : memref<1x1x1x2x80xi32, #tpu.memory_space<hbm>> -> memref<2x80xi32, #tpu.memory_space<hbm>>
          %dma_wait3A_406 = tpu.memref_slice %arg12[%rem3A_397] : memref<8x!tpu.dma_semaphore, #tpu.memory_space<semaphore_mem>> -> memref<1x!tpu.dma_semaphore, #tpu.memory_space<semaphore_mem>>
          %dma_wait3A_407 = tpu.memref_squeeze %dma_wait3A_406 : memref<1x!tpu.dma_semaphore, #tpu.memory_space<semaphore_mem>> -> memref<!tpu.dma_semaphore, #tpu.memory_space<semaphore_mem>>
          %dma_wait3A_408 = arith.constant 0 : i32
          %dma_wait3A_409 = arith.constant 0 : i32
          %dma_wait3A_410 = tpu.memref_slice %arg7[%rem3A_397, %dma_wait3A_408, %dma_wait3A_409] : memref<8x2x80xi32, #tpu.memory_space<vmem>> -> memref<1x2x80xi32, #tpu.memory_space<vmem>>
          %dma_wait3A_411 = tpu.memref_squeeze %dma_wait3A_410 : memref<1x2x80xi32, #tpu.memory_space<vmem>> -> memref<2x80xi32, #tpu.memory_space<vmem>>
          %dma_wait3A_412 = arith.constant 0 : i32
          %dma_wait3A_413 = arith.constant 0 : i32
          %dma_wait3A_414 = tpu.memref_slice %arg4[%arg0, %arg1, %add3A_383, %dma_wait3A_412, %dma_wait3A_413] : memref<2x16x250x2x80xi32, #tpu.memory_space<hbm>> -> memref<1x1x1x2x80xi32, #tpu.memory_space<hbm>>
          %dma_wait3A_415 = tpu.memref_squeeze %dma_wait3A_414 : memref<1x1x1x2x80xi32, #tpu.memory_space<hbm>> -> memref<2x80xi32, #tpu.memory_space<hbm>>
          tpu.wait_dma2 semaphore(%dma_wait3A_407 : memref<!tpu.dma_semaphore, #tpu.memory_space<semaphore_mem>>) src(%dma_wait3A_415 : memref<2x80xi32, #tpu.memory_space<hbm>>) dst(%dma_wait3A_411 : memref<2x80xi32, #tpu.memory_space<vmem>>)
          %rem3A_416 = arith.constant 8 : i32
          %rem3A_417 = arith.remsi %add3A_383, %rem3A_416 : i32
          %dma_start3A_418 = arith.constant 0 : i32
          %dma_start3A_419 = arith.constant 0 : i32
          %dma_start3A_420 = arith.constant 0 : i32
          %dma_start3A_421 = tpu.memref_slice %arg8[%rem3A_391, %dma_start3A_419, %dma_start3A_420] : memref<4x80x64xf32, #tpu.memory_space<vmem>> -> memref<1x80x64xf32, #tpu.memory_space<vmem>>
          %dma_start3A_422 = tpu.memref_squeeze %dma_start3A_421 : memref<1x80x64xf32, #tpu.memory_space<vmem>> -> memref<80x64xf32, #tpu.memory_space<vmem>>
          %dma_start3A_423 = arith.constant 0 : i32
          %dma_start3A_424 = tpu.memref_slice %arg7[%rem3A_417, %dma_start3A_418, %dma_start3A_423] : memref<8x2x80xi32, #tpu.memory_space<vmem>> -> memref<1x1x80xi32, #tpu.memory_space<vmem>>
          %dma_start3A_425 = tpu.memref_squeeze %dma_start3A_424 : memref<1x1x80xi32, #tpu.memory_space<vmem>> -> memref<80xi32, #tpu.memory_space<vmem>>
          %dma_start3A_426 = arith.constant 0 : i32
          %dma_start3A_427 = arith.constant 0 : i32
          %dma_start3A_428 = tpu.memref_slice %arg2[%dma_start3A_426, %dma_start3A_427] : memref<10000x64xf32, #tpu.memory_space<hbm>> -> memref<10000x64xf32, #tpu.memory_space<hbm>>
          %dma_start3A_429 = tpu.memref_slice %arg10[%rem3A_391] : memref<4x!tpu.dma_semaphore, #tpu.memory_space<semaphore_mem>> -> memref<1x!tpu.dma_semaphore, #tpu.memory_space<semaphore_mem>>
          %dma_start3A_430 = tpu.memref_squeeze %dma_start3A_429 : memref<1x!tpu.dma_semaphore, #tpu.memory_space<semaphore_mem>> -> memref<!tpu.dma_semaphore, #tpu.memory_space<semaphore_mem>>
          tpu.enqueue_indirect_dma source(%dma_start3A_428 : memref<10000x64xf32, #tpu.memory_space<hbm>>) target(%dma_start3A_422 : memref<80x64xf32, #tpu.memory_space<vmem>>) offsets(%dma_start3A_425 : memref<80xi32, #tpu.memory_space<vmem>>) semaphore(%dma_start3A_430 : memref<!tpu.dma_semaphore, #tpu.memory_space<semaphore_mem>>)
        } else {
        }
        %scan3A_389 = arith.constant 0 : i32
        scf.yield %scan3A_389 : i32
      }
      %scan3A_279 = arith.constant 250 : i32
      %dma_wait3A_280 = arith.constant 2 : i32
      %dma_wait3A_281 = arith.constant 6 : i32
      %dma_wait3A_282 = arith.constant 1 : i32
      %dma_wait3A_283 = arith.constant 2 : i32
      %dma_wait3A_284 = arith.constant 0 : i32
      %dma_wait3A_285 = arith.constant 0 : i32
      %dma_wait3A_286 = tpu.memref_slice %arg8[%dma_wait3A_280, %dma_wait3A_284, %dma_wait3A_285] : memref<4x80x64xf32, #tpu.memory_space<vmem>> -> memref<1x80x64xf32, #tpu.memory_space<vmem>>
      %dma_wait3A_287 = tpu.memref_squeeze %dma_wait3A_286 : memref<1x80x64xf32, #tpu.memory_space<vmem>> -> memref<80x64xf32, #tpu.memory_space<vmem>>
      %dma_wait3A_288 = arith.constant 0 : i32
      %dma_wait3A_289 = tpu.memref_slice %arg7[%dma_wait3A_281, %dma_wait3A_282, %dma_wait3A_288] : memref<8x2x80xi32, #tpu.memory_space<vmem>> -> memref<1x1x80xi32, #tpu.memory_space<vmem>>
      %dma_wait3A_290 = tpu.memref_squeeze %dma_wait3A_289 : memref<1x1x80xi32, #tpu.memory_space<vmem>> -> memref<80xi32, #tpu.memory_space<vmem>>
      %dma_wait3A_291 = arith.constant 0 : i32
      %dma_wait3A_292 = arith.constant 0 : i32
      %dma_wait3A_293 = tpu.memref_slice %arg9[%dma_wait3A_291, %dma_wait3A_292] : memref<10000x64xf32, #tpu.memory_space<vmem_shared>> -> memref<10000x64xf32, #tpu.memory_space<vmem_shared>>
      %dma_wait3A_294 = tpu.memref_slice %arg11[%dma_wait3A_283] : memref<4x!tpu.dma_semaphore, #tpu.memory_space<semaphore_mem>> -> memref<1x!tpu.dma_semaphore, #tpu.memory_space<semaphore_mem>>
      %dma_wait3A_295 = tpu.memref_squeeze %dma_wait3A_294 : memref<1x!tpu.dma_semaphore, #tpu.memory_space<semaphore_mem>> -> memref<!tpu.dma_semaphore, #tpu.memory_space<semaphore_mem>>
      tpu.wait_indirect_dma semaphore(%dma_wait3A_295 : memref<!tpu.dma_semaphore, #tpu.memory_space<semaphore_mem>>) src(%dma_wait3A_287 : memref<80x64xf32, #tpu.memory_space<vmem>>) dst(%dma_wait3A_293 : memref<10000x64xf32, #tpu.memory_space<vmem_shared>>)
      %dma_wait3A_296 = arith.constant 3 : i32
      %dma_wait3A_297 = arith.constant 7 : i32
      %dma_wait3A_298 = arith.constant 1 : i32
      %dma_wait3A_299 = arith.constant 3 : i32
      %dma_wait3A_300 = arith.constant 0 : i32
      %dma_wait3A_301 = arith.constant 0 : i32
      %dma_wait3A_302 = tpu.memref_slice %arg8[%dma_wait3A_296, %dma_wait3A_300, %dma_wait3A_301] : memref<4x80x64xf32, #tpu.memory_space<vmem>> -> memref<1x80x64xf32, #tpu.memory_space<vmem>>
      %dma_wait3A_303 = tpu.memref_squeeze %dma_wait3A_302 : memref<1x80x64xf32, #tpu.memory_space<vmem>> -> memref<80x64xf32, #tpu.memory_space<vmem>>
      %dma_wait3A_304 = arith.constant 0 : i32
      %dma_wait3A_305 = tpu.memref_slice %arg7[%dma_wait3A_297, %dma_wait3A_298, %dma_wait3A_304] : memref<8x2x80xi32, #tpu.memory_space<vmem>> -> memref<1x1x80xi32, #tpu.memory_space<vmem>>
      %dma_wait3A_306 = tpu.memref_squeeze %dma_wait3A_305 : memref<1x1x80xi32, #tpu.memory_space<vmem>> -> memref<80xi32, #tpu.memory_space<vmem>>
      %dma_wait3A_307 = arith.constant 0 : i32
      %dma_wait3A_308 = arith.constant 0 : i32
      %dma_wait3A_309 = tpu.memref_slice %arg9[%dma_wait3A_307, %dma_wait3A_308] : memref<10000x64xf32, #tpu.memory_space<vmem_shared>> -> memref<10000x64xf32, #tpu.memory_space<vmem_shared>>
      %dma_wait3A_310 = tpu.memref_slice %arg11[%dma_wait3A_299] : memref<4x!tpu.dma_semaphore, #tpu.memory_space<semaphore_mem>> -> memref<1x!tpu.dma_semaphore, #tpu.memory_space<semaphore_mem>>
      %dma_wait3A_311 = tpu.memref_squeeze %dma_wait3A_310 : memref<1x!tpu.dma_semaphore, #tpu.memory_space<semaphore_mem>> -> memref<!tpu.dma_semaphore, #tpu.memory_space<semaphore_mem>>
      tpu.wait_indirect_dma semaphore(%dma_wait3A_311 : memref<!tpu.dma_semaphore, #tpu.memory_space<semaphore_mem>>) src(%dma_wait3A_303 : memref<80x64xf32, #tpu.memory_space<vmem>>) dst(%dma_wait3A_309 : memref<10000x64xf32, #tpu.memory_space<vmem_shared>>)
      %dma_wait3A_312 = arith.constant 0 : i32
      %dma_wait3A_313 = arith.constant 0 : i32
      %dma_wait3A_314 = arith.constant 1 : i32
      %dma_wait3A_315 = arith.constant 0 : i32
      %dma_wait3A_316 = arith.constant 0 : i32
      %dma_wait3A_317 = arith.constant 0 : i32
      %dma_wait3A_318 = tpu.memref_slice %arg8[%dma_wait3A_312, %dma_wait3A_316, %dma_wait3A_317] : memref<4x80x64xf32, #tpu.memory_space<vmem>> -> memref<1x80x64xf32, #tpu.memory_space<vmem>>
      %dma_wait3A_319 = tpu.memref_squeeze %dma_wait3A_318 : memref<1x80x64xf32, #tpu.memory_space<vmem>> -> memref<80x64xf32, #tpu.memory_space<vmem>>
      %dma_wait3A_320 = arith.constant 0 : i32
      %dma_wait3A_321 = tpu.memref_slice %arg7[%dma_wait3A_313, %dma_wait3A_314, %dma_wait3A_320] : memref<8x2x80xi32, #tpu.memory_space<vmem>> -> memref<1x1x80xi32, #tpu.memory_space<vmem>>
      %dma_wait3A_322 = tpu.memref_squeeze %dma_wait3A_321 : memref<1x1x80xi32, #tpu.memory_space<vmem>> -> memref<80xi32, #tpu.memory_space<vmem>>
      %dma_wait3A_323 = arith.constant 0 : i32
      %dma_wait3A_324 = arith.constant 0 : i32
      %dma_wait3A_325 = tpu.memref_slice %arg9[%dma_wait3A_323, %dma_wait3A_324] : memref<10000x64xf32, #tpu.memory_space<vmem_shared>> -> memref<10000x64xf32, #tpu.memory_space<vmem_shared>>
      %dma_wait3A_326 = tpu.memref_slice %arg11[%dma_wait3A_315] : memref<4x!tpu.dma_semaphore, #tpu.memory_space<semaphore_mem>> -> memref<1x!tpu.dma_semaphore, #tpu.memory_space<semaphore_mem>>
      %dma_wait3A_327 = tpu.memref_squeeze %dma_wait3A_326 : memref<1x!tpu.dma_semaphore, #tpu.memory_space<semaphore_mem>> -> memref<!tpu.dma_semaphore, #tpu.memory_space<semaphore_mem>>
      tpu.wait_indirect_dma semaphore(%dma_wait3A_327 : memref<!tpu.dma_semaphore, #tpu.memory_space<semaphore_mem>>) src(%dma_wait3A_319 : memref<80x64xf32, #tpu.memory_space<vmem>>) dst(%dma_wait3A_325 : memref<10000x64xf32, #tpu.memory_space<vmem_shared>>)
      %dma_wait3A_328 = arith.constant 1 : i32
      %dma_wait3A_329 = arith.constant 1 : i32
      %dma_wait3A_330 = arith.constant 1 : i32
      %dma_wait3A_331 = arith.constant 1 : i32
      %dma_wait3A_332 = arith.constant 0 : i32
      %dma_wait3A_333 = arith.constant 0 : i32
      %dma_wait3A_334 = tpu.memref_slice %arg8[%dma_wait3A_328, %dma_wait3A_332, %dma_wait3A_333] : memref<4x80x64xf32, #tpu.memory_space<vmem>> -> memref<1x80x64xf32, #tpu.memory_space<vmem>>
      %dma_wait3A_335 = tpu.memref_squeeze %dma_wait3A_334 : memref<1x80x64xf32, #tpu.memory_space<vmem>> -> memref<80x64xf32, #tpu.memory_space<vmem>>
      %dma_wait3A_336 = arith.constant 0 : i32
      %dma_wait3A_337 = tpu.memref_slice %arg7[%dma_wait3A_329, %dma_wait3A_330, %dma_wait3A_336] : memref<8x2x80xi32, #tpu.memory_space<vmem>> -> memref<1x1x80xi32, #tpu.memory_space<vmem>>
      %dma_wait3A_338 = tpu.memref_squeeze %dma_wait3A_337 : memref<1x1x80xi32, #tpu.memory_space<vmem>> -> memref<80xi32, #tpu.memory_space<vmem>>
      %dma_wait3A_339 = arith.constant 0 : i32
      %dma_wait3A_340 = arith.constant 0 : i32
      %dma_wait3A_341 = tpu.memref_slice %arg9[%dma_wait3A_339, %dma_wait3A_340] : memref<10000x64xf32, #tpu.memory_space<vmem_shared>> -> memref<10000x64xf32, #tpu.memory_space<vmem_shared>>
      %dma_wait3A_342 = tpu.memref_slice %arg11[%dma_wait3A_331] : memref<4x!tpu.dma_semaphore, #tpu.memory_space<semaphore_mem>> -> memref<1x!tpu.dma_semaphore, #tpu.memory_space<semaphore_mem>>
      %dma_wait3A_343 = tpu.memref_squeeze %dma_wait3A_342 : memref<1x!tpu.dma_semaphore, #tpu.memory_space<semaphore_mem>> -> memref<!tpu.dma_semaphore, #tpu.memory_space<semaphore_mem>>
      tpu.wait_indirect_dma semaphore(%dma_wait3A_343 : memref<!tpu.dma_semaphore, #tpu.memory_space<semaphore_mem>>) src(%dma_wait3A_335 : memref<80x64xf32, #tpu.memory_space<vmem>>) dst(%dma_wait3A_341 : memref<10000x64xf32, #tpu.memory_space<vmem_shared>>)
    } else {
    }
    %eq3A_12 = arith.constant 1 : i32
    %eq3A_13 = arith.cmpi eq, %arg0, %eq3A_12 : i32
    %convert_element_type3A_14 = arith.extui %eq3A_13 : i1 to i32
    %cond3A_15 = arith.constant 0 : i32
    %cond3A_16 = arith.cmpi ne, %convert_element_type3A_14, %cond3A_15 : i32
    scf.if %cond3A_16 {
      %rem3A = arith.constant 0 : i32
      %rem3A_31 = arith.constant 8 : i32
      %rem3A_32 = arith.remsi %rem3A, %rem3A_31 : i32
      %dma_start3A = arith.constant 0 : i32
      %dma_start3A_33 = arith.constant 0 : i32
      %dma_start3A_34 = arith.constant 0 : i32
      %dma_start3A_35 = tpu.memref_slice %arg7[%rem3A_32, %dma_start3A_33, %dma_start3A_34] : memref<8x2x80xi32, #tpu.memory_space<vmem>> -> memref<1x2x80xi32, #tpu.memory_space<vmem>>
      %dma_start3A_36 = tpu.memref_squeeze %dma_start3A_35 : memref<1x2x80xi32, #tpu.memory_space<vmem>> -> memref<2x80xi32, #tpu.memory_space<vmem>>
      %dma_start3A_37 = arith.constant 0 : i32
      %dma_start3A_38 = arith.constant 0 : i32
      %dma_start3A_39 = tpu.memref_slice %arg4[%arg0, %arg1, %dma_start3A, %dma_start3A_37, %dma_start3A_38] : memref<2x16x250x2x80xi32, #tpu.memory_space<hbm>> -> memref<1x1x1x2x80xi32, #tpu.memory_space<hbm>>
      %dma_start3A_40 = tpu.memref_squeeze %dma_start3A_39 : memref<1x1x1x2x80xi32, #tpu.memory_space<hbm>> -> memref<2x80xi32, #tpu.memory_space<hbm>>
      %dma_start3A_41 = tpu.memref_slice %arg12[%rem3A_32] : memref<8x!tpu.dma_semaphore, #tpu.memory_space<semaphore_mem>> -> memref<1x!tpu.dma_semaphore, #tpu.memory_space<semaphore_mem>>
      %dma_start3A_42 = tpu.memref_squeeze %dma_start3A_41 : memref<1x!tpu.dma_semaphore, #tpu.memory_space<semaphore_mem>> -> memref<!tpu.dma_semaphore, #tpu.memory_space<semaphore_mem>>
      %dma_start3A_43 = arith.constant 0 : i32
      %dma_start3A_44 = arith.constant 0 : i32
      %dma_start3A_45 = tpu.memref_slice %arg7[%rem3A_32, %dma_start3A_43, %dma_start3A_44] : memref<8x2x80xi32, #tpu.memory_space<vmem>> -> memref<1x2x80xi32, #tpu.memory_space<vmem>>
      %dma_start3A_46 = tpu.memref_squeeze %dma_start3A_45 : memref<1x2x80xi32, #tpu.memory_space<vmem>> -> memref<2x80xi32, #tpu.memory_space<vmem>>
      %dma_start3A_47 = arith.constant 0 : i32
      %dma_start3A_48 = arith.constant 0 : i32
      %dma_start3A_49 = tpu.memref_slice %arg4[%arg0, %arg1, %dma_start3A, %dma_start3A_47, %dma_start3A_48] : memref<2x16x250x2x80xi32, #tpu.memory_space<hbm>> -> memref<1x1x1x2x80xi32, #tpu.memory_space<hbm>>
      %dma_start3A_50 = tpu.memref_squeeze %dma_start3A_49 : memref<1x1x1x2x80xi32, #tpu.memory_space<hbm>> -> memref<2x80xi32, #tpu.memory_space<hbm>>
      tpu.enqueue_dma source(%dma_start3A_50 : memref<2x80xi32, #tpu.memory_space<hbm>>) target(%dma_start3A_46 : memref<2x80xi32, #tpu.memory_space<vmem>>) target_semaphore(%dma_start3A_42 : memref<!tpu.dma_semaphore, #tpu.memory_space<semaphore_mem>>)
      %rem3A_51 = arith.constant 1 : i32
      %rem3A_52 = arith.constant 8 : i32
      %rem3A_53 = arith.remsi %rem3A_51, %rem3A_52 : i32
      %dma_start3A_54 = arith.constant 1 : i32
      %dma_start3A_55 = arith.constant 0 : i32
      %dma_start3A_56 = arith.constant 0 : i32
      %dma_start3A_57 = tpu.memref_slice %arg7[%rem3A_53, %dma_start3A_55, %dma_start3A_56] : memref<8x2x80xi32, #tpu.memory_space<vmem>> -> memref<1x2x80xi32, #tpu.memory_space<vmem>>
      %dma_start3A_58 = tpu.memref_squeeze %dma_start3A_57 : memref<1x2x80xi32, #tpu.memory_space<vmem>> -> memref<2x80xi32, #tpu.memory_space<vmem>>
      %dma_start3A_59 = arith.constant 0 : i32
      %dma_start3A_60 = arith.constant 0 : i32
      %dma_start3A_61 = tpu.memref_slice %arg4[%arg0, %arg1, %dma_start3A_54, %dma_start3A_59, %dma_start3A_60] : memref<2x16x250x2x80xi32, #tpu.memory_space<hbm>> -> memref<1x1x1x2x80xi32, #tpu.memory_space<hbm>>
      %dma_start3A_62 = tpu.memref_squeeze %dma_start3A_61 : memref<1x1x1x2x80xi32, #tpu.memory_space<hbm>> -> memref<2x80xi32, #tpu.memory_space<hbm>>
      %dma_start3A_63 = tpu.memref_slice %arg12[%rem3A_53] : memref<8x!tpu.dma_semaphore, #tpu.memory_space<semaphore_mem>> -> memref<1x!tpu.dma_semaphore, #tpu.memory_space<semaphore_mem>>
      %dma_start3A_64 = tpu.memref_squeeze %dma_start3A_63 : memref<1x!tpu.dma_semaphore, #tpu.memory_space<semaphore_mem>> -> memref<!tpu.dma_semaphore, #tpu.memory_space<semaphore_mem>>
      %dma_start3A_65 = arith.constant 0 : i32
      %dma_start3A_66 = arith.constant 0 : i32
      %dma_start3A_67 = tpu.memref_slice %arg7[%rem3A_53, %dma_start3A_65, %dma_start3A_66] : memref<8x2x80xi32, #tpu.memory_space<vmem>> -> memref<1x2x80xi32, #tpu.memory_space<vmem>>
      %dma_start3A_68 = tpu.memref_squeeze %dma_start3A_67 : memref<1x2x80xi32, #tpu.memory_space<vmem>> -> memref<2x80xi32, #tpu.memory_space<vmem>>
      %dma_start3A_69 = arith.constant 0 : i32
      %dma_start3A_70 = arith.constant 0 : i32
      %dma_start3A_71 = tpu.memref_slice %arg4[%arg0, %arg1, %dma_start3A_54, %dma_start3A_69, %dma_start3A_70] : memref<2x16x250x2x80xi32, #tpu.memory_space<hbm>> -> memref<1x1x1x2x80xi32, #tpu.memory_space<hbm>>
      %dma_start3A_72 = tpu.memref_squeeze %dma_start3A_71 : memref<1x1x1x2x80xi32, #tpu.memory_space<hbm>> -> memref<2x80xi32, #tpu.memory_space<hbm>>
      tpu.enqueue_dma source(%dma_start3A_72 : memref<2x80xi32, #tpu.memory_space<hbm>>) target(%dma_start3A_68 : memref<2x80xi32, #tpu.memory_space<vmem>>) target_semaphore(%dma_start3A_64 : memref<!tpu.dma_semaphore, #tpu.memory_space<semaphore_mem>>)
      %rem3A_73 = arith.constant 2 : i32
      %rem3A_74 = arith.constant 8 : i32
      %rem3A_75 = arith.remsi %rem3A_73, %rem3A_74 : i32
      %dma_start3A_76 = arith.constant 2 : i32
      %dma_start3A_77 = arith.constant 0 : i32
      %dma_start3A_78 = arith.constant 0 : i32
      %dma_start3A_79 = tpu.memref_slice %arg7[%rem3A_75, %dma_start3A_77, %dma_start3A_78] : memref<8x2x80xi32, #tpu.memory_space<vmem>> -> memref<1x2x80xi32, #tpu.memory_space<vmem>>
      %dma_start3A_80 = tpu.memref_squeeze %dma_start3A_79 : memref<1x2x80xi32, #tpu.memory_space<vmem>> -> memref<2x80xi32, #tpu.memory_space<vmem>>
      %dma_start3A_81 = arith.constant 0 : i32
      %dma_start3A_82 = arith.constant 0 : i32
      %dma_start3A_83 = tpu.memref_slice %arg4[%arg0, %arg1, %dma_start3A_76, %dma_start3A_81, %dma_start3A_82] : memref<2x16x250x2x80xi32, #tpu.memory_space<hbm>> -> memref<1x1x1x2x80xi32, #tpu.memory_space<hbm>>
      %dma_start3A_84 = tpu.memref_squeeze %dma_start3A_83 : memref<1x1x1x2x80xi32, #tpu.memory_space<hbm>> -> memref<2x80xi32, #tpu.memory_space<hbm>>
      %dma_start3A_85 = tpu.memref_slice %arg12[%rem3A_75] : memref<8x!tpu.dma_semaphore, #tpu.memory_space<semaphore_mem>> -> memref<1x!tpu.dma_semaphore, #tpu.memory_space<semaphore_mem>>
      %dma_start3A_86 = tpu.memref_squeeze %dma_start3A_85 : memref<1x!tpu.dma_semaphore, #tpu.memory_space<semaphore_mem>> -> memref<!tpu.dma_semaphore, #tpu.memory_space<semaphore_mem>>
      %dma_start3A_87 = arith.constant 0 : i32
      %dma_start3A_88 = arith.constant 0 : i32
      %dma_start3A_89 = tpu.memref_slice %arg7[%rem3A_75, %dma_start3A_87, %dma_start3A_88] : memref<8x2x80xi32, #tpu.memory_space<vmem>> -> memref<1x2x80xi32, #tpu.memory_space<vmem>>
      %dma_start3A_90 = tpu.memref_squeeze %dma_start3A_89 : memref<1x2x80xi32, #tpu.memory_space<vmem>> -> memref<2x80xi32, #tpu.memory_space<vmem>>
      %dma_start3A_91 = arith.constant 0 : i32
      %dma_start3A_92 = arith.constant 0 : i32
      %dma_start3A_93 = tpu.memref_slice %arg4[%arg0, %arg1, %dma_start3A_76, %dma_start3A_91, %dma_start3A_92] : memref<2x16x250x2x80xi32, #tpu.memory_space<hbm>> -> memref<1x1x1x2x80xi32, #tpu.memory_space<hbm>>
      %dma_start3A_94 = tpu.memref_squeeze %dma_start3A_93 : memref<1x1x1x2x80xi32, #tpu.memory_space<hbm>> -> memref<2x80xi32, #tpu.memory_space<hbm>>
      tpu.enqueue_dma source(%dma_start3A_94 : memref<2x80xi32, #tpu.memory_space<hbm>>) target(%dma_start3A_90 : memref<2x80xi32, #tpu.memory_space<vmem>>) target_semaphore(%dma_start3A_86 : memref<!tpu.dma_semaphore, #tpu.memory_space<semaphore_mem>>)
      %rem3A_95 = arith.constant 3 : i32
      %rem3A_96 = arith.constant 8 : i32
      %rem3A_97 = arith.remsi %rem3A_95, %rem3A_96 : i32
      %dma_start3A_98 = arith.constant 3 : i32
      %dma_start3A_99 = arith.constant 0 : i32
      %dma_start3A_100 = arith.constant 0 : i32
      %dma_start3A_101 = tpu.memref_slice %arg7[%rem3A_97, %dma_start3A_99, %dma_start3A_100] : memref<8x2x80xi32, #tpu.memory_space<vmem>> -> memref<1x2x80xi32, #tpu.memory_space<vmem>>
      %dma_start3A_102 = tpu.memref_squeeze %dma_start3A_101 : memref<1x2x80xi32, #tpu.memory_space<vmem>> -> memref<2x80xi32, #tpu.memory_space<vmem>>
      %dma_start3A_103 = arith.constant 0 : i32
      %dma_start3A_104 = arith.constant 0 : i32
      %dma_start3A_105 = tpu.memref_slice %arg4[%arg0, %arg1, %dma_start3A_98, %dma_start3A_103, %dma_start3A_104] : memref<2x16x250x2x80xi32, #tpu.memory_space<hbm>> -> memref<1x1x1x2x80xi32, #tpu.memory_space<hbm>>
      %dma_start3A_106 = tpu.memref_squeeze %dma_start3A_105 : memref<1x1x1x2x80xi32, #tpu.memory_space<hbm>> -> memref<2x80xi32, #tpu.memory_space<hbm>>
      %dma_start3A_107 = tpu.memref_slice %arg12[%rem3A_97] : memref<8x!tpu.dma_semaphore, #tpu.memory_space<semaphore_mem>> -> memref<1x!tpu.dma_semaphore, #tpu.memory_space<semaphore_mem>>
      %dma_start3A_108 = tpu.memref_squeeze %dma_start3A_107 : memref<1x!tpu.dma_semaphore, #tpu.memory_space<semaphore_mem>> -> memref<!tpu.dma_semaphore, #tpu.memory_space<semaphore_mem>>
      %dma_start3A_109 = arith.constant 0 : i32
      %dma_start3A_110 = arith.constant 0 : i32
      %dma_start3A_111 = tpu.memref_slice %arg7[%rem3A_97, %dma_start3A_109, %dma_start3A_110] : memref<8x2x80xi32, #tpu.memory_space<vmem>> -> memref<1x2x80xi32, #tpu.memory_space<vmem>>
      %dma_start3A_112 = tpu.memref_squeeze %dma_start3A_111 : memref<1x2x80xi32, #tpu.memory_space<vmem>> -> memref<2x80xi32, #tpu.memory_space<vmem>>
      %dma_start3A_113 = arith.constant 0 : i32
      %dma_start3A_114 = arith.constant 0 : i32
      %dma_start3A_115 = tpu.memref_slice %arg4[%arg0, %arg1, %dma_start3A_98, %dma_start3A_113, %dma_start3A_114] : memref<2x16x250x2x80xi32, #tpu.memory_space<hbm>> -> memref<1x1x1x2x80xi32, #tpu.memory_space<hbm>>
      %dma_start3A_116 = tpu.memref_squeeze %dma_start3A_115 : memref<1x1x1x2x80xi32, #tpu.memory_space<hbm>> -> memref<2x80xi32, #tpu.memory_space<hbm>>
      tpu.enqueue_dma source(%dma_start3A_116 : memref<2x80xi32, #tpu.memory_space<hbm>>) target(%dma_start3A_112 : memref<2x80xi32, #tpu.memory_space<vmem>>) target_semaphore(%dma_start3A_108 : memref<!tpu.dma_semaphore, #tpu.memory_space<semaphore_mem>>)
      %rem3A_117 = arith.constant 4 : i32
      %rem3A_118 = arith.constant 8 : i32
      %rem3A_119 = arith.remsi %rem3A_117, %rem3A_118 : i32
      %dma_start3A_120 = arith.constant 4 : i32
      %dma_start3A_121 = arith.constant 0 : i32
      %dma_start3A_122 = arith.constant 0 : i32
      %dma_start3A_123 = tpu.memref_slice %arg7[%rem3A_119, %dma_start3A_121, %dma_start3A_122] : memref<8x2x80xi32, #tpu.memory_space<vmem>> -> memref<1x2x80xi32, #tpu.memory_space<vmem>>
      %dma_start3A_124 = tpu.memref_squeeze %dma_start3A_123 : memref<1x2x80xi32, #tpu.memory_space<vmem>> -> memref<2x80xi32, #tpu.memory_space<vmem>>
      %dma_start3A_125 = arith.constant 0 : i32
      %dma_start3A_126 = arith.constant 0 : i32
      %dma_start3A_127 = tpu.memref_slice %arg4[%arg0, %arg1, %dma_start3A_120, %dma_start3A_125, %dma_start3A_126] : memref<2x16x250x2x80xi32, #tpu.memory_space<hbm>> -> memref<1x1x1x2x80xi32, #tpu.memory_space<hbm>>
      %dma_start3A_128 = tpu.memref_squeeze %dma_start3A_127 : memref<1x1x1x2x80xi32, #tpu.memory_space<hbm>> -> memref<2x80xi32, #tpu.memory_space<hbm>>
      %dma_start3A_129 = tpu.memref_slice %arg12[%rem3A_119] : memref<8x!tpu.dma_semaphore, #tpu.memory_space<semaphore_mem>> -> memref<1x!tpu.dma_semaphore, #tpu.memory_space<semaphore_mem>>
      %dma_start3A_130 = tpu.memref_squeeze %dma_start3A_129 : memref<1x!tpu.dma_semaphore, #tpu.memory_space<semaphore_mem>> -> memref<!tpu.dma_semaphore, #tpu.memory_space<semaphore_mem>>
      %dma_start3A_131 = arith.constant 0 : i32
      %dma_start3A_132 = arith.constant 0 : i32
      %dma_start3A_133 = tpu.memref_slice %arg7[%rem3A_119, %dma_start3A_131, %dma_start3A_132] : memref<8x2x80xi32, #tpu.memory_space<vmem>> -> memref<1x2x80xi32, #tpu.memory_space<vmem>>
      %dma_start3A_134 = tpu.memref_squeeze %dma_start3A_133 : memref<1x2x80xi32, #tpu.memory_space<vmem>> -> memref<2x80xi32, #tpu.memory_space<vmem>>
      %dma_start3A_135 = arith.constant 0 : i32
      %dma_start3A_136 = arith.constant 0 : i32
      %dma_start3A_137 = tpu.memref_slice %arg4[%arg0, %arg1, %dma_start3A_120, %dma_start3A_135, %dma_start3A_136] : memref<2x16x250x2x80xi32, #tpu.memory_space<hbm>> -> memref<1x1x1x2x80xi32, #tpu.memory_space<hbm>>
      %dma_start3A_138 = tpu.memref_squeeze %dma_start3A_137 : memref<1x1x1x2x80xi32, #tpu.memory_space<hbm>> -> memref<2x80xi32, #tpu.memory_space<hbm>>
      tpu.enqueue_dma source(%dma_start3A_138 : memref<2x80xi32, #tpu.memory_space<hbm>>) target(%dma_start3A_134 : memref<2x80xi32, #tpu.memory_space<vmem>>) target_semaphore(%dma_start3A_130 : memref<!tpu.dma_semaphore, #tpu.memory_space<semaphore_mem>>)
      %rem3A_139 = arith.constant 5 : i32
      %rem3A_140 = arith.constant 8 : i32
      %rem3A_141 = arith.remsi %rem3A_139, %rem3A_140 : i32
      %dma_start3A_142 = arith.constant 5 : i32
      %dma_start3A_143 = arith.constant 0 : i32
      %dma_start3A_144 = arith.constant 0 : i32
      %dma_start3A_145 = tpu.memref_slice %arg7[%rem3A_141, %dma_start3A_143, %dma_start3A_144] : memref<8x2x80xi32, #tpu.memory_space<vmem>> -> memref<1x2x80xi32, #tpu.memory_space<vmem>>
      %dma_start3A_146 = tpu.memref_squeeze %dma_start3A_145 : memref<1x2x80xi32, #tpu.memory_space<vmem>> -> memref<2x80xi32, #tpu.memory_space<vmem>>
      %dma_start3A_147 = arith.constant 0 : i32
      %dma_start3A_148 = arith.constant 0 : i32
      %dma_start3A_149 = tpu.memref_slice %arg4[%arg0, %arg1, %dma_start3A_142, %dma_start3A_147, %dma_start3A_148] : memref<2x16x250x2x80xi32, #tpu.memory_space<hbm>> -> memref<1x1x1x2x80xi32, #tpu.memory_space<hbm>>
      %dma_start3A_150 = tpu.memref_squeeze %dma_start3A_149 : memref<1x1x1x2x80xi32, #tpu.memory_space<hbm>> -> memref<2x80xi32, #tpu.memory_space<hbm>>
      %dma_start3A_151 = tpu.memref_slice %arg12[%rem3A_141] : memref<8x!tpu.dma_semaphore, #tpu.memory_space<semaphore_mem>> -> memref<1x!tpu.dma_semaphore, #tpu.memory_space<semaphore_mem>>
      %dma_start3A_152 = tpu.memref_squeeze %dma_start3A_151 : memref<1x!tpu.dma_semaphore, #tpu.memory_space<semaphore_mem>> -> memref<!tpu.dma_semaphore, #tpu.memory_space<semaphore_mem>>
      %dma_start3A_153 = arith.constant 0 : i32
      %dma_start3A_154 = arith.constant 0 : i32
      %dma_start3A_155 = tpu.memref_slice %arg7[%rem3A_141, %dma_start3A_153, %dma_start3A_154] : memref<8x2x80xi32, #tpu.memory_space<vmem>> -> memref<1x2x80xi32, #tpu.memory_space<vmem>>
      %dma_start3A_156 = tpu.memref_squeeze %dma_start3A_155 : memref<1x2x80xi32, #tpu.memory_space<vmem>> -> memref<2x80xi32, #tpu.memory_space<vmem>>
      %dma_start3A_157 = arith.constant 0 : i32
      %dma_start3A_158 = arith.constant 0 : i32
      %dma_start3A_159 = tpu.memref_slice %arg4[%arg0, %arg1, %dma_start3A_142, %dma_start3A_157, %dma_start3A_158] : memref<2x16x250x2x80xi32, #tpu.memory_space<hbm>> -> memref<1x1x1x2x80xi32, #tpu.memory_space<hbm>>
      %dma_start3A_160 = tpu.memref_squeeze %dma_start3A_159 : memref<1x1x1x2x80xi32, #tpu.memory_space<hbm>> -> memref<2x80xi32, #tpu.memory_space<hbm>>
      tpu.enqueue_dma source(%dma_start3A_160 : memref<2x80xi32, #tpu.memory_space<hbm>>) target(%dma_start3A_156 : memref<2x80xi32, #tpu.memory_space<vmem>>) target_semaphore(%dma_start3A_152 : memref<!tpu.dma_semaphore, #tpu.memory_space<semaphore_mem>>)
      %rem3A_161 = arith.constant 0 : i32
      %rem3A_162 = arith.constant 8 : i32
      %rem3A_163 = arith.remsi %rem3A_161, %rem3A_162 : i32
      %dma_wait3A = arith.constant 0 : i32
      %dma_wait3A_164 = arith.constant 0 : i32
      %dma_wait3A_165 = arith.constant 0 : i32
      %dma_wait3A_166 = tpu.memref_slice %arg7[%rem3A_163, %dma_wait3A_164, %dma_wait3A_165] : memref<8x2x80xi32, #tpu.memory_space<vmem>> -> memref<1x2x80xi32, #tpu.memory_space<vmem>>
      %dma_wait3A_167 = tpu.memref_squeeze %dma_wait3A_166 : memref<1x2x80xi32, #tpu.memory_space<vmem>> -> memref<2x80xi32, #tpu.memory_space<vmem>>
      %dma_wait3A_168 = arith.constant 0 : i32
      %dma_wait3A_169 = arith.constant 0 : i32
      %dma_wait3A_170 = tpu.memref_slice %arg4[%arg0, %arg1, %dma_wait3A, %dma_wait3A_168, %dma_wait3A_169] : memref<2x16x250x2x80xi32, #tpu.memory_space<hbm>> -> memref<1x1x1x2x80xi32, #tpu.memory_space<hbm>>
      %dma_wait3A_171 = tpu.memref_squeeze %dma_wait3A_170 : memref<1x1x1x2x80xi32, #tpu.memory_space<hbm>> -> memref<2x80xi32, #tpu.memory_space<hbm>>
      %dma_wait3A_172 = tpu.memref_slice %arg12[%rem3A_163] : memref<8x!tpu.dma_semaphore, #tpu.memory_space<semaphore_mem>> -> memref<1x!tpu.dma_semaphore, #tpu.memory_space<semaphore_mem>>
      %dma_wait3A_173 = tpu.memref_squeeze %dma_wait3A_172 : memref<1x!tpu.dma_semaphore, #tpu.memory_space<semaphore_mem>> -> memref<!tpu.dma_semaphore, #tpu.memory_space<semaphore_mem>>
      %dma_wait3A_174 = arith.constant 0 : i32
      %dma_wait3A_175 = arith.constant 0 : i32
      %dma_wait3A_176 = tpu.memref_slice %arg7[%rem3A_163, %dma_wait3A_174, %dma_wait3A_175] : memref<8x2x80xi32, #tpu.memory_space<vmem>> -> memref<1x2x80xi32, #tpu.memory_space<vmem>>
      %dma_wait3A_177 = tpu.memref_squeeze %dma_wait3A_176 : memref<1x2x80xi32, #tpu.memory_space<vmem>> -> memref<2x80xi32, #tpu.memory_space<vmem>>
      %dma_wait3A_178 = arith.constant 0 : i32
      %dma_wait3A_179 = arith.constant 0 : i32
      %dma_wait3A_180 = tpu.memref_slice %arg4[%arg0, %arg1, %dma_wait3A, %dma_wait3A_178, %dma_wait3A_179] : memref<2x16x250x2x80xi32, #tpu.memory_space<hbm>> -> memref<1x1x1x2x80xi32, #tpu.memory_space<hbm>>
      %dma_wait3A_181 = tpu.memref_squeeze %dma_wait3A_180 : memref<1x1x1x2x80xi32, #tpu.memory_space<hbm>> -> memref<2x80xi32, #tpu.memory_space<hbm>>
      tpu.wait_dma2 semaphore(%dma_wait3A_173 : memref<!tpu.dma_semaphore, #tpu.memory_space<semaphore_mem>>) src(%dma_wait3A_181 : memref<2x80xi32, #tpu.memory_space<hbm>>) dst(%dma_wait3A_177 : memref<2x80xi32, #tpu.memory_space<vmem>>)
      %dma_start3A_182 = arith.constant 0 : i32
      %dma_start3A_183 = arith.constant 0 : i32
      %dma_start3A_184 = arith.constant 0 : i32
      %dma_start3A_185 = arith.constant 0 : i32
      %dma_start3A_186 = arith.constant 0 : i32
      %dma_start3A_187 = arith.constant 0 : i32
      %dma_start3A_188 = tpu.memref_slice %arg8[%dma_start3A_184, %dma_start3A_186, %dma_start3A_187] : memref<4x80x64xf32, #tpu.memory_space<vmem>> -> memref<1x80x64xf32, #tpu.memory_space<vmem>>
      %dma_start3A_189 = tpu.memref_squeeze %dma_start3A_188 : memref<1x80x64xf32, #tpu.memory_space<vmem>> -> memref<80x64xf32, #tpu.memory_space<vmem>>
      %dma_start3A_190 = arith.constant 0 : i32
      %dma_start3A_191 = tpu.memref_slice %arg7[%dma_start3A_182, %dma_start3A_183, %dma_start3A_190] : memref<8x2x80xi32, #tpu.memory_space<vmem>> -> memref<1x1x80xi32, #tpu.memory_space<vmem>>
      %dma_start3A_192 = tpu.memref_squeeze %dma_start3A_191 : memref<1x1x80xi32, #tpu.memory_space<vmem>> -> memref<80xi32, #tpu.memory_space<vmem>>
      %dma_start3A_193 = arith.constant 0 : i32
      %dma_start3A_194 = arith.constant 0 : i32
      %dma_start3A_195 = tpu.memref_slice %arg3[%dma_start3A_193, %dma_start3A_194] : memref<10000x64xf32, #tpu.memory_space<hbm>> -> memref<10000x64xf32, #tpu.memory_space<hbm>>
      %dma_start3A_196 = tpu.memref_slice %arg10[%dma_start3A_185] : memref<4x!tpu.dma_semaphore, #tpu.memory_space<semaphore_mem>> -> memref<1x!tpu.dma_semaphore, #tpu.memory_space<semaphore_mem>>
      %dma_start3A_197 = tpu.memref_squeeze %dma_start3A_196 : memref<1x!tpu.dma_semaphore, #tpu.memory_space<semaphore_mem>> -> memref<!tpu.dma_semaphore, #tpu.memory_space<semaphore_mem>>
      tpu.enqueue_indirect_dma source(%dma_start3A_195 : memref<10000x64xf32, #tpu.memory_space<hbm>>) target(%dma_start3A_189 : memref<80x64xf32, #tpu.memory_space<vmem>>) offsets(%dma_start3A_192 : memref<80xi32, #tpu.memory_space<vmem>>) semaphore(%dma_start3A_197 : memref<!tpu.dma_semaphore, #tpu.memory_space<semaphore_mem>>)
      %rem3A_198 = arith.constant 1 : i32
      %rem3A_199 = arith.constant 8 : i32
      %rem3A_200 = arith.remsi %rem3A_198, %rem3A_199 : i32
      %dma_wait3A_201 = arith.constant 1 : i32
      %dma_wait3A_202 = arith.constant 0 : i32
      %dma_wait3A_203 = arith.constant 0 : i32
      %dma_wait3A_204 = tpu.memref_slice %arg7[%rem3A_200, %dma_wait3A_202, %dma_wait3A_203] : memref<8x2x80xi32, #tpu.memory_space<vmem>> -> memref<1x2x80xi32, #tpu.memory_space<vmem>>
      %dma_wait3A_205 = tpu.memref_squeeze %dma_wait3A_204 : memref<1x2x80xi32, #tpu.memory_space<vmem>> -> memref<2x80xi32, #tpu.memory_space<vmem>>
      %dma_wait3A_206 = arith.constant 0 : i32
      %dma_wait3A_207 = arith.constant 0 : i32
      %dma_wait3A_208 = tpu.memref_slice %arg4[%arg0, %arg1, %dma_wait3A_201, %dma_wait3A_206, %dma_wait3A_207] : memref<2x16x250x2x80xi32, #tpu.memory_space<hbm>> -> memref<1x1x1x2x80xi32, #tpu.memory_space<hbm>>
      %dma_wait3A_209 = tpu.memref_squeeze %dma_wait3A_208 : memref<1x1x1x2x80xi32, #tpu.memory_space<hbm>> -> memref<2x80xi32, #tpu.memory_space<hbm>>
      %dma_wait3A_210 = tpu.memref_slice %arg12[%rem3A_200] : memref<8x!tpu.dma_semaphore, #tpu.memory_space<semaphore_mem>> -> memref<1x!tpu.dma_semaphore, #tpu.memory_space<semaphore_mem>>
      %dma_wait3A_211 = tpu.memref_squeeze %dma_wait3A_210 : memref<1x!tpu.dma_semaphore, #tpu.memory_space<semaphore_mem>> -> memref<!tpu.dma_semaphore, #tpu.memory_space<semaphore_mem>>
      %dma_wait3A_212 = arith.constant 0 : i32
      %dma_wait3A_213 = arith.constant 0 : i32
      %dma_wait3A_214 = tpu.memref_slice %arg7[%rem3A_200, %dma_wait3A_212, %dma_wait3A_213] : memref<8x2x80xi32, #tpu.memory_space<vmem>> -> memref<1x2x80xi32, #tpu.memory_space<vmem>>
      %dma_wait3A_215 = tpu.memref_squeeze %dma_wait3A_214 : memref<1x2x80xi32, #tpu.memory_space<vmem>> -> memref<2x80xi32, #tpu.memory_space<vmem>>
      %dma_wait3A_216 = arith.constant 0 : i32
      %dma_wait3A_217 = arith.constant 0 : i32
      %dma_wait3A_218 = tpu.memref_slice %arg4[%arg0, %arg1, %dma_wait3A_201, %dma_wait3A_216, %dma_wait3A_217] : memref<2x16x250x2x80xi32, #tpu.memory_space<hbm>> -> memref<1x1x1x2x80xi32, #tpu.memory_space<hbm>>
      %dma_wait3A_219 = tpu.memref_squeeze %dma_wait3A_218 : memref<1x1x1x2x80xi32, #tpu.memory_space<hbm>> -> memref<2x80xi32, #tpu.memory_space<hbm>>
      tpu.wait_dma2 semaphore(%dma_wait3A_211 : memref<!tpu.dma_semaphore, #tpu.memory_space<semaphore_mem>>) src(%dma_wait3A_219 : memref<2x80xi32, #tpu.memory_space<hbm>>) dst(%dma_wait3A_215 : memref<2x80xi32, #tpu.memory_space<vmem>>)
      %dma_start3A_220 = arith.constant 1 : i32
      %dma_start3A_221 = arith.constant 0 : i32
      %dma_start3A_222 = arith.constant 1 : i32
      %dma_start3A_223 = arith.constant 1 : i32
      %dma_start3A_224 = arith.constant 0 : i32
      %dma_start3A_225 = arith.constant 0 : i32
      %dma_start3A_226 = tpu.memref_slice %arg8[%dma_start3A_222, %dma_start3A_224, %dma_start3A_225] : memref<4x80x64xf32, #tpu.memory_space<vmem>> -> memref<1x80x64xf32, #tpu.memory_space<vmem>>
      %dma_start3A_227 = tpu.memref_squeeze %dma_start3A_226 : memref<1x80x64xf32, #tpu.memory_space<vmem>> -> memref<80x64xf32, #tpu.memory_space<vmem>>
      %dma_start3A_228 = arith.constant 0 : i32
      %dma_start3A_229 = tpu.memref_slice %arg7[%dma_start3A_220, %dma_start3A_221, %dma_start3A_228] : memref<8x2x80xi32, #tpu.memory_space<vmem>> -> memref<1x1x80xi32, #tpu.memory_space<vmem>>
      %dma_start3A_230 = tpu.memref_squeeze %dma_start3A_229 : memref<1x1x80xi32, #tpu.memory_space<vmem>> -> memref<80xi32, #tpu.memory_space<vmem>>
      %dma_start3A_231 = arith.constant 0 : i32
      %dma_start3A_232 = arith.constant 0 : i32
      %dma_start3A_233 = tpu.memref_slice %arg3[%dma_start3A_231, %dma_start3A_232] : memref<10000x64xf32, #tpu.memory_space<hbm>> -> memref<10000x64xf32, #tpu.memory_space<hbm>>
      %dma_start3A_234 = tpu.memref_slice %arg10[%dma_start3A_223] : memref<4x!tpu.dma_semaphore, #tpu.memory_space<semaphore_mem>> -> memref<1x!tpu.dma_semaphore, #tpu.memory_space<semaphore_mem>>
      %dma_start3A_235 = tpu.memref_squeeze %dma_start3A_234 : memref<1x!tpu.dma_semaphore, #tpu.memory_space<semaphore_mem>> -> memref<!tpu.dma_semaphore, #tpu.memory_space<semaphore_mem>>
      tpu.enqueue_indirect_dma source(%dma_start3A_233 : memref<10000x64xf32, #tpu.memory_space<hbm>>) target(%dma_start3A_227 : memref<80x64xf32, #tpu.memory_space<vmem>>) offsets(%dma_start3A_230 : memref<80xi32, #tpu.memory_space<vmem>>) semaphore(%dma_start3A_235 : memref<!tpu.dma_semaphore, #tpu.memory_space<semaphore_mem>>)
      %rem3A_236 = arith.constant 2 : i32
      %rem3A_237 = arith.constant 8 : i32
      %rem3A_238 = arith.remsi %rem3A_236, %rem3A_237 : i32
      %dma_wait3A_239 = arith.constant 2 : i32
      %dma_wait3A_240 = arith.constant 0 : i32
      %dma_wait3A_241 = arith.constant 0 : i32
      %dma_wait3A_242 = tpu.memref_slice %arg7[%rem3A_238, %dma_wait3A_240, %dma_wait3A_241] : memref<8x2x80xi32, #tpu.memory_space<vmem>> -> memref<1x2x80xi32, #tpu.memory_space<vmem>>
      %dma_wait3A_243 = tpu.memref_squeeze %dma_wait3A_242 : memref<1x2x80xi32, #tpu.memory_space<vmem>> -> memref<2x80xi32, #tpu.memory_space<vmem>>
      %dma_wait3A_244 = arith.constant 0 : i32
      %dma_wait3A_245 = arith.constant 0 : i32
      %dma_wait3A_246 = tpu.memref_slice %arg4[%arg0, %arg1, %dma_wait3A_239, %dma_wait3A_244, %dma_wait3A_245] : memref<2x16x250x2x80xi32, #tpu.memory_space<hbm>> -> memref<1x1x1x2x80xi32, #tpu.memory_space<hbm>>
      %dma_wait3A_247 = tpu.memref_squeeze %dma_wait3A_246 : memref<1x1x1x2x80xi32, #tpu.memory_space<hbm>> -> memref<2x80xi32, #tpu.memory_space<hbm>>
      %dma_wait3A_248 = tpu.memref_slice %arg12[%rem3A_238] : memref<8x!tpu.dma_semaphore, #tpu.memory_space<semaphore_mem>> -> memref<1x!tpu.dma_semaphore, #tpu.memory_space<semaphore_mem>>
      %dma_wait3A_249 = tpu.memref_squeeze %dma_wait3A_248 : memref<1x!tpu.dma_semaphore, #tpu.memory_space<semaphore_mem>> -> memref<!tpu.dma_semaphore, #tpu.memory_space<semaphore_mem>>
      %dma_wait3A_250 = arith.constant 0 : i32
      %dma_wait3A_251 = arith.constant 0 : i32
      %dma_wait3A_252 = tpu.memref_slice %arg7[%rem3A_238, %dma_wait3A_250, %dma_wait3A_251] : memref<8x2x80xi32, #tpu.memory_space<vmem>> -> memref<1x2x80xi32, #tpu.memory_space<vmem>>
      %dma_wait3A_253 = tpu.memref_squeeze %dma_wait3A_252 : memref<1x2x80xi32, #tpu.memory_space<vmem>> -> memref<2x80xi32, #tpu.memory_space<vmem>>
      %dma_wait3A_254 = arith.constant 0 : i32
      %dma_wait3A_255 = arith.constant 0 : i32
      %dma_wait3A_256 = tpu.memref_slice %arg4[%arg0, %arg1, %dma_wait3A_239, %dma_wait3A_254, %dma_wait3A_255] : memref<2x16x250x2x80xi32, #tpu.memory_space<hbm>> -> memref<1x1x1x2x80xi32, #tpu.memory_space<hbm>>
      %dma_wait3A_257 = tpu.memref_squeeze %dma_wait3A_256 : memref<1x1x1x2x80xi32, #tpu.memory_space<hbm>> -> memref<2x80xi32, #tpu.memory_space<hbm>>
      tpu.wait_dma2 semaphore(%dma_wait3A_249 : memref<!tpu.dma_semaphore, #tpu.memory_space<semaphore_mem>>) src(%dma_wait3A_257 : memref<2x80xi32, #tpu.memory_space<hbm>>) dst(%dma_wait3A_253 : memref<2x80xi32, #tpu.memory_space<vmem>>)
      %dma_start3A_258 = arith.constant 2 : i32
      %dma_start3A_259 = arith.constant 0 : i32
      %dma_start3A_260 = arith.constant 2 : i32
      %dma_start3A_261 = arith.constant 2 : i32
      %dma_start3A_262 = arith.constant 0 : i32
      %dma_start3A_263 = arith.constant 0 : i32
      %dma_start3A_264 = tpu.memref_slice %arg8[%dma_start3A_260, %dma_start3A_262, %dma_start3A_263] : memref<4x80x64xf32, #tpu.memory_space<vmem>> -> memref<1x80x64xf32, #tpu.memory_space<vmem>>
      %dma_start3A_265 = tpu.memref_squeeze %dma_start3A_264 : memref<1x80x64xf32, #tpu.memory_space<vmem>> -> memref<80x64xf32, #tpu.memory_space<vmem>>
      %dma_start3A_266 = arith.constant 0 : i32
      %dma_start3A_267 = tpu.memref_slice %arg7[%dma_start3A_258, %dma_start3A_259, %dma_start3A_266] : memref<8x2x80xi32, #tpu.memory_space<vmem>> -> memref<1x1x80xi32, #tpu.memory_space<vmem>>
      %dma_start3A_268 = tpu.memref_squeeze %dma_start3A_267 : memref<1x1x80xi32, #tpu.memory_space<vmem>> -> memref<80xi32, #tpu.memory_space<vmem>>
      %dma_start3A_269 = arith.constant 0 : i32
      %dma_start3A_270 = arith.constant 0 : i32
      %dma_start3A_271 = tpu.memref_slice %arg3[%dma_start3A_269, %dma_start3A_270] : memref<10000x64xf32, #tpu.memory_space<hbm>> -> memref<10000x64xf32, #tpu.memory_space<hbm>>
      %dma_start3A_272 = tpu.memref_slice %arg10[%dma_start3A_261] : memref<4x!tpu.dma_semaphore, #tpu.memory_space<semaphore_mem>> -> memref<1x!tpu.dma_semaphore, #tpu.memory_space<semaphore_mem>>
      %dma_start3A_273 = tpu.memref_squeeze %dma_start3A_272 : memref<1x!tpu.dma_semaphore, #tpu.memory_space<semaphore_mem>> -> memref<!tpu.dma_semaphore, #tpu.memory_space<semaphore_mem>>
      tpu.enqueue_indirect_dma source(%dma_start3A_271 : memref<10000x64xf32, #tpu.memory_space<hbm>>) target(%dma_start3A_265 : memref<80x64xf32, #tpu.memory_space<vmem>>) offsets(%dma_start3A_268 : memref<80xi32, #tpu.memory_space<vmem>>) semaphore(%dma_start3A_273 : memref<!tpu.dma_semaphore, #tpu.memory_space<semaphore_mem>>)
      %scan3A = arith.constant 0 : i32
      %scan3A_274 = arith.constant 0 : i32
      %scan3A_275 = arith.constant 250 : i32
      %scan3A_276 = arith.addi %scan3A_274, %scan3A_275 : i32
      %scan3A_277 = arith.constant 1 : i32
      %scan3A_278 = scf.for %scan3A_344 = %scan3A_274 to %scan3A_276 step %scan3A_277 iter_args(%scan3A_345 = %scan3A) -> (i32)  : i32 {
        %rem3A_346 = arith.constant 4 : i32
        %rem3A_347 = arith.remsi %scan3A_344, %rem3A_346 : i32
        %rem3A_348 = arith.constant 8 : i32
        %rem3A_349 = arith.remsi %scan3A_344, %rem3A_348 : i32
        %dma_wait3A_350 = arith.constant 0 : i32
        %dma_wait3A_351 = arith.constant 0 : i32
        %dma_wait3A_352 = arith.constant 0 : i32
        %dma_wait3A_353 = tpu.memref_slice %arg8[%rem3A_347, %dma_wait3A_351, %dma_wait3A_352] : memref<4x80x64xf32, #tpu.memory_space<vmem>> -> memref<1x80x64xf32, #tpu.memory_space<vmem>>
        %dma_wait3A_354 = tpu.memref_squeeze %dma_wait3A_353 : memref<1x80x64xf32, #tpu.memory_space<vmem>> -> memref<80x64xf32, #tpu.memory_space<vmem>>
        %dma_wait3A_355 = arith.constant 0 : i32
        %dma_wait3A_356 = tpu.memref_slice %arg7[%rem3A_349, %dma_wait3A_350, %dma_wait3A_355] : memref<8x2x80xi32, #tpu.memory_space<vmem>> -> memref<1x1x80xi32, #tpu.memory_space<vmem>>
        %dma_wait3A_357 = tpu.memref_squeeze %dma_wait3A_356 : memref<1x1x80xi32, #tpu.memory_space<vmem>> -> memref<80xi32, #tpu.memory_space<vmem>>
        %dma_wait3A_358 = arith.constant 0 : i32
        %dma_wait3A_359 = arith.constant 0 : i32
        %dma_wait3A_360 = tpu.memref_slice %arg3[%dma_wait3A_358, %dma_wait3A_359] : memref<10000x64xf32, #tpu.memory_space<hbm>> -> memref<10000x64xf32, #tpu.memory_space<hbm>>
        %dma_wait3A_361 = tpu.memref_slice %arg10[%rem3A_347] : memref<4x!tpu.dma_semaphore, #tpu.memory_space<semaphore_mem>> -> memref<1x!tpu.dma_semaphore, #tpu.memory_space<semaphore_mem>>
        %dma_wait3A_362 = tpu.memref_squeeze %dma_wait3A_361 : memref<1x!tpu.dma_semaphore, #tpu.memory_space<semaphore_mem>> -> memref<!tpu.dma_semaphore, #tpu.memory_space<semaphore_mem>>
        tpu.wait_indirect_dma semaphore(%dma_wait3A_362 : memref<!tpu.dma_semaphore, #tpu.memory_space<semaphore_mem>>) src(%dma_wait3A_360 : memref<10000x64xf32, #tpu.memory_space<hbm>>) dst(%dma_wait3A_354 : memref<80x64xf32, #tpu.memory_space<vmem>>)
        %dma_start3A_363 = arith.constant 1 : i32
        %dma_start3A_364 = arith.constant 0 : i32
        %dma_start3A_365 = arith.constant 0 : i32
        %dma_start3A_366 = tpu.memref_slice %arg8[%rem3A_347, %dma_start3A_364, %dma_start3A_365] : memref<4x80x64xf32, #tpu.memory_space<vmem>> -> memref<1x80x64xf32, #tpu.memory_space<vmem>>
        %dma_start3A_367 = tpu.memref_squeeze %dma_start3A_366 : memref<1x80x64xf32, #tpu.memory_space<vmem>> -> memref<80x64xf32, #tpu.memory_space<vmem>>
        %dma_start3A_368 = arith.constant 0 : i32
        %dma_start3A_369 = tpu.memref_slice %arg7[%rem3A_349, %dma_start3A_363, %dma_start3A_368] : memref<8x2x80xi32, #tpu.memory_space<vmem>> -> memref<1x1x80xi32, #tpu.memory_space<vmem>>
        %dma_start3A_370 = tpu.memref_squeeze %dma_start3A_369 : memref<1x1x80xi32, #tpu.memory_space<vmem>> -> memref<80xi32, #tpu.memory_space<vmem>>
        %dma_start3A_371 = arith.constant 0 : i32
        %dma_start3A_372 = arith.constant 0 : i32
        %dma_start3A_373 = tpu.memref_slice %arg9[%dma_start3A_371, %dma_start3A_372] : memref<10000x64xf32, #tpu.memory_space<vmem_shared>> -> memref<10000x64xf32, #tpu.memory_space<vmem_shared>>
        %dma_start3A_374 = tpu.memref_slice %arg11[%rem3A_347] : memref<4x!tpu.dma_semaphore, #tpu.memory_space<semaphore_mem>> -> memref<1x!tpu.dma_semaphore, #tpu.memory_space<semaphore_mem>>
        %dma_start3A_375 = tpu.memref_squeeze %dma_start3A_374 : memref<1x!tpu.dma_semaphore, #tpu.memory_space<semaphore_mem>> -> memref<!tpu.dma_semaphore, #tpu.memory_space<semaphore_mem>>
        tpu.enqueue_indirect_dma source(%dma_start3A_367 : memref<80x64xf32, #tpu.memory_space<vmem>>) target(%dma_start3A_373 : memref<10000x64xf32, #tpu.memory_space<vmem_shared>>) offsets(%dma_start3A_370 : memref<80xi32, #tpu.memory_space<vmem>>) semaphore(%dma_start3A_375 : memref<!tpu.dma_semaphore, #tpu.memory_space<semaphore_mem>>) {add = true}
        %add3A = arith.constant 6 : i32
        %add3A_376 = arith.addi %scan3A_344, %add3A : i32
        %lt3A_377 = arith.constant 250 : i32
        %lt3A_378 = arith.cmpi slt, %add3A_376, %lt3A_377 : i32
        %convert_element_type3A_379 = arith.extui %lt3A_378 : i1 to i32
        %cond3A_380 = arith.constant 0 : i32
        %cond3A_381 = arith.cmpi ne, %convert_element_type3A_379, %cond3A_380 : i32
        scf.if %cond3A_381 {
          %rem3A_390 = arith.constant 8 : i32
          %rem3A_391 = arith.remsi %add3A_376, %rem3A_390 : i32
          %dma_start3A_392 = arith.constant 0 : i32
          %dma_start3A_393 = arith.constant 0 : i32
          %dma_start3A_394 = tpu.memref_slice %arg7[%rem3A_391, %dma_start3A_392, %dma_start3A_393] : memref<8x2x80xi32, #tpu.memory_space<vmem>> -> memref<1x2x80xi32, #tpu.memory_space<vmem>>
          %dma_start3A_395 = tpu.memref_squeeze %dma_start3A_394 : memref<1x2x80xi32, #tpu.memory_space<vmem>> -> memref<2x80xi32, #tpu.memory_space<vmem>>
          %dma_start3A_396 = arith.constant 0 : i32
          %dma_start3A_397 = arith.constant 0 : i32
          %dma_start3A_398 = tpu.memref_slice %arg4[%arg0, %arg1, %add3A_376, %dma_start3A_396, %dma_start3A_397] : memref<2x16x250x2x80xi32, #tpu.memory_space<hbm>> -> memref<1x1x1x2x80xi32, #tpu.memory_space<hbm>>
          %dma_start3A_399 = tpu.memref_squeeze %dma_start3A_398 : memref<1x1x1x2x80xi32, #tpu.memory_space<hbm>> -> memref<2x80xi32, #tpu.memory_space<hbm>>
          %dma_start3A_400 = tpu.memref_slice %arg12[%rem3A_391] : memref<8x!tpu.dma_semaphore, #tpu.memory_space<semaphore_mem>> -> memref<1x!tpu.dma_semaphore, #tpu.memory_space<semaphore_mem>>
          %dma_start3A_401 = tpu.memref_squeeze %dma_start3A_400 : memref<1x!tpu.dma_semaphore, #tpu.memory_space<semaphore_mem>> -> memref<!tpu.dma_semaphore, #tpu.memory_space<semaphore_mem>>
          %dma_start3A_402 = arith.constant 0 : i32
          %dma_start3A_403 = arith.constant 0 : i32
          %dma_start3A_404 = tpu.memref_slice %arg7[%rem3A_391, %dma_start3A_402, %dma_start3A_403] : memref<8x2x80xi32, #tpu.memory_space<vmem>> -> memref<1x2x80xi32, #tpu.memory_space<vmem>>
          %dma_start3A_405 = tpu.memref_squeeze %dma_start3A_404 : memref<1x2x80xi32, #tpu.memory_space<vmem>> -> memref<2x80xi32, #tpu.memory_space<vmem>>
          %dma_start3A_406 = arith.constant 0 : i32
          %dma_start3A_407 = arith.constant 0 : i32
          %dma_start3A_408 = tpu.memref_slice %arg4[%arg0, %arg1, %add3A_376, %dma_start3A_406, %dma_start3A_407] : memref<2x16x250x2x80xi32, #tpu.memory_space<hbm>> -> memref<1x1x1x2x80xi32, #tpu.memory_space<hbm>>
          %dma_start3A_409 = tpu.memref_squeeze %dma_start3A_408 : memref<1x1x1x2x80xi32, #tpu.memory_space<hbm>> -> memref<2x80xi32, #tpu.memory_space<hbm>>
          tpu.enqueue_dma source(%dma_start3A_409 : memref<2x80xi32, #tpu.memory_space<hbm>>) target(%dma_start3A_405 : memref<2x80xi32, #tpu.memory_space<vmem>>) target_semaphore(%dma_start3A_401 : memref<!tpu.dma_semaphore, #tpu.memory_space<semaphore_mem>>)
        } else {
        }
        %add3A_382 = arith.constant 3 : i32
        %add3A_383 = arith.addi %scan3A_344, %add3A_382 : i32
        %lt3A_384 = arith.constant 250 : i32
        %lt3A_385 = arith.cmpi slt, %add3A_383, %lt3A_384 : i32
        %convert_element_type3A_386 = arith.extui %lt3A_385 : i1 to i32
        %cond3A_387 = arith.constant 0 : i32
        %cond3A_388 = arith.cmpi ne, %convert_element_type3A_386, %cond3A_387 : i32
        scf.if %cond3A_388 {
          %rem3A_390 = arith.constant 4 : i32
          %rem3A_391 = arith.remsi %add3A_383, %rem3A_390 : i32
          %ge3A = arith.constant 1 : i32
          %ge3A_392 = arith.cmpi sge, %scan3A_344, %ge3A : i32
          %convert_element_type3A_393 = arith.extui %ge3A_392 : i1 to i32
          %cond3A_394 = arith.constant 0 : i32
          %cond3A_395 = arith.cmpi ne, %convert_element_type3A_393, %cond3A_394 : i32
          scf.if %cond3A_395 {
            %sub3A = arith.constant 1 : i32
            %sub3A_431 = arith.subi %scan3A_344, %sub3A : i32
            %rem3A_432 = arith.constant 8 : i32
            %rem3A_433 = arith.remsi %sub3A_431, %rem3A_432 : i32
            %dma_wait3A_434 = arith.constant 1 : i32
            %dma_wait3A_435 = arith.constant 0 : i32
            %dma_wait3A_436 = arith.constant 0 : i32
            %dma_wait3A_437 = tpu.memref_slice %arg8[%rem3A_391, %dma_wait3A_435, %dma_wait3A_436] : memref<4x80x64xf32, #tpu.memory_space<vmem>> -> memref<1x80x64xf32, #tpu.memory_space<vmem>>
            %dma_wait3A_438 = tpu.memref_squeeze %dma_wait3A_437 : memref<1x80x64xf32, #tpu.memory_space<vmem>> -> memref<80x64xf32, #tpu.memory_space<vmem>>
            %dma_wait3A_439 = arith.constant 0 : i32
            %dma_wait3A_440 = tpu.memref_slice %arg7[%rem3A_433, %dma_wait3A_434, %dma_wait3A_439] : memref<8x2x80xi32, #tpu.memory_space<vmem>> -> memref<1x1x80xi32, #tpu.memory_space<vmem>>
            %dma_wait3A_441 = tpu.memref_squeeze %dma_wait3A_440 : memref<1x1x80xi32, #tpu.memory_space<vmem>> -> memref<80xi32, #tpu.memory_space<vmem>>
            %dma_wait3A_442 = arith.constant 0 : i32
            %dma_wait3A_443 = arith.constant 0 : i32
            %dma_wait3A_444 = tpu.memref_slice %arg9[%dma_wait3A_442, %dma_wait3A_443] : memref<10000x64xf32, #tpu.memory_space<vmem_shared>> -> memref<10000x64xf32, #tpu.memory_space<vmem_shared>>
            %dma_wait3A_445 = tpu.memref_slice %arg11[%rem3A_391] : memref<4x!tpu.dma_semaphore, #tpu.memory_space<semaphore_mem>> -> memref<1x!tpu.dma_semaphore, #tpu.memory_space<semaphore_mem>>
            %dma_wait3A_446 = tpu.memref_squeeze %dma_wait3A_445 : memref<1x!tpu.dma_semaphore, #tpu.memory_space<semaphore_mem>> -> memref<!tpu.dma_semaphore, #tpu.memory_space<semaphore_mem>>
            tpu.wait_indirect_dma semaphore(%dma_wait3A_446 : memref<!tpu.dma_semaphore, #tpu.memory_space<semaphore_mem>>) src(%dma_wait3A_438 : memref<80x64xf32, #tpu.memory_space<vmem>>) dst(%dma_wait3A_444 : memref<10000x64xf32, #tpu.memory_space<vmem_shared>>)
          } else {
          }
          %rem3A_396 = arith.constant 8 : i32
          %rem3A_397 = arith.remsi %add3A_383, %rem3A_396 : i32
          %dma_wait3A_398 = arith.constant 0 : i32
          %dma_wait3A_399 = arith.constant 0 : i32
          %dma_wait3A_400 = tpu.memref_slice %arg7[%rem3A_397, %dma_wait3A_398, %dma_wait3A_399] : memref<8x2x80xi32, #tpu.memory_space<vmem>> -> memref<1x2x80xi32, #tpu.memory_space<vmem>>
          %dma_wait3A_401 = tpu.memref_squeeze %dma_wait3A_400 : memref<1x2x80xi32, #tpu.memory_space<vmem>> -> memref<2x80xi32, #tpu.memory_space<vmem>>
          %dma_wait3A_402 = arith.constant 0 : i32
          %dma_wait3A_403 = arith.constant 0 : i32
          %dma_wait3A_404 = tpu.memref_slice %arg4[%arg0, %arg1, %add3A_383, %dma_wait3A_402, %dma_wait3A_403] : memref<2x16x250x2x80xi32, #tpu.memory_space<hbm>> -> memref<1x1x1x2x80xi32, #tpu.memory_space<hbm>>
          %dma_wait3A_405 = tpu.memref_squeeze %dma_wait3A_404 : memref<1x1x1x2x80xi32, #tpu.memory_space<hbm>> -> memref<2x80xi32, #tpu.memory_space<hbm>>
          %dma_wait3A_406 = tpu.memref_slice %arg12[%rem3A_397] : memref<8x!tpu.dma_semaphore, #tpu.memory_space<semaphore_mem>> -> memref<1x!tpu.dma_semaphore, #tpu.memory_space<semaphore_mem>>
          %dma_wait3A_407 = tpu.memref_squeeze %dma_wait3A_406 : memref<1x!tpu.dma_semaphore, #tpu.memory_space<semaphore_mem>> -> memref<!tpu.dma_semaphore, #tpu.memory_space<semaphore_mem>>
          %dma_wait3A_408 = arith.constant 0 : i32
          %dma_wait3A_409 = arith.constant 0 : i32
          %dma_wait3A_410 = tpu.memref_slice %arg7[%rem3A_397, %dma_wait3A_408, %dma_wait3A_409] : memref<8x2x80xi32, #tpu.memory_space<vmem>> -> memref<1x2x80xi32, #tpu.memory_space<vmem>>
          %dma_wait3A_411 = tpu.memref_squeeze %dma_wait3A_410 : memref<1x2x80xi32, #tpu.memory_space<vmem>> -> memref<2x80xi32, #tpu.memory_space<vmem>>
          %dma_wait3A_412 = arith.constant 0 : i32
          %dma_wait3A_413 = arith.constant 0 : i32
          %dma_wait3A_414 = tpu.memref_slice %arg4[%arg0, %arg1, %add3A_383, %dma_wait3A_412, %dma_wait3A_413] : memref<2x16x250x2x80xi32, #tpu.memory_space<hbm>> -> memref<1x1x1x2x80xi32, #tpu.memory_space<hbm>>
          %dma_wait3A_415 = tpu.memref_squeeze %dma_wait3A_414 : memref<1x1x1x2x80xi32, #tpu.memory_space<hbm>> -> memref<2x80xi32, #tpu.memory_space<hbm>>
          tpu.wait_dma2 semaphore(%dma_wait3A_407 : memref<!tpu.dma_semaphore, #tpu.memory_space<semaphore_mem>>) src(%dma_wait3A_415 : memref<2x80xi32, #tpu.memory_space<hbm>>) dst(%dma_wait3A_411 : memref<2x80xi32, #tpu.memory_space<vmem>>)
          %rem3A_416 = arith.constant 8 : i32
          %rem3A_417 = arith.remsi %add3A_383, %rem3A_416 : i32
          %dma_start3A_418 = arith.constant 0 : i32
          %dma_start3A_419 = arith.constant 0 : i32
          %dma_start3A_420 = arith.constant 0 : i32
          %dma_start3A_421 = tpu.memref_slice %arg8[%rem3A_391, %dma_start3A_419, %dma_start3A_420] : memref<4x80x64xf32, #tpu.memory_space<vmem>> -> memref<1x80x64xf32, #tpu.memory_space<vmem>>
          %dma_start3A_422 = tpu.memref_squeeze %dma_start3A_421 : memref<1x80x64xf32, #tpu.memory_space<vmem>> -> memref<80x64xf32, #tpu.memory_space<vmem>>
          %dma_start3A_423 = arith.constant 0 : i32
          %dma_start3A_424 = tpu.memref_slice %arg7[%rem3A_417, %dma_start3A_418, %dma_start3A_423] : memref<8x2x80xi32, #tpu.memory_space<vmem>> -> memref<1x1x80xi32, #tpu.memory_space<vmem>>
          %dma_start3A_425 = tpu.memref_squeeze %dma_start3A_424 : memref<1x1x80xi32, #tpu.memory_space<vmem>> -> memref<80xi32, #tpu.memory_space<vmem>>
          %dma_start3A_426 = arith.constant 0 : i32
          %dma_start3A_427 = arith.constant 0 : i32
          %dma_start3A_428 = tpu.memref_slice %arg3[%dma_start3A_426, %dma_start3A_427] : memref<10000x64xf32, #tpu.memory_space<hbm>> -> memref<10000x64xf32, #tpu.memory_space<hbm>>
          %dma_start3A_429 = tpu.memref_slice %arg10[%rem3A_391] : memref<4x!tpu.dma_semaphore, #tpu.memory_space<semaphore_mem>> -> memref<1x!tpu.dma_semaphore, #tpu.memory_space<semaphore_mem>>
          %dma_start3A_430 = tpu.memref_squeeze %dma_start3A_429 : memref<1x!tpu.dma_semaphore, #tpu.memory_space<semaphore_mem>> -> memref<!tpu.dma_semaphore, #tpu.memory_space<semaphore_mem>>
          tpu.enqueue_indirect_dma source(%dma_start3A_428 : memref<10000x64xf32, #tpu.memory_space<hbm>>) target(%dma_start3A_422 : memref<80x64xf32, #tpu.memory_space<vmem>>) offsets(%dma_start3A_425 : memref<80xi32, #tpu.memory_space<vmem>>) semaphore(%dma_start3A_430 : memref<!tpu.dma_semaphore, #tpu.memory_space<semaphore_mem>>)
        } else {
        }
        %scan3A_389 = arith.constant 0 : i32
        scf.yield %scan3A_389 : i32
      }
      %scan3A_279 = arith.constant 250 : i32
      %dma_wait3A_280 = arith.constant 2 : i32
      %dma_wait3A_281 = arith.constant 6 : i32
      %dma_wait3A_282 = arith.constant 1 : i32
      %dma_wait3A_283 = arith.constant 2 : i32
      %dma_wait3A_284 = arith.constant 0 : i32
      %dma_wait3A_285 = arith.constant 0 : i32
      %dma_wait3A_286 = tpu.memref_slice %arg8[%dma_wait3A_280, %dma_wait3A_284, %dma_wait3A_285] : memref<4x80x64xf32, #tpu.memory_space<vmem>> -> memref<1x80x64xf32, #tpu.memory_space<vmem>>
      %dma_wait3A_287 = tpu.memref_squeeze %dma_wait3A_286 : memref<1x80x64xf32, #tpu.memory_space<vmem>> -> memref<80x64xf32, #tpu.memory_space<vmem>>
      %dma_wait3A_288 = arith.constant 0 : i32
      %dma_wait3A_289 = tpu.memref_slice %arg7[%dma_wait3A_281, %dma_wait3A_282, %dma_wait3A_288] : memref<8x2x80xi32, #tpu.memory_space<vmem>> -> memref<1x1x80xi32, #tpu.memory_space<vmem>>
      %dma_wait3A_290 = tpu.memref_squeeze %dma_wait3A_289 : memref<1x1x80xi32, #tpu.memory_space<vmem>> -> memref<80xi32, #tpu.memory_space<vmem>>
      %dma_wait3A_291 = arith.constant 0 : i32
      %dma_wait3A_292 = arith.constant 0 : i32
      %dma_wait3A_293 = tpu.memref_slice %arg9[%dma_wait3A_291, %dma_wait3A_292] : memref<10000x64xf32, #tpu.memory_space<vmem_shared>> -> memref<10000x64xf32, #tpu.memory_space<vmem_shared>>
      %dma_wait3A_294 = tpu.memref_slice %arg11[%dma_wait3A_283] : memref<4x!tpu.dma_semaphore, #tpu.memory_space<semaphore_mem>> -> memref<1x!tpu.dma_semaphore, #tpu.memory_space<semaphore_mem>>
      %dma_wait3A_295 = tpu.memref_squeeze %dma_wait3A_294 : memref<1x!tpu.dma_semaphore, #tpu.memory_space<semaphore_mem>> -> memref<!tpu.dma_semaphore, #tpu.memory_space<semaphore_mem>>
      tpu.wait_indirect_dma semaphore(%dma_wait3A_295 : memref<!tpu.dma_semaphore, #tpu.memory_space<semaphore_mem>>) src(%dma_wait3A_287 : memref<80x64xf32, #tpu.memory_space<vmem>>) dst(%dma_wait3A_293 : memref<10000x64xf32, #tpu.memory_space<vmem_shared>>)
      %dma_wait3A_296 = arith.constant 3 : i32
      %dma_wait3A_297 = arith.constant 7 : i32
      %dma_wait3A_298 = arith.constant 1 : i32
      %dma_wait3A_299 = arith.constant 3 : i32
      %dma_wait3A_300 = arith.constant 0 : i32
      %dma_wait3A_301 = arith.constant 0 : i32
      %dma_wait3A_302 = tpu.memref_slice %arg8[%dma_wait3A_296, %dma_wait3A_300, %dma_wait3A_301] : memref<4x80x64xf32, #tpu.memory_space<vmem>> -> memref<1x80x64xf32, #tpu.memory_space<vmem>>
      %dma_wait3A_303 = tpu.memref_squeeze %dma_wait3A_302 : memref<1x80x64xf32, #tpu.memory_space<vmem>> -> memref<80x64xf32, #tpu.memory_space<vmem>>
      %dma_wait3A_304 = arith.constant 0 : i32
      %dma_wait3A_305 = tpu.memref_slice %arg7[%dma_wait3A_297, %dma_wait3A_298, %dma_wait3A_304] : memref<8x2x80xi32, #tpu.memory_space<vmem>> -> memref<1x1x80xi32, #tpu.memory_space<vmem>>
      %dma_wait3A_306 = tpu.memref_squeeze %dma_wait3A_305 : memref<1x1x80xi32, #tpu.memory_space<vmem>> -> memref<80xi32, #tpu.memory_space<vmem>>
      %dma_wait3A_307 = arith.constant 0 : i32
      %dma_wait3A_308 = arith.constant 0 : i32
      %dma_wait3A_309 = tpu.memref_slice %arg9[%dma_wait3A_307, %dma_wait3A_308] : memref<10000x64xf32, #tpu.memory_space<vmem_shared>> -> memref<10000x64xf32, #tpu.memory_space<vmem_shared>>
      %dma_wait3A_310 = tpu.memref_slice %arg11[%dma_wait3A_299] : memref<4x!tpu.dma_semaphore, #tpu.memory_space<semaphore_mem>> -> memref<1x!tpu.dma_semaphore, #tpu.memory_space<semaphore_mem>>
      %dma_wait3A_311 = tpu.memref_squeeze %dma_wait3A_310 : memref<1x!tpu.dma_semaphore, #tpu.memory_space<semaphore_mem>> -> memref<!tpu.dma_semaphore, #tpu.memory_space<semaphore_mem>>
      tpu.wait_indirect_dma semaphore(%dma_wait3A_311 : memref<!tpu.dma_semaphore, #tpu.memory_space<semaphore_mem>>) src(%dma_wait3A_303 : memref<80x64xf32, #tpu.memory_space<vmem>>) dst(%dma_wait3A_309 : memref<10000x64xf32, #tpu.memory_space<vmem_shared>>)
      %dma_wait3A_312 = arith.constant 0 : i32
      %dma_wait3A_313 = arith.constant 0 : i32
      %dma_wait3A_314 = arith.constant 1 : i32
      %dma_wait3A_315 = arith.constant 0 : i32
      %dma_wait3A_316 = arith.constant 0 : i32
      %dma_wait3A_317 = arith.constant 0 : i32
      %dma_wait3A_318 = tpu.memref_slice %arg8[%dma_wait3A_312, %dma_wait3A_316, %dma_wait3A_317] : memref<4x80x64xf32, #tpu.memory_space<vmem>> -> memref<1x80x64xf32, #tpu.memory_space<vmem>>
      %dma_wait3A_319 = tpu.memref_squeeze %dma_wait3A_318 : memref<1x80x64xf32, #tpu.memory_space<vmem>> -> memref<80x64xf32, #tpu.memory_space<vmem>>
      %dma_wait3A_320 = arith.constant 0 : i32
      %dma_wait3A_321 = tpu.memref_slice %arg7[%dma_wait3A_313, %dma_wait3A_314, %dma_wait3A_320] : memref<8x2x80xi32, #tpu.memory_space<vmem>> -> memref<1x1x80xi32, #tpu.memory_space<vmem>>
      %dma_wait3A_322 = tpu.memref_squeeze %dma_wait3A_321 : memref<1x1x80xi32, #tpu.memory_space<vmem>> -> memref<80xi32, #tpu.memory_space<vmem>>
      %dma_wait3A_323 = arith.constant 0 : i32
      %dma_wait3A_324 = arith.constant 0 : i32
      %dma_wait3A_325 = tpu.memref_slice %arg9[%dma_wait3A_323, %dma_wait3A_324] : memref<10000x64xf32, #tpu.memory_space<vmem_shared>> -> memref<10000x64xf32, #tpu.memory_space<vmem_shared>>
      %dma_wait3A_326 = tpu.memref_slice %arg11[%dma_wait3A_315] : memref<4x!tpu.dma_semaphore, #tpu.memory_space<semaphore_mem>> -> memref<1x!tpu.dma_semaphore, #tpu.memory_space<semaphore_mem>>
      %dma_wait3A_327 = tpu.memref_squeeze %dma_wait3A_326 : memref<1x!tpu.dma_semaphore, #tpu.memory_space<semaphore_mem>> -> memref<!tpu.dma_semaphore, #tpu.memory_space<semaphore_mem>>
      tpu.wait_indirect_dma semaphore(%dma_wait3A_327 : memref<!tpu.dma_semaphore, #tpu.memory_space<semaphore_mem>>) src(%dma_wait3A_319 : memref<80x64xf32, #tpu.memory_space<vmem>>) dst(%dma_wait3A_325 : memref<10000x64xf32, #tpu.memory_space<vmem_shared>>)
      %dma_wait3A_328 = arith.constant 1 : i32
      %dma_wait3A_329 = arith.constant 1 : i32
      %dma_wait3A_330 = arith.constant 1 : i32
      %dma_wait3A_331 = arith.constant 1 : i32
      %dma_wait3A_332 = arith.constant 0 : i32
      %dma_wait3A_333 = arith.constant 0 : i32
      %dma_wait3A_334 = tpu.memref_slice %arg8[%dma_wait3A_328, %dma_wait3A_332, %dma_wait3A_333] : memref<4x80x64xf32, #tpu.memory_space<vmem>> -> memref<1x80x64xf32, #tpu.memory_space<vmem>>
      %dma_wait3A_335 = tpu.memref_squeeze %dma_wait3A_334 : memref<1x80x64xf32, #tpu.memory_space<vmem>> -> memref<80x64xf32, #tpu.memory_space<vmem>>
      %dma_wait3A_336 = arith.constant 0 : i32
      %dma_wait3A_337 = tpu.memref_slice %arg7[%dma_wait3A_329, %dma_wait3A_330, %dma_wait3A_336] : memref<8x2x80xi32, #tpu.memory_space<vmem>> -> memref<1x1x80xi32, #tpu.memory_space<vmem>>
      %dma_wait3A_338 = tpu.memref_squeeze %dma_wait3A_337 : memref<1x1x80xi32, #tpu.memory_space<vmem>> -> memref<80xi32, #tpu.memory_space<vmem>>
      %dma_wait3A_339 = arith.constant 0 : i32
      %dma_wait3A_340 = arith.constant 0 : i32
      %dma_wait3A_341 = tpu.memref_slice %arg9[%dma_wait3A_339, %dma_wait3A_340] : memref<10000x64xf32, #tpu.memory_space<vmem_shared>> -> memref<10000x64xf32, #tpu.memory_space<vmem_shared>>
      %dma_wait3A_342 = tpu.memref_slice %arg11[%dma_wait3A_331] : memref<4x!tpu.dma_semaphore, #tpu.memory_space<semaphore_mem>> -> memref<1x!tpu.dma_semaphore, #tpu.memory_space<semaphore_mem>>
      %dma_wait3A_343 = tpu.memref_squeeze %dma_wait3A_342 : memref<1x!tpu.dma_semaphore, #tpu.memory_space<semaphore_mem>> -> memref<!tpu.dma_semaphore, #tpu.memory_space<semaphore_mem>>
      tpu.wait_indirect_dma semaphore(%dma_wait3A_343 : memref<!tpu.dma_semaphore, #tpu.memory_space<semaphore_mem>>) src(%dma_wait3A_335 : memref<80x64xf32, #tpu.memory_space<vmem>>) dst(%dma_wait3A_341 : memref<10000x64xf32, #tpu.memory_space<vmem_shared>>)
    } else {
    }
    %barrier3A_17 = arith.constant 0 : index
    tpu.barrier barrier_id(%barrier3A_17)
    %mul3A_18 = arith.constant 632 : i32
    %mul3A_19 = arith.muli %arg1, %mul3A_18 : i32
    %multiple_of3A_20 = tpu.assume_multiple %mul3A_19, 8 : i32
    %lt3A_21 = arith.constant 15 : i32
    %lt3A_22 = arith.cmpi slt, %arg1, %lt3A_21 : i32
    %convert_element_type3A_23 = arith.extui %lt3A_22 : i1 to i32
    %cond3A_24 = arith.constant 0 : i32
    %cond3A_25 = arith.cmpi ne, %convert_element_type3A_23, %cond3A_24 : i32
    scf.if %cond3A_25 {
      "tpu.region"() ({
        %run_scoped3A = tpu.sem_alloc : memref<!tpu.dma_semaphore, #tpu.memory_space<semaphore_mem>>
        %dma_start3A = arith.constant 0 : i32
        %dma_start3A_31 = tpu.memref_slice %arg6[%arg0, %multiple_of3A_20, %dma_start3A] : memref<2x10000x64xf32, #tpu.memory_space<hbm>> -> memref<1x632x64xf32, #tpu.memory_space<hbm>>
        %dma_start3A_32 = tpu.memref_squeeze %dma_start3A_31 : memref<1x632x64xf32, #tpu.memory_space<hbm>> -> memref<632x64xf32, #tpu.memory_space<hbm>>
        %dma_start3A_33 = arith.constant 0 : i32
        %dma_start3A_34 = tpu.memref_slice %arg9[%multiple_of3A_20, %dma_start3A_33] : memref<10000x64xf32, #tpu.memory_space<vmem_shared>> -> memref<632x64xf32, #tpu.memory_space<vmem_shared>>
        tpu.enqueue_dma source(%dma_start3A_34 : memref<632x64xf32, #tpu.memory_space<vmem_shared>>) target(%dma_start3A_32 : memref<632x64xf32, #tpu.memory_space<hbm>>) target_semaphore(%run_scoped3A : memref<!tpu.dma_semaphore, #tpu.memory_space<semaphore_mem>>)
        %dma_wait3A = arith.constant 0 : i32
        %dma_wait3A_35 = tpu.memref_slice %arg6[%arg0, %multiple_of3A_20, %dma_wait3A] : memref<2x10000x64xf32, #tpu.memory_space<hbm>> -> memref<1x632x64xf32, #tpu.memory_space<hbm>>
        %dma_wait3A_36 = tpu.memref_squeeze %dma_wait3A_35 : memref<1x632x64xf32, #tpu.memory_space<hbm>> -> memref<632x64xf32, #tpu.memory_space<hbm>>
        %dma_wait3A_37 = arith.constant 0 : i32
        %dma_wait3A_38 = tpu.memref_slice %arg9[%multiple_of3A_20, %dma_wait3A_37] : memref<10000x64xf32, #tpu.memory_space<vmem_shared>> -> memref<632x64xf32, #tpu.memory_space<vmem_shared>>
        tpu.wait_dma2 semaphore(%run_scoped3A : memref<!tpu.dma_semaphore, #tpu.memory_space<semaphore_mem>>) src(%dma_wait3A_38 : memref<632x64xf32, #tpu.memory_space<vmem_shared>>) dst(%dma_wait3A_36 : memref<632x64xf32, #tpu.memory_space<hbm>>)
        tpu.yield
      }) : () -> ()
    } else {
    }
    %eq3A_26 = arith.constant 15 : i32
    %eq3A_27 = arith.cmpi eq, %arg1, %eq3A_26 : i32
    %convert_element_type3A_28 = arith.extui %eq3A_27 : i1 to i32
    %cond3A_29 = arith.constant 0 : i32
    %cond3A_30 = arith.cmpi ne, %convert_element_type3A_28, %cond3A_29 : i32
    scf.if %cond3A_30 {
      "tpu.region"() ({
        %run_scoped3A = tpu.sem_alloc : memref<!tpu.dma_semaphore, #tpu.memory_space<semaphore_mem>>
        %dma_start3A = arith.constant 9480 : i32
        %dma_start3A_31 = arith.constant 0 : i32
        %dma_start3A_32 = tpu.memref_slice %arg6[%arg0, %dma_start3A, %dma_start3A_31] : memref<2x10000x64xf32, #tpu.memory_space<hbm>> -> memref<1x520x64xf32, #tpu.memory_space<hbm>>
        %dma_start3A_33 = tpu.memref_squeeze %dma_start3A_32 : memref<1x520x64xf32, #tpu.memory_space<hbm>> -> memref<520x64xf32, #tpu.memory_space<hbm>>
        %dma_start3A_34 = arith.constant 9480 : i32
        %dma_start3A_35 = arith.constant 0 : i32
        %dma_start3A_36 = tpu.memref_slice %arg9[%dma_start3A_34, %dma_start3A_35] : memref<10000x64xf32, #tpu.memory_space<vmem_shared>> -> memref<520x64xf32, #tpu.memory_space<vmem_shared>>
        tpu.enqueue_dma source(%dma_start3A_36 : memref<520x64xf32, #tpu.memory_space<vmem_shared>>) target(%dma_start3A_33 : memref<520x64xf32, #tpu.memory_space<hbm>>) target_semaphore(%run_scoped3A : memref<!tpu.dma_semaphore, #tpu.memory_space<semaphore_mem>>)
        %dma_wait3A = arith.constant 9480 : i32
        %dma_wait3A_37 = arith.constant 0 : i32
        %dma_wait3A_38 = tpu.memref_slice %arg6[%arg0, %dma_wait3A, %dma_wait3A_37] : memref<2x10000x64xf32, #tpu.memory_space<hbm>> -> memref<1x520x64xf32, #tpu.memory_space<hbm>>
        %dma_wait3A_39 = tpu.memref_squeeze %dma_wait3A_38 : memref<1x520x64xf32, #tpu.memory_space<hbm>> -> memref<520x64xf32, #tpu.memory_space<hbm>>
        %dma_wait3A_40 = arith.constant 9480 : i32
        %dma_wait3A_41 = arith.constant 0 : i32
        %dma_wait3A_42 = tpu.memref_slice %arg9[%dma_wait3A_40, %dma_wait3A_41] : memref<10000x64xf32, #tpu.memory_space<vmem_shared>> -> memref<520x64xf32, #tpu.memory_space<vmem_shared>>
        tpu.wait_dma2 semaphore(%run_scoped3A : memref<!tpu.dma_semaphore, #tpu.memory_space<semaphore_mem>>) src(%dma_wait3A_42 : memref<520x64xf32, #tpu.memory_space<vmem_shared>>) dst(%dma_wait3A_39 : memref<520x64xf32, #tpu.memory_space<hbm>>)
        tpu.yield
      }) : () -> ()
    } else {
    }
    return
  }
}

module attributes {stable_mosaic.version = 14 : i64} {
  func.func @_tc_prologue_body(%arg0: i32, %arg1: memref<2000x128xf32, #tpu.memory_space<vmem>>, %arg2: memref<128x64xf32, #tpu.memory_space<vmem>>, %arg3: memref<1x64xf32, #tpu.memory_space<vmem>>, %arg4: memref<64x64xf32, #tpu.memory_space<vmem>>, %arg5: memref<64x2xf32, #tpu.memory_space<vmem>>, %arg6: memref<2000x1xf32, #tpu.memory_space<vmem>>, %arg7: memref<2000x64xf32, #tpu.memory_space<vmem>>, %arg8: memref<2000x64xf32, #tpu.memory_space<vmem>>, %arg9: memref<2000x64xf32, #tpu.memory_space<vmem>>, %arg10: memref<2000x2xf32, #tpu.memory_space<vmem>>) attributes {dimension_semantics = [#tpu.dimension_semantics<arbitrary>], iteration_bounds = array<i64: 5>, scalar_prefetch = 0 : i64, scratch_operands = 0 : i64, tpu.core_type = #tpu.core_type<tc>, window_params = [{transform_indices = @transform_0, window_bounds = array<i64: 2000, 128>}, {pipeline_mode = #tpu.pipeline_mode<synchronous>, transform_indices = @transform_1, window_bounds = array<i64: 128, 64>}, {pipeline_mode = #tpu.pipeline_mode<synchronous>, transform_indices = @transform_2, window_bounds = array<i64: 1, 64>}, {pipeline_mode = #tpu.pipeline_mode<synchronous>, transform_indices = @transform_3, window_bounds = array<i64: 64, 64>}, {pipeline_mode = #tpu.pipeline_mode<synchronous>, transform_indices = @transform_4, window_bounds = array<i64: 64, 2>}, {transform_indices = @transform_5, window_bounds = array<i64: 2000, 1>}, {transform_indices = @transform_6, window_bounds = array<i64: 2000, 64>}, {transform_indices = @transform_7, window_bounds = array<i64: 2000, 64>}, {transform_indices = @transform_8, window_bounds = array<i64: 2000, 64>}, {transform_indices = @transform_9, window_bounds = array<i64: 2000, 2>}]} {
    %get3A = arith.constant 0 : index
    %get3A_0 = arith.constant 0 : index
    %get3A_1 = vector.load %arg1[%get3A, %get3A_0] : memref<2000x128xf32, #tpu.memory_space<vmem>>, vector<2000x128xf32>
    %get3A_2 = arith.constant 0 : index
    %get3A_3 = arith.constant 0 : index
    %get3A_4 = vector.load %arg2[%get3A_2, %get3A_3] : memref<128x64xf32, #tpu.memory_space<vmem>>, vector<128x64xf32>
    %dot_general3A = arith.constant dense<0.000000e+00> : vector<2000x64xf32>
    %dot_general3A_5 = tpu.matmul %get3A_1, %get3A_4, %dot_general3A {dimension_numbers = #tpu.dot_dimension_numbers<[1], [0], [0], [1], [0, 0, 1, 1], [], []>, transpose_lhs_hint = false} : vector<2000x128xf32>, vector<128x64xf32>, vector<2000x64xf32> -> vector<2000x64xf32>
    %get3A_6 = arith.constant 0 : index
    %get3A_7 = arith.constant 0 : index
    %get3A_8 = vector.load %arg3[%get3A_6, %get3A_7] : memref<1x64xf32, #tpu.memory_space<vmem>>, vector<1x64xf32>
    %add3A = vector.broadcast %get3A_8 : vector<1x64xf32> to vector<2000x64xf32>
    %add3A_9 = arith.addf %dot_general3A_5, %add3A : vector<2000x64xf32>
    %max3A = arith.constant 0.000000e+00 : f32
    %max3A_10 = vector.broadcast %max3A : f32 to vector<2000x64xf32>
    %max3A_11 = arith.maximumf %add3A_9, %max3A_10 : vector<2000x64xf32>
    %get3A_12 = arith.constant 0 : index
    %get3A_13 = arith.constant 0 : index
    %get3A_14 = vector.load %arg4[%get3A_12, %get3A_13] : memref<64x64xf32, #tpu.memory_space<vmem>>, vector<64x64xf32>
    %dot_general3A_15 = arith.constant dense<0.000000e+00> : vector<2000x64xf32>
    %dot_general3A_16 = tpu.matmul %max3A_11, %get3A_14, %dot_general3A_15 {dimension_numbers = #tpu.dot_dimension_numbers<[1], [0], [0], [1], [0, 0, 1, 1], [], []>, transpose_lhs_hint = false} : vector<2000x64xf32>, vector<64x64xf32>, vector<2000x64xf32> -> vector<2000x64xf32>
    %get3A_17 = arith.constant 0 : index
    %get3A_18 = arith.constant 0 : index
    %get3A_19 = vector.load %arg6[%get3A_17, %get3A_18] : memref<2000x1xf32, #tpu.memory_space<vmem>>, vector<2000x1xf32>
    %mul3A = vector.broadcast %get3A_19 : vector<2000x1xf32> to vector<2000x64xf32>
    %mul3A_20 = arith.mulf %mul3A, %max3A_11 : vector<2000x64xf32>
    %swap3A = arith.constant 0 : index
    %swap3A_21 = arith.constant 0 : index
    %swap3A_22 = vector.load %arg7[%swap3A, %swap3A_21] : memref<2000x64xf32, #tpu.memory_space<vmem>>, vector<2000x64xf32>
    tpu.vector_store %arg7[%swap3A, %swap3A_21], %mul3A_20 {strides = array<i32>} : memref<2000x64xf32, #tpu.memory_space<vmem>>, vector<2000x64xf32>,
    %swap3A_23 = arith.constant 0 : index
    %swap3A_24 = arith.constant 0 : index
    %swap3A_25 = vector.load %arg8[%swap3A_23, %swap3A_24] : memref<2000x64xf32, #tpu.memory_space<vmem>>, vector<2000x64xf32>
    tpu.vector_store %arg8[%swap3A_23, %swap3A_24], %dot_general3A_16 {strides = array<i32>} : memref<2000x64xf32, #tpu.memory_space<vmem>>, vector<2000x64xf32>,
    %swap3A_26 = arith.constant 0 : index
    %swap3A_27 = arith.constant 0 : index
    %swap3A_28 = vector.load %arg9[%swap3A_26, %swap3A_27] : memref<2000x64xf32, #tpu.memory_space<vmem>>, vector<2000x64xf32>
    tpu.vector_store %arg9[%swap3A_26, %swap3A_27], %max3A_11 {strides = array<i32>} : memref<2000x64xf32, #tpu.memory_space<vmem>>, vector<2000x64xf32>,
    %get3A_29 = arith.constant 0 : index
    %get3A_30 = arith.constant 0 : index
    %get3A_31 = vector.load %arg5[%get3A_29, %get3A_30] : memref<64x2xf32, #tpu.memory_space<vmem>>, vector<64x2xf32>
    %dot_general3A_32 = arith.constant dense<0.000000e+00> : vector<2000x2xf32>
    %dot_general3A_33 = tpu.matmul %dot_general3A_16, %get3A_31, %dot_general3A_32 {dimension_numbers = #tpu.dot_dimension_numbers<[1], [0], [0], [1], [0, 0, 1, 1], [], []>, transpose_lhs_hint = false} : vector<2000x64xf32>, vector<64x2xf32>, vector<2000x2xf32> -> vector<2000x2xf32>
    %swap3A_34 = arith.constant 0 : index
    %swap3A_35 = arith.constant 0 : index
    %swap3A_36 = vector.load %arg10[%swap3A_34, %swap3A_35] : memref<2000x2xf32, #tpu.memory_space<vmem>>, vector<2000x2xf32>
    tpu.vector_store %arg10[%swap3A_34, %swap3A_35], %dot_general3A_33 {strides = array<i32>} : memref<2000x2xf32, #tpu.memory_space<vmem>>, vector<2000x2xf32>,
    return
  }
  func.func @transform_0(%arg0: i32) -> (i32, i32) {
    %c0_i32 = arith.constant 0 : i32
    %c0_i32_0 = arith.constant 0 : i32
    return %arg0, %c0_i32 : i32, i32
  }
  func.func @transform_1(%arg0: i32) -> (i32, i32) {
    %c0_i32 = arith.constant 0 : i32
    %c0_i32_0 = arith.constant 0 : i32
    %c0_i32_1 = arith.constant 0 : i32
    return %c0_i32, %c0_i32_0 : i32, i32
  }
  func.func @transform_2(%arg0: i32) -> (i32, i32) {
    %c0_i32 = arith.constant 0 : i32
    %c0_i32_0 = arith.constant 0 : i32
    %c0_i32_1 = arith.constant 0 : i32
    return %c0_i32, %c0_i32_0 : i32, i32
  }
  func.func @transform_3(%arg0: i32) -> (i32, i32) {
    %c0_i32 = arith.constant 0 : i32
    %c0_i32_0 = arith.constant 0 : i32
    %c0_i32_1 = arith.constant 0 : i32
    return %c0_i32, %c0_i32_0 : i32, i32
  }
  func.func @transform_4(%arg0: i32) -> (i32, i32) {
    %c0_i32 = arith.constant 0 : i32
    %c0_i32_0 = arith.constant 0 : i32
    %c0_i32_1 = arith.constant 0 : i32
    return %c0_i32, %c0_i32_0 : i32, i32
  }
  func.func @transform_5(%arg0: i32) -> (i32, i32) {
    %c0_i32 = arith.constant 0 : i32
    %c0_i32_0 = arith.constant 0 : i32
    return %arg0, %c0_i32 : i32, i32
  }
  func.func @transform_6(%arg0: i32) -> (i32, i32) {
    %c0_i32 = arith.constant 0 : i32
    %c0_i32_0 = arith.constant 0 : i32
    return %arg0, %c0_i32 : i32, i32
  }
  func.func @transform_7(%arg0: i32) -> (i32, i32) {
    %c0_i32 = arith.constant 0 : i32
    %c0_i32_0 = arith.constant 0 : i32
    return %arg0, %c0_i32 : i32, i32
  }
  func.func @transform_8(%arg0: i32) -> (i32, i32) {
    %c0_i32 = arith.constant 0 : i32
    %c0_i32_0 = arith.constant 0 : i32
    return %arg0, %c0_i32 : i32, i32
  }
  func.func @transform_9(%arg0: i32) -> (i32, i32) {
    %c0_i32 = arith.constant 0 : i32
    %c0_i32_0 = arith.constant 0 : i32
    return %arg0, %c0_i32 : i32, i32
  }
}

module attributes {stable_mosaic.version = 14 : i64} {
  func.func @_tc_combine_body(%arg0: i32, %arg1: memref<2x2000x64xf32, #tpu.memory_space<vmem>>, %arg2: memref<2000x2xf32, #tpu.memory_space<vmem>>, %arg3: memref<2000x64xf32, #tpu.memory_space<vmem>>, %arg4: memref<2000x1xf32, #tpu.memory_space<vmem>>, %arg5: memref<2000x64xf32, #tpu.memory_space<vmem>>, %arg6: memref<2000x64xf32, #tpu.memory_space<vmem>>) attributes {dimension_semantics = [#tpu.dimension_semantics<arbitrary>], iteration_bounds = array<i64: 5>, scalar_prefetch = 0 : i64, scratch_operands = 0 : i64, tpu.core_type = #tpu.core_type<tc>, window_params = [{transform_indices = @transform_0, window_bounds = array<i64: 2, 2000, 64>}, {transform_indices = @transform_1, window_bounds = array<i64: 2000, 2>}, {transform_indices = @transform_2, window_bounds = array<i64: 2000, 64>}, {transform_indices = @transform_3, window_bounds = array<i64: 2000, 1>}, {transform_indices = @transform_4, window_bounds = array<i64: 2000, 64>}, {transform_indices = @transform_5, window_bounds = array<i64: 2000, 64>}]} {
    %get3A = arith.constant 0 : index
    %get3A_0 = arith.constant 0 : index
    %get3A_1 = vector.load %arg3[%get3A, %get3A_0] : memref<2000x64xf32, #tpu.memory_space<vmem>>, vector<2000x64xf32>
    %get3A_2 = arith.constant 0 : index
    %get3A_3 = arith.constant 0 : index
    %get3A_4 = vector.load %arg4[%get3A_2, %get3A_3] : memref<2000x1xf32, #tpu.memory_space<vmem>>, vector<2000x1xf32>
    %get3A_5 = arith.constant 0 : index
    %get3A_6 = arith.constant 0 : index
    %get3A_7 = vector.load %arg2[%get3A_5, %get3A_6] : memref<2000x2xf32, #tpu.memory_space<vmem>>, vector<2000x1xf32>
    %add3A = arith.constant 9.99999997E-7 : f32
    %add3A_8 = vector.broadcast %add3A : f32 to vector<2000x1xf32>
    %add3A_9 = arith.addf %get3A_7, %add3A_8 : vector<2000x1xf32>
    %mul3A = arith.constant 1.500000e-01 : f32
    %mul3A_10 = vector.broadcast %mul3A : f32 to vector<2000x64xf32>
    %mul3A_11 = arith.mulf %mul3A_10, %get3A_1 : vector<2000x64xf32>
    %get3A_12 = arith.constant 0 : index
    %get3A_13 = arith.constant 0 : index
    %get3A_14 = arith.constant 0 : index
    %get3A_15 = vector.load %arg1[%get3A_12, %get3A_13, %get3A_14] : memref<2x2000x64xf32, #tpu.memory_space<vmem>>, vector<1x2000x64xf32>
    %get3A_16 = vector.shape_cast %get3A_15 : vector<1x2000x64xf32> to vector<2000x64xf32>
    %mul3A_17 = arith.constant 8.500000e-01 : f32
    %mul3A_18 = vector.broadcast %mul3A_17 : f32 to vector<2000x64xf32>
    %mul3A_19 = arith.mulf %mul3A_18, %get3A_16 : vector<2000x64xf32>
    %div3A = vector.broadcast %add3A_9 : vector<2000x1xf32> to vector<2000x64xf32>
    %div3A_20 = arith.divf %mul3A_19, %div3A : vector<2000x64xf32>
    %add3A_21 = arith.addf %mul3A_11, %div3A_20 : vector<2000x64xf32>
    %mul3A_22 = vector.broadcast %get3A_4 : vector<2000x1xf32> to vector<2000x64xf32>
    %mul3A_23 = arith.mulf %mul3A_22, %add3A_21 : vector<2000x64xf32>
    %swap3A = arith.constant 0 : index
    %swap3A_24 = arith.constant 0 : index
    %swap3A_25 = vector.load %arg5[%swap3A, %swap3A_24] : memref<2000x64xf32, #tpu.memory_space<vmem>>, vector<2000x64xf32>
    tpu.vector_store %arg5[%swap3A, %swap3A_24], %mul3A_23 {strides = array<i32>} : memref<2000x64xf32, #tpu.memory_space<vmem>>, vector<2000x64xf32>,
    %get3A_26 = arith.constant 0 : index
    %get3A_27 = arith.constant 1 : index
    %get3A_28 = vector.load %arg2[%get3A_26, %get3A_27] : memref<2000x2xf32, #tpu.memory_space<vmem>>, vector<2000x1xf32>
    %add3A_29 = arith.constant 9.99999997E-7 : f32
    %add3A_30 = vector.broadcast %add3A_29 : f32 to vector<2000x1xf32>
    %add3A_31 = arith.addf %get3A_28, %add3A_30 : vector<2000x1xf32>
    %mul3A_32 = arith.constant 1.500000e-01 : f32
    %mul3A_33 = vector.broadcast %mul3A_32 : f32 to vector<2000x64xf32>
    %mul3A_34 = arith.mulf %mul3A_33, %get3A_1 : vector<2000x64xf32>
    %get3A_35 = arith.constant 1 : index
    %get3A_36 = arith.constant 0 : index
    %get3A_37 = arith.constant 0 : index
    %get3A_38 = vector.load %arg1[%get3A_35, %get3A_36, %get3A_37] : memref<2x2000x64xf32, #tpu.memory_space<vmem>>, vector<1x2000x64xf32>
    %get3A_39 = vector.shape_cast %get3A_38 : vector<1x2000x64xf32> to vector<2000x64xf32>
    %mul3A_40 = arith.constant 8.500000e-01 : f32
    %mul3A_41 = vector.broadcast %mul3A_40 : f32 to vector<2000x64xf32>
    %mul3A_42 = arith.mulf %mul3A_41, %get3A_39 : vector<2000x64xf32>
    %div3A_43 = vector.broadcast %add3A_31 : vector<2000x1xf32> to vector<2000x64xf32>
    %div3A_44 = arith.divf %mul3A_42, %div3A_43 : vector<2000x64xf32>
    %add3A_45 = arith.addf %mul3A_34, %div3A_44 : vector<2000x64xf32>
    %mul3A_46 = vector.broadcast %get3A_4 : vector<2000x1xf32> to vector<2000x64xf32>
    %mul3A_47 = arith.mulf %mul3A_46, %add3A_45 : vector<2000x64xf32>
    %swap3A_48 = arith.constant 0 : index
    %swap3A_49 = arith.constant 0 : index
    %swap3A_50 = vector.load %arg6[%swap3A_48, %swap3A_49] : memref<2000x64xf32, #tpu.memory_space<vmem>>, vector<2000x64xf32>
    tpu.vector_store %arg6[%swap3A_48, %swap3A_49], %mul3A_47 {strides = array<i32>} : memref<2000x64xf32, #tpu.memory_space<vmem>>, vector<2000x64xf32>,
    return
  }
  func.func @transform_0(%arg0: i32) -> (i32, i32, i32) {
    %c0_i32 = arith.constant 0 : i32
    %c0_i32_0 = arith.constant 0 : i32
    %c0_i32_1 = arith.constant 0 : i32
    return %c0_i32, %arg0, %c0_i32_0 : i32, i32, i32
  }
  func.func @transform_1(%arg0: i32) -> (i32, i32) {
    %c0_i32 = arith.constant 0 : i32
    %c0_i32_0 = arith.constant 0 : i32
    return %arg0, %c0_i32 : i32, i32
  }
  func.func @transform_2(%arg0: i32) -> (i32, i32) {
    %c0_i32 = arith.constant 0 : i32
    %c0_i32_0 = arith.constant 0 : i32
    return %arg0, %c0_i32 : i32, i32
  }
  func.func @transform_3(%arg0: i32) -> (i32, i32) {
    %c0_i32 = arith.constant 0 : i32
    %c0_i32_0 = arith.constant 0 : i32
    return %arg0, %c0_i32 : i32, i32
  }
  func.func @transform_4(%arg0: i32) -> (i32, i32) {
    %c0_i32 = arith.constant 0 : i32
    %c0_i32_0 = arith.constant 0 : i32
    return %arg0, %c0_i32 : i32, i32
  }
  func.func @transform_5(%arg0: i32) -> (i32, i32) {
    %c0_i32 = arith.constant 0 : i32
    %c0_i32_0 = arith.constant 0 : i32
    return %arg0, %c0_i32 : i32, i32
  }
}

module attributes {stable_mosaic.version = 14 : i64} {
  func.func @_tc_epilogue_body(%arg0: i32, %arg1: i32, %arg2: memref<2x2000x64xf32, #tpu.memory_space<vmem>>, %arg3: memref<2000x2xf32, #tpu.memory_space<vmem>>, %arg4: memref<2000x64xf32, #tpu.memory_space<vmem>>, %arg5: memref<2x2000x64xf32, #tpu.memory_space<vmem>>, %arg6: memref<2000x2xf32, #tpu.memory_space<vmem>>, %arg7: memref<64x128xf32, #tpu.memory_space<vmem>>, %arg8: memref<1x128xf32, #tpu.memory_space<vmem>>, %arg9: memref<128x1xf32, #tpu.memory_space<vmem>>, %arg10: memref<64x64xf32, #tpu.memory_space<vmem>>, %arg11: memref<1x64xf32, #tpu.memory_space<vmem>>, %arg12: memref<2000x64xf32, #tpu.memory_space<vmem>>, %arg13: memref<2000x64xf32, #tpu.memory_space<vmem>>, %arg14: memref<8xf32, #tpu.memory_space<smem>>) attributes {dimension_semantics = [#tpu.dimension_semantics<arbitrary>, #tpu.dimension_semantics<arbitrary>], iteration_bounds = array<i64: 3, 5>, scalar_prefetch = 0 : i64, scratch_operands = 1 : i64, tpu.core_type = #tpu.core_type<tc>, window_params = [{transform_indices = @transform_0, window_bounds = array<i64: 2, 2000, 64>}, {transform_indices = @transform_1, window_bounds = array<i64: 2000, 2>}, {transform_indices = @transform_2, window_bounds = array<i64: 2000, 64>}, {transform_indices = @transform_3, window_bounds = array<i64: 2, 2000, 64>}, {transform_indices = @transform_4, window_bounds = array<i64: 2000, 2>}, {pipeline_mode = #tpu.pipeline_mode<synchronous>, transform_indices = @transform_5, window_bounds = array<i64: 64, 128>}, {pipeline_mode = #tpu.pipeline_mode<synchronous>, transform_indices = @transform_6, window_bounds = array<i64: 1, 128>}, {pipeline_mode = #tpu.pipeline_mode<synchronous>, transform_indices = @transform_7, window_bounds = array<i64: 128, 1>}, {pipeline_mode = #tpu.pipeline_mode<synchronous>, transform_indices = @transform_8, window_bounds = array<i64: 64, 64>}, {pipeline_mode = #tpu.pipeline_mode<synchronous>, transform_indices = @transform_9, window_bounds = array<i64: 1, 64>}, {transform_indices = @transform_10, window_bounds = array<i64: 2000, 64>}, {transform_indices = @transform_11, window_bounds = array<i64: 2000, 64>}]} {
    %get3A = arith.constant 0 : index
    %get3A_0 = arith.constant 0 : index
    %get3A_1 = vector.load %arg4[%get3A, %get3A_0] : memref<2000x64xf32, #tpu.memory_space<vmem>>, vector<2000x64xf32>
    %get3A_2 = arith.constant 0 : index
    %get3A_3 = arith.constant 0 : index
    %get3A_4 = arith.constant 0 : index
    %get3A_5 = vector.load %arg5[%get3A_2, %get3A_3, %get3A_4] : memref<2x2000x64xf32, #tpu.memory_space<vmem>>, vector<1x2000x64xf32>
    %get3A_6 = vector.shape_cast %get3A_5 : vector<1x2000x64xf32> to vector<2000x64xf32>
    %get3A_7 = arith.constant 0 : index
    %get3A_8 = arith.constant 0 : index
    %get3A_9 = vector.load %arg6[%get3A_7, %get3A_8] : memref<2000x2xf32, #tpu.memory_space<vmem>>, vector<2000x1xf32>
    %add3A = arith.constant 9.99999971E-10 : f32
    %add3A_10 = vector.broadcast %add3A : f32 to vector<2000x1xf32>
    %add3A_11 = arith.addf %get3A_9, %add3A_10 : vector<2000x1xf32>
    %div3A = vector.broadcast %add3A_11 : vector<2000x1xf32> to vector<2000x64xf32>
    %div3A_12 = arith.divf %get3A_6, %div3A : vector<2000x64xf32>
    %gt3A = arith.constant 0.000000e+00 : f32
    %gt3A_13 = vector.broadcast %gt3A : f32 to vector<2000x64xf32>
    %gt3A_14 = arith.cmpf ogt, %div3A_12, %gt3A_13 : vector<2000x64xf32>
    %min3A = arith.constant 0.000000e+00 : f32
    %min3A_15 = vector.broadcast %min3A : f32 to vector<2000x64xf32>
    %min3A_16 = arith.minimumf %div3A_12, %min3A_15 : vector<2000x64xf32>
    %exp3A = math.exp %min3A_16 : vector<2000x64xf32>
    %sub3A = arith.constant 1.000000e+00 : f32
    %sub3A_17 = vector.broadcast %sub3A : f32 to vector<2000x64xf32>
    %sub3A_18 = arith.subf %exp3A, %sub3A_17 : vector<2000x64xf32>
    %select_n3A = arith.select %gt3A_14, %div3A_12, %sub3A_18 : vector<2000x64xi1>, vector<2000x64xf32>
    %get3A_19 = arith.constant 1 : index
    %get3A_20 = arith.constant 0 : index
    %get3A_21 = arith.constant 0 : index
    %get3A_22 = vector.load %arg5[%get3A_19, %get3A_20, %get3A_21] : memref<2x2000x64xf32, #tpu.memory_space<vmem>>, vector<1x2000x64xf32>
    %get3A_23 = vector.shape_cast %get3A_22 : vector<1x2000x64xf32> to vector<2000x64xf32>
    %get3A_24 = arith.constant 0 : index
    %get3A_25 = arith.constant 1 : index
    %get3A_26 = vector.load %arg6[%get3A_24, %get3A_25] : memref<2000x2xf32, #tpu.memory_space<vmem>>, vector<2000x1xf32>
    %add3A_27 = arith.constant 9.99999971E-10 : f32
    %add3A_28 = vector.broadcast %add3A_27 : f32 to vector<2000x1xf32>
    %add3A_29 = arith.addf %get3A_26, %add3A_28 : vector<2000x1xf32>
    %div3A_30 = vector.broadcast %add3A_29 : vector<2000x1xf32> to vector<2000x64xf32>
    %div3A_31 = arith.divf %get3A_23, %div3A_30 : vector<2000x64xf32>
    %gt3A_32 = arith.constant 0.000000e+00 : f32
    %gt3A_33 = vector.broadcast %gt3A_32 : f32 to vector<2000x64xf32>
    %gt3A_34 = arith.cmpf ogt, %div3A_31, %gt3A_33 : vector<2000x64xf32>
    %min3A_35 = arith.constant 0.000000e+00 : f32
    %min3A_36 = vector.broadcast %min3A_35 : f32 to vector<2000x64xf32>
    %min3A_37 = arith.minimumf %div3A_31, %min3A_36 : vector<2000x64xf32>
    %exp3A_38 = math.exp %min3A_37 : vector<2000x64xf32>
    %sub3A_39 = arith.constant 1.000000e+00 : f32
    %sub3A_40 = vector.broadcast %sub3A_39 : f32 to vector<2000x64xf32>
    %sub3A_41 = arith.subf %exp3A_38, %sub3A_40 : vector<2000x64xf32>
    %select_n3A_42 = arith.select %gt3A_34, %div3A_31, %sub3A_41 : vector<2000x64xi1>, vector<2000x64xf32>
    %eq3A = arith.constant 0 : i32
    %eq3A_43 = arith.cmpi eq, %arg0, %eq3A : i32
    %convert_element_type3A = arith.extui %eq3A_43 : i1 to i32
    %cond3A = arith.constant 0 : i32
    %cond3A_44 = arith.cmpi ne, %convert_element_type3A, %cond3A : i32
    scf.if %cond3A_44 {
      %eq3A_55 = arith.constant 0 : i32
      %eq3A_56 = arith.cmpi eq, %arg1, %eq3A_55 : i32
      %convert_element_type3A_57 = arith.extui %eq3A_56 : i1 to i32
      %cond3A_58 = arith.constant 0 : i32
      %cond3A_59 = arith.cmpi ne, %convert_element_type3A_57, %cond3A_58 : i32
      scf.if %cond3A_59 {
        %swap3A_205 = arith.constant 0.000000e+00 : f32
        %swap3A_206 = arith.constant 0 : index
        %swap3A_207 = memref.load %arg14[%swap3A_206] : memref<8xf32, #tpu.memory_space<smem>>
        memref.store %swap3A_205, %arg14[%swap3A_206] : memref<8xf32, #tpu.memory_space<smem>>
        %swap3A_208 = arith.constant 0.000000e+00 : f32
        %swap3A_209 = arith.constant 1 : index
        %swap3A_210 = memref.load %arg14[%swap3A_209] : memref<8xf32, #tpu.memory_space<smem>>
        memref.store %swap3A_208, %arg14[%swap3A_209] : memref<8xf32, #tpu.memory_space<smem>>
        %swap3A_211 = arith.constant 0.000000e+00 : f32
        %swap3A_212 = arith.constant 2 : index
        %swap3A_213 = memref.load %arg14[%swap3A_212] : memref<8xf32, #tpu.memory_space<smem>>
        memref.store %swap3A_211, %arg14[%swap3A_212] : memref<8xf32, #tpu.memory_space<smem>>
        %swap3A_214 = arith.constant 0.000000e+00 : f32
        %swap3A_215 = arith.constant 3 : index
        %swap3A_216 = memref.load %arg14[%swap3A_215] : memref<8xf32, #tpu.memory_space<smem>>
        memref.store %swap3A_214, %arg14[%swap3A_215] : memref<8xf32, #tpu.memory_space<smem>>
        %swap3A_217 = arith.constant 0.000000e+00 : f32
        %swap3A_218 = arith.constant 4 : index
        %swap3A_219 = memref.load %arg14[%swap3A_218] : memref<8xf32, #tpu.memory_space<smem>>
        memref.store %swap3A_217, %arg14[%swap3A_218] : memref<8xf32, #tpu.memory_space<smem>>
        %swap3A_220 = arith.constant 0.000000e+00 : f32
        %swap3A_221 = arith.constant 5 : index
        %swap3A_222 = memref.load %arg14[%swap3A_221] : memref<8xf32, #tpu.memory_space<smem>>
        memref.store %swap3A_220, %arg14[%swap3A_221] : memref<8xf32, #tpu.memory_space<smem>>
      } else {
      }
      %get3A_60 = arith.constant 0 : index
      %get3A_61 = arith.constant 0 : index
      %get3A_62 = vector.load %arg3[%get3A_60, %get3A_61] : memref<2000x2xf32, #tpu.memory_space<vmem>>, vector<2000x1xf32>
      %add3A_63 = arith.constant 9.99999997E-7 : f32
      %add3A_64 = vector.broadcast %add3A_63 : f32 to vector<2000x1xf32>
      %add3A_65 = arith.addf %get3A_62, %add3A_64 : vector<2000x1xf32>
      %mul3A = arith.constant 1.500000e-01 : f32
      %mul3A_66 = vector.broadcast %mul3A : f32 to vector<2000x64xf32>
      %mul3A_67 = arith.mulf %mul3A_66, %get3A_1 : vector<2000x64xf32>
      %get3A_68 = arith.constant 0 : index
      %get3A_69 = arith.constant 0 : index
      %get3A_70 = arith.constant 0 : index
      %get3A_71 = vector.load %arg2[%get3A_68, %get3A_69, %get3A_70] : memref<2x2000x64xf32, #tpu.memory_space<vmem>>, vector<1x2000x64xf32>
      %get3A_72 = vector.shape_cast %get3A_71 : vector<1x2000x64xf32> to vector<2000x64xf32>
      %mul3A_73 = arith.constant 8.500000e-01 : f32
      %mul3A_74 = vector.broadcast %mul3A_73 : f32 to vector<2000x64xf32>
      %mul3A_75 = arith.mulf %mul3A_74, %get3A_72 : vector<2000x64xf32>
      %div3A_76 = vector.broadcast %add3A_65 : vector<2000x1xf32> to vector<2000x64xf32>
      %div3A_77 = arith.divf %mul3A_75, %div3A_76 : vector<2000x64xf32>
      %add3A_78 = arith.addf %mul3A_67, %div3A_77 : vector<2000x64xf32>
      %get3A_79 = arith.constant 0 : index
      %get3A_80 = arith.constant 1 : index
      %get3A_81 = vector.load %arg3[%get3A_79, %get3A_80] : memref<2000x2xf32, #tpu.memory_space<vmem>>, vector<2000x1xf32>
      %add3A_82 = arith.constant 9.99999997E-7 : f32
      %add3A_83 = vector.broadcast %add3A_82 : f32 to vector<2000x1xf32>
      %add3A_84 = arith.addf %get3A_81, %add3A_83 : vector<2000x1xf32>
      %mul3A_85 = arith.constant 1.500000e-01 : f32
      %mul3A_86 = vector.broadcast %mul3A_85 : f32 to vector<2000x64xf32>
      %mul3A_87 = arith.mulf %mul3A_86, %get3A_1 : vector<2000x64xf32>
      %get3A_88 = arith.constant 1 : index
      %get3A_89 = arith.constant 0 : index
      %get3A_90 = arith.constant 0 : index
      %get3A_91 = vector.load %arg2[%get3A_88, %get3A_89, %get3A_90] : memref<2x2000x64xf32, #tpu.memory_space<vmem>>, vector<1x2000x64xf32>
      %get3A_92 = vector.shape_cast %get3A_91 : vector<1x2000x64xf32> to vector<2000x64xf32>
      %mul3A_93 = arith.constant 8.500000e-01 : f32
      %mul3A_94 = vector.broadcast %mul3A_93 : f32 to vector<2000x64xf32>
      %mul3A_95 = arith.mulf %mul3A_94, %get3A_92 : vector<2000x64xf32>
      %div3A_96 = vector.broadcast %add3A_84 : vector<2000x1xf32> to vector<2000x64xf32>
      %div3A_97 = arith.divf %mul3A_95, %div3A_96 : vector<2000x64xf32>
      %add3A_98 = arith.addf %mul3A_87, %div3A_97 : vector<2000x64xf32>
      %get3A_99 = arith.constant 0 : index
      %get3A_100 = memref.load %arg14[%get3A_99] : memref<8xf32, #tpu.memory_space<smem>>
      %get3A_101 = arith.constant 0 : index
      %get3A_102 = arith.constant 0 : index
      %get3A_103 = vector.load %arg7[%get3A_101, %get3A_102] : memref<64x128xf32, #tpu.memory_space<vmem>>, vector<64x128xf32>
      %dot_general3A = arith.constant dense<0.000000e+00> : vector<2000x128xf32>
      %dot_general3A_104 = tpu.matmul %add3A_78, %get3A_103, %dot_general3A {dimension_numbers = #tpu.dot_dimension_numbers<[1], [0], [0], [1], [0, 0, 1, 1], [], []>, transpose_lhs_hint = false} : vector<2000x64xf32>, vector<64x128xf32>, vector<2000x128xf32> -> vector<2000x128xf32>
      %get3A_105 = arith.constant 0 : index
      %get3A_106 = arith.constant 0 : index
      %get3A_107 = vector.load %arg8[%get3A_105, %get3A_106] : memref<1x128xf32, #tpu.memory_space<vmem>>, vector<1x128xf32>
      %add3A_108 = vector.broadcast %get3A_107 : vector<1x128xf32> to vector<2000x128xf32>
      %add3A_109 = arith.addf %dot_general3A_104, %add3A_108 : vector<2000x128xf32>
      %tanh3A = math.tanh %add3A_109 : vector<2000x128xf32>
      %get3A_110 = arith.constant 0 : index
      %get3A_111 = arith.constant 0 : index
      %get3A_112 = vector.load %arg9[%get3A_110, %get3A_111] : memref<128x1xf32, #tpu.memory_space<vmem>>, vector<128x1xf32>
      %dot_general3A_113 = arith.constant dense<0.000000e+00> : vector<2000x1xf32>
      %dot_general3A_114 = tpu.matmul %tanh3A, %get3A_112, %dot_general3A_113 {dimension_numbers = #tpu.dot_dimension_numbers<[1], [0], [0], [1], [0, 0, 1, 1], [], []>, transpose_lhs_hint = false} : vector<2000x128xf32>, vector<128x1xf32>, vector<2000x1xf32> -> vector<2000x1xf32>
      %reduce_sum3A = vector.shape_cast %dot_general3A_114 : vector<2000x1xf32> to vector<1x2000x1xf32>
      %reduce_sum3A_115 = arith.constant dense<0.000000e+00> : vector<1xf32>
      %reduce_sum3A_116 = vector.multi_reduction <add>, %reduce_sum3A, %reduce_sum3A_115 [1, 2] : vector<1x2000x1xf32> to vector<1xf32>
      %reduce_sum3A_117 = vector.shape_cast %reduce_sum3A_116 : vector<1xf32> to vector<1x1x1xf32>
      %reduce_sum3A_118 = vector.extract %reduce_sum3A_117[0, 0, 0] : f32 from vector<1x1x1xf32>
      %add3A_119 = arith.addf %get3A_100, %reduce_sum3A_118 : f32
      %swap3A = arith.constant 0 : index
      %swap3A_120 = memref.load %arg14[%swap3A] : memref<8xf32, #tpu.memory_space<smem>>
      memref.store %add3A_119, %arg14[%swap3A] : memref<8xf32, #tpu.memory_space<smem>>
      %get3A_121 = arith.constant 1 : index
      %get3A_122 = memref.load %arg14[%get3A_121] : memref<8xf32, #tpu.memory_space<smem>>
      %get3A_123 = arith.constant 0 : index
      %get3A_124 = arith.constant 0 : index
      %get3A_125 = vector.load %arg7[%get3A_123, %get3A_124] : memref<64x128xf32, #tpu.memory_space<vmem>>, vector<64x128xf32>
      %dot_general3A_126 = arith.constant dense<0.000000e+00> : vector<2000x128xf32>
      %dot_general3A_127 = tpu.matmul %add3A_98, %get3A_125, %dot_general3A_126 {dimension_numbers = #tpu.dot_dimension_numbers<[1], [0], [0], [1], [0, 0, 1, 1], [], []>, transpose_lhs_hint = false} : vector<2000x64xf32>, vector<64x128xf32>, vector<2000x128xf32> -> vector<2000x128xf32>
      %get3A_128 = arith.constant 0 : index
      %get3A_129 = arith.constant 0 : index
      %get3A_130 = vector.load %arg8[%get3A_128, %get3A_129] : memref<1x128xf32, #tpu.memory_space<vmem>>, vector<1x128xf32>
      %add3A_131 = vector.broadcast %get3A_130 : vector<1x128xf32> to vector<2000x128xf32>
      %add3A_132 = arith.addf %dot_general3A_127, %add3A_131 : vector<2000x128xf32>
      %tanh3A_133 = math.tanh %add3A_132 : vector<2000x128xf32>
      %get3A_134 = arith.constant 0 : index
      %get3A_135 = arith.constant 0 : index
      %get3A_136 = vector.load %arg9[%get3A_134, %get3A_135] : memref<128x1xf32, #tpu.memory_space<vmem>>, vector<128x1xf32>
      %dot_general3A_137 = arith.constant dense<0.000000e+00> : vector<2000x1xf32>
      %dot_general3A_138 = tpu.matmul %tanh3A_133, %get3A_136, %dot_general3A_137 {dimension_numbers = #tpu.dot_dimension_numbers<[1], [0], [0], [1], [0, 0, 1, 1], [], []>, transpose_lhs_hint = false} : vector<2000x128xf32>, vector<128x1xf32>, vector<2000x1xf32> -> vector<2000x1xf32>
      %reduce_sum3A_139 = vector.shape_cast %dot_general3A_138 : vector<2000x1xf32> to vector<1x2000x1xf32>
      %reduce_sum3A_140 = arith.constant dense<0.000000e+00> : vector<1xf32>
      %reduce_sum3A_141 = vector.multi_reduction <add>, %reduce_sum3A_139, %reduce_sum3A_140 [1, 2] : vector<1x2000x1xf32> to vector<1xf32>
      %reduce_sum3A_142 = vector.shape_cast %reduce_sum3A_141 : vector<1xf32> to vector<1x1x1xf32>
      %reduce_sum3A_143 = vector.extract %reduce_sum3A_142[0, 0, 0] : f32 from vector<1x1x1xf32>
      %add3A_144 = arith.addf %get3A_122, %reduce_sum3A_143 : f32
      %swap3A_145 = arith.constant 1 : index
      %swap3A_146 = memref.load %arg14[%swap3A_145] : memref<8xf32, #tpu.memory_space<smem>>
      memref.store %add3A_144, %arg14[%swap3A_145] : memref<8xf32, #tpu.memory_space<smem>>
      %get3A_147 = arith.constant 2 : index
      %get3A_148 = memref.load %arg14[%get3A_147] : memref<8xf32, #tpu.memory_space<smem>>
      %get3A_149 = arith.constant 0 : index
      %get3A_150 = arith.constant 0 : index
      %get3A_151 = vector.load %arg7[%get3A_149, %get3A_150] : memref<64x128xf32, #tpu.memory_space<vmem>>, vector<64x128xf32>
      %dot_general3A_152 = arith.constant dense<0.000000e+00> : vector<2000x128xf32>
      %dot_general3A_153 = tpu.matmul %select_n3A, %get3A_151, %dot_general3A_152 {dimension_numbers = #tpu.dot_dimension_numbers<[1], [0], [0], [1], [0, 0, 1, 1], [], []>, transpose_lhs_hint = false} : vector<2000x64xf32>, vector<64x128xf32>, vector<2000x128xf32> -> vector<2000x128xf32>
      %get3A_154 = arith.constant 0 : index
      %get3A_155 = arith.constant 0 : index
      %get3A_156 = vector.load %arg8[%get3A_154, %get3A_155] : memref<1x128xf32, #tpu.memory_space<vmem>>, vector<1x128xf32>
      %add3A_157 = vector.broadcast %get3A_156 : vector<1x128xf32> to vector<2000x128xf32>
      %add3A_158 = arith.addf %dot_general3A_153, %add3A_157 : vector<2000x128xf32>
      %tanh3A_159 = math.tanh %add3A_158 : vector<2000x128xf32>
      %get3A_160 = arith.constant 0 : index
      %get3A_161 = arith.constant 0 : index
      %get3A_162 = vector.load %arg9[%get3A_160, %get3A_161] : memref<128x1xf32, #tpu.memory_space<vmem>>, vector<128x1xf32>
      %dot_general3A_163 = arith.constant dense<0.000000e+00> : vector<2000x1xf32>
      %dot_general3A_164 = tpu.matmul %tanh3A_159, %get3A_162, %dot_general3A_163 {dimension_numbers = #tpu.dot_dimension_numbers<[1], [0], [0], [1], [0, 0, 1, 1], [], []>, transpose_lhs_hint = false} : vector<2000x128xf32>, vector<128x1xf32>, vector<2000x1xf32> -> vector<2000x1xf32>
      %reduce_sum3A_165 = vector.shape_cast %dot_general3A_164 : vector<2000x1xf32> to vector<1x2000x1xf32>
      %reduce_sum3A_166 = arith.constant dense<0.000000e+00> : vector<1xf32>
      %reduce_sum3A_167 = vector.multi_reduction <add>, %reduce_sum3A_165, %reduce_sum3A_166 [1, 2] : vector<1x2000x1xf32> to vector<1xf32>
      %reduce_sum3A_168 = vector.shape_cast %reduce_sum3A_167 : vector<1xf32> to vector<1x1x1xf32>
      %reduce_sum3A_169 = vector.extract %reduce_sum3A_168[0, 0, 0] : f32 from vector<1x1x1xf32>
      %add3A_170 = arith.addf %get3A_148, %reduce_sum3A_169 : f32
      %swap3A_171 = arith.constant 2 : index
      %swap3A_172 = memref.load %arg14[%swap3A_171] : memref<8xf32, #tpu.memory_space<smem>>
      memref.store %add3A_170, %arg14[%swap3A_171] : memref<8xf32, #tpu.memory_space<smem>>
      %get3A_173 = arith.constant 3 : index
      %get3A_174 = memref.load %arg14[%get3A_173] : memref<8xf32, #tpu.memory_space<smem>>
      %get3A_175 = arith.constant 0 : index
      %get3A_176 = arith.constant 0 : index
      %get3A_177 = vector.load %arg7[%get3A_175, %get3A_176] : memref<64x128xf32, #tpu.memory_space<vmem>>, vector<64x128xf32>
      %dot_general3A_178 = arith.constant dense<0.000000e+00> : vector<2000x128xf32>
      %dot_general3A_179 = tpu.matmul %select_n3A_42, %get3A_177, %dot_general3A_178 {dimension_numbers = #tpu.dot_dimension_numbers<[1], [0], [0], [1], [0, 0, 1, 1], [], []>, transpose_lhs_hint = false} : vector<2000x64xf32>, vector<64x128xf32>, vector<2000x128xf32> -> vector<2000x128xf32>
      %get3A_180 = arith.constant 0 : index
      %get3A_181 = arith.constant 0 : index
      %get3A_182 = vector.load %arg8[%get3A_180, %get3A_181] : memref<1x128xf32, #tpu.memory_space<vmem>>, vector<1x128xf32>
      %add3A_183 = vector.broadcast %get3A_182 : vector<1x128xf32> to vector<2000x128xf32>
      %add3A_184 = arith.addf %dot_general3A_179, %add3A_183 : vector<2000x128xf32>
      %tanh3A_185 = math.tanh %add3A_184 : vector<2000x128xf32>
      %get3A_186 = arith.constant 0 : index
      %get3A_187 = arith.constant 0 : index
      %get3A_188 = vector.load %arg9[%get3A_186, %get3A_187] : memref<128x1xf32, #tpu.memory_space<vmem>>, vector<128x1xf32>
      %dot_general3A_189 = arith.constant dense<0.000000e+00> : vector<2000x1xf32>
      %dot_general3A_190 = tpu.matmul %tanh3A_185, %get3A_188, %dot_general3A_189 {dimension_numbers = #tpu.dot_dimension_numbers<[1], [0], [0], [1], [0, 0, 1, 1], [], []>, transpose_lhs_hint = false} : vector<2000x128xf32>, vector<128x1xf32>, vector<2000x1xf32> -> vector<2000x1xf32>
      %reduce_sum3A_191 = vector.shape_cast %dot_general3A_190 : vector<2000x1xf32> to vector<1x2000x1xf32>
      %reduce_sum3A_192 = arith.constant dense<0.000000e+00> : vector<1xf32>
      %reduce_sum3A_193 = vector.multi_reduction <add>, %reduce_sum3A_191, %reduce_sum3A_192 [1, 2] : vector<1x2000x1xf32> to vector<1xf32>
      %reduce_sum3A_194 = vector.shape_cast %reduce_sum3A_193 : vector<1xf32> to vector<1x1x1xf32>
      %reduce_sum3A_195 = vector.extract %reduce_sum3A_194[0, 0, 0] : f32 from vector<1x1x1xf32>
      %add3A_196 = arith.addf %get3A_174, %reduce_sum3A_195 : f32
      %swap3A_197 = arith.constant 3 : index
      %swap3A_198 = memref.load %arg14[%swap3A_197] : memref<8xf32, #tpu.memory_space<smem>>
      memref.store %add3A_196, %arg14[%swap3A_197] : memref<8xf32, #tpu.memory_space<smem>>
      %swap3A_199 = arith.constant 0 : index
      %swap3A_200 = arith.constant 0 : index
      %swap3A_201 = vector.load %arg12[%swap3A_199, %swap3A_200] : memref<2000x64xf32, #tpu.memory_space<vmem>>, vector<2000x64xf32>
      tpu.vector_store %arg12[%swap3A_199, %swap3A_200], %add3A_78 {strides = array<i32>} : memref<2000x64xf32, #tpu.memory_space<vmem>>, vector<2000x64xf32>,
      %swap3A_202 = arith.constant 0 : index
      %swap3A_203 = arith.constant 0 : index
      %swap3A_204 = vector.load %arg13[%swap3A_202, %swap3A_203] : memref<2000x64xf32, #tpu.memory_space<vmem>>, vector<2000x64xf32>
      tpu.vector_store %arg13[%swap3A_202, %swap3A_203], %add3A_98 {strides = array<i32>} : memref<2000x64xf32, #tpu.memory_space<vmem>>, vector<2000x64xf32>,
    } else {
    }
    %eq3A_45 = arith.constant 1 : i32
    %eq3A_46 = arith.cmpi eq, %arg0, %eq3A_45 : i32
    %convert_element_type3A_47 = arith.extui %eq3A_46 : i1 to i32
    %cond3A_48 = arith.constant 0 : i32
    %cond3A_49 = arith.cmpi ne, %convert_element_type3A_47, %cond3A_48 : i32
    scf.if %cond3A_49 {
      %get3A_55 = arith.constant 0 : index
      %get3A_56 = memref.load %arg14[%get3A_55] : memref<8xf32, #tpu.memory_space<smem>>
      %mul3A = arith.constant 9.99999974E-5 : f32
      %mul3A_57 = arith.mulf %get3A_56, %mul3A : f32
      %get3A_58 = arith.constant 1 : index
      %get3A_59 = memref.load %arg14[%get3A_58] : memref<8xf32, #tpu.memory_space<smem>>
      %mul3A_60 = arith.constant 9.99999974E-5 : f32
      %mul3A_61 = arith.mulf %get3A_59, %mul3A_60 : f32
      %max3A = arith.maximumf %mul3A_57, %mul3A_61 : f32
      %sub3A_62 = arith.subf %mul3A_57, %max3A : f32
      %exp3A_63 = math.exp %sub3A_62 : f32
      %sub3A_64 = arith.subf %mul3A_61, %max3A : f32
      %exp3A_65 = math.exp %sub3A_64 : f32
      %add3A_66 = arith.addf %exp3A_63, %exp3A_65 : f32
      %div3A_67 = arith.divf %exp3A_63, %add3A_66 : f32
      %add3A_68 = arith.addf %exp3A_63, %exp3A_65 : f32
      %div3A_69 = arith.divf %exp3A_65, %add3A_68 : f32
      %get3A_70 = arith.constant 2 : index
      %get3A_71 = memref.load %arg14[%get3A_70] : memref<8xf32, #tpu.memory_space<smem>>
      %mul3A_72 = arith.constant 9.99999974E-5 : f32
      %mul3A_73 = arith.mulf %get3A_71, %mul3A_72 : f32
      %get3A_74 = arith.constant 3 : index
      %get3A_75 = memref.load %arg14[%get3A_74] : memref<8xf32, #tpu.memory_space<smem>>
      %mul3A_76 = arith.constant 9.99999974E-5 : f32
      %mul3A_77 = arith.mulf %get3A_75, %mul3A_76 : f32
      %max3A_78 = arith.maximumf %mul3A_73, %mul3A_77 : f32
      %sub3A_79 = arith.subf %mul3A_73, %max3A_78 : f32
      %exp3A_80 = math.exp %sub3A_79 : f32
      %sub3A_81 = arith.subf %mul3A_77, %max3A_78 : f32
      %exp3A_82 = math.exp %sub3A_81 : f32
      %add3A_83 = arith.addf %exp3A_80, %exp3A_82 : f32
      %div3A_84 = arith.divf %exp3A_80, %add3A_83 : f32
      %add3A_85 = arith.addf %exp3A_80, %exp3A_82 : f32
      %div3A_86 = arith.divf %exp3A_82, %add3A_85 : f32
      %get3A_87 = arith.constant 0 : index
      %get3A_88 = arith.constant 0 : index
      %get3A_89 = vector.load %arg3[%get3A_87, %get3A_88] : memref<2000x2xf32, #tpu.memory_space<vmem>>, vector<2000x1xf32>
      %add3A_90 = arith.constant 9.99999997E-7 : f32
      %add3A_91 = vector.broadcast %add3A_90 : f32 to vector<2000x1xf32>
      %add3A_92 = arith.addf %get3A_89, %add3A_91 : vector<2000x1xf32>
      %mul3A_93 = arith.constant 1.500000e-01 : f32
      %mul3A_94 = vector.broadcast %mul3A_93 : f32 to vector<2000x64xf32>
      %mul3A_95 = arith.mulf %mul3A_94, %get3A_1 : vector<2000x64xf32>
      %get3A_96 = arith.constant 0 : index
      %get3A_97 = arith.constant 0 : index
      %get3A_98 = arith.constant 0 : index
      %get3A_99 = vector.load %arg2[%get3A_96, %get3A_97, %get3A_98] : memref<2x2000x64xf32, #tpu.memory_space<vmem>>, vector<1x2000x64xf32>
      %get3A_100 = vector.shape_cast %get3A_99 : vector<1x2000x64xf32> to vector<2000x64xf32>
      %mul3A_101 = arith.constant 8.500000e-01 : f32
      %mul3A_102 = vector.broadcast %mul3A_101 : f32 to vector<2000x64xf32>
      %mul3A_103 = arith.mulf %mul3A_102, %get3A_100 : vector<2000x64xf32>
      %div3A_104 = vector.broadcast %add3A_92 : vector<2000x1xf32> to vector<2000x64xf32>
      %div3A_105 = arith.divf %mul3A_103, %div3A_104 : vector<2000x64xf32>
      %add3A_106 = arith.addf %mul3A_95, %div3A_105 : vector<2000x64xf32>
      %mul3A_107 = vector.broadcast %div3A_67 : f32 to vector<2000x64xf32>
      %mul3A_108 = arith.mulf %mul3A_107, %add3A_106 : vector<2000x64xf32>
      %get3A_109 = arith.constant 0 : index
      %get3A_110 = arith.constant 1 : index
      %get3A_111 = vector.load %arg3[%get3A_109, %get3A_110] : memref<2000x2xf32, #tpu.memory_space<vmem>>, vector<2000x1xf32>
      %add3A_112 = arith.constant 9.99999997E-7 : f32
      %add3A_113 = vector.broadcast %add3A_112 : f32 to vector<2000x1xf32>
      %add3A_114 = arith.addf %get3A_111, %add3A_113 : vector<2000x1xf32>
      %mul3A_115 = arith.constant 1.500000e-01 : f32
      %mul3A_116 = vector.broadcast %mul3A_115 : f32 to vector<2000x64xf32>
      %mul3A_117 = arith.mulf %mul3A_116, %get3A_1 : vector<2000x64xf32>
      %get3A_118 = arith.constant 1 : index
      %get3A_119 = arith.constant 0 : index
      %get3A_120 = arith.constant 0 : index
      %get3A_121 = vector.load %arg2[%get3A_118, %get3A_119, %get3A_120] : memref<2x2000x64xf32, #tpu.memory_space<vmem>>, vector<1x2000x64xf32>
      %get3A_122 = vector.shape_cast %get3A_121 : vector<1x2000x64xf32> to vector<2000x64xf32>
      %mul3A_123 = arith.constant 8.500000e-01 : f32
      %mul3A_124 = vector.broadcast %mul3A_123 : f32 to vector<2000x64xf32>
      %mul3A_125 = arith.mulf %mul3A_124, %get3A_122 : vector<2000x64xf32>
      %div3A_126 = vector.broadcast %add3A_114 : vector<2000x1xf32> to vector<2000x64xf32>
      %div3A_127 = arith.divf %mul3A_125, %div3A_126 : vector<2000x64xf32>
      %add3A_128 = arith.addf %mul3A_117, %div3A_127 : vector<2000x64xf32>
      %mul3A_129 = vector.broadcast %div3A_69 : f32 to vector<2000x64xf32>
      %mul3A_130 = arith.mulf %mul3A_129, %add3A_128 : vector<2000x64xf32>
      %add3A_131 = arith.addf %mul3A_108, %mul3A_130 : vector<2000x64xf32>
      %mul3A_132 = vector.broadcast %div3A_84 : f32 to vector<2000x64xf32>
      %mul3A_133 = arith.mulf %mul3A_132, %select_n3A : vector<2000x64xf32>
      %mul3A_134 = vector.broadcast %div3A_86 : f32 to vector<2000x64xf32>
      %mul3A_135 = arith.mulf %mul3A_134, %select_n3A_42 : vector<2000x64xf32>
      %add3A_136 = arith.addf %mul3A_133, %mul3A_135 : vector<2000x64xf32>
      %get3A_137 = arith.constant 4 : index
      %get3A_138 = memref.load %arg14[%get3A_137] : memref<8xf32, #tpu.memory_space<smem>>
      %get3A_139 = arith.constant 0 : index
      %get3A_140 = arith.constant 0 : index
      %get3A_141 = vector.load %arg7[%get3A_139, %get3A_140] : memref<64x128xf32, #tpu.memory_space<vmem>>, vector<64x128xf32>
      %dot_general3A = arith.constant dense<0.000000e+00> : vector<2000x128xf32>
      %dot_general3A_142 = tpu.matmul %add3A_131, %get3A_141, %dot_general3A {dimension_numbers = #tpu.dot_dimension_numbers<[1], [0], [0], [1], [0, 0, 1, 1], [], []>, transpose_lhs_hint = false} : vector<2000x64xf32>, vector<64x128xf32>, vector<2000x128xf32> -> vector<2000x128xf32>
      %get3A_143 = arith.constant 0 : index
      %get3A_144 = arith.constant 0 : index
      %get3A_145 = vector.load %arg8[%get3A_143, %get3A_144] : memref<1x128xf32, #tpu.memory_space<vmem>>, vector<1x128xf32>
      %add3A_146 = vector.broadcast %get3A_145 : vector<1x128xf32> to vector<2000x128xf32>
      %add3A_147 = arith.addf %dot_general3A_142, %add3A_146 : vector<2000x128xf32>
      %tanh3A = math.tanh %add3A_147 : vector<2000x128xf32>
      %get3A_148 = arith.constant 0 : index
      %get3A_149 = arith.constant 0 : index
      %get3A_150 = vector.load %arg9[%get3A_148, %get3A_149] : memref<128x1xf32, #tpu.memory_space<vmem>>, vector<128x1xf32>
      %dot_general3A_151 = arith.constant dense<0.000000e+00> : vector<2000x1xf32>
      %dot_general3A_152 = tpu.matmul %tanh3A, %get3A_150, %dot_general3A_151 {dimension_numbers = #tpu.dot_dimension_numbers<[1], [0], [0], [1], [0, 0, 1, 1], [], []>, transpose_lhs_hint = false} : vector<2000x128xf32>, vector<128x1xf32>, vector<2000x1xf32> -> vector<2000x1xf32>
      %reduce_sum3A = vector.shape_cast %dot_general3A_152 : vector<2000x1xf32> to vector<1x2000x1xf32>
      %reduce_sum3A_153 = arith.constant dense<0.000000e+00> : vector<1xf32>
      %reduce_sum3A_154 = vector.multi_reduction <add>, %reduce_sum3A, %reduce_sum3A_153 [1, 2] : vector<1x2000x1xf32> to vector<1xf32>
      %reduce_sum3A_155 = vector.shape_cast %reduce_sum3A_154 : vector<1xf32> to vector<1x1x1xf32>
      %reduce_sum3A_156 = vector.extract %reduce_sum3A_155[0, 0, 0] : f32 from vector<1x1x1xf32>
      %add3A_157 = arith.addf %get3A_138, %reduce_sum3A_156 : f32
      %swap3A = arith.constant 4 : index
      %swap3A_158 = memref.load %arg14[%swap3A] : memref<8xf32, #tpu.memory_space<smem>>
      memref.store %add3A_157, %arg14[%swap3A] : memref<8xf32, #tpu.memory_space<smem>>
      %get3A_159 = arith.constant 5 : index
      %get3A_160 = memref.load %arg14[%get3A_159] : memref<8xf32, #tpu.memory_space<smem>>
      %get3A_161 = arith.constant 0 : index
      %get3A_162 = arith.constant 0 : index
      %get3A_163 = vector.load %arg7[%get3A_161, %get3A_162] : memref<64x128xf32, #tpu.memory_space<vmem>>, vector<64x128xf32>
      %dot_general3A_164 = arith.constant dense<0.000000e+00> : vector<2000x128xf32>
      %dot_general3A_165 = tpu.matmul %add3A_136, %get3A_163, %dot_general3A_164 {dimension_numbers = #tpu.dot_dimension_numbers<[1], [0], [0], [1], [0, 0, 1, 1], [], []>, transpose_lhs_hint = false} : vector<2000x64xf32>, vector<64x128xf32>, vector<2000x128xf32> -> vector<2000x128xf32>
      %get3A_166 = arith.constant 0 : index
      %get3A_167 = arith.constant 0 : index
      %get3A_168 = vector.load %arg8[%get3A_166, %get3A_167] : memref<1x128xf32, #tpu.memory_space<vmem>>, vector<1x128xf32>
      %add3A_169 = vector.broadcast %get3A_168 : vector<1x128xf32> to vector<2000x128xf32>
      %add3A_170 = arith.addf %dot_general3A_165, %add3A_169 : vector<2000x128xf32>
      %tanh3A_171 = math.tanh %add3A_170 : vector<2000x128xf32>
      %get3A_172 = arith.constant 0 : index
      %get3A_173 = arith.constant 0 : index
      %get3A_174 = vector.load %arg9[%get3A_172, %get3A_173] : memref<128x1xf32, #tpu.memory_space<vmem>>, vector<128x1xf32>
      %dot_general3A_175 = arith.constant dense<0.000000e+00> : vector<2000x1xf32>
      %dot_general3A_176 = tpu.matmul %tanh3A_171, %get3A_174, %dot_general3A_175 {dimension_numbers = #tpu.dot_dimension_numbers<[1], [0], [0], [1], [0, 0, 1, 1], [], []>, transpose_lhs_hint = false} : vector<2000x128xf32>, vector<128x1xf32>, vector<2000x1xf32> -> vector<2000x1xf32>
      %reduce_sum3A_177 = vector.shape_cast %dot_general3A_176 : vector<2000x1xf32> to vector<1x2000x1xf32>
      %reduce_sum3A_178 = arith.constant dense<0.000000e+00> : vector<1xf32>
      %reduce_sum3A_179 = vector.multi_reduction <add>, %reduce_sum3A_177, %reduce_sum3A_178 [1, 2] : vector<1x2000x1xf32> to vector<1xf32>
      %reduce_sum3A_180 = vector.shape_cast %reduce_sum3A_179 : vector<1xf32> to vector<1x1x1xf32>
      %reduce_sum3A_181 = vector.extract %reduce_sum3A_180[0, 0, 0] : f32 from vector<1x1x1xf32>
      %add3A_182 = arith.addf %get3A_160, %reduce_sum3A_181 : f32
      %swap3A_183 = arith.constant 5 : index
      %swap3A_184 = memref.load %arg14[%swap3A_183] : memref<8xf32, #tpu.memory_space<smem>>
      memref.store %add3A_182, %arg14[%swap3A_183] : memref<8xf32, #tpu.memory_space<smem>>
      %swap3A_185 = arith.constant 0 : index
      %swap3A_186 = arith.constant 0 : index
      %swap3A_187 = vector.load %arg12[%swap3A_185, %swap3A_186] : memref<2000x64xf32, #tpu.memory_space<vmem>>, vector<2000x64xf32>
      tpu.vector_store %arg12[%swap3A_185, %swap3A_186], %add3A_131 {strides = array<i32>} : memref<2000x64xf32, #tpu.memory_space<vmem>>, vector<2000x64xf32>,
      %swap3A_188 = arith.constant 0 : index
      %swap3A_189 = arith.constant 0 : index
      %swap3A_190 = vector.load %arg13[%swap3A_188, %swap3A_189] : memref<2000x64xf32, #tpu.memory_space<vmem>>, vector<2000x64xf32>
      tpu.vector_store %arg13[%swap3A_188, %swap3A_189], %add3A_136 {strides = array<i32>} : memref<2000x64xf32, #tpu.memory_space<vmem>>, vector<2000x64xf32>,
    } else {
    }
    %eq3A_50 = arith.constant 2 : i32
    %eq3A_51 = arith.cmpi eq, %arg0, %eq3A_50 : i32
    %convert_element_type3A_52 = arith.extui %eq3A_51 : i1 to i32
    %cond3A_53 = arith.constant 0 : i32
    %cond3A_54 = arith.cmpi ne, %convert_element_type3A_52, %cond3A_53 : i32
    scf.if %cond3A_54 {
      %get3A_55 = arith.constant 0 : index
      %get3A_56 = memref.load %arg14[%get3A_55] : memref<8xf32, #tpu.memory_space<smem>>
      %mul3A = arith.constant 9.99999974E-5 : f32
      %mul3A_57 = arith.mulf %get3A_56, %mul3A : f32
      %get3A_58 = arith.constant 1 : index
      %get3A_59 = memref.load %arg14[%get3A_58] : memref<8xf32, #tpu.memory_space<smem>>
      %mul3A_60 = arith.constant 9.99999974E-5 : f32
      %mul3A_61 = arith.mulf %get3A_59, %mul3A_60 : f32
      %max3A = arith.maximumf %mul3A_57, %mul3A_61 : f32
      %sub3A_62 = arith.subf %mul3A_57, %max3A : f32
      %exp3A_63 = math.exp %sub3A_62 : f32
      %sub3A_64 = arith.subf %mul3A_61, %max3A : f32
      %exp3A_65 = math.exp %sub3A_64 : f32
      %add3A_66 = arith.addf %exp3A_63, %exp3A_65 : f32
      %div3A_67 = arith.divf %exp3A_63, %add3A_66 : f32
      %add3A_68 = arith.addf %exp3A_63, %exp3A_65 : f32
      %div3A_69 = arith.divf %exp3A_65, %add3A_68 : f32
      %get3A_70 = arith.constant 2 : index
      %get3A_71 = memref.load %arg14[%get3A_70] : memref<8xf32, #tpu.memory_space<smem>>
      %mul3A_72 = arith.constant 9.99999974E-5 : f32
      %mul3A_73 = arith.mulf %get3A_71, %mul3A_72 : f32
      %get3A_74 = arith.constant 3 : index
      %get3A_75 = memref.load %arg14[%get3A_74] : memref<8xf32, #tpu.memory_space<smem>>
      %mul3A_76 = arith.constant 9.99999974E-5 : f32
      %mul3A_77 = arith.mulf %get3A_75, %mul3A_76 : f32
      %max3A_78 = arith.maximumf %mul3A_73, %mul3A_77 : f32
      %sub3A_79 = arith.subf %mul3A_73, %max3A_78 : f32
      %exp3A_80 = math.exp %sub3A_79 : f32
      %sub3A_81 = arith.subf %mul3A_77, %max3A_78 : f32
      %exp3A_82 = math.exp %sub3A_81 : f32
      %add3A_83 = arith.addf %exp3A_80, %exp3A_82 : f32
      %div3A_84 = arith.divf %exp3A_80, %add3A_83 : f32
      %add3A_85 = arith.addf %exp3A_80, %exp3A_82 : f32
      %div3A_86 = arith.divf %exp3A_82, %add3A_85 : f32
      %get3A_87 = arith.constant 4 : index
      %get3A_88 = memref.load %arg14[%get3A_87] : memref<8xf32, #tpu.memory_space<smem>>
      %mul3A_89 = arith.constant 9.99999974E-5 : f32
      %mul3A_90 = arith.mulf %get3A_88, %mul3A_89 : f32
      %get3A_91 = arith.constant 5 : index
      %get3A_92 = memref.load %arg14[%get3A_91] : memref<8xf32, #tpu.memory_space<smem>>
      %mul3A_93 = arith.constant 9.99999974E-5 : f32
      %mul3A_94 = arith.mulf %get3A_92, %mul3A_93 : f32
      %max3A_95 = arith.maximumf %mul3A_90, %mul3A_94 : f32
      %sub3A_96 = arith.subf %mul3A_90, %max3A_95 : f32
      %exp3A_97 = math.exp %sub3A_96 : f32
      %sub3A_98 = arith.subf %mul3A_94, %max3A_95 : f32
      %exp3A_99 = math.exp %sub3A_98 : f32
      %add3A_100 = arith.addf %exp3A_97, %exp3A_99 : f32
      %div3A_101 = arith.divf %exp3A_97, %add3A_100 : f32
      %add3A_102 = arith.addf %exp3A_97, %exp3A_99 : f32
      %div3A_103 = arith.divf %exp3A_99, %add3A_102 : f32
      %get3A_104 = arith.constant 0 : index
      %get3A_105 = arith.constant 0 : index
      %get3A_106 = vector.load %arg3[%get3A_104, %get3A_105] : memref<2000x2xf32, #tpu.memory_space<vmem>>, vector<2000x1xf32>
      %add3A_107 = arith.constant 9.99999997E-7 : f32
      %add3A_108 = vector.broadcast %add3A_107 : f32 to vector<2000x1xf32>
      %add3A_109 = arith.addf %get3A_106, %add3A_108 : vector<2000x1xf32>
      %mul3A_110 = arith.constant 1.500000e-01 : f32
      %mul3A_111 = vector.broadcast %mul3A_110 : f32 to vector<2000x64xf32>
      %mul3A_112 = arith.mulf %mul3A_111, %get3A_1 : vector<2000x64xf32>
      %get3A_113 = arith.constant 0 : index
      %get3A_114 = arith.constant 0 : index
      %get3A_115 = arith.constant 0 : index
      %get3A_116 = vector.load %arg2[%get3A_113, %get3A_114, %get3A_115] : memref<2x2000x64xf32, #tpu.memory_space<vmem>>, vector<1x2000x64xf32>
      %get3A_117 = vector.shape_cast %get3A_116 : vector<1x2000x64xf32> to vector<2000x64xf32>
      %mul3A_118 = arith.constant 8.500000e-01 : f32
      %mul3A_119 = vector.broadcast %mul3A_118 : f32 to vector<2000x64xf32>
      %mul3A_120 = arith.mulf %mul3A_119, %get3A_117 : vector<2000x64xf32>
      %div3A_121 = vector.broadcast %add3A_109 : vector<2000x1xf32> to vector<2000x64xf32>
      %div3A_122 = arith.divf %mul3A_120, %div3A_121 : vector<2000x64xf32>
      %add3A_123 = arith.addf %mul3A_112, %div3A_122 : vector<2000x64xf32>
      %mul3A_124 = vector.broadcast %div3A_67 : f32 to vector<2000x64xf32>
      %mul3A_125 = arith.mulf %mul3A_124, %add3A_123 : vector<2000x64xf32>
      %get3A_126 = arith.constant 0 : index
      %get3A_127 = arith.constant 1 : index
      %get3A_128 = vector.load %arg3[%get3A_126, %get3A_127] : memref<2000x2xf32, #tpu.memory_space<vmem>>, vector<2000x1xf32>
      %add3A_129 = arith.constant 9.99999997E-7 : f32
      %add3A_130 = vector.broadcast %add3A_129 : f32 to vector<2000x1xf32>
      %add3A_131 = arith.addf %get3A_128, %add3A_130 : vector<2000x1xf32>
      %mul3A_132 = arith.constant 1.500000e-01 : f32
      %mul3A_133 = vector.broadcast %mul3A_132 : f32 to vector<2000x64xf32>
      %mul3A_134 = arith.mulf %mul3A_133, %get3A_1 : vector<2000x64xf32>
      %get3A_135 = arith.constant 1 : index
      %get3A_136 = arith.constant 0 : index
      %get3A_137 = arith.constant 0 : index
      %get3A_138 = vector.load %arg2[%get3A_135, %get3A_136, %get3A_137] : memref<2x2000x64xf32, #tpu.memory_space<vmem>>, vector<1x2000x64xf32>
      %get3A_139 = vector.shape_cast %get3A_138 : vector<1x2000x64xf32> to vector<2000x64xf32>
      %mul3A_140 = arith.constant 8.500000e-01 : f32
      %mul3A_141 = vector.broadcast %mul3A_140 : f32 to vector<2000x64xf32>
      %mul3A_142 = arith.mulf %mul3A_141, %get3A_139 : vector<2000x64xf32>
      %div3A_143 = vector.broadcast %add3A_131 : vector<2000x1xf32> to vector<2000x64xf32>
      %div3A_144 = arith.divf %mul3A_142, %div3A_143 : vector<2000x64xf32>
      %add3A_145 = arith.addf %mul3A_134, %div3A_144 : vector<2000x64xf32>
      %mul3A_146 = vector.broadcast %div3A_69 : f32 to vector<2000x64xf32>
      %mul3A_147 = arith.mulf %mul3A_146, %add3A_145 : vector<2000x64xf32>
      %add3A_148 = arith.addf %mul3A_125, %mul3A_147 : vector<2000x64xf32>
      %mul3A_149 = vector.broadcast %div3A_84 : f32 to vector<2000x64xf32>
      %mul3A_150 = arith.mulf %mul3A_149, %select_n3A : vector<2000x64xf32>
      %mul3A_151 = vector.broadcast %div3A_86 : f32 to vector<2000x64xf32>
      %mul3A_152 = arith.mulf %mul3A_151, %select_n3A_42 : vector<2000x64xf32>
      %add3A_153 = arith.addf %mul3A_150, %mul3A_152 : vector<2000x64xf32>
      %mul3A_154 = vector.broadcast %div3A_101 : f32 to vector<2000x64xf32>
      %mul3A_155 = arith.mulf %mul3A_154, %add3A_148 : vector<2000x64xf32>
      %mul3A_156 = vector.broadcast %div3A_103 : f32 to vector<2000x64xf32>
      %mul3A_157 = arith.mulf %mul3A_156, %add3A_153 : vector<2000x64xf32>
      %add3A_158 = arith.addf %mul3A_155, %mul3A_157 : vector<2000x64xf32>
      %swap3A = arith.constant 0 : index
      %swap3A_159 = arith.constant 0 : index
      %swap3A_160 = vector.load %arg13[%swap3A, %swap3A_159] : memref<2000x64xf32, #tpu.memory_space<vmem>>, vector<2000x64xf32>
      tpu.vector_store %arg13[%swap3A, %swap3A_159], %add3A_158 {strides = array<i32>} : memref<2000x64xf32, #tpu.memory_space<vmem>>, vector<2000x64xf32>,
      %get3A_161 = arith.constant 0 : index
      %get3A_162 = arith.constant 0 : index
      %get3A_163 = vector.load %arg10[%get3A_161, %get3A_162] : memref<64x64xf32, #tpu.memory_space<vmem>>, vector<64x64xf32>
      %dot_general3A = arith.constant dense<0.000000e+00> : vector<2000x64xf32>
      %dot_general3A_164 = tpu.matmul %add3A_158, %get3A_163, %dot_general3A {dimension_numbers = #tpu.dot_dimension_numbers<[1], [0], [0], [1], [0, 0, 1, 1], [], []>, transpose_lhs_hint = false} : vector<2000x64xf32>, vector<64x64xf32>, vector<2000x64xf32> -> vector<2000x64xf32>
      %get3A_165 = arith.constant 0 : index
      %get3A_166 = arith.constant 0 : index
      %get3A_167 = vector.load %arg11[%get3A_165, %get3A_166] : memref<1x64xf32, #tpu.memory_space<vmem>>, vector<1x64xf32>
      %add3A_168 = vector.broadcast %get3A_167 : vector<1x64xf32> to vector<2000x64xf32>
      %add3A_169 = arith.addf %dot_general3A_164, %add3A_168 : vector<2000x64xf32>
      %swap3A_170 = arith.constant 0 : index
      %swap3A_171 = arith.constant 0 : index
      %swap3A_172 = vector.load %arg12[%swap3A_170, %swap3A_171] : memref<2000x64xf32, #tpu.memory_space<vmem>>, vector<2000x64xf32>
      tpu.vector_store %arg12[%swap3A_170, %swap3A_171], %add3A_169 {strides = array<i32>} : memref<2000x64xf32, #tpu.memory_space<vmem>>, vector<2000x64xf32>,
    } else {
    }
    return
  }
  func.func @transform_0(%arg0: i32, %arg1: i32) -> (i32, i32, i32) {
    %c0_i32 = arith.constant 0 : i32
    %c0_i32_0 = arith.constant 0 : i32
    %c0_i32_1 = arith.constant 0 : i32
    return %c0_i32, %arg1, %c0_i32_0 : i32, i32, i32
  }
  func.func @transform_1(%arg0: i32, %arg1: i32) -> (i32, i32) {
    %c0_i32 = arith.constant 0 : i32
    %c0_i32_0 = arith.constant 0 : i32
    return %arg1, %c0_i32 : i32, i32
  }
  func.func @transform_2(%arg0: i32, %arg1: i32) -> (i32, i32) {
    %c0_i32 = arith.constant 0 : i32
    %c0_i32_0 = arith.constant 0 : i32
    return %arg1, %c0_i32 : i32, i32
  }
  func.func @transform_3(%arg0: i32, %arg1: i32) -> (i32, i32, i32) {
    %c0_i32 = arith.constant 0 : i32
    %c0_i32_0 = arith.constant 0 : i32
    %c0_i32_1 = arith.constant 0 : i32
    return %c0_i32, %arg1, %c0_i32_0 : i32, i32, i32
  }
  func.func @transform_4(%arg0: i32, %arg1: i32) -> (i32, i32) {
    %c0_i32 = arith.constant 0 : i32
    %c0_i32_0 = arith.constant 0 : i32
    return %arg1, %c0_i32 : i32, i32
  }
  func.func @transform_5(%arg0: i32, %arg1: i32) -> (i32, i32) {
    %c0_i32 = arith.constant 0 : i32
    %c0_i32_0 = arith.constant 0 : i32
    %c0_i32_1 = arith.constant 0 : i32
    return %c0_i32, %c0_i32_0 : i32, i32
  }
  func.func @transform_6(%arg0: i32, %arg1: i32) -> (i32, i32) {
    %c0_i32 = arith.constant 0 : i32
    %c0_i32_0 = arith.constant 0 : i32
    %c0_i32_1 = arith.constant 0 : i32
    return %c0_i32, %c0_i32_0 : i32, i32
  }
  func.func @transform_7(%arg0: i32, %arg1: i32) -> (i32, i32) {
    %c0_i32 = arith.constant 0 : i32
    %c0_i32_0 = arith.constant 0 : i32
    %c0_i32_1 = arith.constant 0 : i32
    return %c0_i32, %c0_i32_0 : i32, i32
  }
  func.func @transform_8(%arg0: i32, %arg1: i32) -> (i32, i32) {
    %c0_i32 = arith.constant 0 : i32
    %c0_i32_0 = arith.constant 0 : i32
    %c0_i32_1 = arith.constant 0 : i32
    return %c0_i32, %c0_i32_0 : i32, i32
  }
  func.func @transform_9(%arg0: i32, %arg1: i32) -> (i32, i32) {
    %c0_i32 = arith.constant 0 : i32
    %c0_i32_0 = arith.constant 0 : i32
    %c0_i32_1 = arith.constant 0 : i32
    return %c0_i32, %c0_i32_0 : i32, i32
  }
  func.func @transform_10(%arg0: i32, %arg1: i32) -> (i32, i32) {
    %c0_i32 = arith.constant 0 : i32
    %c0_i32_0 = arith.constant 0 : i32
    return %arg1, %c0_i32 : i32, i32
  }
  func.func @transform_11(%arg0: i32, %arg1: i32) -> (i32, i32) {
    %c0_i32 = arith.constant 0 : i32
    %c0_i32_0 = arith.constant 0 : i32
    return %arg1, %c0_i32 : i32, i32
  }
}

</mosaic_0001>

<sc_bundles>
// kernel: kernel.10.cloned.1.call-start
scs
__scs_entry_jumppad:
0x0: {  	(pc) =	sbr.rel $0x88, $3  }
0x1: {  	(tag) =	ssettag $0x0;
	lr =	simm.s32 $0x1  }
0x2: {  	[smem:$0x3F93] =	sst lr;
	_ =	strace $0xD0000000  }
0x3: {  	_ = 	snop  }
0x4: {  	_ = 	snop  }
0x5: {  	_ = 	snop  }
0x6: {  	_ = 	snop  }
0x7: {  	_ = 	snop  }
__scs_overlays_trampoline_lowered:
0x8: {  	[smem:$0x3FA2] =	sst s0  }
0x9: {  	[smem:$0x3FA3] =	sst s1  }
0xa: {  	[smem:$0x3FA4] =	sst s2  }
0xb: {  	[smem:$0x3FA5] =	sst s3  }
0xc: {  	[smem:$0x3FA6] =	sst s4  }
0xd: {  	[smem:$0x3FA7] =	sst s5  }
0xe: {  	[smem:$0x3FA8] =	sst s6  }
0xf: {  	[smem:$0x3FA9] =	sst s7  }
0x10: {  	[smem:$0x3FAA] =	sst s8  }
0x11: {  	[smem:$0x3FAB] =	sst s9;
	s0 =	simm.s32 @!p0 $0x0  }
0x12: {  	s1 =	sld [smem:$0x3F91];
	s0 =	simm.s32 @p0 $0x1  }
0x13: {  	[smem:$0x3FAC] =	sst s0;
	s0 =	simm.s32 @!p1 $0x0  }
0x14: {  	s2 =	sld [smem:$0x3F90];
	s0 =	simm.s32 @p1 $0x1  }
0x15: {  	[smem:$0x3FAD] =	sst s0;
	s0 =	simm.s32 @!p2 $0x0  }
0x16: {  	s3 =	sld [smem:$0x3FDB];
	s0 =	simm.s32 @p2 $0x1  }
0x17: {  	s4 =	simm.s32 $0x1BF5;
	[smem:$0x3FAF] =	sst s0  }
0x18: {  	s0 =	sld [smem:$0x3F92];
	_ =	swait.ge [sflag:s4], $0x0  }
0x19: {  	s7 =	sld [smem:$0x3F93]  }
0x1a: {  	s8 =	sadd.s32 $0xFFFFE003, lr  }
0x1b: {  	s9 =	sadd.s32 $0xFFFFFEF7, lr;
	s5 =	simm.s32 $0xFFFFFFFF;
	p2 =	slt.u32 s8, $0xFFFFF086  }
0x1c: {  	p1 =	slt.u32 s9, $0xF7A;
	s5 =	simm.s32 @!p2 $0x0  }
0x1d: {  	s5 =	simm.s32 @p1 $0x1;
	p0 =	seq.s32 s7, s2  }
0x1e: {  	s7 =	smul.u32 @!p0 $0xF7A, s2;
	p2 =	seq.s32 @!p0 s5, $0x0  }
0x1f: {  	s9 =	smul.u32 $0xF7A, s1;
	s8 =	simm.s32 @!p0 $0x1BF5;
	p2 =	por !p2, p0  }
0x20: {  	[sflag:s8] =	ssyncset.s32 @!p0 $0xFFFFF086;
	s6 =	sadd.s32 @!p0 s3, s7;
	s7 =	simm.s32 @!p0 $0x108  }
0x21: {  	s3 =	sadd.s32 s3, s9;
	s6 =	sadd.s32 @!p0 $0x88, s6;
	s7 =	simm.s32 @p2 $0x1082  }
0x22: {  	[simem:s7], [sflag:s8] =	dma.local @!p0 [hbm:s6], $0xF7A  }
0x23: {  	s9 =	sor.u32 $0xD0000000, s2;
	s6 =	simm.s32 $0x108;
	_ =	swait.ge @!p0 [sflag:s8], $0x0  }
0x24: {  	s3 =	sadd.s32 $0x88, s3;
	s6 =	simm.s32 @!p1 $0x1082;
	[sflag:s4] =	ssyncset.s32 $0xFFFFF086  }
0x25: {  	[simem:s6], [sflag:s4] =	dma.local [hbm:s3], $0xF7A  }
0x26: {  	[smem:$0x3F93] =	sst s1;
	(tag) =	ssettag s2;
	_ =	strace s9  }
0x27: {  	s1 =	sld [smem:$0x3FA3]  }
0x28: {  	s2 =	sld [smem:$0x3FA4]  }
0x29: {  	s4 =	sld [smem:$0x3FA6]  }
0x2a: {  	p0 =	seq.s32 s5, $0x0;
	s5 =	sld [smem:$0x3FA7]  }
0x2b: {  	s6 =	sld [smem:$0x3FA8]  }
0x2c: {  	s7 =	sld [smem:$0x3FA9]  }
0x2d: {  	s3 =	simm.s32 $0x108;
	s8 =	sld [smem:$0x3FAA]  }
0x2e: {  	s3 =	simm.s32 @!p0 $0x1082;
	s9 =	sld [smem:$0x3FAB]  }
0x2f: {  	lr =	sadd.s32 s0, s3;
	s0 =	sld [smem:$0x3FA2]  }
0x30: {  	s3 =	sld [smem:$0x3FA5]  }
0x31: {  	[smem:$0x3FAE] =	sst s10  }
0x32: {  	s10 =	sld [smem:$0x3FAC];
	_ =	sdelay $0x3  }
0x33: {  	p0 =	seq.s32 s10, $0x1;
	s10 =	sld [smem:$0x3FAE];
	_ =	sdelay $0x3  }
0x34: {  	[smem:$0x3FAE] =	sst s10  }
0x35: {  	s10 =	sld [smem:$0x3FAD];
	_ =	sdelay $0x3  }
0x36: {  	p1 =	seq.s32 s10, $0x1;
	s10 =	sld [smem:$0x3FAE];
	_ =	sdelay $0x3  }
0x37: {  	[smem:$0x3FAE] =	sst s10  }
0x38: {  	s10 =	sld [smem:$0x3FAF]  }
0x39: {  	_ = 	snop;
	(pc) =	sbr.ind lr, $3  }
0x3a: {  	_ = 	snop  }
0x3b: {  	_ = 	snop  }
0x3c: {  	p2 =	seq.s32 s10, $0x1;
	s10 =	sld [smem:$0x3FAE]  }
0x3d: {  	_ =	shalt  }
0x3e: {  	_ =	shalt  }
0x3f: {  	_ =	shalt  }
0x40: {  	_ =	shalt  }
0x41: {  	_ =	shalt  }
0x42: {  	_ =	shalt  }
0x43: {  	_ =	shalt  }
0x44: {  	_ =	shalt  }
0x45: {  	_ =	shalt  }
0x46: {  	_ =	shalt  }
0x47: {  	_ =	shalt  }
0x48: {  	_ =	shalt  }
0x49: {  	_ =	shalt  }
0x4a: {  	_ =	shalt  }
0x4b: {  	_ =	shalt  }
0x4c: {  	_ =	shalt  }
0x4d: {  	_ =	shalt  }
0x4e: {  	_ =	shalt  }
0x4f: {  	_ =	shalt  }
0x50: {  	_ =	shalt  }
0x51: {  	_ =	shalt  }
0x52: {  	_ =	shalt  }
0x53: {  	_ =	shalt  }
0x54: {  	_ =	shalt  }
0x55: {  	_ =	shalt  }
0x56: {  	_ =	shalt  }
0x57: {  	_ =	shalt  }
0x58: {  	_ =	shalt  }
0x59: {  	_ =	shalt  }
0x5a: {  	_ =	shalt  }
0x5b: {  	_ =	shalt  }
0x5c: {  	_ =	shalt  }
0x5d: {  	_ =	shalt  }
0x5e: {  	_ =	shalt  }
0x5f: {  	_ =	shalt  }
0x60: {  	_ =	shalt  }
0x61: {  	_ =	shalt  }
0x62: {  	_ =	shalt  }
0x63: {  	_ =	shalt  }
0x64: {  	_ =	shalt  }
0x65: {  	_ =	shalt  }
0x66: {  	_ =	shalt  }
0x67: {  	_ =	shalt  }
0x68: {  	_ =	shalt  }
0x69: {  	_ =	shalt  }
0x6a: {  	_ =	shalt  }
0x6b: {  	_ =	shalt  }
0x6c: {  	_ =	shalt  }
0x6d: {  	_ =	shalt  }
0x6e: {  	_ =	shalt  }
0x6f: {  	_ =	shalt  }
0x70: {  	_ =	shalt  }
0x71: {  	_ =	shalt  }
0x72: {  	_ =	shalt  }
0x73: {  	_ =	shalt  }
0x74: {  	_ =	shalt  }
0x75: {  	_ =	shalt  }
0x76: {  	_ =	shalt  }
0x77: {  	_ =	shalt  }
0x78: {  	_ =	shalt  }
0x79: {  	_ =	shalt  }
0x7a: {  	_ =	shalt  }
0x7b: {  	_ =	shalt  }
0x7c: {  	_ =	shalt  }
0x7d: {  	_ =	shalt  }
0x7e: {  	_ =	shalt  }
0x7f: {  	_ =	shalt  }
0x80: {  	_ =	shalt  }
0x81: {  	_ =	shalt  }
0x82: {  	_ =	shalt  }
0x83: {  	_ =	shalt  }
0x84: {  	_ =	shalt  }
0x85: {  	_ =	shalt  }
0x86: {  	_ =	shalt  }
0x87: {  	_ =	shalt  }
.Lfunc_end0:
.L_simem_size_0:
called_computation.1_lowered:
.L_overlay_start_0:
0x88: {  	s2 =	sld [smem:$0x3FD9]  }
0x89: {  	s3 =	sld [smem:$0x3FFE];
	_ =	sdelay $0x1  }
0x8a: {  	s1 =	srdreg.scid  }
0x8b: {  	s0 =	sand.u32 $0x1, s1  }
0x8c: {  	s14 =	sshll.u32 s0, $0xA;
	s2 =	sadd.s32 s3, s2  }
0x8d: {  	s2 =	sadd.s32 s2, s14  }
0x8e: {  	[smem:$0x3FBA] =	sst s2  }
0x8f: {  	_ = 	snop  }
0x90: {  	s2 =	sld [smem:$0x3FD0];
	_ =	sdelay $0x2  }
0x91: {  	s15 =	simm.s32 $0xA;
	s4 =	simm.s32 $0x10  }
0x92: {  	[smem:s4], [sflag:s15] =	dma.local [hbm:s2], $0x1  }
0x93: {  	_ =	swait.eq [sflag:s15], $0x1  }
0x94: {  	[sflag:s15] =	ssyncset.done $0x0  }
0x95: {  	s16 =	sld [smem:$0x10];
	[sflag:s15] =	ssyncadd.s32 $0xFFFFFFFF  }
0x96: {  	s17 =	sld [smem:$0x11];
	(tm) =	ssettm $0x1  }
0x97: {  	s18 =	sld [smem:$0x3FFB];
	_ =	sdelay $0x3  }
0x98: {  	_ =	strace s18  }
0x99: {  	s4 =	sld [smem:$0x3FFC];
	_ =	sdelay $0x3  }
0x9a: {  	_ =	strace s4  }
0x9b: {  	s4 =	sld [smem:$0x3FFD];
	_ =	sdelay $0x3  }
0x9c: {  	_ =	strace s4  }
0x9d: {  	_ =	strace $0x8FFFFFFF  }
0x9e: {  	s19 =	sld [smem:$0x3FDB];
	_ =	sdelay $0x1  }
0x9f: {  	s5 =	simm.s32 $_scs_section_size  }
0xa0: {  	s6 =	simm.s32 $_size__tile_overlayer_lowered;
	s7 =	simm.s32 $_tile_overlayer_lowered  }
0xa1: {  	s22 =	simm.s32 $0x1BFF;
	s21 =	sshll.u32 s7, $0x1;
	s4 =	sadd.s32 s5, s19  }
0xa2: {  	s8 =	simm.s32 $0x0;
	s20 =	sshll.u32 s6, $0x1;
	s6 =	sadd.s32 s21, s4  }
0xa3: {  	[timem:s8], [sflag:s22] =	dma.local [hbm:s6], s20  }
0xa4: {  	_ =	swait.ge [sflag:s22], s20  }
0xa5: {  	s5 =	ssub.s32 $0x0, s20;
	[sflag:s22] =	ssyncset.done $0x0  }
0xa6: {  	[sflag:s22] =	ssyncadd.s32 s5;
	_ =	sdelay $0x1  }
0xa7: {  	s23 =	simm.s32 $0x1B8B  }
0xa8: {  	_ =	swait.ge [sflag:s23], $0x1  }
0xa9: {  	[sflag:s23] =	ssyncset.done $0x0  }
0xaa: {  	s25 =	simm.s32 $0x1B8E;
	s24 =	sld [smem:$0x3FFE];
	[sflag:s23] =	ssyncadd.s32 $0xFFFFFFFF  }
0xab: {  	s26 =	simm.s32 $execute0_lowered;
	[smem:$0x3FD2] =	sst s25  }
0xac: {  	s6 =	sshll.u32 s26, $0x1;
	_ =	strace $0x80000049;
	[dreg:$0x1] =	wrdreg $0xFFFFFFFF  }
0xad: {  	s28 =	simm.s32 $_size_execute0_lowered;
	s4 =	sadd.s32 s4, s6;
	[dreg:$0x0] =	wrdreg $0x0  }
0xae: {  	s6 =	sshll.u32 s28, $0x1;
	[dreg:$0x2] =	wrdreg s4  }
0xaf: {  	[dreg:$0x3] =	wrdreg s6  }
0xb0: {  	[dreg:$0x4] =	wrdreg $0xC0  }
0xb1: {  	_ =	task [dreg:s8], $0x5FFFF  }
0xb2: {  	[dreg:$0x1] =	wrdreg $0xFFFFFFFF  }
0xb3: {  	[dreg:$0x0] =	wrdreg $0x60  }
0xb4: {  	[dreg:$0x2] =	wrdreg s17  }
0xb5: {  	[dreg:$0x3] =	wrdreg s16  }
0xb6: {  	[dreg:$0x4] =	wrdreg s24  }
0xb7: {  	[dreg:$0x5] =	wrdreg $0x55000  }
0xb8: {  	[dreg:$0x6] =	wrdreg $0x9  }
0xb9: {  	_ =	task.clear_ibuf [dreg:s8], $0x7FFFF;
	_ =	strace $0x90000049  }
0xba: {  	s29 =	simm.s32 $0x9;
	_ =	strace $0x8000004B  }
0xbb: {  	_ =	swait.ge [sflag:s29], $0x1  }
0xbc: {  	[sflag:s29] =	ssyncadd.s32 $0xFFFFFFFF  }
0xbd: {  	_ =	strace $0x9000004B  }
0xbe: {  	_ =	sfence  }
0xbf: {  	s30 =	sld [smem:$0x0];
	_ =	sdelay $0x2  }
0xc0: {  	s31 =	sshll.u32 s1, $0xD;
	s1 =	sshrl.u32 s1, $0x2  }
0xc1: {  	s3 =	sand.u32 $0x4000, s31;
	s1 =	sadd.s32 s1, s30  }
0xc2: {  	s0 =	sor.u32 s3, s0;
	s1 =	sshll.u32 s1, $0x11  }
0xc3: {  	s0 =	sor.u32 s1, s0  }
0xc4: {  	s0 =	sadd.s32 $0x8F2B, s0  }
0xc5: {  	[sflag:s0] =	ssyncadd.remote.s32 $0x1  }
0xc6: {  	_ =	sfence.sel $0xFFFF  }
0xc7: {  	[dreg:$0x0] =	wrdreg $0xFFFFFFFF;
	(pc) =	sbr.abs _section_cstart, $3  }
0xc8: {  	[dreg:$0x1] =	wrdreg $0xFFFFFFFF  }
0xc9: {  	_ =	task.clear_ibuf [dreg:s8], $0x2FFFF;
	_ =	strace $0x9FFFFFFF  }
0xca: {  	(tm) =	ssettm $0x7FFFFFFF  }
0xcb: {  	_ =	shalt  }
tec
execute0_lowered:
.L_overlay_start_1:
0x0: {  	(tag) =	ssettag $0x1  }
0x1: {  	s1 =	rddreg [dreg:$0x0]  }
0x2: {  	s2 =	rddreg [dreg:$0x1]  }
0x3: {  	s0 =	rddreg [dreg:$0x2]  }
0x4: {  	s3 =	rddreg [dreg:$0x3]  }
0x5: {  	s5 =	simm.s32 $0x0;
	s4 =	srdreg.scid;
	s15 =	stileid.u32  }
0x6: {  	s30 =	simm.s32 $0xA0;
	s31 =	simm.s32 $0x140;
	s28 =	simm.s32 $0x5  }
0x7: {  	s29 =	simm.s32 $0x6;
	[smem:$0x7FF] =	sst s5;
	s9 =	smul.u32 $0x27800, s15  }
0x8: {  	s4 =	sand.u32 $0x1, s4;
	s8 =	sadd.s32 $0x2A600, s0;
	s11 =	smul.u32 $0x9C40, s15  }
0x9: {  	s6 =	sadd.s32 $0x51800, s0;
	s0 =	sadd.s32 $0x2800, s0;
	s22 =	smul.u32 $0x9E00, s15  }
0xa: {  	s16 =	sadd.s32 $0x94200, s3;
	s26 =	smul.u32 $0x1388, s15;
	p1 =	seq.s32 s15, $0xF  }
0xb: {  	s15 =	simm.s32 $0xA;
	_ =	strace $0x8000004A;
	s7 =	ssub.s32 $0x2, s4  }
0xc: {  	s13 =	smul.u32 $0x9C400, s4;
	[dreg:$0x5] =	wrdreg s16;
	p0 =	seq.s32 s4, $0x1  }
0xd: {  	s10 =	sshrl.u32 s7, $0x1;
	s14 =	sshrl.u32 s9, $0x2;
	s12 =	sshrl.u32 s11, $0x3  }
0xe: {  	s10 =	ssub.s32 s7, s10;
	s9 =	sadd.s32 s14, s3;
	s7 =	sadd.s32 s8, s12  }
0xf: {  	s19 =	sadd.s32 s11, s13;
	s17 =	sadd.s32 $0x14, s7;
	[dreg:$0x6] =	wrdreg s7  }
0x10: {  	s25 =	sadd.s32 s22, s13;
	s18 =	sadd.s32 $0x28, s7;
	[dreg:$0x7] =	wrdreg s17  }
0x11: {  	s13 =	sshrl.u32 s13, $0x3;
	s20 =	sadd.s32 $0x3C, s7;
	[dreg:$0x8] =	wrdreg s18  }
0x12: {  	s12 =	simm.s32 $0x50;
	s14 =	sadd.s32 $0x50, s7;
	[dreg:$0x9] =	wrdreg s20  }
0x13: {  	s21 =	sshrl.u32 s19, $0x3;
	s23 =	sadd.s32 $0x64, s7;
	[dreg:$0xa] =	wrdreg s14  }
0x14: {  	s4 =	sadd.s32 $0x460, s19;
	[dreg:$0xb] =	wrdreg s23;
	s20 =	smax.u32 s10, $0x1  }
0x15: {  	s16 =	sadd.s32 s8, s21;
	s23 =	sadd.s32 $0x78, s7;
	[dreg:$0x14] =	wrdreg s20  }
0x16: {  	s18 =	sadd.s32 s26, s8;
	s4 =	sshrl.u32 s4, $0x3;
	[dreg:$0x17] =	wrdreg s23  }
0x17: {  	s11 =	sadd.s32 $0x14, s16;
	s24 =	sadd.s32 $0x28, s16;
	[dreg:$0xc] =	wrdreg s16  }
0x18: {  	s17 =	sadd.s32 $0x3C, s16;
	s4 =	sadd.s32 s4, s8;
	[dreg:$0xd] =	wrdreg s11  }
0x19: {  	s19 =	sadd.s32 $0x50, s16;
	s21 =	sadd.s32 $0x8C, s18;
	[dreg:$0xe] =	wrdreg s24  }
0x1a: {  	s26 =	sadd.s32 $0x78, s16;
	s18 =	simm.s32 $0xB;
	[dreg:$0x10] =	wrdreg s17  }
0x1b: {  	s20 =	simm.s32 $0x1;
	s23 =	simm.s32 $0x7;
	[dreg:$0x11] =	wrdreg s4  }
0x1c: {  	s11 =	sshrl.u32 s25, $0x3;
	[dreg:$0x12] =	wrdreg s19;
	s4 =	sadd.s32 s22, s3  }
0x1d: {  	[dreg:$0x15] =	wrdreg s21;
	s24 =	sshrl.u32 @!p1 s9, $0x3;
	s22 =	sadd.s32 $0x64, s16  }
.Ltmp0:
0x1e: {  	[dreg:$0x18] =	wrdreg s26;
	s9 =	simm.s32 $0xC;
	(pc) =	sbr.rel .LBB2_1-.Ltmp0, $4  }
0x1f: {  	s26 =	simm.s32 $0x8;
	s16 =	simm.s32 $0x0;
	s11 =	sadd.s32 s0, s11  }
0x20: {  	s0 =	sadd.s32 s0, s13;
	s25 =	sshrl.u32 @!p1 s4, $0x3;
	[dreg:$0x16] =	wrdreg s22  }
0x21: {  	s13 =	simm.s32 $0x500;
	[dreg:$0xf] =	wrdreg s11;
	s0 =	sadd.s32 $0x12840, s0  }
0x22: {  	s11 =	simm.s32 $0x9;
	[dreg:$0x13] =	wrdreg s0;
	s0 =	simm.s32 $0x1E0  }
.LBB2_14:
0x23: {  	_ =	swait.ge [sflag:s23], $0x1400  }
0x24: {  	[sflag:s23] =	ssyncset.done $0x0  }
0x25: {  	[sflag:s23] =	ssyncadd.s32 $0xFFFFEC00  }
0x26: {  	_ =	swait.ge [sflag:s26], $0x1400  }
0x27: {  	[sflag:s26] =	ssyncset.done $0x0  }
0x28: {  	[sflag:s26] =	ssyncadd.s32 $0xFFFFEC00  }
0x29: {  	_ =	swait.ge [sflag:s28], $0x1400  }
0x2a: {  	[sflag:s28] =	ssyncset.done $0x0  }
0x2b: {  	[sflag:s28] =	ssyncadd.s32 $0xFFFFEC00  }
0x2c: {  	_ =	swait.ge [sflag:s29], $0x1400  }
0x2d: {  	[sflag:s29] =	ssyncset.done $0x0  }
0x2e: {  	[sflag:s29] =	ssyncadd.s32 $0xFFFFEC00  }
0x2f: {  	[bflag:$0x0] =	sbarrier.arrive $0xFFFF  }
0x30: {  	s7 =	simm.s32 @p1 $0x1FD1;
	s8 =	rddreg [dreg:$0x13]  }
0x31: {  	[hbm:s8], [sflag:s7] =	dma.local @p1 [spmem:s4], $0x1040  }
0x32: {  	s4 =	simm.s32 @p1 $0x11  }
0x33: {  	_ =	swait.ge @p1 [sflag:s4], $0x1040  }
0x34: {  	[sflag:s4] =	ssyncset.done @p1 $0x0  }
0x35: {  	[sflag:s4] =	ssyncadd.s32 @p1 $0xFFFFEFC0;
	s4 =	rddreg [dreg:$0xf]  }
0x36: {  	[hbm:s4], [sflag:s19] =	dma.local @!p1 [spmem:s25], $0x13C0  }
0x37: {  	s4 =	simm.s32 @!p1 $0x11  }
0x38: {  	_ =	swait.ge @!p1 [sflag:s4], $0x13C0  }
0x39: {  	s16 =	sadd.s32 $0x1, s16;
	s22 =	rddreg [dreg:$0x14]  }
0x3a: {  	p2 =	sne.s32 s16, s22  }
.Ltmp1:
0x3b: {  	_ = 	snop;
	(pc) =	sbr.rel @!p2 .LBB2_15-.Ltmp1, $3  }
0x3c: {  	_ =	sdelay $0x1  }
0x3d: {  	[sflag:s4] =	ssyncset.done @!p1 $0x0  }
0x3e: {  	[sflag:s4] =	ssyncadd.s32 @!p1 $0xFFFFEC40  }
.LBB2_1:
0x3f: {  	s4 =	rddreg [dreg:$0x5]  }
0x40: {  	s8 =	simm.s32 @p1 $0x1FD1;
	s4 =	sshrl.u32 @p1 s4, $0x3  }
0x41: {  	[spmem:s4], [sflag:s8] =	dma.local @p1 [hbm:s6], $0x1040  }
0x42: {  	s8 =	simm.s32 @p1 $0x11  }
0x43: {  	s7 =	stileid.u32;
	_ =	swait.ge @p1 [sflag:s8], $0x1040  }
0x44: {  	s10 =	sshll.u32 @!p1 s7, $0x6;
	[sflag:s8] =	ssyncset.done @p1 $0x0  }
0x45: {  	s19 =	sor.u32 @!p1 $0x1C11, s10;
	[sflag:s8] =	ssyncadd.s32 @p1 $0xFFFFEFC0;
	s8 =	simm.s32 @!p1 $0x11  }
0x46: {  	[spmem:s24], [sflag:s19] =	dma.local @!p1 [hbm:s6], $0x13C0  }
.Ltmp2:
0x47: {  	_ =	swait.ge @!p1 [sflag:s8], $0x13C0;
	(pc) =	sbr.rel @!p0 .LBB2_2-.Ltmp2, $3  }
0x48: {  	[sflag:s8] =	ssyncset.done @!p1 $0x0  }
0x49: {  	[sflag:s8] =	ssyncadd.s32 @!p1 $0xFFFFEC40  }
0x4a: {  	[bflag:$0x0] =	sbarrier.arrive $0xFFFF;
	_ =	sdelay $0x1  }
0x4b: {  	s7 =	rddreg [dreg:$0xc]  }
0x4c: {  	[tilespmem:s5], [sflag:$0x9] =	stream.linear.gather [hbm4b:s7+s5], $0xA0, $0x38;
	[tilespmem:$0xF140] =	vst v63  }
0x4d: {  	s8 =	rddreg [dreg:$0xd]  }
0x4e: {  	[tilespmem:s30], [sflag:$0xA] =	stream.linear.gather [hbm4b:s8+s5], $0xA0, $0x38;
	[tilespmem:$0xF140] =	vst v63  }
0x4f: {  	s10 =	rddreg [dreg:$0xe]  }
0x50: {  	[tilespmem:s31], [sflag:$0xB] =	stream.linear.gather [hbm4b:s10+s5], $0xA0, $0x38;
	[tilespmem:$0xF140] =	vst v63  }
0x51: {  	s14 =	rddreg [dreg:$0x10]  }
0x52: {  	[tilespmem:s0], [sflag:$0xC] =	stream.linear.gather [hbm4b:s14+s5], $0xA0, $0x38;
	[tilespmem:$0xF140] =	vst v63  }
0x53: {  	s17 =	rddreg [dreg:$0x12];
	s8 =	simm.s32 $0x280  }
0x54: {  	[tilespmem:s8], [sflag:$0xD] =	stream.linear.gather [hbm4b:s17+s5], $0xA0, $0x38;
	[tilespmem:$0xF140] =	vst v63  }
0x55: {  	s21 =	rddreg [dreg:$0x16];
	s22 =	simm.s32 $0x320  }
0x56: {  	[tilespmem:s22], [sflag:$0xE] =	stream.linear.gather [hbm4b:s21+s5], $0xA0, $0x38;
	[tilespmem:$0xF140] =	vst v63  }
0x57: {  	_ =	swait.ge [sflag:s11], $0xA0  }
0x58: {  	[sflag:s11] =	ssyncset.done $0x0  }
0x59: {  	[sflag:s11] =	ssyncadd.s32 $0xFFFFFF60  }
0x5a: {  	[tilespmem:s13], [sflag:$0x1] =	stream.indirect.gather [hbm4b:s2+s12], $0x40, s5, s12, $0xb8;
	[tilespmem:$0xF140] =	vst v63  }
0x5b: {  	_ =	swait.ge [sflag:s15], $0xA0  }
0x5c: {  	[sflag:s15] =	ssyncset.done $0x0  }
0x5d: {  	s10 =	simm.s32 $0x1900;
	[sflag:s15] =	ssyncadd.s32 $0xFFFFFF60  }
0x5e: {  	[tilespmem:s10], [sflag:$0x2] =	stream.indirect.gather [hbm4b:s2+s12], $0x40, s30, s12, $0xb8;
	[tilespmem:$0xF140] =	vst v63  }
0x5f: {  	_ =	swait.ge [sflag:s18], $0xA0  }
0x60: {  	[sflag:s18] =	ssyncset.done $0x0  }
0x61: {  	s14 =	simm.s32 $0x2D00;
	[sflag:s18] =	ssyncadd.s32 $0xFFFFFF60  }
0x62: {  	[tilespmem:s14], [sflag:$0x3] =	stream.indirect.gather [hbm4b:s2+s12], $0x40, s31, s12, $0xb8;
	[tilespmem:$0xF140] =	vst v63  }
0x63: {  	_ =	swait.ge [sflag:s20], $0x1400  }
0x64: {  	[sflag:s20] =	ssyncset.done $0x0  }
0x65: {  	[sflag:s20] =	ssyncadd.s32 $0xFFFFEC00  }
0x66: {  	[spmem:s3] =	stream.indirect.scatter.add.f32 [tilespmem:s13], [sflag:$0x5], $0x40, s12, s12, $0xb8;
	[tilespmem:$0xF140] =	vst v63  }
0x67: {  	s21 =	simm.s32 $0x3C0;
	s17 =	rddreg [dreg:$0x18]  }
0x68: {  	[tilespmem:s21], [sflag:$0xF] =	stream.linear.gather [hbm4b:s17+s5], $0xA0, $0x38;
	[tilespmem:$0xF140] =	vst v63  }
.Ltmp3:
0x69: {  	_ = 	snop;
	(pc) =	sbr.rel .LBB2_9-.Ltmp3, $4  }
0x6a: {  	_ =	swait.ge [sflag:s9], $0xA0  }
0x6b: {  	s22 =	simm.s32 $0x4100;
	[sflag:s9] =	ssyncset.done $0x0  }
0x6c: {  	s10 =	simm.s32 $0x7;
	s8 =	rddreg [dreg:$0x11];
	[sflag:s9] =	ssyncadd.s32 $0xFFFFFF60  }
0x6d: {  	[tilespmem:s22], [sflag:$0x4] =	stream.indirect.gather [hbm4b:s2+s12], $0x40, s0, s12, $0xb8;
	[tilespmem:$0xF140] =	vst v63  }
.LBB2_10:
0x6e: {  	s7 =	sand.u32 $0x7, s10  }
0x6f: {  	s14 =	smul.u32 $0x280, s7;
	_ =	sdelay $0x1  }
0x70: {  	s7 =	sadd.s32 $0x9, s7;
	s14 =	sshrl.u32 s14, $0x2  }
0x71: {  	[tilespmem:s14], [sflag:s7] =	stream.linear.gather [hbm4b:s8+s5], $0xA0, $0x38;
	[tilespmem:$0xF140] =	vst v63  }
.LBB2_12:
0x72: {  	s7 =	sadd.s32 $0xFFFFFFFD, s10  }
0x73: {  	s14 =	sand.u32 $0x3, s7  }
0x74: {  	s17 =	sadd.s32 $0x5, s14  }
0x75: {  	_ =	swait.ge [sflag:s17], $0x1400  }
0x76: {  	s7 =	sand.u32 $0x7, s7;
	[sflag:s17] =	ssyncset.done $0x0  }
0x77: {  	s22 =	sadd.s32 $0x9, s7;
	[sflag:s17] =	ssyncadd.s32 $0xFFFFEC00  }
0x78: {  	s21 =	smul.u32 $0x5000, s14;
	_ =	swait.ge [sflag:s22], $0xA0  }
0x79: {  	s7 =	smul.u32 $0x280, s7;
	[sflag:s22] =	ssyncset.done $0x0  }
0x7a: {  	[sflag:s22] =	ssyncadd.s32 $0xFFFFFF60;
	s22 =	sshrl.u32 s21, $0x2  }
0x7b: {  	s14 =	sadd.s32 $0x1, s14;
	s7 =	sshrl.u32 s7, $0x2;
	s17 =	sadd.s32 $0x500, s22  }
0x7c: {  	[tilespmem:s17], [sflag:s14] =	stream.indirect.gather [hbm4b:s2+s12], $0x40, s7, s12, $0xb8;
	[tilespmem:$0xF140] =	vst v63  }
.LBB2_13:
0x7d: {  	s10 =	sadd.s32 $0x1, s10  }
0x7e: {  	p2 =	sne.s32 s10, $0x100  }
.Ltmp4:
0x7f: {  	_ = 	snop;
	(pc) =	sbr.rel @!p2 .LBB2_14-.Ltmp4, $2  }
0x80: {  	_ =	sdelay $0x2  }
0x81: {  	s8 =	sadd.s32 $0x14, s8  }
.LBB2_9:
0x82: {  	s14 =	sadd.s32 $0xFFFFFFFA, s10  }
0x83: {  	s7 =	sand.u32 $0x3, s14  }
0x84: {  	s17 =	sand.u32 $0x7, s14;
	s22 =	smul.u32 $0x5000, s7  }
0x85: {  	p2 =	sgt.u32 s14, $0xF3;
	s17 =	smul.u32 $0x280, s17  }
.Ltmp5:
0x86: {  	s21 =	sadd.s32 $0x1, s7;
	(pc) =	sbr.rel @!p2 .LBB2_10-.Ltmp5, $4  }
0x87: {  	s7 =	sadd.s32 $0x5, s7;
	_ =	swait.ge [sflag:s21], $0x1400  }
0x88: {  	[sflag:s21] =	ssyncset.done $0x0;
	s22 =	sshrl.u32 s22, $0x2;
	s17 =	sshrl.u32 s17, $0x2  }
0x89: {  	[sflag:s21] =	ssyncadd.s32 $0xFFFFEC00;
	s21 =	sadd.s32 $0x500, s22;
	s17 =	sadd.s32 $0x50, s17  }
0x8a: {  	[spmem:s3] =	stream.indirect.scatter.add.f32 [tilespmem:s21], [sflag:s7], $0x40, s17, s12, $0xb8;
	[tilespmem:$0xF140] =	vst v63  }
0x8b: {  	p2 =	sgt.u32 s14, $0xF6  }
.Ltmp6:
0x8c: {  	_ = 	snop;
	(pc) =	sbr.rel @p2 .LBB2_13-.Ltmp6, $4  }
.Ltmp7:
0x8d: {  	_ = 	snop;
	(pc) =	sbr.rel @!p2 .LBB2_12-.Ltmp7, $4  }
0x8e: {  	_ = 	snop  }
0x8f: {  	_ = 	snop  }
0x90: {  	_ = 	snop  }
0x91: {  	_ = 	snop  }
.LBB2_2:
0x92: {  	s7 =	rddreg [dreg:$0x6]  }
0x93: {  	[tilespmem:s5], [sflag:$0x9] =	stream.linear.gather [hbm4b:s7+s5], $0xA0, $0x38;
	[tilespmem:$0xF140] =	vst v63  }
0x94: {  	s8 =	rddreg [dreg:$0x7]  }
0x95: {  	[tilespmem:s30], [sflag:$0xA] =	stream.linear.gather [hbm4b:s8+s5], $0xA0, $0x38;
	[tilespmem:$0xF140] =	vst v63  }
0x96: {  	s10 =	rddreg [dreg:$0x8]  }
0x97: {  	[tilespmem:s31], [sflag:$0xB] =	stream.linear.gather [hbm4b:s10+s5], $0xA0, $0x38;
	[tilespmem:$0xF140] =	vst v63  }
0x98: {  	s14 =	rddreg [dreg:$0x9]  }
0x99: {  	[tilespmem:s0], [sflag:$0xC] =	stream.linear.gather [hbm4b:s14+s5], $0xA0, $0x38;
	[tilespmem:$0xF140] =	vst v63  }
0x9a: {  	s17 =	rddreg [dreg:$0xa];
	s8 =	simm.s32 $0x280  }
0x9b: {  	[tilespmem:s8], [sflag:$0xD] =	stream.linear.gather [hbm4b:s17+s5], $0xA0, $0x38;
	[tilespmem:$0xF140] =	vst v63  }
0x9c: {  	s21 =	rddreg [dreg:$0xb];
	s22 =	simm.s32 $0x320  }
0x9d: {  	[tilespmem:s22], [sflag:$0xE] =	stream.linear.gather [hbm4b:s21+s5], $0xA0, $0x38;
	[tilespmem:$0xF140] =	vst v63  }
0x9e: {  	_ =	swait.ge [sflag:s11], $0xA0  }
0x9f: {  	[sflag:s11] =	ssyncset.done $0x0  }
0xa0: {  	[sflag:s11] =	ssyncadd.s32 $0xFFFFFF60  }
0xa1: {  	[tilespmem:s13], [sflag:$0x1] =	stream.indirect.gather [hbm4b:s1+s12], $0x40, s5, s12, $0xb8;
	[tilespmem:$0xF140] =	vst v63  }
0xa2: {  	_ =	swait.ge [sflag:s15], $0xA0  }
0xa3: {  	[sflag:s15] =	ssyncset.done $0x0  }
0xa4: {  	s10 =	simm.s32 $0x1900;
	[sflag:s15] =	ssyncadd.s32 $0xFFFFFF60  }
0xa5: {  	[tilespmem:s10], [sflag:$0x2] =	stream.indirect.gather [hbm4b:s1+s12], $0x40, s30, s12, $0xb8;
	[tilespmem:$0xF140] =	vst v63  }
0xa6: {  	_ =	swait.ge [sflag:s18], $0xA0  }
0xa7: {  	[sflag:s18] =	ssyncset.done $0x0  }
0xa8: {  	s14 =	simm.s32 $0x2D00;
	[sflag:s18] =	ssyncadd.s32 $0xFFFFFF60  }
0xa9: {  	[tilespmem:s14], [sflag:$0x3] =	stream.indirect.gather [hbm4b:s1+s12], $0x40, s31, s12, $0xb8;
	[tilespmem:$0xF140] =	vst v63  }
0xaa: {  	_ =	swait.ge [sflag:s20], $0x1400  }
0xab: {  	[sflag:s20] =	ssyncset.done $0x0  }
0xac: {  	[sflag:s20] =	ssyncadd.s32 $0xFFFFEC00  }
0xad: {  	[spmem:s3] =	stream.indirect.scatter.add.f32 [tilespmem:s13], [sflag:$0x5], $0x40, s12, s12, $0xb8;
	[tilespmem:$0xF140] =	vst v63  }
0xae: {  	s21 =	simm.s32 $0x3C0;
	s17 =	rddreg [dreg:$0x17]  }
0xaf: {  	[tilespmem:s21], [sflag:$0xF] =	stream.linear.gather [hbm4b:s17+s5], $0xA0, $0x38;
	[tilespmem:$0xF140] =	vst v63  }
.Ltmp8:
0xb0: {  	_ = 	snop;
	(pc) =	sbr.rel .LBB2_3-.Ltmp8, $4  }
0xb1: {  	_ =	swait.ge [sflag:s9], $0xA0  }
0xb2: {  	s22 =	simm.s32 $0x4100;
	[sflag:s9] =	ssyncset.done $0x0  }
0xb3: {  	s10 =	simm.s32 $0x7;
	s8 =	rddreg [dreg:$0x15];
	[sflag:s9] =	ssyncadd.s32 $0xFFFFFF60  }
0xb4: {  	[tilespmem:s22], [sflag:$0x4] =	stream.indirect.gather [hbm4b:s1+s12], $0x40, s0, s12, $0xb8;
	[tilespmem:$0xF140] =	vst v63  }
.LBB2_4:
0xb5: {  	s7 =	sand.u32 $0x7, s10  }
0xb6: {  	s14 =	smul.u32 $0x280, s7;
	_ =	sdelay $0x1  }
0xb7: {  	s7 =	sadd.s32 $0x9, s7;
	s14 =	sshrl.u32 s14, $0x2  }
0xb8: {  	[tilespmem:s14], [sflag:s7] =	stream.linear.gather [hbm4b:s8+s5], $0xA0, $0x38;
	[tilespmem:$0xF140] =	vst v63  }
.LBB2_6:
0xb9: {  	s7 =	sadd.s32 $0xFFFFFFFD, s10  }
0xba: {  	s14 =	sand.u32 $0x3, s7  }
0xbb: {  	s17 =	sadd.s32 $0x5, s14  }
0xbc: {  	_ =	swait.ge [sflag:s17], $0x1400  }
0xbd: {  	s7 =	sand.u32 $0x7, s7;
	[sflag:s17] =	ssyncset.done $0x0  }
0xbe: {  	s22 =	sadd.s32 $0x9, s7;
	[sflag:s17] =	ssyncadd.s32 $0xFFFFEC00  }
0xbf: {  	s21 =	smul.u32 $0x5000, s14;
	_ =	swait.ge [sflag:s22], $0xA0  }
0xc0: {  	s7 =	smul.u32 $0x280, s7;
	[sflag:s22] =	ssyncset.done $0x0  }
0xc1: {  	[sflag:s22] =	ssyncadd.s32 $0xFFFFFF60;
	s22 =	sshrl.u32 s21, $0x2  }
0xc2: {  	s14 =	sadd.s32 $0x1, s14;
	s7 =	sshrl.u32 s7, $0x2;
	s17 =	sadd.s32 $0x500, s22  }
0xc3: {  	[tilespmem:s17], [sflag:s14] =	stream.indirect.gather [hbm4b:s1+s12], $0x40, s7, s12, $0xb8;
	[tilespmem:$0xF140] =	vst v63  }
.LBB2_7:
0xc4: {  	s10 =	sadd.s32 $0x1, s10  }
0xc5: {  	p2 =	seq.s32 s10, $0x100  }
.Ltmp9:
0xc6: {  	_ = 	snop;
	(pc) =	sbr.rel @p2 .LBB2_14-.Ltmp9, $2  }
0xc7: {  	_ =	sdelay $0x2  }
0xc8: {  	s8 =	sadd.s32 $0x14, s8  }
.LBB2_3:
0xc9: {  	s14 =	sadd.s32 $0xFFFFFFFA, s10  }
0xca: {  	s7 =	sand.u32 $0x3, s14  }
0xcb: {  	s17 =	sand.u32 $0x7, s14;
	s22 =	smul.u32 $0x5000, s7  }
0xcc: {  	p2 =	sgt.u32 s14, $0xF3;
	s17 =	smul.u32 $0x280, s17  }
.Ltmp10:
0xcd: {  	s21 =	sadd.s32 $0x1, s7;
	(pc) =	sbr.rel @!p2 .LBB2_4-.Ltmp10, $4  }
0xce: {  	s7 =	sadd.s32 $0x5, s7;
	_ =	swait.ge [sflag:s21], $0x1400  }
0xcf: {  	[sflag:s21] =	ssyncset.done $0x0;
	s22 =	sshrl.u32 s22, $0x2;
	s17 =	sshrl.u32 s17, $0x2  }
0xd0: {  	[sflag:s21] =	ssyncadd.s32 $0xFFFFEC00;
	s21 =	sadd.s32 $0x500, s22;
	s17 =	sadd.s32 $0x50, s17  }
0xd1: {  	[spmem:s3] =	stream.indirect.scatter.add.f32 [tilespmem:s21], [sflag:s7], $0x40, s17, s12, $0xb8;
	[tilespmem:$0xF140] =	vst v63  }
0xd2: {  	p2 =	sgt.u32 s14, $0xF6  }
.Ltmp11:
0xd3: {  	_ = 	snop;
	(pc) =	sbr.rel @p2 .LBB2_7-.Ltmp11, $4  }
.Ltmp12:
0xd4: {  	_ = 	snop;
	(pc) =	sbr.rel @!p2 .LBB2_6-.Ltmp12, $4  }
0xd5: {  	_ = 	snop  }
0xd6: {  	_ = 	snop  }
0xd7: {  	_ = 	snop  }
0xd8: {  	_ = 	snop  }
.LBB2_15:
0xd9: {  	_ =	sfence.sel $0x180000  }
0xda: {  	[bflag:$0x0] =	sbarrier.arrive $0xFFFF  }
0xdb: {  	_ =	strace $0x9000004A  }
0xdc: {  	s0 =	stileid.u32;
	[bflag:$0x2] =	sbarrier.arrive $0xFFFF  }
0xdd: {  	p0 =	sne.s32 s0, $0x0;
	s0 =	rddreg [dreg:$0x4]  }
0xde: {  	s0 =	sadd.s32 @!p0 $0x100000, s0  }
0xdf: {  	[sflag:s0] =	ssyncadd.tile.s32 @!p0 $0x1;
	_ =	shalt  }
.Lfunc_end2:
_tile_overlayer_lowered:
.L_overlay_start_2:
0xe0: {  	(tag) =	ssettag $0x2  }
0xe1: {  	s0 =	rddreg [dreg:$0x0];
	s2 =	stileid.u32  }
0xe2: {  	s1 =	rddreg [dreg:$0x1];
	p0 =	sne.s32 s2, $0x0  }
0xe3: {  	s3 =	rddreg [dreg:$0x2];
	[bflag:$0x3] =	sbarrier.arrive $0xFFFF;
	s2 =	simm.s32 @!p0 $0x1C11  }
0xe4: {  	[timem:s3], [sflag:s2] =	dma.local @!p0 [hbm:s0], s1  }
0xe5: {  	s0 =	simm.s32 @!p0 $0x11  }
0xe6: {  	_ =	swait.ge @!p0 [sflag:s0], s1  }
0xe7: {  	s1 =	ssub.s32 @!p0 $0x0, s1;
	[sflag:s0] =	ssyncset.done @!p0 $0x0  }
0xe8: {  	[sflag:s0] =	ssyncadd.s32 @!p0 s1  }
0xe9: {  	[bflag:$0x3] =	sbarrier.arrive $0xFFFF  }
0xea: {  	_ =	shalt  }

// kernel: kernel.7.cloned.1.call-start
scs
__scs_entry_jumppad:
0x0: {  	(pc) =	sbr.rel $0x88, $3  }
0x1: {  	(tag) =	ssettag $0x0;
	lr =	simm.s32 $0x1  }
0x2: {  	[smem:$0x3F93] =	sst lr;
	_ =	strace $0xD0000000  }
0x3: {  	_ = 	snop  }
0x4: {  	_ = 	snop  }
0x5: {  	_ = 	snop  }
0x6: {  	_ = 	snop  }
0x7: {  	_ = 	snop  }
__scs_overlays_trampoline_lowered:
0x8: {  	[smem:$0x3FA2] =	sst s0  }
0x9: {  	[smem:$0x3FA3] =	sst s1  }
0xa: {  	[smem:$0x3FA4] =	sst s2  }
0xb: {  	[smem:$0x3FA5] =	sst s3  }
0xc: {  	[smem:$0x3FA6] =	sst s4  }
0xd: {  	[smem:$0x3FA7] =	sst s5  }
0xe: {  	[smem:$0x3FA8] =	sst s6  }
0xf: {  	[smem:$0x3FA9] =	sst s7  }
0x10: {  	[smem:$0x3FAA] =	sst s8  }
0x11: {  	[smem:$0x3FAB] =	sst s9;
	s0 =	simm.s32 @!p0 $0x0  }
0x12: {  	s1 =	sld [smem:$0x3F91];
	s0 =	simm.s32 @p0 $0x1  }
0x13: {  	[smem:$0x3FAC] =	sst s0;
	s0 =	simm.s32 @!p1 $0x0  }
0x14: {  	s2 =	sld [smem:$0x3F90];
	s0 =	simm.s32 @p1 $0x1  }
0x15: {  	[smem:$0x3FAD] =	sst s0;
	s0 =	simm.s32 @!p2 $0x0  }
0x16: {  	s3 =	sld [smem:$0x3FDB];
	s0 =	simm.s32 @p2 $0x1  }
0x17: {  	s4 =	simm.s32 $0x1BF5;
	[smem:$0x3FAF] =	sst s0  }
0x18: {  	s0 =	sld [smem:$0x3F92];
	_ =	swait.ge [sflag:s4], $0x0  }
0x19: {  	s7 =	sld [smem:$0x3F93]  }
0x1a: {  	s8 =	sadd.s32 $0xFFFFE003, lr  }
0x1b: {  	s9 =	sadd.s32 $0xFFFFFEF7, lr;
	s5 =	simm.s32 $0xFFFFFFFF;
	p2 =	slt.u32 s8, $0xFFFFF086  }
0x1c: {  	p1 =	slt.u32 s9, $0xF7A;
	s5 =	simm.s32 @!p2 $0x0  }
0x1d: {  	s5 =	simm.s32 @p1 $0x1;
	p0 =	seq.s32 s7, s2  }
0x1e: {  	s7 =	smul.u32 @!p0 $0xF7A, s2;
	p2 =	seq.s32 @!p0 s5, $0x0  }
0x1f: {  	s9 =	smul.u32 $0xF7A, s1;
	s8 =	simm.s32 @!p0 $0x1BF5;
	p2 =	por !p2, p0  }
0x20: {  	[sflag:s8] =	ssyncset.s32 @!p0 $0xFFFFF086;
	s6 =	sadd.s32 @!p0 s3, s7;
	s7 =	simm.s32 @!p0 $0x108  }
0x21: {  	s3 =	sadd.s32 s3, s9;
	s6 =	sadd.s32 @!p0 $0x88, s6;
	s7 =	simm.s32 @p2 $0x1082  }
0x22: {  	[simem:s7], [sflag:s8] =	dma.local @!p0 [hbm:s6], $0xF7A  }
0x23: {  	s9 =	sor.u32 $0xD0000000, s2;
	s6 =	simm.s32 $0x108;
	_ =	swait.ge @!p0 [sflag:s8], $0x0  }
0x24: {  	s3 =	sadd.s32 $0x88, s3;
	s6 =	simm.s32 @!p1 $0x1082;
	[sflag:s4] =	ssyncset.s32 $0xFFFFF086  }
0x25: {  	[simem:s6], [sflag:s4] =	dma.local [hbm:s3], $0xF7A  }
0x26: {  	[smem:$0x3F93] =	sst s1;
	(tag) =	ssettag s2;
	_ =	strace s9  }
0x27: {  	s1 =	sld [smem:$0x3FA3]  }
0x28: {  	s2 =	sld [smem:$0x3FA4]  }
0x29: {  	s4 =	sld [smem:$0x3FA6]  }
0x2a: {  	p0 =	seq.s32 s5, $0x0;
	s5 =	sld [smem:$0x3FA7]  }
0x2b: {  	s6 =	sld [smem:$0x3FA8]  }
0x2c: {  	s7 =	sld [smem:$0x3FA9]  }
0x2d: {  	s3 =	simm.s32 $0x108;
	s8 =	sld [smem:$0x3FAA]  }
0x2e: {  	s3 =	simm.s32 @!p0 $0x1082;
	s9 =	sld [smem:$0x3FAB]  }
0x2f: {  	lr =	sadd.s32 s0, s3;
	s0 =	sld [smem:$0x3FA2]  }
0x30: {  	s3 =	sld [smem:$0x3FA5]  }
0x31: {  	[smem:$0x3FAE] =	sst s10  }
0x32: {  	s10 =	sld [smem:$0x3FAC];
	_ =	sdelay $0x3  }
0x33: {  	p0 =	seq.s32 s10, $0x1;
	s10 =	sld [smem:$0x3FAE];
	_ =	sdelay $0x3  }
0x34: {  	[smem:$0x3FAE] =	sst s10  }
0x35: {  	s10 =	sld [smem:$0x3FAD];
	_ =	sdelay $0x3  }
0x36: {  	p1 =	seq.s32 s10, $0x1;
	s10 =	sld [smem:$0x3FAE];
	_ =	sdelay $0x3  }
0x37: {  	[smem:$0x3FAE] =	sst s10  }
0x38: {  	s10 =	sld [smem:$0x3FAF]  }
0x39: {  	_ = 	snop;
	(pc) =	sbr.ind lr, $3  }
0x3a: {  	_ = 	snop  }
0x3b: {  	_ = 	snop  }
0x3c: {  	p2 =	seq.s32 s10, $0x1;
	s10 =	sld [smem:$0x3FAE]  }
0x3d: {  	_ =	shalt  }
0x3e: {  	_ =	shalt  }
0x3f: {  	_ =	shalt  }
0x40: {  	_ =	shalt  }
0x41: {  	_ =	shalt  }
0x42: {  	_ =	shalt  }
0x43: {  	_ =	shalt  }
0x44: {  	_ =	shalt  }
0x45: {  	_ =	shalt  }
0x46: {  	_ =	shalt  }
0x47: {  	_ =	shalt  }
0x48: {  	_ =	shalt  }
0x49: {  	_ =	shalt  }
0x4a: {  	_ =	shalt  }
0x4b: {  	_ =	shalt  }
0x4c: {  	_ =	shalt  }
0x4d: {  	_ =	shalt  }
0x4e: {  	_ =	shalt  }
0x4f: {  	_ =	shalt  }
0x50: {  	_ =	shalt  }
0x51: {  	_ =	shalt  }
0x52: {  	_ =	shalt  }
0x53: {  	_ =	shalt  }
0x54: {  	_ =	shalt  }
0x55: {  	_ =	shalt  }
0x56: {  	_ =	shalt  }
0x57: {  	_ =	shalt  }
0x58: {  	_ =	shalt  }
0x59: {  	_ =	shalt  }
0x5a: {  	_ =	shalt  }
0x5b: {  	_ =	shalt  }
0x5c: {  	_ =	shalt  }
0x5d: {  	_ =	shalt  }
0x5e: {  	_ =	shalt  }
0x5f: {  	_ =	shalt  }
0x60: {  	_ =	shalt  }
0x61: {  	_ =	shalt  }
0x62: {  	_ =	shalt  }
0x63: {  	_ =	shalt  }
0x64: {  	_ =	shalt  }
0x65: {  	_ =	shalt  }
0x66: {  	_ =	shalt  }
0x67: {  	_ =	shalt  }
0x68: {  	_ =	shalt  }
0x69: {  	_ =	shalt  }
0x6a: {  	_ =	shalt  }
0x6b: {  	_ =	shalt  }
0x6c: {  	_ =	shalt  }
0x6d: {  	_ =	shalt  }
0x6e: {  	_ =	shalt  }
0x6f: {  	_ =	shalt  }
0x70: {  	_ =	shalt  }
0x71: {  	_ =	shalt  }
0x72: {  	_ =	shalt  }
0x73: {  	_ =	shalt  }
0x74: {  	_ =	shalt  }
0x75: {  	_ =	shalt  }
0x76: {  	_ =	shalt  }
0x77: {  	_ =	shalt  }
0x78: {  	_ =	shalt  }
0x79: {  	_ =	shalt  }
0x7a: {  	_ =	shalt  }
0x7b: {  	_ =	shalt  }
0x7c: {  	_ =	shalt  }
0x7d: {  	_ =	shalt  }
0x7e: {  	_ =	shalt  }
0x7f: {  	_ =	shalt  }
0x80: {  	_ =	shalt  }
0x81: {  	_ =	shalt  }
0x82: {  	_ =	shalt  }
0x83: {  	_ =	shalt  }
0x84: {  	_ =	shalt  }
0x85: {  	_ =	shalt  }
0x86: {  	_ =	shalt  }
0x87: {  	_ =	shalt  }
.Lfunc_end0:
.L_simem_size_0:
called_computation_lowered:
.L_overlay_start_0:
0x88: {  	s2 =	sld [smem:$0x3FD9]  }
0x89: {  	s3 =	sld [smem:$0x3FFE];
	_ =	sdelay $0x1  }
0x8a: {  	s1 =	srdreg.scid  }
0x8b: {  	s0 =	sand.u32 $0x1, s1  }
0x8c: {  	s14 =	sshll.u32 s0, $0xA;
	s2 =	sadd.s32 s3, s2  }
0x8d: {  	s2 =	sadd.s32 s2, s14  }
0x8e: {  	[smem:$0x3FBA] =	sst s2  }
0x8f: {  	_ = 	snop  }
0x90: {  	s2 =	sld [smem:$0x3FD0];
	_ =	sdelay $0x2  }
0x91: {  	s4 =	simm.s32 $0xA;
	s5 =	simm.s32 $0x10;
	s15 =	sld [smem:$0x3FC6]  }
0x92: {  	[smem:s5], [sflag:s4] =	dma.local [hbm:s2], $0x1  }
0x93: {  	_ =	swait.eq [sflag:s4], $0x1  }
0x94: {  	[sflag:s4] =	ssyncset.done $0x0  }
0x95: {  	s16 =	sld [smem:$0x10];
	[sflag:s4] =	ssyncadd.s32 $0xFFFFFFFF  }
0x96: {  	s17 =	sld [smem:$0x11];
	(tm) =	ssettm $0x1  }
0x97: {  	s18 =	sld [smem:$0x3FFB];
	_ =	sdelay $0x3  }
0x98: {  	_ =	strace s18  }
0x99: {  	s5 =	sld [smem:$0x3FFC];
	_ =	sdelay $0x3  }
0x9a: {  	_ =	strace s5  }
0x9b: {  	s5 =	sld [smem:$0x3FFD];
	_ =	sdelay $0x3  }
0x9c: {  	_ =	strace s5  }
0x9d: {  	_ =	strace $0x8FFFFFFF  }
0x9e: {  	s19 =	sld [smem:$0x3FDB];
	_ =	sdelay $0x1  }
0x9f: {  	s6 =	simm.s32 $_scs_section_size  }
0xa0: {  	s7 =	simm.s32 $_size__tile_overlayer_lowered;
	s8 =	simm.s32 $_tile_overlayer_lowered  }
0xa1: {  	s22 =	simm.s32 $0x1BFF;
	s21 =	sshll.u32 s8, $0x1;
	s5 =	sadd.s32 s6, s19  }
0xa2: {  	s9 =	simm.s32 $0x0;
	s20 =	sshll.u32 s7, $0x1;
	s7 =	sadd.s32 s21, s5  }
0xa3: {  	[timem:s9], [sflag:s22] =	dma.local [hbm:s7], s20  }
0xa4: {  	_ =	swait.ge [sflag:s22], s20  }
0xa5: {  	s6 =	ssub.s32 $0x0, s20;
	[sflag:s22] =	ssyncset.done $0x0  }
0xa6: {  	[sflag:s22] =	ssyncadd.s32 s6;
	_ =	sdelay $0x1  }
0xa7: {  	s23 =	simm.s32 $0x1B8B  }
0xa8: {  	_ =	swait.ge [sflag:s23], $0x1  }
0xa9: {  	[sflag:s23] =	ssyncset.done $0x0  }
0xaa: {  	s25 =	simm.s32 $0x1B8E;
	s24 =	sld [smem:$0x3FFE];
	[sflag:s23] =	ssyncadd.s32 $0xFFFFFFFF  }
0xab: {  	s26 =	simm.s32 $execute0_lowered;
	[smem:$0x3FD2] =	sst s25  }
0xac: {  	s7 =	sshll.u32 s26, $0x1;
	_ =	strace $0x80000046;
	[dreg:$0x1] =	wrdreg $0xFFFFFFFF  }
0xad: {  	s28 =	simm.s32 $_size_execute0_lowered;
	s5 =	sadd.s32 s5, s7;
	[dreg:$0x0] =	wrdreg $0x0  }
0xae: {  	s7 =	sshll.u32 s28, $0x1;
	[dreg:$0x2] =	wrdreg s5  }
0xaf: {  	[dreg:$0x3] =	wrdreg s7  }
0xb0: {  	[dreg:$0x4] =	wrdreg $0xC0  }
0xb1: {  	_ =	task [dreg:s9], $0x5FFFF  }
0xb2: {  	[dreg:$0x1] =	wrdreg $0xFFFFFFFF  }
0xb3: {  	[dreg:$0x0] =	wrdreg $0x60  }
0xb4: {  	[dreg:$0x2] =	wrdreg s17  }
0xb5: {  	[dreg:$0x3] =	wrdreg s16  }
0xb6: {  	[dreg:$0x4] =	wrdreg s24  }
0xb7: {  	[dreg:$0x5] =	wrdreg s15  }
0xb8: {  	[dreg:$0x6] =	wrdreg $0x1B7580  }
0xb9: {  	[dreg:$0x7] =	wrdreg $0x1B9D00  }
0xba: {  	[dreg:$0x8] =	wrdreg $0x11B180  }
0xbb: {  	[dreg:$0x9] =	wrdreg $0x9  }
0xbc: {  	_ =	task.clear_ibuf [dreg:s9], $0xAFFFF;
	_ =	strace $0x90000046  }
0xbd: {  	s29 =	simm.s32 $0x9;
	_ =	strace $0x80000048  }
0xbe: {  	_ =	swait.ge [sflag:s29], $0x1  }
0xbf: {  	[sflag:s29] =	ssyncadd.s32 $0xFFFFFFFF  }
0xc0: {  	_ =	strace $0x90000048  }
0xc1: {  	_ =	sfence  }
0xc2: {  	s30 =	sld [smem:$0x0];
	_ =	sdelay $0x2  }
0xc3: {  	s31 =	sshll.u32 s1, $0xD;
	s1 =	sshrl.u32 s1, $0x2  }
0xc4: {  	s3 =	sand.u32 $0x4000, s31;
	s1 =	sadd.s32 s1, s30  }
0xc5: {  	s0 =	sor.u32 s3, s0;
	s1 =	sshll.u32 s1, $0x11  }
0xc6: {  	s0 =	sor.u32 s1, s0  }
0xc7: {  	s0 =	sadd.s32 $0x8F2B, s0  }
0xc8: {  	[sflag:s0] =	ssyncadd.remote.s32 $0x1  }
0xc9: {  	_ =	sfence.sel $0xFFFF  }
0xca: {  	[dreg:$0x0] =	wrdreg $0xFFFFFFFF;
	(pc) =	sbr.abs _section_cstart, $3  }
0xcb: {  	[dreg:$0x1] =	wrdreg $0xFFFFFFFF  }
0xcc: {  	_ =	task.clear_ibuf [dreg:s9], $0x2FFFF;
	_ =	strace $0x9FFFFFFF  }
0xcd: {  	(tm) =	ssettm $0x7FFFFFFF  }
tec
execute0_lowered:
.L_overlay_start_1:
0x0: {  	(tag) =	ssettag $0x1  }
0x1: {  	s0 =	rddreg [dreg:$0x0]  }
0x2: {  	s1 =	rddreg [dreg:$0x1]  }
0x3: {  	s2 =	rddreg [dreg:$0x2]  }
0x4: {  	s6 =	rddreg [dreg:$0x6]  }
0x5: {  	s7 =	simm.s32 $0x0;
	s3 =	srdreg.scid;
	s16 =	stileid.u32  }
0x6: {  	[smem:$0x7FF] =	sst s7;
	s8 =	sadd.s32 $0x2A600, s2;
	s4 =	sadd.s32 $0x2A000, s2  }
0x7: {  	s3 =	sand.u32 $0x1, s3;
	s25 =	sadd.s32 $0x29A00, s2;
	s12 =	sadd.s32 $0x51800, s2  }
0x8: {  	s5 =	sadd.s32 $0x52C00, s2;
	s28 =	smul.u32 $0x27800, s16;
	s9 =	sadd.s32 $0x53200, s2  }
0x9: {  	s29 =	sadd.s32 $0x53E00, s2;
	_ =	strace $0x80000047;
	[dreg:$0x8] =	wrdreg s4  }
0xa: {  	s11 =	sadd.s32 $0x7B000, s2;
	s13 =	smul.u32 $0x9C40, s16;
	[dreg:$0x9] =	wrdreg s25  }
0xb: {  	s14 =	smul.u32 $0x9E00, s16;
	p1 =	seq.s32 s16, $0xF;
	[dreg:$0xa] =	wrdreg s5  }
0xc: {  	p0 =	sne.s32 s16, $0x0;
	s26 =	smul.u32 $0x4E2, s3;
	[dreg:$0xb] =	wrdreg s9  }
0xd: {  	s10 =	smul.u32 $0x9C400, s3;
	s3 =	ssub.s32 $0x2, s3;
	p2 =	sne.s32 @!p1 s16, $0x0  }
0xe: {  	s25 =	sadd.s32 $0x94200, s6;
	s16 =	simm.s32 $0x7A30;
	s30 =	sshrl.u32 s3, $0x1  }
0xf: {  	s31 =	sshrl.u32 s28, $0x2;
	s21 =	sadd.s32 s14, s6;
	p2 =	por p2, p1  }
0x10: {  	[dreg:$0x17] =	wrdreg s25;
	s25 =	simm.s32 $0xA190;
	s2 =	sadd.s32 s26, s2  }
0x11: {  	s3 =	ssub.s32 s3, s30;
	s15 =	sadd.s32 s13, s10;
	s4 =	sadd.s32 s31, s6  }
0x12: {  	s13 =	sadd.s32 s14, s10;
	s19 =	sshrl.u32 s10, $0x3;
	[dreg:$0xf] =	wrdreg s21  }
0x13: {  	s10 =	simm.s32 $0x2C10;
	[dreg:$0xc] =	wrdreg s4;
	s23 =	sadd.s32 $0x53400, s2  }
0x14: {  	s14 =	simm.s32 $0x5320;
	s2 =	sadd.s32 $0xA2200, s2;
	[dreg:$0x13] =	wrdreg s23  }
0x15: {  	s18 =	sshrl.u32 s13, $0x3;
	s3 =	smax.u32 s3, $0x1;
	[dreg:$0x14] =	wrdreg s2  }
0x16: {  	s21 =	simm.s32 $0xC8A0;
	s20 =	sadd.s32 s29, s18;
	[dreg:$0x15] =	wrdreg s3  }
0x17: {  	s5 =	sshrl.u32 s15, $0x3;
	s4 =	sadd.s32 s11, s18;
	[dreg:$0xe] =	wrdreg s20  }
0x18: {  	s17 =	sadd.s32 s8, s5;
	s5 =	sadd.s32 $0x12840, s19;
	[dreg:$0x11] =	wrdreg s4  }
0x19: {  	s24 =	sadd.s32 $0x3C0, s15;
	s9 =	sadd.s32 s29, s5;
	[dreg:$0xd] =	wrdreg s17  }
0x1a: {  	s2 =	sshrl.u32 s24, $0x3;
	s22 =	sadd.s32 s11, s5;
	[dreg:$0x10] =	wrdreg s9  }
0x1b: {  	s13 =	simm.s32 $0x0;
	s2 =	sadd.s32 s2, s8;
	[dreg:$0x12] =	wrdreg s22  }
0x1c: {  	s24 =	simm.s32 $0x50;
	s26 =	sadd.s32 $0x14, s17;
	[dreg:$0x16] =	wrdreg s2  }
.Ltmp0:
0x1d: {  	s28 =	sadd.s32 $0x28, s17;
	[dreg:$0x18] =	wrdreg s26;
	(pc) =	sbr.rel .LBB2_1-.Ltmp0, $4  }
0x1e: {  	s29 =	sadd.s32 $0x3C, s17;
	s30 =	sadd.s32 $0x50, s17;
	[dreg:$0x19] =	wrdreg s28  }
0x1f: {  	s31 =	sadd.s32 $0x64, s17;
	s11 =	simm.s32 $0x500;
	[dreg:$0x1a] =	wrdreg s29  }
0x20: {  	s4 =	simm.s32 $0x5;
	s5 =	simm.s32 $0x6;
	[dreg:$0x1b] =	wrdreg s30  }
0x21: {  	v0 =	vimm.f32 $0.0e+00;
	[dreg:$0x1c] =	wrdreg s31;
	s9 =	simm.s32 $0x11;
	s22 =	simm.s32 $0x7A80  }
.LBB2_21:
0x22: {  	s2 =	simm.s32 $0x7  }
0x23: {  	_ =	swait.ge [sflag:s2], $0x1400  }
0x24: {  	[sflag:s2] =	ssyncset.done $0x0  }
0x25: {  	s28 =	simm.s32 $0x8;
	[sflag:s2] =	ssyncadd.s32 $0xFFFFEC00  }
0x26: {  	_ =	swait.ge [sflag:s28], $0x1400  }
0x27: {  	[sflag:s28] =	ssyncset.done $0x0  }
0x28: {  	[sflag:s28] =	ssyncadd.s32 $0xFFFFEC00  }
0x29: {  	_ =	swait.ge [sflag:s4], $0x1400  }
0x2a: {  	[sflag:s4] =	ssyncset.done $0x0  }
0x2b: {  	[sflag:s4] =	ssyncadd.s32 $0xFFFFEC00  }
0x2c: {  	_ =	swait.ge [sflag:s5], $0x1400  }
0x2d: {  	[sflag:s5] =	ssyncset.done $0x0  }
0x2e: {  	[sflag:s5] =	ssyncadd.s32 $0xFFFFEC00  }
0x2f: {  	[bflag:$0x0] =	sbarrier.arrive $0xFFFF  }
0x30: {  	s2 =	simm.s32 @p1 $0x1FD1;
	s3 =	rddreg [dreg:$0x12]  }
0x31: {  	[hbm:s3], [sflag:s2] =	dma.local @p1 [spmem:s29], $0x1040  }
0x32: {  	s2 =	simm.s32 @p1 $0x11  }
0x33: {  	_ =	swait.ge @p1 [sflag:s2], $0x1040  }
0x34: {  	[sflag:s2] =	ssyncset.done @p1 $0x0  }
0x35: {  	[sflag:s2] =	ssyncadd.s32 @p1 $0xFFFFEFC0;
	s2 =	rddreg [dreg:$0x11]  }
0x36: {  	[hbm:s2], [sflag:s30] =	dma.local @!p1 [spmem:s31], $0x13C0  }
0x37: {  	s2 =	simm.s32 @!p1 $0x11  }
0x38: {  	_ =	swait.ge @!p1 [sflag:s2], $0x13C0  }
0x39: {  	s13 =	sadd.s32 $0x1, s13;
	s31 =	rddreg [dreg:$0x15]  }
0x3a: {  	p3 =	sne.s32 s13, s31  }
.Ltmp1:
0x3b: {  	_ = 	snop;
	(pc) =	sbr.rel @!p3 .LBB2_22-.Ltmp1, $3  }
0x3c: {  	_ =	sdelay $0x1  }
0x3d: {  	[sflag:s2] =	ssyncset.done @!p1 $0x0  }
0x3e: {  	s21 =	simm.s32 $0xC8A0;
	[sflag:s2] =	ssyncadd.s32 @!p1 $0xFFFFEC40  }
.LBB2_1:
0x3f: {  	s2 =	rddreg [dreg:$0x3]  }
0x40: {  	[tilespmem:s11], [sflag:$0x11] =	stream.linear.gather [hbm4b:s2+s7], $0x2710, $0x38;
	[tilespmem:$0x1BC48] =	vst v63  }
0x41: {  	_ =	swait.ge [sflag:s9], $0x2710  }
0x42: {  	[sflag:s9] =	ssyncset.done $0x0  }
0x43: {  	s29 =	rddreg [dreg:$0x8];
	[sflag:s9] =	ssyncadd.s32 $0xFFFFD8F0  }
0x44: {  	[tilespmem:s10], [sflag:$0x11] =	stream.linear.gather [hbm4b:s29+s7], $0x2710, $0x38;
	[tilespmem:$0x1BC48] =	vst v63  }
0x45: {  	_ =	swait.ge [sflag:s9], $0x2710  }
0x46: {  	[sflag:s9] =	ssyncset.done $0x0  }
0x47: {  	s30 =	rddreg [dreg:$0x9];
	[sflag:s9] =	ssyncadd.s32 $0xFFFFD8F0  }
0x48: {  	[tilespmem:s14], [sflag:$0x11] =	stream.linear.gather [hbm4b:s30+s7], $0x2710, $0x38;
	[tilespmem:$0x1BC48] =	vst v63  }
0x49: {  	_ =	swait.ge [sflag:s9], $0x2710  }
0x4a: {  	[sflag:s9] =	ssyncset.done $0x0  }
0x4b: {  	s31 =	rddreg [dreg:$0xb];
	[sflag:s9] =	ssyncadd.s32 $0xFFFFD8F0  }
0x4c: {  	[tilespmem:s21], [sflag:$0x11] =	stream.linear.gather [hbm4b:s31+s7], $0x278, $0x38;
	[tilespmem:$0x1BC48] =	vst v63  }
0x4d: {  	_ =	swait.ge [sflag:s9], $0x278  }
0x4e: {  	[sflag:s9] =	ssyncset.done $0x0  }
0x4f: {  	[sflag:s9] =	ssyncadd.s32 $0xFFFFFD88  }
0x50: {  	s2 =	rddreg [dreg:$0x4]  }
0x51: {  	s3 =	simm.s32 @!p0 $0x1C11;
	s18 =	rddreg [dreg:$0xa];
	s2 =	sshrl.u32 @!p0 s2, $0x3  }
0x52: {  	[spmem:s2], [sflag:s3] =	dma.local @!p0 [hbm:s18], $0x4E2  }
0x53: {  	s2 =	simm.s32 @!p0 $0x11  }
0x54: {  	_ =	swait.ge @!p0 [sflag:s2], $0x4E2  }
0x55: {  	[sflag:s2] =	ssyncset.done @!p0 $0x0  }
0x56: {  	[sflag:s2] =	ssyncadd.s32 @!p0 $0xFFFFFB1E  }
0x57: {  	s17 =	rddreg [dreg:$0x5]  }
0x58: {  	s17 =	sshrl.u32 @!p0 s17, $0x3  }
0x59: {  	[spmem:s17], [sflag:s3] =	dma.local @!p0 [hbm:s18], $0x4E2  }
0x5a: {  	_ =	swait.ge @!p0 [sflag:s2], $0x4E2  }
0x5b: {  	[sflag:s2] =	ssyncset.done @!p0 $0x0  }
0x5c: {  	s3 =	simm.s32 $0x0;
	[sflag:s2] =	ssyncadd.s32 @!p0 $0xFFFFFB1E;
	s2 =	simm.s32 $0x40  }
.LBB2_2:
0x5d: {  	p3 =	sne.s32 s2, $0x9C00;
	[tilespmem:s3+$0x7A80] =	vst v0;
	s17 =	smov.u32 s2;
	s2 =	sadd.s32 $0x40, s2  }
.Ltmp2:
0x5e: {  	[tilespmem:s3+$0xA190] =	vst v0;
	(pc) =	sbr.rel @p3 .LBB2_2-.Ltmp2, $2  }
0x5f: {  	_ =	sdelay $0x2  }
0x60: {  	s3 =	sshra.s32 s17, $0x2  }
0x61: {  	[tilespmem:s3+$0x7A80] =	vst v0;
	s2 =	rddreg [dreg:$0x17]  }
0x62: {  	[tilespmem:s3+$0xA190] =	vst v0;
	s29 =	sshrl.u32 @p1 s2, $0x3;
	s2 =	simm.s32 @p1 $0x1FD1  }
0x63: {  	[spmem:s29], [sflag:s2] =	dma.local @p1 [hbm:s12], $0x1040  }
0x64: {  	s2 =	simm.s32 @p1 $0x11  }
0x65: {  	_ =	swait.ge @p1 [sflag:s2], $0x1040  }
0x66: {  	s3 =	stileid.u32;
	[sflag:s2] =	ssyncset.done @p1 $0x0  }
0x67: {  	s3 =	sshll.u32 @!p1 s3, $0x6;
	[sflag:s2] =	ssyncadd.s32 @p1 $0xFFFFEFC0;
	s2 =	rddreg [dreg:$0xc]  }
0x68: {  	s30 =	sor.u32 @!p1 $0x1C11, s3;
	s3 =	simm.s32 @!p1 $0x11;
	s2 =	sshrl.u32 @!p1 s2, $0x3  }
0x69: {  	[spmem:s2], [sflag:s30] =	dma.local @!p1 [hbm:s12], $0x13C0  }
0x6a: {  	_ =	swait.ge @!p1 [sflag:s3], $0x13C0  }
0x6b: {  	[sflag:s3] =	ssyncset.done @!p1 $0x0  }
0x6c: {  	[sflag:s3] =	ssyncadd.s32 @!p1 $0xFFFFEC40  }
0x6d: {  	[bflag:$0x0] =	sbarrier.arrive $0xFFFF  }
0x6e: {  	s3 =	simm.s32 $0x0;
	s17 =	rddreg [dreg:$0xd]  }
0x6f: {  	[tilespmem:s3], [sflag:$0x9] =	stream.linear.gather [hbm4b:s17+s3], $0xA0, $0x38;
	[tilespmem:$0x1BC48] =	vst v63  }
0x70: {  	s18 =	simm.s32 $0xA0;
	s26 =	rddreg [dreg:$0x18]  }
0x71: {  	[tilespmem:s18], [sflag:$0xA] =	stream.linear.gather [hbm4b:s26+s3], $0xA0, $0x38;
	[tilespmem:$0x1BC48] =	vst v63  }
0x72: {  	s19 =	simm.s32 $0x140;
	s28 =	rddreg [dreg:$0x19]  }
0x73: {  	[tilespmem:s19], [sflag:$0xB] =	stream.linear.gather [hbm4b:s28+s3], $0xA0, $0x38;
	[tilespmem:$0x1BC48] =	vst v63  }
0x74: {  	s20 =	simm.s32 $0x1E0;
	s31 =	rddreg [dreg:$0x1a]  }
0x75: {  	[tilespmem:s20], [sflag:$0xC] =	stream.linear.gather [hbm4b:s31+s3], $0xA0, $0x38;
	[tilespmem:$0x1BC48] =	vst v63  }
0x76: {  	s23 =	simm.s32 $0x280;
	s20 =	rddreg [dreg:$0x1b]  }
0x77: {  	[tilespmem:s23], [sflag:$0xD] =	stream.linear.gather [hbm4b:s20+s3], $0xA0, $0x38;
	[tilespmem:$0x1BC48] =	vst v63  }
0x78: {  	s26 =	rddreg [dreg:$0x1c];
	s28 =	simm.s32 $0x320;
	s31 =	simm.s32 $0x9  }
0x79: {  	[tilespmem:s28], [sflag:$0xE] =	stream.linear.gather [hbm4b:s26+s3], $0xA0, $0x38;
	[tilespmem:$0x1BC48] =	vst v63  }
0x7a: {  	_ =	swait.ge [sflag:s31], $0xA0  }
0x7b: {  	[sflag:s31] =	ssyncset.done $0x0  }
0x7c: {  	s20 =	simm.s32 $0xCB18;
	s23 =	simm.s32 $0xA;
	[sflag:s31] =	ssyncadd.s32 $0xFFFFFF60  }
0x7d: {  	[tilespmem:s20], [sflag:$0x1] =	stream.indirect.gather [hbm4b:s0+s24], $0x40, s3, s24, $0xb8;
	[tilespmem:$0x1BC48] =	vst v63  }
0x7e: {  	_ =	swait.ge [sflag:s23], $0xA0  }
0x7f: {  	[sflag:s23] =	ssyncset.done $0x0  }
0x80: {  	s26 =	simm.s32 $0xDF18;
	[sflag:s23] =	ssyncadd.s32 $0xFFFFFF60  }
0x81: {  	[tilespmem:s26], [sflag:$0x2] =	stream.indirect.gather [hbm4b:s0+s24], $0x40, s18, s24, $0xb8;
	[tilespmem:$0x1BC48] =	vst v63  }
.Ltmp3:
0x82: {  	s28 =	simm.s32 $0xB;
	(pc) =	sbr.rel .LBB2_4-.Ltmp3, $4  }
0x83: {  	_ =	swait.ge [sflag:s28], $0xA0  }
0x84: {  	[sflag:s28] =	ssyncset.done $0x0  }
0x85: {  	s31 =	simm.s32 $0xF318;
	s17 =	rddreg [dreg:$0x16];
	[sflag:s28] =	ssyncadd.s32 $0xFFFFFF60  }
0x86: {  	[tilespmem:s31], [sflag:$0x3] =	stream.indirect.gather [hbm4b:s0+s24], $0x40, s19, s24, $0xb8;
	[tilespmem:$0x1BC48] =	vst v63  }
.LBB2_7:
0x87: {  	s18 =	sadd.s32 $0x6, s3;
	p3 =	seq.s32 s3, $0x0  }
.Ltmp4:
0x88: {  	s18 =	sand.u32 $0x7, s18;
	(pc) =	sbr.rel @p3 .LBB2_8-.Ltmp4, $3  }
0x89: {  	s19 =	smul.u32 $0x280, s18;
	_ =	sdelay $0x1  }
0x8a: {  	s18 =	sadd.s32 $0x9, s18;
	s19 =	sshrl.u32 s19, $0x2  }
0x8b: {  	[tilespmem:s19], [sflag:s18] =	stream.linear.gather [hbm4b:s17+s7], $0xA0, $0x38;
	[tilespmem:$0x1BC48] =	vst v63  }
.LBB2_6:
0x8c: {  	s19 =	sadd.s32 $0x3, s3  }
0x8d: {  	s18 =	sand.u32 $0x3, s19  }
0x8e: {  	s20 =	sadd.s32 $0x5, s18  }
0x8f: {  	_ =	swait.ge [sflag:s20], $0x1400  }
0x90: {  	[sflag:s20] =	ssyncset.done $0x0  }
0x91: {  	s19 =	sand.u32 $0x7, s19;
	[sflag:s20] =	ssyncadd.s32 $0xFFFFEC00  }
.LBB2_9:
0x92: {  	s20 =	sadd.s32 $0x9, s19;
	s23 =	smul.u32 $0x5000, s18  }
0x93: {  	s26 =	smul.u32 $0x280, s19;
	_ =	swait.ge [sflag:s20], $0xA0  }
0x94: {  	s31 =	sadd.s32 $0x1, s18;
	[sflag:s20] =	ssyncset.done $0x0;
	s28 =	sshrl.u32 s23, $0x2  }
0x95: {  	s19 =	sshrl.u32 s26, $0x2;
	[sflag:s20] =	ssyncadd.s32 $0xFFFFFF60;
	s20 =	sadd.s32 $0xCB18, s28  }
0x96: {  	[tilespmem:s20], [sflag:s31] =	stream.indirect.gather [hbm4b:s0+s24], $0x40, s19, s24, $0xb8;
	[tilespmem:$0x1BC48] =	vst v63  }
.LBB2_10:
0x97: {  	s3 =	sadd.s32 $0x1, s3  }
0x98: {  	p3 =	sne.s32 s3, $0xFA  }
.Ltmp5:
0x99: {  	_ = 	snop;
	(pc) =	sbr.rel @!p3 .LBB2_11-.Ltmp5, $2  }
0x9a: {  	_ =	sdelay $0x2  }
0x9b: {  	s17 =	sadd.s32 $0x14, s17  }
.LBB2_4:
0x9c: {  	s18 =	sand.u32 $0x7, s3  }
0x9d: {  	s18 =	smul.u32 $0x280, s18;
	_ =	sdelay $0x1  }
0x9e: {  	s18 =	sshrl.u32 s18, $0x2  }
0x9f: {  	v1 =	vld [tilespmem:s18+$0x0]  }
0xa0: {  	v2 =	vld [tilespmem:s18+$0x50];
	_ =	sdelay $0x6  }
0xa1: {  	v3 =	vld.idx.msk [tilespmem:v1+s10+$0x0], $0xffff  }
0xa2: {  	v4 =	vld.idx.msk [tilespmem:v2+s14+$0x0], $0xffff;
	_ =	sdelay $0x4  }
0xa3: {  	v1 =	vld.idx.msk [tilespmem:v1+s11+$0x0], $0xffff;
	v3 =	vadd.f32 v4, v3;
	_ =	sdelay $0x1  }
0xa4: {  	v4 =	vmul.f32 $2.000000030e-01, v3  }
0xa5: {  	vm0 =	vge.f32 v3, $0.0e+00  }
0xa6: {  	v3 =	vsel vm0, v3, v4  }
0xa7: {  	v3 =	vadd.f32 v3, v1;
	_ =	sdelay $0x1  }
0xa8: {  	v3 =	vmul.f32 $1.442695020e+00, v3;
	_ =	sdelay $0x1  }
0xa9: {  	(erf) = vpow2.f32 v3;
	_ =	sdelay $0x8  }
0xaa: {  	[tilespmem:v2+s22+$0x0] =	vst.idx.add.f32.msk $0xffff, v1;
	v3 =	vpop (erf)  }
0xab: {  	[tilespmem:v2+s25+$0x0] =	vst.idx.add.f32.msk $0xffff, v3  }
0xac: {  	v1 =	vld [tilespmem:s18+$0x10]  }
0xad: {  	v2 =	vld [tilespmem:s18+$0x60];
	_ =	sdelay $0x6  }
0xae: {  	v3 =	vld.idx.msk [tilespmem:v1+s10+$0x0], $0xffff  }
0xaf: {  	v60 =	vld.idx.msk [tilespmem:v2+s14+$0x0], $0xffff;
	_ =	sdelay $0x4  }
0xb0: {  	v1 =	vld.idx.msk [tilespmem:v1+s11+$0x0], $0xffff;
	v3 =	vadd.f32 v60, v3;
	_ =	sdelay $0x1  }
0xb1: {  	v4 =	vmul.f32 $2.000000030e-01, v3  }
0xb2: {  	vm12 =	vge.f32 v3, $0.0e+00  }
0xb3: {  	v3 =	vsel vm12, v3, v4  }
0xb4: {  	v3 =	vadd.f32 v3, v1;
	_ =	sdelay $0x1  }
0xb5: {  	v3 =	vmul.f32 $1.442695020e+00, v3;
	_ =	sdelay $0x1  }
0xb6: {  	(erf) = vpow2.f32 v3;
	_ =	sdelay $0x8  }
0xb7: {  	[tilespmem:v2+s22+$0x0] =	vst.idx.add.f32.msk $0xffff, v1;
	v3 =	vpop (erf)  }
0xb8: {  	[tilespmem:v2+s25+$0x0] =	vst.idx.add.f32.msk $0xffff, v3  }
0xb9: {  	v1 =	vld [tilespmem:s18+$0x20]  }
0xba: {  	v2 =	vld [tilespmem:s18+$0x70];
	_ =	sdelay $0x6  }
0xbb: {  	v3 =	vld.idx.msk [tilespmem:v1+s10+$0x0], $0xffff  }
0xbc: {  	v61 =	vld.idx.msk [tilespmem:v2+s14+$0x0], $0xffff;
	_ =	sdelay $0x4  }
0xbd: {  	v1 =	vld.idx.msk [tilespmem:v1+s11+$0x0], $0xffff;
	v3 =	vadd.f32 v61, v3;
	_ =	sdelay $0x1  }
0xbe: {  	v4 =	vmul.f32 $2.000000030e-01, v3  }
0xbf: {  	vm13 =	vge.f32 v3, $0.0e+00  }
0xc0: {  	v3 =	vsel vm13, v3, v4  }
0xc1: {  	v3 =	vadd.f32 v3, v1;
	_ =	sdelay $0x1  }
0xc2: {  	v3 =	vmul.f32 $1.442695020e+00, v3;
	_ =	sdelay $0x1  }
0xc3: {  	(erf) = vpow2.f32 v3;
	_ =	sdelay $0x8  }
0xc4: {  	[tilespmem:v2+s22+$0x0] =	vst.idx.add.f32.msk $0xffff, v1;
	v3 =	vpop (erf)  }
0xc5: {  	[tilespmem:v2+s25+$0x0] =	vst.idx.add.f32.msk $0xffff, v3  }
0xc6: {  	v1 =	vld [tilespmem:s18+$0x30]  }
0xc7: {  	v2 =	vld [tilespmem:s18+$0x80];
	_ =	sdelay $0x6  }
0xc8: {  	v3 =	vld.idx.msk [tilespmem:v1+s10+$0x0], $0xffff  }
0xc9: {  	v62 =	vld.idx.msk [tilespmem:v2+s14+$0x0], $0xffff;
	_ =	sdelay $0x4  }
0xca: {  	v1 =	vld.idx.msk [tilespmem:v1+s11+$0x0], $0xffff;
	v3 =	vadd.f32 v62, v3;
	_ =	sdelay $0x1  }
0xcb: {  	v4 =	vmul.f32 $2.000000030e-01, v3  }
0xcc: {  	vm14 =	vge.f32 v3, $0.0e+00  }
0xcd: {  	v3 =	vsel vm14, v3, v4  }
0xce: {  	v3 =	vadd.f32 v3, v1;
	_ =	sdelay $0x1  }
0xcf: {  	v3 =	vmul.f32 $1.442695020e+00, v3;
	_ =	sdelay $0x1  }
0xd0: {  	(erf) = vpow2.f32 v3;
	_ =	sdelay $0x8  }
0xd1: {  	[tilespmem:v2+s22+$0x0] =	vst.idx.add.f32.msk $0xffff, v1;
	v3 =	vpop (erf)  }
0xd2: {  	[tilespmem:v2+s25+$0x0] =	vst.idx.add.f32.msk $0xffff, v3  }
0xd3: {  	v1 =	vld [tilespmem:s18+$0x40]  }
0xd4: {  	v2 =	vld [tilespmem:s18+$0x90];
	_ =	sdelay $0x6  }
0xd5: {  	v3 =	vld.idx.msk [tilespmem:v1+s10+$0x0], $0xffff  }
0xd6: {  	v63 =	vld.idx.msk [tilespmem:v2+s14+$0x0], $0xffff;
	_ =	sdelay $0x4  }
0xd7: {  	v1 =	vld.idx.msk [tilespmem:v1+s11+$0x0], $0xffff;
	v3 =	vadd.f32 v63, v3;
	_ =	sdelay $0x1  }
0xd8: {  	v4 =	vmul.f32 $2.000000030e-01, v3  }
0xd9: {  	vm15 =	vge.f32 v3, $0.0e+00  }
0xda: {  	v3 =	vsel vm15, v3, v4  }
0xdb: {  	v3 =	vadd.f32 v3, v1;
	_ =	sdelay $0x1  }
0xdc: {  	v3 =	vmul.f32 $1.442695020e+00, v3;
	_ =	sdelay $0x1  }
0xdd: {  	(erf) = vpow2.f32 v3;
	_ =	sdelay $0x7  }
0xde: {  	s19 =	sand.u32 $0x3, s3  }
0xdf: {  	p3 =	slt.u32 s3, $0xF4;
	s23 =	smul.u32 $0x5000, s19;
	[tilespmem:v2+s22+$0x0] =	vst.idx.add.f32.msk $0xffff, v1;
	v3 =	vpop (erf)  }
.Ltmp6:
0xe0: {  	s20 =	sadd.s32 $0x1, s19;
	[tilespmem:v2+s25+$0x0] =	vst.idx.add.f32.msk $0xffff, v3;
	(pc) =	sbr.rel @p3 .LBB2_7-.Ltmp6, $4  }
0xe1: {  	_ =	swait.ge [sflag:s20], $0x1400  }
0xe2: {  	s19 =	sadd.s32 $0x5, s19;
	s31 =	sshrl.u32 s23, $0x2;
	[sflag:s20] =	ssyncset.done $0x0  }
0xe3: {  	s18 =	sadd.s32 $0x50, s18;
	[sflag:s20] =	ssyncadd.s32 $0xFFFFEC00;
	s20 =	sadd.s32 $0xCB18, s31  }
0xe4: {  	[spmem:s6] =	stream.indirect.scatter.add.f32 [tilespmem:s20], [sflag:s19], $0x40, s18, s24, $0xb8;
	[tilespmem:$0x1BC48] =	vst v63  }
0xe5: {  	p3 =	slt.u32 s3, $0xF7  }
.Ltmp7:
0xe6: {  	_ = 	snop;
	(pc) =	sbr.rel @!p3 .LBB2_10-.Ltmp7, $4  }
.Ltmp8:
0xe7: {  	_ = 	snop;
	(pc) =	sbr.rel @p3 .LBB2_6-.Ltmp8, $4  }
0xe8: {  	_ = 	snop  }
0xe9: {  	_ = 	snop  }
0xea: {  	_ = 	snop  }
0xeb: {  	_ = 	snop  }
.LBB2_8:
.Ltmp9:
0xec: {  	(pc) =	sbr.rel .LBB2_9-.Ltmp9, $2  }
0xed: {  	_ =	sdelay $0x2  }
0xee: {  	s18 =	simm.s32 $0x3;
	s19 =	simm.s32 $0x3  }
.LBB2_11:
0xef: {  	s3 =	simm.s32 $0x7  }
0xf0: {  	_ =	swait.ge [sflag:s3], $0x1400  }
0xf1: {  	[sflag:s3] =	ssyncset.done $0x0  }
0xf2: {  	s20 =	simm.s32 $0x8;
	[sflag:s3] =	ssyncadd.s32 $0xFFFFEC00  }
0xf3: {  	_ =	swait.ge [sflag:s20], $0x1400  }
0xf4: {  	[sflag:s20] =	ssyncset.done $0x0  }
0xf5: {  	[sflag:s20] =	ssyncadd.s32 $0xFFFFEC00  }
0xf6: {  	_ =	swait.ge [sflag:s4], $0x1400  }
0xf7: {  	[sflag:s4] =	ssyncset.done $0x0  }
0xf8: {  	[sflag:s4] =	ssyncadd.s32 $0xFFFFEC00  }
0xf9: {  	_ =	swait.ge [sflag:s5], $0x1400  }
0xfa: {  	[sflag:s5] =	ssyncset.done $0x0  }
0xfb: {  	[sflag:s5] =	ssyncadd.s32 $0xFFFFEC00  }
0xfc: {  	s17 =	simm.s32 $0x271;
	s18 =	rddreg [dreg:$0x4]  }
0xfd: {  	[spmem:s18] =	stream.indirect.scatter.add.f32 [tilespmem:s22], [sflag:$0x11], $0x10, s21, s17, $0xb8;
	[tilespmem:$0x1BC48] =	vst v63  }
0xfe: {  	_ =	swait.ge [sflag:s9], $0x2710  }
0xff: {  	[sflag:s9] =	ssyncset.done $0x0  }
0x100: {  	[sflag:s9] =	ssyncadd.s32 $0xFFFFD8F0  }
0x101: {  	s19 =	rddreg [dreg:$0x5]  }
0x102: {  	[spmem:s19] =	stream.indirect.scatter.add.f32 [tilespmem:s25], [sflag:$0x11], $0x10, s21, s17, $0xb8;
	[tilespmem:$0x1BC48] =	vst v63  }
0x103: {  	_ =	swait.ge [sflag:s9], $0x2710  }
0x104: {  	[sflag:s9] =	ssyncset.done $0x0  }
0x105: {  	[sflag:s9] =	ssyncadd.s32 $0xFFFFD8F0  }
0x106: {  	[bflag:$0x0] =	sbarrier.arrive $0xFFFF  }
0x107: {  	s3 =	simm.s32 @p1 $0x1FD1;
	s17 =	rddreg [dreg:$0x10]  }
0x108: {  	[hbm:s17], [sflag:s3] =	dma.local @p1 [spmem:s29], $0x1040  }
0x109: {  	s17 =	simm.s32 @p1 $0x11  }
0x10a: {  	_ =	swait.ge @p1 [sflag:s17], $0x1040  }
0x10b: {  	[sflag:s17] =	ssyncset.done @p1 $0x0  }
0x10c: {  	[sflag:s17] =	ssyncadd.s32 @p1 $0xFFFFEFC0  }
0x10d: {  	[bflag:$0x0] =	sbarrier.arrive @p1 $0xFFFF  }
0x10e: {  	[spmem:s29], [sflag:s3] =	dma.local @p1 [hbm:s12], $0x1040  }
0x10f: {  	_ =	swait.ge @p1 [sflag:s17], $0x1040  }
0x110: {  	[sflag:s17] =	ssyncset.done @p1 $0x0;
	s3 =	rddreg [dreg:$0xf]  }
0x111: {  	[sflag:s17] =	ssyncadd.s32 @p1 $0xFFFFEFC0;
	s31 =	sshrl.u32 @!p1 s3, $0x3;
	s3 =	rddreg [dreg:$0xe]  }
0x112: {  	[hbm:s3], [sflag:s30] =	dma.local @!p1 [spmem:s31], $0x13C0  }
0x113: {  	s3 =	simm.s32 @!p1 $0x11  }
0x114: {  	_ =	swait.ge @!p1 [sflag:s3], $0x13C0  }
0x115: {  	s17 =	sshrl.u32 @!p2 s18, $0x3;
	[sflag:s3] =	ssyncset.done @!p1 $0x0  }
0x116: {  	s18 =	simm.s32 @!p2 $0x1C11;
	s20 =	rddreg [dreg:$0x13];
	[sflag:s3] =	ssyncadd.s32 @!p1 $0xFFFFEC40  }
0x117: {  	[hbm:s20], [sflag:s18] =	dma.local @!p2 [spmem:s17], $0x4E2  }
0x118: {  	s17 =	simm.s32 @!p2 $0x11  }
0x119: {  	_ =	swait.ge @!p2 [sflag:s17], $0x4E2  }
0x11a: {  	[sflag:s17] =	ssyncset.done @!p2 $0x0  }
0x11b: {  	s19 =	sshrl.u32 @!p2 s19, $0x3;
	s20 =	rddreg [dreg:$0x14];
	[sflag:s17] =	ssyncadd.s32 @!p2 $0xFFFFFB1E  }
0x11c: {  	[hbm:s20], [sflag:s18] =	dma.local @!p2 [spmem:s19], $0x4E2  }
0x11d: {  	_ =	swait.ge @!p2 [sflag:s17], $0x4E2  }
0x11e: {  	[sflag:s17] =	ssyncset.done @!p2 $0x0  }
0x11f: {  	[sflag:s17] =	ssyncadd.s32 @!p2 $0xFFFFFB1E  }
0x120: {  	[bflag:$0x0] =	sbarrier.arrive @!p1 $0xFFFF  }
0x121: {  	[spmem:s2], [sflag:s30] =	dma.local @!p1 [hbm:s12], $0x13C0  }
0x122: {  	_ =	swait.ge @!p1 [sflag:s3], $0x13C0  }
0x123: {  	[sflag:s3] =	ssyncset.done @!p1 $0x0  }
0x124: {  	[sflag:s3] =	ssyncadd.s32 @!p1 $0xFFFFEC40  }
0x125: {  	[bflag:$0x0] =	sbarrier.arrive $0xFFFF  }
0x126: {  	s2 =	simm.s32 $0x0;
	s23 =	rddreg [dreg:$0xd]  }
0x127: {  	[tilespmem:s2], [sflag:$0x9] =	stream.linear.gather [hbm4b:s23+s2], $0xA0, $0x38;
	[tilespmem:$0x1BC48] =	vst v63  }
0x128: {  	s17 =	simm.s32 $0xA0;
	s26 =	rddreg [dreg:$0x18]  }
0x129: {  	[tilespmem:s17], [sflag:$0xA] =	stream.linear.gather [hbm4b:s26+s2], $0xA0, $0x38;
	[tilespmem:$0x1BC48] =	vst v63  }
0x12a: {  	s18 =	simm.s32 $0x140;
	s28 =	rddreg [dreg:$0x19]  }
0x12b: {  	[tilespmem:s18], [sflag:$0xB] =	stream.linear.gather [hbm4b:s28+s2], $0xA0, $0x38;
	[tilespmem:$0x1BC48] =	vst v63  }
0x12c: {  	s20 =	simm.s32 $0x1E0;
	s19 =	rddreg [dreg:$0x1a]  }
0x12d: {  	[tilespmem:s20], [sflag:$0xC] =	stream.linear.gather [hbm4b:s19+s2], $0xA0, $0x38;
	[tilespmem:$0x1BC48] =	vst v63  }
0x12e: {  	s21 =	rddreg [dreg:$0x1b];
	s23 =	simm.s32 $0x280  }
0x12f: {  	[tilespmem:s23], [sflag:$0xD] =	stream.linear.gather [hbm4b:s21+s2], $0xA0, $0x38;
	[tilespmem:$0x1BC48] =	vst v63  }
0x130: {  	s26 =	rddreg [dreg:$0x1c];
	s28 =	simm.s32 $0x320;
	s19 =	simm.s32 $0x9  }
0x131: {  	[tilespmem:s28], [sflag:$0xE] =	stream.linear.gather [hbm4b:s26+s2], $0xA0, $0x38;
	[tilespmem:$0x1BC48] =	vst v63  }
0x132: {  	_ =	swait.ge [sflag:s19], $0xA0  }
0x133: {  	[sflag:s19] =	ssyncset.done $0x0  }
0x134: {  	s20 =	simm.s32 $0xCB18;
	s21 =	simm.s32 $0xA;
	[sflag:s19] =	ssyncadd.s32 $0xFFFFFF60  }
0x135: {  	[tilespmem:s20], [sflag:$0x1] =	stream.indirect.gather [hbm4b:s1+s24], $0x40, s2, s24, $0xb8;
	[tilespmem:$0x1BC48] =	vst v63  }
0x136: {  	_ =	swait.ge [sflag:s21], $0xA0  }
0x137: {  	[sflag:s21] =	ssyncset.done $0x0  }
0x138: {  	s23 =	simm.s32 $0xDF18;
	[sflag:s21] =	ssyncadd.s32 $0xFFFFFF60  }
0x139: {  	[tilespmem:s23], [sflag:$0x2] =	stream.indirect.gather [hbm4b:s1+s24], $0x40, s17, s24, $0xb8;
	[tilespmem:$0x1BC48] =	vst v63  }
.Ltmp10:
0x13a: {  	s26 =	simm.s32 $0xB;
	(pc) =	sbr.rel .LBB2_12-.Ltmp10, $4  }
0x13b: {  	_ =	swait.ge [sflag:s26], $0xA0  }
0x13c: {  	[sflag:s26] =	ssyncset.done $0x0  }
0x13d: {  	s3 =	simm.s32 $0x0;
	s28 =	simm.s32 $0xF318;
	[sflag:s26] =	ssyncadd.s32 $0xFFFFFF60  }
0x13e: {  	[tilespmem:s28], [sflag:$0x3] =	stream.indirect.gather [hbm4b:s1+s24], $0x40, s18, s24, $0xb8;
	[tilespmem:$0x1BC48] =	vst v63  }
.LBB2_17:
0x13f: {  	s17 =	sadd.s32 $0x6, s3  }
0x140: {  	p3 =	seq.s32 s3, $0x0;
	s18 =	smul.u32 $0xA0, s17  }
.Ltmp11:
0x141: {  	s17 =	sand.u32 $0x7, s17;
	(pc) =	sbr.rel @p3 .LBB2_18-.Ltmp11, $4  }
0x142: {  	s19 =	smul.u32 $0x280, s17;
	s18 =	sadd.s32 s15, s18  }
0x143: {  	s18 =	sshrl.u32 s18, $0x3  }
0x144: {  	s17 =	sadd.s32 $0x9, s17;
	s19 =	sshrl.u32 s19, $0x2;
	s18 =	sadd.s32 s8, s18  }
0x145: {  	[tilespmem:s19], [sflag:s17] =	stream.linear.gather [hbm4b:s18+s7], $0xA0, $0x38;
	[tilespmem:$0x1BC48] =	vst v63  }
.LBB2_16:
0x146: {  	s18 =	sadd.s32 $0x3, s3  }
0x147: {  	s17 =	sand.u32 $0x3, s18  }
0x148: {  	s19 =	sadd.s32 $0x5, s17  }
0x149: {  	_ =	swait.ge [sflag:s19], $0x1400  }
0x14a: {  	[sflag:s19] =	ssyncset.done $0x0  }
0x14b: {  	s18 =	sand.u32 $0x7, s18;
	[sflag:s19] =	ssyncadd.s32 $0xFFFFEC00  }
.LBB2_19:
0x14c: {  	s19 =	sadd.s32 $0x9, s18;
	s20 =	smul.u32 $0x5000, s17  }
0x14d: {  	s23 =	smul.u32 $0x280, s18;
	_ =	swait.ge [sflag:s19], $0xA0  }
0x14e: {  	s28 =	sadd.s32 $0x1, s17;
	[sflag:s19] =	ssyncset.done $0x0;
	s26 =	sshrl.u32 s20, $0x2  }
0x14f: {  	s18 =	sshrl.u32 s23, $0x2;
	[sflag:s19] =	ssyncadd.s32 $0xFFFFFF60;
	s19 =	sadd.s32 $0xCB18, s26  }
0x150: {  	[tilespmem:s19], [sflag:s28] =	stream.indirect.gather [hbm4b:s1+s24], $0x40, s18, s24, $0xb8;
	[tilespmem:$0x1BC48] =	vst v63  }
.LBB2_20:
0x151: {  	s3 =	sadd.s32 $0x1, s3  }
0x152: {  	p3 =	sne.s32 s3, $0xFA  }
.Ltmp12:
0x153: {  	_ = 	snop;
	(pc) =	sbr.rel @!p3 .LBB2_21-.Ltmp12, $2  }
0x154: {  	_ =	sdelay $0x2  }
0x155: {  	s2 =	sadd.s32 $0x1, s2  }
.LBB2_12:
0x156: {  	s17 =	sand.u32 $0x7, s3  }
0x157: {  	s17 =	smul.u32 $0x280, s17;
	_ =	sdelay $0x1  }
0x158: {  	s17 =	sshrl.u32 s17, $0x2  }
0x159: {  	v1 =	vld [tilespmem:s17+$0x0]  }
0x15a: {  	v2 =	vld [tilespmem:s17+$0x50];
	_ =	sdelay $0x6  }
0x15b: {  	v3 =	vld.idx.msk [tilespmem:v1+s10+$0x0], $0xffff  }
0x15c: {  	v2 =	vld.idx.msk [tilespmem:v2+s14+$0x0], $0xffff;
	_ =	sdelay $0x4  }
0x15d: {  	v1 =	vld.idx.msk [tilespmem:v1+s11+$0x0], $0xffff;
	v2 =	vadd.f32 v2, v3;
	_ =	sdelay $0x1  }
0x15e: {  	v3 =	vmul.f32 $2.000000030e-01, v2  }
0x15f: {  	vm0 =	vge.f32 v2, $0.0e+00  }
0x160: {  	v2 =	vsel vm0, v2, v3  }
0x161: {  	v1 =	vadd.f32 v2, v1;
	_ =	sdelay $0x1  }
0x162: {  	v1 =	vmul.f32 $1.442695020e+00, v1;
	_ =	sdelay $0x1  }
0x163: {  	(erf) = vpow2.f32 v1;
	_ =	sdelay $0x8  }
0x164: {  	v1 =	vpop (erf)  }
0x165: {  	[tilespmem:$0x7A30] =	vst v1  }
0x166: {  	v1 =	vld [tilespmem:s17+$0x10]  }
0x167: {  	v2 =	vld [tilespmem:s17+$0x60];
	_ =	sdelay $0x6  }
0x168: {  	v3 =	vld.idx.msk [tilespmem:v1+s10+$0x0], $0xffff  }
0x169: {  	v2 =	vld.idx.msk [tilespmem:v2+s14+$0x0], $0xffff;
	_ =	sdelay $0x4  }
0x16a: {  	v1 =	vld.idx.msk [tilespmem:v1+s11+$0x0], $0xffff;
	v2 =	vadd.f32 v2, v3;
	_ =	sdelay $0x1  }
0x16b: {  	v3 =	vmul.f32 $2.000000030e-01, v2  }
0x16c: {  	vm12 =	vge.f32 v2, $0.0e+00  }
0x16d: {  	v2 =	vsel vm12, v2, v3  }
0x16e: {  	v1 =	vadd.f32 v2, v1;
	_ =	sdelay $0x1  }
0x16f: {  	v1 =	vmul.f32 $1.442695020e+00, v1;
	_ =	sdelay $0x1  }
0x170: {  	(erf) = vpow2.f32 v1;
	_ =	sdelay $0x8  }
0x171: {  	v1 =	vpop (erf)  }
0x172: {  	[tilespmem:$0x7A40] =	vst v1  }
0x173: {  	v1 =	vld [tilespmem:s17+$0x20]  }
0x174: {  	v2 =	vld [tilespmem:s17+$0x70];
	_ =	sdelay $0x6  }
0x175: {  	v3 =	vld.idx.msk [tilespmem:v1+s10+$0x0], $0xffff  }
0x176: {  	v2 =	vld.idx.msk [tilespmem:v2+s14+$0x0], $0xffff;
	_ =	sdelay $0x4  }
0x177: {  	v1 =	vld.idx.msk [tilespmem:v1+s11+$0x0], $0xffff;
	v2 =	vadd.f32 v2, v3;
	_ =	sdelay $0x1  }
0x178: {  	v3 =	vmul.f32 $2.000000030e-01, v2  }
0x179: {  	vm13 =	vge.f32 v2, $0.0e+00  }
0x17a: {  	v2 =	vsel vm13, v2, v3  }
0x17b: {  	v1 =	vadd.f32 v2, v1;
	_ =	sdelay $0x1  }
0x17c: {  	v1 =	vmul.f32 $1.442695020e+00, v1;
	_ =	sdelay $0x1  }
0x17d: {  	(erf) = vpow2.f32 v1;
	_ =	sdelay $0x8  }
0x17e: {  	v1 =	vpop (erf)  }
0x17f: {  	[tilespmem:$0x7A50] =	vst v1  }
0x180: {  	v1 =	vld [tilespmem:s17+$0x30]  }
0x181: {  	v2 =	vld [tilespmem:s17+$0x80];
	_ =	sdelay $0x6  }
0x182: {  	v3 =	vld.idx.msk [tilespmem:v1+s10+$0x0], $0xffff  }
0x183: {  	v2 =	vld.idx.msk [tilespmem:v2+s14+$0x0], $0xffff;
	_ =	sdelay $0x4  }
0x184: {  	v1 =	vld.idx.msk [tilespmem:v1+s11+$0x0], $0xffff;
	v2 =	vadd.f32 v2, v3;
	_ =	sdelay $0x1  }
0x185: {  	v3 =	vmul.f32 $2.000000030e-01, v2  }
0x186: {  	vm14 =	vge.f32 v2, $0.0e+00  }
0x187: {  	v2 =	vsel vm14, v2, v3  }
0x188: {  	v1 =	vadd.f32 v2, v1;
	_ =	sdelay $0x1  }
0x189: {  	v1 =	vmul.f32 $1.442695020e+00, v1;
	_ =	sdelay $0x1  }
0x18a: {  	(erf) = vpow2.f32 v1;
	_ =	sdelay $0x8  }
0x18b: {  	v1 =	vpop (erf)  }
0x18c: {  	[tilespmem:$0x7A60] =	vst v1  }
0x18d: {  	v1 =	vld [tilespmem:s17+$0x40]  }
0x18e: {  	v2 =	vld [tilespmem:s17+$0x90];
	_ =	sdelay $0x6  }
0x18f: {  	v3 =	vld.idx.msk [tilespmem:v1+s10+$0x0], $0xffff  }
0x190: {  	v2 =	vld.idx.msk [tilespmem:v2+s14+$0x0], $0xffff;
	_ =	sdelay $0x4  }
0x191: {  	v1 =	vld.idx.msk [tilespmem:v1+s11+$0x0], $0xffff;
	v2 =	vadd.f32 v2, v3;
	_ =	sdelay $0x1  }
0x192: {  	v3 =	vmul.f32 $2.000000030e-01, v2  }
0x193: {  	vm15 =	vge.f32 v2, $0.0e+00  }
0x194: {  	v2 =	vsel vm15, v2, v3  }
0x195: {  	v1 =	vadd.f32 v2, v1;
	_ =	sdelay $0x1  }
0x196: {  	v1 =	vmul.f32 $1.442695020e+00, v1;
	_ =	sdelay $0x1  }
0x197: {  	(erf) = vpow2.f32 v1;
	_ =	sdelay $0x4  }
0x198: {  	s18 =	simm.s32 $0x0  }
0x199: {  	v1 =	vmov s18  }
0x19a: {  	v1 =	vand.u32 $0xFFFFFFFC, v1  }
0x19b: {  	v1 =	vbroadcast v1, $0x0  }
0x19c: {  	s18 =	sand.u32 $0x3, s3;
	v2 =	vpop (erf)  }
0x19d: {  	s19 =	sand.u32 $0x3, s2;
	s20 =	sadd.s32 $0x1, s18;
	[tilespmem:$0x7A70] =	vst v2  }
0x19e: {  	s19 =	smul.u32 $0x5000, s19;
	_ =	swait.ge [sflag:s20], $0x1400  }
0x19f: {  	[sflag:s20] =	ssyncset.done $0x0  }
0x1a0: {  	s19 =	sshrl.u32 s19, $0x2;
	[sflag:s20] =	ssyncadd.s32 $0xFFFFEC00  }
0x1a1: {  	s26 =	sadd.s32 $0xCB98, s19;
	v1 =	vld.idx.msk [tilespmem:v1+s16+$0x0], $0xffff  }
0x1a2: {  	v2 =	vld [tilespmem:s26+$0xFFFFFF80]  }
0x1a3: {  	v3 =	vld [tilespmem:s26+$0xFFFFFFB0]  }
0x1a4: {  	s21 =	simm.s32 $0x1;
	v4 =	vld [tilespmem:s26+$0xFFFFFF90]  }
0x1a5: {  	v6 =	vmov s21;
	v5 =	vld [tilespmem:s26+$0xFFFFFFA0]  }
0x1a6: {  	v6 =	vand.u32 $0xFFFFFFFD, v6  }
0x1a7: {  	v6 =	vbroadcast v6, $0x0;
	v2 =	vmul.f32 v2, v1  }
0x1a8: {  	v3 =	vmul.f32 v3, v1  }
0x1a9: {  	[tilespmem:s26+$0xFFFFFF80] =	vst v2;
	v2 =	vmul.f32 v4, v1  }
0x1aa: {  	v1 =	vmul.f32 v5, v1;
	[tilespmem:s26+$0xFFFFFFB0] =	vst v3  }
0x1ab: {  	[tilespmem:s26+$0xFFFFFF90] =	vst v2  }
0x1ac: {  	[tilespmem:s26+$0xFFFFFFA0] =	vst v1;
	v2 =	vld [tilespmem:s26+$0xFFFFFFC0]  }
0x1ad: {  	v1 =	vld.idx.msk [tilespmem:v6+s16+$0x0], $0xffff  }
0x1ae: {  	v3 =	vld [tilespmem:s26+$0xFFFFFFE0]  }
0x1af: {  	s23 =	simm.s32 $0x2;
	v59 =	vld [tilespmem:s26+$0xFFFFFFF0]  }
0x1b0: {  	v61 =	vmov s23;
	v60 =	vld [tilespmem:s26+$0xFFFFFFD0]  }
0x1b1: {  	v6 =	vand.u32 $0xFFFFFFFE, v61  }
0x1b2: {  	v6 =	vbroadcast v6, $0x0;
	v2 =	vmul.f32 v2, v1  }
0x1b3: {  	v3 =	vmul.f32 v3, v1  }
0x1b4: {  	v4 =	vmul.f32 v59, v1;
	[tilespmem:s26+$0xFFFFFFC0] =	vst v2  }
0x1b5: {  	v1 =	vmul.f32 v60, v1;
	[tilespmem:s26+$0xFFFFFFE0] =	vst v3  }
0x1b6: {  	[tilespmem:s26+$0xFFFFFFF0] =	vst v4  }
0x1b7: {  	[tilespmem:s26+$0xFFFFFFD0] =	vst v1;
	v1 =	vld [tilespmem:s26+$0x0]  }
0x1b8: {  	v2 =	vld.idx.msk [tilespmem:v6+s16+$0x0], $0xffff  }
0x1b9: {  	v3 =	vld [tilespmem:s26+$0x10]  }
0x1ba: {  	v62 =	vld [tilespmem:s26+$0x30];
	_ =	sdelay $0x1  }
0x1bb: {  	v63 =	vld [tilespmem:s26+$0x20]  }
0x1bc: {  	v1 =	vmul.f32 v1, v2  }
0x1bd: {  	s21 =	simm.s32 $0x3;
	s20 =	smul.u32 $0x5000, s18;
	v3 =	vmul.f32 v3, v2  }
0x1be: {  	v4 =	vmul.f32 v62, v2;
	[tilespmem:s26+$0x0] =	vst v1;
	v1 =	vmov s21  }
0x1bf: {  	s28 =	simm.s32 $0x7;
	s19 =	sshrl.u32 s20, $0x2;
	[tilespmem:s26+$0x10] =	vst v3  }
0x1c0: {  	s17 =	sadd.s32 $0x50, s17;
	s23 =	sadd.s32 $0xCB18, s19;
	s19 =	smov.u32 s26;
	v2 =	vmul.f32 v63, v2;
	[tilespmem:s26+$0x30] =	vst v4  }
.LBB2_13:
0x1c1: {  	p3 =	sne.s32 s28, $0x4F  }
0x1c2: {  	[tilespmem:s26+$0x20] =	vst v2;
	v2 =	vld [tilespmem:s26+$0x60];
	s19 =	sadd.s32 $0x100, s19;
	s20 =	smov.u32 s28;
	s28 =	sadd.s32 $0x4, s28  }
0x1c3: {  	v1 =	vld.idx.msk [tilespmem:v1+s16+$0x0], $0xffff  }
0x1c4: {  	v3 =	vld [tilespmem:s26+$0x40]  }
0x1c5: {  	v4 =	vld [tilespmem:s26+$0x50]  }
0x1c6: {  	s21 =	sadd.s32 $0xFFFFFFFD, s20;
	v5 =	vld [tilespmem:s26+$0x70]  }
0x1c7: {  	v6 =	vmov s21  }
0x1c8: {  	v6 =	vand.u32 $0xFFFFFFFC, v6  }
0x1c9: {  	v6 =	vbroadcast v6, $0x0;
	v3 =	vmul.f32 v3, v1  }
0x1ca: {  	v2 =	vmul.f32 v2, v1;
	v4 =	vmul.f32 v4, v1  }
0x1cb: {  	[tilespmem:s26+$0x40] =	vst v3;
	v1 =	vmul.f32 v5, v1  }
0x1cc: {  	[tilespmem:s26+$0x60] =	vst v2  }
0x1cd: {  	v2 =	vld [tilespmem:s19+$0xFFFFFFA0];
	[tilespmem:s26+$0x70] =	vst v1  }
0x1ce: {  	v1 =	vld [tilespmem:s19+$0xFFFFFFB0];
	[tilespmem:s26+$0x50] =	vst v4;
	s26 =	smov.u32 s19  }
0x1cf: {  	v3 =	vld.idx.msk [tilespmem:v6+s16+$0x0], $0xffff  }
0x1d0: {  	v4 =	vld [tilespmem:s19+$0xFFFFFF80]  }
0x1d1: {  	v5 =	vld [tilespmem:s19+$0xFFFFFF90]  }
0x1d2: {  	s21 =	sadd.s32 $0xFFFFFFFE, s20  }
0x1d3: {  	v6 =	vmov s21  }
0x1d4: {  	v6 =	vand.u32 $0xFFFFFFFD, v6  }
0x1d5: {  	v6 =	vbroadcast v6, $0x0;
	v4 =	vmul.f32 v4, v3  }
0x1d6: {  	v2 =	vmul.f32 v2, v3;
	v1 =	vmul.f32 v1, v3  }
0x1d7: {  	v3 =	vmul.f32 v5, v3;
	[tilespmem:s19+$0xFFFFFF80] =	vst v4  }
0x1d8: {  	[tilespmem:s19+$0xFFFFFFB0] =	vst v1  }
0x1d9: {  	[tilespmem:s19+$0xFFFFFF90] =	vst v3;
	v1 =	vld [tilespmem:s19+$0xFFFFFFF0]  }
0x1da: {  	[tilespmem:s19+$0xFFFFFFA0] =	vst v2;
	v2 =	vld [tilespmem:s19+$0xFFFFFFD0]  }
0x1db: {  	v3 =	vld.idx.msk [tilespmem:v6+s16+$0x0], $0xffff  }
0x1dc: {  	v4 =	vld [tilespmem:s19+$0xFFFFFFC0]  }
0x1dd: {  	v5 =	vld [tilespmem:s19+$0xFFFFFFE0]  }
0x1de: {  	s21 =	sadd.s32 $0xFFFFFFFF, s20  }
0x1df: {  	v6 =	vmov s21  }
0x1e0: {  	v6 =	vand.u32 $0xFFFFFFFE, v6  }
0x1e1: {  	v6 =	vbroadcast v6, $0x0;
	v4 =	vmul.f32 v4, v3  }
0x1e2: {  	v1 =	vmul.f32 v1, v3;
	v5 =	vmul.f32 v5, v3  }
0x1e3: {  	v2 =	vmul.f32 v2, v3;
	[tilespmem:s19+$0xFFFFFFC0] =	vst v4  }
0x1e4: {  	[tilespmem:s19+$0xFFFFFFE0] =	vst v5  }
0x1e5: {  	[tilespmem:s19+$0xFFFFFFF0] =	vst v1;
	v1 =	vld [tilespmem:s19+$0x30]  }
0x1e6: {  	[tilespmem:s19+$0xFFFFFFD0] =	vst v2;
	v2 =	vld [tilespmem:s19+$0x0]  }
0x1e7: {  	v3 =	vld.idx.msk [tilespmem:v6+s16+$0x0], $0xffff  }
0x1e8: {  	v4 =	vld [tilespmem:s19+$0x10]  }
0x1e9: {  	v5 =	vld [tilespmem:s19+$0x20];
	_ =	sdelay $0x3  }
.Ltmp13:
0x1ea: {  	v6 =	vmul.f32 v2, v3;
	v4 =	vmul.f32 v4, v3;
	(pc) =	sbr.rel @p3 .LBB2_13-.Ltmp13, $4  }
0x1eb: {  	v2 =	vmul.f32 v5, v3;
	v3 =	vmul.f32 v1, v3;
	v1 =	vmov s20  }
0x1ec: {  	[tilespmem:s19+$0x0] =	vst v6  }
0x1ed: {  	[tilespmem:s19+$0x10] =	vst v4  }
0x1ee: {  	[tilespmem:s19+$0x30] =	vst v3  }
0x1ef: {  	_ =	sdelay $0x2  }
0x1f0: {  	[tilespmem:s26+$0x20] =	vst v2;
	v2 =	vld [tilespmem:s26+$0x40]  }
0x1f1: {  	v1 =	vld.idx.msk [tilespmem:v1+s16+$0x0], $0xffff  }
0x1f2: {  	v3 =	vld [tilespmem:s26+$0x60]  }
0x1f3: {  	v4 =	vld [tilespmem:s26+$0x70]  }
0x1f4: {  	v5 =	vld [tilespmem:s26+$0x50];
	_ =	sdelay $0x1  }
0x1f5: {  	v2 =	vmul.f32 v2, v1  }
0x1f6: {  	p3 =	slt.u32 s3, $0xF4;
	v3 =	vmul.f32 v3, v1  }
.Ltmp14:
0x1f7: {  	[tilespmem:s26+$0x40] =	vst v2;
	v2 =	vmul.f32 v4, v1;
	(pc) =	sbr.rel @p3 .LBB2_17-.Ltmp14, $4  }
0x1f8: {  	v1 =	vmul.f32 v5, v1;
	[tilespmem:s26+$0x60] =	vst v3  }
0x1f9: {  	[tilespmem:s26+$0x70] =	vst v2  }
0x1fa: {  	s18 =	sadd.s32 $0x5, s18;
	[tilespmem:s26+$0x50] =	vst v1  }
0x1fb: {  	[spmem:s6] =	stream.indirect.scatter.add.f32 [tilespmem:s23], [sflag:s18], $0x40, s17, s24, $0xb8;
	[tilespmem:$0x1BC48] =	vst v63  }
0x1fc: {  	p3 =	slt.u32 s3, $0xF7  }
.Ltmp15:
0x1fd: {  	_ = 	snop;
	(pc) =	sbr.rel @!p3 .LBB2_20-.Ltmp15, $4  }
.Ltmp16:
0x1fe: {  	_ = 	snop;
	(pc) =	sbr.rel @p3 .LBB2_16-.Ltmp16, $4  }
0x1ff: {  	_ = 	snop  }
0x200: {  	_ = 	snop  }
0x201: {  	_ = 	snop  }
0x202: {  	_ = 	snop  }
.LBB2_18:
.Ltmp17:
0x203: {  	(pc) =	sbr.rel .LBB2_19-.Ltmp17, $2  }
0x204: {  	_ =	sdelay $0x2  }
0x205: {  	s17 =	simm.s32 $0x3;
	s18 =	simm.s32 $0x3  }
.LBB2_22:
0x206: {  	_ =	sfence.sel $0x180000  }
0x207: {  	[bflag:$0x0] =	sbarrier.arrive $0xFFFF  }
0x208: {  	_ =	strace $0x90000047  }
0x209: {  	[bflag:$0x2] =	sbarrier.arrive $0xFFFF  }
0x20a: {  	s0 =	rddreg [dreg:$0x7]  }
0x20b: {  	s0 =	sadd.s32 @!p0 $0x100000, s0  }
0x20c: {  	[sflag:s0] =	ssyncadd.tile.s32 @!p0 $0x1;
	_ =	shalt  }
.Lfunc_end2:
_tile_overlayer_lowered:
.L_overlay_start_2:
0x20d: {  	(tag) =	ssettag $0x2  }
0x20e: {  	s0 =	rddreg [dreg:$0x0];
	s2 =	stileid.u32  }
0x20f: {  	s1 =	rddreg [dreg:$0x1];
	p0 =	sne.s32 s2, $0x0  }
0x210: {  	s3 =	rddreg [dreg:$0x2];
	[bflag:$0x3] =	sbarrier.arrive $0xFFFF;
	s2 =	simm.s32 @!p0 $0x1C11  }
0x211: {  	[timem:s3], [sflag:s2] =	dma.local @!p0 [hbm:s0], s1  }
0x212: {  	s0 =	simm.s32 @!p0 $0x11  }
0x213: {  	_ =	swait.ge @!p0 [sflag:s0], s1  }
0x214: {  	s1 =	ssub.s32 @!p0 $0x0, s1;
	[sflag:s0] =	ssyncset.done @!p0 $0x0  }
0x215: {  	[sflag:s0] =	ssyncadd.s32 @!p0 s1  }
0x216: {  	[bflag:$0x3] =	sbarrier.arrive $0xFFFF  }
0x217: {  	_ =	shalt  }

</sc_bundles>
